<compile_context>
chip_gen: v7x
topology: tpu7x:2x2x1
jax: 0.10.2.dev20260603
libtpu: 0.0.44.dev20260713+nightly
codegen_flags: <defaults>
</compile_context>

<pallas_src>
import functools

import jax
import jax.numpy as jnp
from jax import lax
from jax.experimental import pallas as pl
from jax.experimental.pallas import tpu as pltpu
from jax.experimental.pallas import tpu_sc as plsc

ROWS = 128
N = 32768
K = 2048
CH = 8192
NCH = N // CH
CAP = 4096
BUF = CAP + 64
NB1 = 2048
SH1 = 21
SAMP_T = 160

NW = 32
RPW = ROWS // NW


def _u(x):
    return plsc.bitcast(x, jnp.uint32)


def _i(x):
    return plsc.bitcast(x, jnp.int32)


@functools.cache
def _build_topk_sc():
  mesh = plsc.VectorSubcoreMesh(core_axis_name="c", subcore_axis_name="s")

  @functools.partial(
    pl.kernel,
    out_type=(
        jax.ShapeDtypeStruct((ROWS, K), jnp.float32),
        jax.ShapeDtypeStruct((ROWS, K), jnp.int32),
    ),
    mesh=mesh,
    scratch_types=[
        pltpu.VMEM((CH,), jnp.float32),
        pltpu.VMEM((CH,), jnp.float32),
        pltpu.VMEM((CH,), jnp.float32),
        pltpu.VMEM((CH,), jnp.float32),
        pltpu.VMEM((N,), jnp.int32),
        pltpu.VMEM((NB1,), jnp.int32),
        pltpu.VMEM((BUF,), jnp.int32),
        pltpu.VMEM((BUF,), jnp.int32),
        pltpu.VMEM((BUF,), jnp.int32),
        pltpu.VMEM((BUF,), jnp.int32),
        pltpu.VMEM((256,), jnp.int32),
        pltpu.VMEM((256,), jnp.int32),
        pltpu.VMEM((256,), jnp.int32),
        pltpu.VMEM((BUF,), jnp.int32),
        pltpu.VMEM((K,), jnp.float32),
        pltpu.SemaphoreType.DMA,
        pltpu.SemaphoreType.DMA,
        pltpu.SemaphoreType.DMA,
        pltpu.SemaphoreType.DMA,
    ],
    compiler_params=pltpu.CompilerParams(needs_layout_passes=False),
  )
  def _topk_sc(scores_hbm, maskf_hbm, vals_hbm, idx_hbm,
               score_c0, score_c1, maskf_c0, maskf_c1, keys_v, hist1,
               buf_ak, buf_ai, buf_bk, buf_bi, hist256a, hist256b, offs256,
               tmp_pk, outv, sem_s0, sem_s1, sem_m0, sem_m1):
      cid = lax.axis_index("c")
      sid = lax.axis_index("s")
      wid = sid * 2 + cid

      score_c = (score_c0, score_c1)
      maskf_c = (maskf_c0, maskf_c1)
      sem_s = (sem_s0, sem_s1)
      sem_m = (sem_m0, sem_m1)

      iota16 = lax.iota(jnp.int32, 16)
      zeros16 = jnp.zeros((16,), jnp.int32)
      ones16 = jnp.ones((16,), jnp.int32)
      sent16 = jnp.full((16,), -1, jnp.int32)
      sign = jnp.uint32(0x80000000)

      def row_body(r, _):
          row = wid * RPW + r

          @plsc.parallel_loop(0, NB1 // 16, unroll=4)
          def _clr1(j):
              hist1[pl.ds(j * 16, 16)] = zeros16

          def start_dma(c):
              sl = c % 2
              async_s = pltpu.async_copy(
                  scores_hbm.at[row, pl.ds(c * CH, CH)], score_c[sl], sem_s[sl])
              async_m = pltpu.async_copy(
                  maskf_hbm.at[row, pl.ds(c * CH, CH)], maskf_c[sl], sem_m[sl])
              return async_s, async_m

          pend = {0: start_dma(0)}
          for c in range(NCH):
              sl = c % 2
              if c + 1 < NCH:
                  pend[(c + 1) % 2] = start_dma(c + 1)
              for h in pend[sl]:
                  h.wait()

              def make_vbody(_sl, _c):
                  def vbody(j):
                      for u in range(4):
                          o = (j * 4 + u) * 16
                          s = score_c[_sl][pl.ds(o, 16)]
                          mf = maskf_c[_sl][pl.ds(o, 16)]
                          bits = _u(s)
                          neg = bits >= sign
                          sk0 = jnp.where(neg, bits, (~bits) ^ sign)
                          skey = jnp.where(mf > 0.0, sk0, jnp.uint32(0xFFFFFFFF))
                          keys_v[pl.ds(_c * CH + o, 16)] = _i(skey)
                  return vbody
              plsc.parallel_loop(0, CH // 64, unroll=4)(make_vbody(sl, c))

          @plsc.parallel_loop(0, N // 256, unroll=4)
          def _shist(j):
              skv = _u(keys_v[pl.ds(j * 256, 16)])
              sb = _i(skv >> SH1)
              plsc.addupdate_scatter(hist1, [sb], ones16)

          def tbody(j, carry):
              csum, nlt = carry
              v = hist1[pl.ds(j * 16, 16)]
              c = plsc.cumsum(v) + csum
              nlt = nlt + jnp.sum((c < SAMP_T).astype(jnp.int32))
              return csum + jnp.sum(v), nlt
          _, sb1 = lax.fori_loop(0, NB1 // 16, tbody, (jnp.int32(0), jnp.int32(0)))

          pos_max = jnp.full((16,), BUF - 1, jnp.int32)

          def collect(sb):
              tu_incl = (sb.astype(jnp.uint32) << SH1) | jnp.uint32((1 << SH1) - 1)

              @plsc.parallel_loop(0, N // 16, unroll=4, carry=zeros16)
              def cloop(j, off_v):
                  skv = _u(keys_v[pl.ds(j * 16, 16)])
                  m = skv <= tu_incl
                  c = plsc.cumsum(m.astype(jnp.int32))
                  pos = jnp.minimum(off_v + c - 1, pos_max)
                  plsc.store_scatter(buf_ak, [pos], _i(skv), mask=m)
                  plsc.store_scatter(buf_ai, [pos], iota16 + j * 16, mask=m)
                  return off_v + plsc.all_reduce_population_count(m)
              return jnp.minimum(jnp.max(cloop), CAP)

          def rcond(carry):
              _, mc = carry
              return mc < K

          def rbody(carry):
              sb, _ = carry
              return sb + 1, collect(sb)

          sb1, m_cnt = lax.while_loop(rcond, rbody, (sb1, jnp.int32(0)))
          for u in range(4):
              buf_ak[pl.ds(m_cnt + u * 16, 16)] = sent16
          nv64 = (m_cnt + 63) // 64

          def radix_pass(shift, src_k, src_i, dst_k, dst_i):
              @plsc.parallel_loop(0, 16, unroll=4)
              def _clrh(j):
                  hist256a[pl.ds(j * 16, 16)] = zeros16
                  hist256b[pl.ds(j * 16, 16)] = zeros16

              def make_p1():
                  def p1(j):
                      for u in range(2):
                          o = (j * 2 + u) * 16
                          v = _u(src_k[pl.ds(o, 16)])
                          d = _i((v >> shift) & jnp.uint32(255))
                          cnt, last = plsc.scan_count(d)
                          plsc.addupdate_scatter(
                              hist256a if u == 0 else hist256b, [d], cnt,
                              mask=last)
                          pk = d | ((cnt - 1) << 8) | (last.astype(jnp.int32) << 14)
                          tmp_pk[pl.ds(o, 16)] = pk
                  return p1
              plsc.parallel_loop(0, nv64 * 2, unroll=2)(make_p1())

              def sbody(j, csum):
                  v = hist256a[pl.ds(j * 16, 16)] + hist256b[pl.ds(j * 16, 16)]
                  offs256[pl.ds(j * 16, 16)] = plsc.cumsum(v) - v + csum
                  return csum + jnp.sum(v)
              lax.fori_loop(0, 16, sbody, jnp.int32(0))

              def pbody(j, _):
                  for u in range(4):
                      o = (j * 4 + u) * 16
                      pk = tmp_pk[pl.ds(o, 16)]
                      d = pk & 255
                      cnt1 = (pk >> 8) & 63
                      last = (pk >> 14) > 0
                      v = src_k[pl.ds(o, 16)]
                      w = src_i[pl.ds(o, 16)]
                      base = plsc.load_gather(offs256, [d])
                      pos = base + cnt1
                      plsc.store_scatter(dst_k, [pos], v)
                      plsc.store_scatter(dst_i, [pos], w)
                      plsc.addupdate_scatter(offs256, [d], cnt1 + 1, mask=last)
                  return 0
              lax.fori_loop(0, nv64, pbody, 0)

          radix_pass(0, buf_ak, buf_ai, buf_bk, buf_bi)
          radix_pass(8, buf_bk, buf_bi, buf_ak, buf_ai)
          radix_pass(16, buf_ak, buf_ai, buf_bk, buf_bi)
          radix_pass(24, buf_bk, buf_bi, buf_ak, buf_ai)

          @plsc.parallel_loop(0, K // 16, unroll=4)
          def _ebody(j):
              o = j * 16
              skv = _u(buf_ak[pl.ds(o, 16)])
              key = ~skv
              hi = key >= sign
              bits = jnp.where(hi, key ^ sign, ~key)
              outv[pl.ds(o, 16)] = plsc.bitcast(bits, jnp.float32)

          pltpu.sync_copy(outv, vals_hbm.at[row])
          pltpu.sync_copy(buf_ai.at[pl.ds(0, K)], idx_hbm.at[row])
          return 0

      lax.fori_loop(0, RPW, row_body, 0)

  return _topk_sc


def kernel(scores, candidate_mask, k):
    del k
    maskf = candidate_mask.astype(jnp.float32)
    return _build_topk_sc()(scores, maskf)

# --- scband reference (transcript-rebuilt; emitter-appended) ---
"""Pipeline reference for scband-model-62886911148377 (READ-ONLY COPY).

The authoritative reference and input builder live on the scoring server;
editing this copy changes nothing except your own understanding.
"""

import jax, jax.numpy as jnp
import numpy as np


def setup_inputs(seed: int = 0) -> dict:
    key = jax.random.key(seed)
    k1, k2 = jax.random.split(key)
    scores = jax.random.normal(k1, (128, 32768), dtype=jnp.float32)
    candidate_mask = jax.random.randint(k2, (128, 32768), 0, 2).astype(jnp.bool_)
    return {"scores": scores, "candidate_mask": candidate_mask, "k": 2048}


def reference(scores, candidate_mask, k):
    # Mirrors the model's top-k masking core:
    #   candidate_entity_scores = flat_scores[ids] + spans_log_mask
    #   top spans = get_batch_topk(candidate_entity_scores, k)
    spans_log_mask = jnp.log(candidate_mask.astype(jnp.float32))  # 0 for valid, -inf for invalid
    masked_scores = scores + spans_log_mask
    K_STATIC = 2048
    top_vals, top_idx = jax.lax.top_k(masked_scores, K_STATIC)
    k_arr = jnp.asarray(k, dtype=top_idx.dtype)
    top_idx = top_idx + (k_arr - k_arr)
    return top_vals, top_idx

if __name__ == "__main__":
    import jax
    _d = setup_inputs()
    print(jax.jit(kernel)(*tuple(_d.values())))

</pallas_src>

<mosaic_0001>
#map = affine_map<(d0, d1) -> (0, 0)>
module attributes {stable_mosaic.version = 14 : i64} {
  func.func @_topk_sc(%arg0: i32, %arg1: i32, %arg2: memref<128x32768xf32, #tpu.memory_space<hbm>>, %arg3: memref<128x32768xf32, #tpu.memory_space<hbm>>, %arg4: memref<128x2048xf32, #tpu.memory_space<hbm>>, %arg5: memref<128x2048xi32, #tpu.memory_space<hbm>>, %arg6: memref<8192xf32, #tpu.memory_space<vmem>>, %arg7: memref<8192xf32, #tpu.memory_space<vmem>>, %arg8: memref<8192xf32, #tpu.memory_space<vmem>>, %arg9: memref<8192xf32, #tpu.memory_space<vmem>>, %arg10: memref<32768xi32, #tpu.memory_space<vmem>>, %arg11: memref<2048xi32, #tpu.memory_space<vmem>>, %arg12: memref<4160xi32, #tpu.memory_space<vmem>>, %arg13: memref<4160xi32, #tpu.memory_space<vmem>>, %arg14: memref<4160xi32, #tpu.memory_space<vmem>>, %arg15: memref<4160xi32, #tpu.memory_space<vmem>>, %arg16: memref<256xi32, #tpu.memory_space<vmem>>, %arg17: memref<256xi32, #tpu.memory_space<vmem>>, %arg18: memref<256xi32, #tpu.memory_space<vmem>>, %arg19: memref<4160xi32, #tpu.memory_space<vmem>>, %arg20: memref<2048xf32, #tpu.memory_space<vmem>>, %arg21: memref<!tpu.dma_semaphore, #tpu.memory_space<semaphore_mem>>, %arg22: memref<!tpu.dma_semaphore, #tpu.memory_space<semaphore_mem>>, %arg23: memref<!tpu.dma_semaphore, #tpu.memory_space<semaphore_mem>>, %arg24: memref<!tpu.dma_semaphore, #tpu.memory_space<semaphore_mem>>) attributes {dimension_semantics = [#tpu.dimension_semantics<core_parallel>, #tpu.dimension_semantics<subcore_parallel>], iteration_bounds = array<i64: 2, 16>, scalar_prefetch = 0 : i64, scratch_operands = 19 : i64, tpu.core_type = #tpu.core_type<sc_vector_subcore>, window_params = [{transform_indices = #map}, {transform_indices = #map}, {transform_indices = #map}, {transform_indices = #map}]} {
    %mul3A = arith.constant 2 : i32
    %mul3A_0 = arith.muli %arg1, %mul3A : i32
    %add3A = arith.addi %mul3A_0, %arg0 : i32
    %iota3A = tpu.iota {dimensions = array<i32: 0>} : vector<16xi32>
    %broadcast_in_dim3A = arith.constant 0 : i32
    %broadcast_in_dim3A_1 = vector.broadcast %broadcast_in_dim3A : i32 to vector<16xi32>
    %broadcast_in_dim3A_2 = arith.constant 1 : i32
    %broadcast_in_dim3A_3 = vector.broadcast %broadcast_in_dim3A_2 : i32 to vector<16xi32>
    %broadcast_in_dim3A_4 = arith.constant -1 : i32
    %broadcast_in_dim3A_5 = vector.broadcast %broadcast_in_dim3A_4 : i32 to vector<16xi32>
    %scan3A = arith.constant -2147483648 : i32
    %scan3A_6 = arith.constant 0 : i32
    %scan3A_7 = arith.constant 0 : i32
    %scan3A_8 = arith.constant 4 : i32
    %scan3A_9 = arith.addi %scan3A_7, %scan3A_8 : i32
    %scan3A_10 = arith.constant 1 : i32
    %scan3A_11 = scf.for %scan3A_13 = %scan3A_7 to %scan3A_9 step %scan3A_10 iter_args(%scan3A_14 = %scan3A_6) -> (i32)  : i32 {
      %mul3A_15 = arith.constant 4 : i32
      %mul3A_16 = arith.muli %add3A, %mul3A_15 : i32
      %add3A_17 = arith.addi %mul3A_16, %scan3A_13 : i32
      %parallel_loop3A = arith.constant 0 : i32
      %parallel_loop3A_18 = arith.constant 128 : i32
      %parallel_loop3A_19 = arith.constant 1 : i32
      scf.for %parallel_loop3A_281 = %parallel_loop3A to %parallel_loop3A_18 step %parallel_loop3A_19  : i32 {
        %parallel_loop3A_282 = arith.constant 16 : i32
        %parallel_loop3A_283 = arith.muli %parallel_loop3A_281, %parallel_loop3A_282 : i32
        %parallel_loop3A_284 = arith.index_cast %parallel_loop3A_283 : i32 to index
        %parallel_loop3A_285 = tpu.vector_load %arg11[%parallel_loop3A_284] {strides = array<i32>} : memref<2048xi32, #tpu.memory_space<vmem>>, vector<16xi32>,
        tpu.vector_store %arg11[%parallel_loop3A_284], %broadcast_in_dim3A_1 {strides = array<i32>} : memref<2048xi32, #tpu.memory_space<vmem>>, vector<16xi32>,
      } {sc.loop_unroll_factor = 4 : i64, sc.parallel_access}
      %dma_start3A = arith.constant 0 : i32
      %dma_start3A_20 = tpu.memref_slice %arg2[%add3A_17, %dma_start3A] : memref<128x32768xf32, #tpu.memory_space<hbm>> -> memref<1x8192xf32, #tpu.memory_space<hbm>>
      %dma_start3A_21 = tpu.memref_squeeze %dma_start3A_20 : memref<1x8192xf32, #tpu.memory_space<hbm>> -> memref<8192xf32, #tpu.memory_space<hbm>>
      %dma_start3A_22 = arith.constant 0 : i32
      %dma_start3A_23 = tpu.memref_slice %arg2[%add3A_17, %dma_start3A_22] : memref<128x32768xf32, #tpu.memory_space<hbm>> -> memref<1x8192xf32, #tpu.memory_space<hbm>>
      %dma_start3A_24 = tpu.memref_squeeze %dma_start3A_23 : memref<1x8192xf32, #tpu.memory_space<hbm>> -> memref<8192xf32, #tpu.memory_space<hbm>>
      tpu.enqueue_dma source(%dma_start3A_24 : memref<8192xf32, #tpu.memory_space<hbm>>) target(%arg6 : memref<8192xf32, #tpu.memory_space<vmem>>) target_semaphore(%arg21 : memref<!tpu.dma_semaphore, #tpu.memory_space<semaphore_mem>>)
      %dma_start3A_25 = arith.constant 0 : i32
      %dma_start3A_26 = tpu.memref_slice %arg3[%add3A_17, %dma_start3A_25] : memref<128x32768xf32, #tpu.memory_space<hbm>> -> memref<1x8192xf32, #tpu.memory_space<hbm>>
      %dma_start3A_27 = tpu.memref_squeeze %dma_start3A_26 : memref<1x8192xf32, #tpu.memory_space<hbm>> -> memref<8192xf32, #tpu.memory_space<hbm>>
      %dma_start3A_28 = arith.constant 0 : i32
      %dma_start3A_29 = tpu.memref_slice %arg3[%add3A_17, %dma_start3A_28] : memref<128x32768xf32, #tpu.memory_space<hbm>> -> memref<1x8192xf32, #tpu.memory_space<hbm>>
      %dma_start3A_30 = tpu.memref_squeeze %dma_start3A_29 : memref<1x8192xf32, #tpu.memory_space<hbm>> -> memref<8192xf32, #tpu.memory_space<hbm>>
      tpu.enqueue_dma source(%dma_start3A_30 : memref<8192xf32, #tpu.memory_space<hbm>>) target(%arg8 : memref<8192xf32, #tpu.memory_space<vmem>>) target_semaphore(%arg23 : memref<!tpu.dma_semaphore, #tpu.memory_space<semaphore_mem>>)
      %dma_start3A_31 = arith.constant 8192 : i32
      %dma_start3A_32 = tpu.memref_slice %arg2[%add3A_17, %dma_start3A_31] : memref<128x32768xf32, #tpu.memory_space<hbm>> -> memref<1x8192xf32, #tpu.memory_space<hbm>>
      %dma_start3A_33 = tpu.memref_squeeze %dma_start3A_32 : memref<1x8192xf32, #tpu.memory_space<hbm>> -> memref<8192xf32, #tpu.memory_space<hbm>>
      %dma_start3A_34 = arith.constant 8192 : i32
      %dma_start3A_35 = tpu.memref_slice %arg2[%add3A_17, %dma_start3A_34] : memref<128x32768xf32, #tpu.memory_space<hbm>> -> memref<1x8192xf32, #tpu.memory_space<hbm>>
      %dma_start3A_36 = tpu.memref_squeeze %dma_start3A_35 : memref<1x8192xf32, #tpu.memory_space<hbm>> -> memref<8192xf32, #tpu.memory_space<hbm>>
      tpu.enqueue_dma source(%dma_start3A_36 : memref<8192xf32, #tpu.memory_space<hbm>>) target(%arg7 : memref<8192xf32, #tpu.memory_space<vmem>>) target_semaphore(%arg22 : memref<!tpu.dma_semaphore, #tpu.memory_space<semaphore_mem>>)
      %dma_start3A_37 = arith.constant 8192 : i32
      %dma_start3A_38 = tpu.memref_slice %arg3[%add3A_17, %dma_start3A_37] : memref<128x32768xf32, #tpu.memory_space<hbm>> -> memref<1x8192xf32, #tpu.memory_space<hbm>>
      %dma_start3A_39 = tpu.memref_squeeze %dma_start3A_38 : memref<1x8192xf32, #tpu.memory_space<hbm>> -> memref<8192xf32, #tpu.memory_space<hbm>>
      %dma_start3A_40 = arith.constant 8192 : i32
      %dma_start3A_41 = tpu.memref_slice %arg3[%add3A_17, %dma_start3A_40] : memref<128x32768xf32, #tpu.memory_space<hbm>> -> memref<1x8192xf32, #tpu.memory_space<hbm>>
      %dma_start3A_42 = tpu.memref_squeeze %dma_start3A_41 : memref<1x8192xf32, #tpu.memory_space<hbm>> -> memref<8192xf32, #tpu.memory_space<hbm>>
      tpu.enqueue_dma source(%dma_start3A_42 : memref<8192xf32, #tpu.memory_space<hbm>>) target(%arg9 : memref<8192xf32, #tpu.memory_space<vmem>>) target_semaphore(%arg24 : memref<!tpu.dma_semaphore, #tpu.memory_space<semaphore_mem>>)
      %dma_wait3A = arith.constant 0 : i32
      %dma_wait3A_43 = tpu.memref_slice %arg2[%add3A_17, %dma_wait3A] : memref<128x32768xf32, #tpu.memory_space<hbm>> -> memref<1x8192xf32, #tpu.memory_space<hbm>>
      %dma_wait3A_44 = tpu.memref_squeeze %dma_wait3A_43 : memref<1x8192xf32, #tpu.memory_space<hbm>> -> memref<8192xf32, #tpu.memory_space<hbm>>
      %dma_wait3A_45 = arith.constant 0 : i32
      %dma_wait3A_46 = tpu.memref_slice %arg2[%add3A_17, %dma_wait3A_45] : memref<128x32768xf32, #tpu.memory_space<hbm>> -> memref<1x8192xf32, #tpu.memory_space<hbm>>
      %dma_wait3A_47 = tpu.memref_squeeze %dma_wait3A_46 : memref<1x8192xf32, #tpu.memory_space<hbm>> -> memref<8192xf32, #tpu.memory_space<hbm>>
      tpu.wait_dma2 semaphore(%arg21 : memref<!tpu.dma_semaphore, #tpu.memory_space<semaphore_mem>>) src(%dma_wait3A_47 : memref<8192xf32, #tpu.memory_space<hbm>>) dst(%arg6 : memref<8192xf32, #tpu.memory_space<vmem>>)
      %dma_wait3A_48 = arith.constant 0 : i32
      %dma_wait3A_49 = tpu.memref_slice %arg3[%add3A_17, %dma_wait3A_48] : memref<128x32768xf32, #tpu.memory_space<hbm>> -> memref<1x8192xf32, #tpu.memory_space<hbm>>
      %dma_wait3A_50 = tpu.memref_squeeze %dma_wait3A_49 : memref<1x8192xf32, #tpu.memory_space<hbm>> -> memref<8192xf32, #tpu.memory_space<hbm>>
      %dma_wait3A_51 = arith.constant 0 : i32
      %dma_wait3A_52 = tpu.memref_slice %arg3[%add3A_17, %dma_wait3A_51] : memref<128x32768xf32, #tpu.memory_space<hbm>> -> memref<1x8192xf32, #tpu.memory_space<hbm>>
      %dma_wait3A_53 = tpu.memref_squeeze %dma_wait3A_52 : memref<1x8192xf32, #tpu.memory_space<hbm>> -> memref<8192xf32, #tpu.memory_space<hbm>>
      tpu.wait_dma2 semaphore(%arg23 : memref<!tpu.dma_semaphore, #tpu.memory_space<semaphore_mem>>) src(%dma_wait3A_53 : memref<8192xf32, #tpu.memory_space<hbm>>) dst(%arg8 : memref<8192xf32, #tpu.memory_space<vmem>>)
      %parallel_loop3A_54 = arith.constant 0 : i32
      %parallel_loop3A_55 = arith.constant 128 : i32
      %parallel_loop3A_56 = arith.constant 1 : i32
      scf.for %parallel_loop3A_281 = %parallel_loop3A_54 to %parallel_loop3A_55 step %parallel_loop3A_56  : i32 {
        %parallel_loop3A_282 = arith.constant 4 : i32
        %parallel_loop3A_283 = arith.muli %parallel_loop3A_281, %parallel_loop3A_282 : i32
        %parallel_loop3A_284 = arith.constant 0 : i32
        %parallel_loop3A_285 = arith.addi %parallel_loop3A_283, %parallel_loop3A_284 : i32
        %parallel_loop3A_286 = arith.constant 16 : i32
        %parallel_loop3A_287 = arith.muli %parallel_loop3A_285, %parallel_loop3A_286 : i32
        %parallel_loop3A_288 = arith.index_cast %parallel_loop3A_287 : i32 to index
        %parallel_loop3A_289 = tpu.vector_load %arg6[%parallel_loop3A_288] {strides = array<i32>} : memref<8192xf32, #tpu.memory_space<vmem>>, vector<16xf32>,
        %parallel_loop3A_290 = arith.index_cast %parallel_loop3A_287 : i32 to index
        %parallel_loop3A_291 = tpu.vector_load %arg8[%parallel_loop3A_290] {strides = array<i32>} : memref<8192xf32, #tpu.memory_space<vmem>>, vector<16xf32>,
        %parallel_loop3A_292 = vector.bitcast %parallel_loop3A_289 : vector<16xf32> to vector<16xi32>
        %parallel_loop3A_293 = vector.broadcast %scan3A : i32 to vector<16xi32>
        %parallel_loop3A_294 = arith.cmpi uge, %parallel_loop3A_292, %parallel_loop3A_293 : vector<16xi32>
        %parallel_loop3A_295 = arith.constant dense<-1> : vector<16xi32>
        %parallel_loop3A_296 = arith.xori %parallel_loop3A_292, %parallel_loop3A_295 : vector<16xi32>
        %parallel_loop3A_297 = vector.broadcast %scan3A : i32 to vector<16xi32>
        %parallel_loop3A_298 = arith.xori %parallel_loop3A_296, %parallel_loop3A_297 : vector<16xi32>
        %parallel_loop3A_299 = arith.select %parallel_loop3A_294, %parallel_loop3A_292, %parallel_loop3A_298 : vector<16xi1>, vector<16xi32>
        %parallel_loop3A_300 = arith.constant 0.000000e+00 : f32
        %parallel_loop3A_301 = vector.broadcast %parallel_loop3A_300 : f32 to vector<16xf32>
        %parallel_loop3A_302 = arith.cmpf ogt, %parallel_loop3A_291, %parallel_loop3A_301 : vector<16xf32>
        %parallel_loop3A_303 = arith.constant -1 : i32
        %parallel_loop3A_304 = vector.broadcast %parallel_loop3A_303 : i32 to vector<16xi32>
        %parallel_loop3A_305 = arith.select %parallel_loop3A_302, %parallel_loop3A_299, %parallel_loop3A_304 : vector<16xi1>, vector<16xi32>
        %parallel_loop3A_306 = vector.bitcast %parallel_loop3A_305 : vector<16xi32> to vector<16xi32>
        %parallel_loop3A_307 = arith.constant 0 : i32
        %parallel_loop3A_308 = arith.addi %parallel_loop3A_307, %parallel_loop3A_287 : i32
        %parallel_loop3A_309 = arith.index_cast %parallel_loop3A_308 : i32 to index
        %parallel_loop3A_310 = tpu.vector_load %arg10[%parallel_loop3A_309] {strides = array<i32>} : memref<32768xi32, #tpu.memory_space<vmem>>, vector<16xi32>,
        tpu.vector_store %arg10[%parallel_loop3A_309], %parallel_loop3A_306 {strides = array<i32>} : memref<32768xi32, #tpu.memory_space<vmem>>, vector<16xi32>,
        %parallel_loop3A_311 = arith.constant 4 : i32
        %parallel_loop3A_312 = arith.muli %parallel_loop3A_281, %parallel_loop3A_311 : i32
        %parallel_loop3A_313 = arith.constant 1 : i32
        %parallel_loop3A_314 = arith.addi %parallel_loop3A_312, %parallel_loop3A_313 : i32
        %parallel_loop3A_315 = arith.constant 16 : i32
        %parallel_loop3A_316 = arith.muli %parallel_loop3A_314, %parallel_loop3A_315 : i32
        %parallel_loop3A_317 = arith.index_cast %parallel_loop3A_316 : i32 to index
        %parallel_loop3A_318 = tpu.vector_load %arg6[%parallel_loop3A_317] {strides = array<i32>} : memref<8192xf32, #tpu.memory_space<vmem>>, vector<16xf32>,
        %parallel_loop3A_319 = arith.index_cast %parallel_loop3A_316 : i32 to index
        %parallel_loop3A_320 = tpu.vector_load %arg8[%parallel_loop3A_319] {strides = array<i32>} : memref<8192xf32, #tpu.memory_space<vmem>>, vector<16xf32>,
        %parallel_loop3A_321 = vector.bitcast %parallel_loop3A_318 : vector<16xf32> to vector<16xi32>
        %parallel_loop3A_322 = vector.broadcast %scan3A : i32 to vector<16xi32>
        %parallel_loop3A_323 = arith.cmpi uge, %parallel_loop3A_321, %parallel_loop3A_322 : vector<16xi32>
        %parallel_loop3A_324 = arith.constant dense<-1> : vector<16xi32>
        %parallel_loop3A_325 = arith.xori %parallel_loop3A_321, %parallel_loop3A_324 : vector<16xi32>
        %parallel_loop3A_326 = vector.broadcast %scan3A : i32 to vector<16xi32>
        %parallel_loop3A_327 = arith.xori %parallel_loop3A_325, %parallel_loop3A_326 : vector<16xi32>
        %parallel_loop3A_328 = arith.select %parallel_loop3A_323, %parallel_loop3A_321, %parallel_loop3A_327 : vector<16xi1>, vector<16xi32>
        %parallel_loop3A_329 = arith.constant 0.000000e+00 : f32
        %parallel_loop3A_330 = vector.broadcast %parallel_loop3A_329 : f32 to vector<16xf32>
        %parallel_loop3A_331 = arith.cmpf ogt, %parallel_loop3A_320, %parallel_loop3A_330 : vector<16xf32>
        %parallel_loop3A_332 = arith.constant -1 : i32
        %parallel_loop3A_333 = vector.broadcast %parallel_loop3A_332 : i32 to vector<16xi32>
        %parallel_loop3A_334 = arith.select %parallel_loop3A_331, %parallel_loop3A_328, %parallel_loop3A_333 : vector<16xi1>, vector<16xi32>
        %parallel_loop3A_335 = vector.bitcast %parallel_loop3A_334 : vector<16xi32> to vector<16xi32>
        %parallel_loop3A_336 = arith.constant 0 : i32
        %parallel_loop3A_337 = arith.addi %parallel_loop3A_336, %parallel_loop3A_316 : i32
        %parallel_loop3A_338 = arith.index_cast %parallel_loop3A_337 : i32 to index
        %parallel_loop3A_339 = tpu.vector_load %arg10[%parallel_loop3A_338] {strides = array<i32>} : memref<32768xi32, #tpu.memory_space<vmem>>, vector<16xi32>,
        tpu.vector_store %arg10[%parallel_loop3A_338], %parallel_loop3A_335 {strides = array<i32>} : memref<32768xi32, #tpu.memory_space<vmem>>, vector<16xi32>,
        %parallel_loop3A_340 = arith.constant 4 : i32
        %parallel_loop3A_341 = arith.muli %parallel_loop3A_281, %parallel_loop3A_340 : i32
        %parallel_loop3A_342 = arith.constant 2 : i32
        %parallel_loop3A_343 = arith.addi %parallel_loop3A_341, %parallel_loop3A_342 : i32
        %parallel_loop3A_344 = arith.constant 16 : i32
        %parallel_loop3A_345 = arith.muli %parallel_loop3A_343, %parallel_loop3A_344 : i32
        %parallel_loop3A_346 = arith.index_cast %parallel_loop3A_345 : i32 to index
        %parallel_loop3A_347 = tpu.vector_load %arg6[%parallel_loop3A_346] {strides = array<i32>} : memref<8192xf32, #tpu.memory_space<vmem>>, vector<16xf32>,
        %parallel_loop3A_348 = arith.index_cast %parallel_loop3A_345 : i32 to index
        %parallel_loop3A_349 = tpu.vector_load %arg8[%parallel_loop3A_348] {strides = array<i32>} : memref<8192xf32, #tpu.memory_space<vmem>>, vector<16xf32>,
        %parallel_loop3A_350 = vector.bitcast %parallel_loop3A_347 : vector<16xf32> to vector<16xi32>
        %parallel_loop3A_351 = vector.broadcast %scan3A : i32 to vector<16xi32>
        %parallel_loop3A_352 = arith.cmpi uge, %parallel_loop3A_350, %parallel_loop3A_351 : vector<16xi32>
        %parallel_loop3A_353 = arith.constant dense<-1> : vector<16xi32>
        %parallel_loop3A_354 = arith.xori %parallel_loop3A_350, %parallel_loop3A_353 : vector<16xi32>
        %parallel_loop3A_355 = vector.broadcast %scan3A : i32 to vector<16xi32>
        %parallel_loop3A_356 = arith.xori %parallel_loop3A_354, %parallel_loop3A_355 : vector<16xi32>
        %parallel_loop3A_357 = arith.select %parallel_loop3A_352, %parallel_loop3A_350, %parallel_loop3A_356 : vector<16xi1>, vector<16xi32>
        %parallel_loop3A_358 = arith.constant 0.000000e+00 : f32
        %parallel_loop3A_359 = vector.broadcast %parallel_loop3A_358 : f32 to vector<16xf32>
        %parallel_loop3A_360 = arith.cmpf ogt, %parallel_loop3A_349, %parallel_loop3A_359 : vector<16xf32>
        %parallel_loop3A_361 = arith.constant -1 : i32
        %parallel_loop3A_362 = vector.broadcast %parallel_loop3A_361 : i32 to vector<16xi32>
        %parallel_loop3A_363 = arith.select %parallel_loop3A_360, %parallel_loop3A_357, %parallel_loop3A_362 : vector<16xi1>, vector<16xi32>
        %parallel_loop3A_364 = vector.bitcast %parallel_loop3A_363 : vector<16xi32> to vector<16xi32>
        %parallel_loop3A_365 = arith.constant 0 : i32
        %parallel_loop3A_366 = arith.addi %parallel_loop3A_365, %parallel_loop3A_345 : i32
        %parallel_loop3A_367 = arith.index_cast %parallel_loop3A_366 : i32 to index
        %parallel_loop3A_368 = tpu.vector_load %arg10[%parallel_loop3A_367] {strides = array<i32>} : memref<32768xi32, #tpu.memory_space<vmem>>, vector<16xi32>,
        tpu.vector_store %arg10[%parallel_loop3A_367], %parallel_loop3A_364 {strides = array<i32>} : memref<32768xi32, #tpu.memory_space<vmem>>, vector<16xi32>,
        %parallel_loop3A_369 = arith.constant 4 : i32
        %parallel_loop3A_370 = arith.muli %parallel_loop3A_281, %parallel_loop3A_369 : i32
        %parallel_loop3A_371 = arith.constant 3 : i32
        %parallel_loop3A_372 = arith.addi %parallel_loop3A_370, %parallel_loop3A_371 : i32
        %parallel_loop3A_373 = arith.constant 16 : i32
        %parallel_loop3A_374 = arith.muli %parallel_loop3A_372, %parallel_loop3A_373 : i32
        %parallel_loop3A_375 = arith.index_cast %parallel_loop3A_374 : i32 to index
        %parallel_loop3A_376 = tpu.vector_load %arg6[%parallel_loop3A_375] {strides = array<i32>} : memref<8192xf32, #tpu.memory_space<vmem>>, vector<16xf32>,
        %parallel_loop3A_377 = arith.index_cast %parallel_loop3A_374 : i32 to index
        %parallel_loop3A_378 = tpu.vector_load %arg8[%parallel_loop3A_377] {strides = array<i32>} : memref<8192xf32, #tpu.memory_space<vmem>>, vector<16xf32>,
        %parallel_loop3A_379 = vector.bitcast %parallel_loop3A_376 : vector<16xf32> to vector<16xi32>
        %parallel_loop3A_380 = vector.broadcast %scan3A : i32 to vector<16xi32>
        %parallel_loop3A_381 = arith.cmpi uge, %parallel_loop3A_379, %parallel_loop3A_380 : vector<16xi32>
        %parallel_loop3A_382 = arith.constant dense<-1> : vector<16xi32>
        %parallel_loop3A_383 = arith.xori %parallel_loop3A_379, %parallel_loop3A_382 : vector<16xi32>
        %parallel_loop3A_384 = vector.broadcast %scan3A : i32 to vector<16xi32>
        %parallel_loop3A_385 = arith.xori %parallel_loop3A_383, %parallel_loop3A_384 : vector<16xi32>
        %parallel_loop3A_386 = arith.select %parallel_loop3A_381, %parallel_loop3A_379, %parallel_loop3A_385 : vector<16xi1>, vector<16xi32>
        %parallel_loop3A_387 = arith.constant 0.000000e+00 : f32
        %parallel_loop3A_388 = vector.broadcast %parallel_loop3A_387 : f32 to vector<16xf32>
        %parallel_loop3A_389 = arith.cmpf ogt, %parallel_loop3A_378, %parallel_loop3A_388 : vector<16xf32>
        %parallel_loop3A_390 = arith.constant -1 : i32
        %parallel_loop3A_391 = vector.broadcast %parallel_loop3A_390 : i32 to vector<16xi32>
        %parallel_loop3A_392 = arith.select %parallel_loop3A_389, %parallel_loop3A_386, %parallel_loop3A_391 : vector<16xi1>, vector<16xi32>
        %parallel_loop3A_393 = vector.bitcast %parallel_loop3A_392 : vector<16xi32> to vector<16xi32>
        %parallel_loop3A_394 = arith.constant 0 : i32
        %parallel_loop3A_395 = arith.addi %parallel_loop3A_394, %parallel_loop3A_374 : i32
        %parallel_loop3A_396 = arith.index_cast %parallel_loop3A_395 : i32 to index
        %parallel_loop3A_397 = tpu.vector_load %arg10[%parallel_loop3A_396] {strides = array<i32>} : memref<32768xi32, #tpu.memory_space<vmem>>, vector<16xi32>,
        tpu.vector_store %arg10[%parallel_loop3A_396], %parallel_loop3A_393 {strides = array<i32>} : memref<32768xi32, #tpu.memory_space<vmem>>, vector<16xi32>,
      } {sc.loop_unroll_factor = 4 : i64, sc.parallel_access}
      %dma_start3A_57 = arith.constant 16384 : i32
      %dma_start3A_58 = tpu.memref_slice %arg2[%add3A_17, %dma_start3A_57] : memref<128x32768xf32, #tpu.memory_space<hbm>> -> memref<1x8192xf32, #tpu.memory_space<hbm>>
      %dma_start3A_59 = tpu.memref_squeeze %dma_start3A_58 : memref<1x8192xf32, #tpu.memory_space<hbm>> -> memref<8192xf32, #tpu.memory_space<hbm>>
      %dma_start3A_60 = arith.constant 16384 : i32
      %dma_start3A_61 = tpu.memref_slice %arg2[%add3A_17, %dma_start3A_60] : memref<128x32768xf32, #tpu.memory_space<hbm>> -> memref<1x8192xf32, #tpu.memory_space<hbm>>
      %dma_start3A_62 = tpu.memref_squeeze %dma_start3A_61 : memref<1x8192xf32, #tpu.memory_space<hbm>> -> memref<8192xf32, #tpu.memory_space<hbm>>
      tpu.enqueue_dma source(%dma_start3A_62 : memref<8192xf32, #tpu.memory_space<hbm>>) target(%arg6 : memref<8192xf32, #tpu.memory_space<vmem>>) target_semaphore(%arg21 : memref<!tpu.dma_semaphore, #tpu.memory_space<semaphore_mem>>)
      %dma_start3A_63 = arith.constant 16384 : i32
      %dma_start3A_64 = tpu.memref_slice %arg3[%add3A_17, %dma_start3A_63] : memref<128x32768xf32, #tpu.memory_space<hbm>> -> memref<1x8192xf32, #tpu.memory_space<hbm>>
      %dma_start3A_65 = tpu.memref_squeeze %dma_start3A_64 : memref<1x8192xf32, #tpu.memory_space<hbm>> -> memref<8192xf32, #tpu.memory_space<hbm>>
      %dma_start3A_66 = arith.constant 16384 : i32
      %dma_start3A_67 = tpu.memref_slice %arg3[%add3A_17, %dma_start3A_66] : memref<128x32768xf32, #tpu.memory_space<hbm>> -> memref<1x8192xf32, #tpu.memory_space<hbm>>
      %dma_start3A_68 = tpu.memref_squeeze %dma_start3A_67 : memref<1x8192xf32, #tpu.memory_space<hbm>> -> memref<8192xf32, #tpu.memory_space<hbm>>
      tpu.enqueue_dma source(%dma_start3A_68 : memref<8192xf32, #tpu.memory_space<hbm>>) target(%arg8 : memref<8192xf32, #tpu.memory_space<vmem>>) target_semaphore(%arg23 : memref<!tpu.dma_semaphore, #tpu.memory_space<semaphore_mem>>)
      %dma_wait3A_69 = arith.constant 8192 : i32
      %dma_wait3A_70 = tpu.memref_slice %arg2[%add3A_17, %dma_wait3A_69] : memref<128x32768xf32, #tpu.memory_space<hbm>> -> memref<1x8192xf32, #tpu.memory_space<hbm>>
      %dma_wait3A_71 = tpu.memref_squeeze %dma_wait3A_70 : memref<1x8192xf32, #tpu.memory_space<hbm>> -> memref<8192xf32, #tpu.memory_space<hbm>>
      %dma_wait3A_72 = arith.constant 8192 : i32
      %dma_wait3A_73 = tpu.memref_slice %arg2[%add3A_17, %dma_wait3A_72] : memref<128x32768xf32, #tpu.memory_space<hbm>> -> memref<1x8192xf32, #tpu.memory_space<hbm>>
      %dma_wait3A_74 = tpu.memref_squeeze %dma_wait3A_73 : memref<1x8192xf32, #tpu.memory_space<hbm>> -> memref<8192xf32, #tpu.memory_space<hbm>>
      tpu.wait_dma2 semaphore(%arg22 : memref<!tpu.dma_semaphore, #tpu.memory_space<semaphore_mem>>) src(%dma_wait3A_74 : memref<8192xf32, #tpu.memory_space<hbm>>) dst(%arg7 : memref<8192xf32, #tpu.memory_space<vmem>>)
      %dma_wait3A_75 = arith.constant 8192 : i32
      %dma_wait3A_76 = tpu.memref_slice %arg3[%add3A_17, %dma_wait3A_75] : memref<128x32768xf32, #tpu.memory_space<hbm>> -> memref<1x8192xf32, #tpu.memory_space<hbm>>
      %dma_wait3A_77 = tpu.memref_squeeze %dma_wait3A_76 : memref<1x8192xf32, #tpu.memory_space<hbm>> -> memref<8192xf32, #tpu.memory_space<hbm>>
      %dma_wait3A_78 = arith.constant 8192 : i32
      %dma_wait3A_79 = tpu.memref_slice %arg3[%add3A_17, %dma_wait3A_78] : memref<128x32768xf32, #tpu.memory_space<hbm>> -> memref<1x8192xf32, #tpu.memory_space<hbm>>
      %dma_wait3A_80 = tpu.memref_squeeze %dma_wait3A_79 : memref<1x8192xf32, #tpu.memory_space<hbm>> -> memref<8192xf32, #tpu.memory_space<hbm>>
      tpu.wait_dma2 semaphore(%arg24 : memref<!tpu.dma_semaphore, #tpu.memory_space<semaphore_mem>>) src(%dma_wait3A_80 : memref<8192xf32, #tpu.memory_space<hbm>>) dst(%arg9 : memref<8192xf32, #tpu.memory_space<vmem>>)
      %parallel_loop3A_81 = arith.constant 0 : i32
      %parallel_loop3A_82 = arith.constant 128 : i32
      %parallel_loop3A_83 = arith.constant 1 : i32
      scf.for %parallel_loop3A_281 = %parallel_loop3A_81 to %parallel_loop3A_82 step %parallel_loop3A_83  : i32 {
        %parallel_loop3A_282 = arith.constant 4 : i32
        %parallel_loop3A_283 = arith.muli %parallel_loop3A_281, %parallel_loop3A_282 : i32
        %parallel_loop3A_284 = arith.constant 0 : i32
        %parallel_loop3A_285 = arith.addi %parallel_loop3A_283, %parallel_loop3A_284 : i32
        %parallel_loop3A_286 = arith.constant 16 : i32
        %parallel_loop3A_287 = arith.muli %parallel_loop3A_285, %parallel_loop3A_286 : i32
        %parallel_loop3A_288 = arith.index_cast %parallel_loop3A_287 : i32 to index
        %parallel_loop3A_289 = tpu.vector_load %arg7[%parallel_loop3A_288] {strides = array<i32>} : memref<8192xf32, #tpu.memory_space<vmem>>, vector<16xf32>,
        %parallel_loop3A_290 = arith.index_cast %parallel_loop3A_287 : i32 to index
        %parallel_loop3A_291 = tpu.vector_load %arg9[%parallel_loop3A_290] {strides = array<i32>} : memref<8192xf32, #tpu.memory_space<vmem>>, vector<16xf32>,
        %parallel_loop3A_292 = vector.bitcast %parallel_loop3A_289 : vector<16xf32> to vector<16xi32>
        %parallel_loop3A_293 = vector.broadcast %scan3A : i32 to vector<16xi32>
        %parallel_loop3A_294 = arith.cmpi uge, %parallel_loop3A_292, %parallel_loop3A_293 : vector<16xi32>
        %parallel_loop3A_295 = arith.constant dense<-1> : vector<16xi32>
        %parallel_loop3A_296 = arith.xori %parallel_loop3A_292, %parallel_loop3A_295 : vector<16xi32>
        %parallel_loop3A_297 = vector.broadcast %scan3A : i32 to vector<16xi32>
        %parallel_loop3A_298 = arith.xori %parallel_loop3A_296, %parallel_loop3A_297 : vector<16xi32>
        %parallel_loop3A_299 = arith.select %parallel_loop3A_294, %parallel_loop3A_292, %parallel_loop3A_298 : vector<16xi1>, vector<16xi32>
        %parallel_loop3A_300 = arith.constant 0.000000e+00 : f32
        %parallel_loop3A_301 = vector.broadcast %parallel_loop3A_300 : f32 to vector<16xf32>
        %parallel_loop3A_302 = arith.cmpf ogt, %parallel_loop3A_291, %parallel_loop3A_301 : vector<16xf32>
        %parallel_loop3A_303 = arith.constant -1 : i32
        %parallel_loop3A_304 = vector.broadcast %parallel_loop3A_303 : i32 to vector<16xi32>
        %parallel_loop3A_305 = arith.select %parallel_loop3A_302, %parallel_loop3A_299, %parallel_loop3A_304 : vector<16xi1>, vector<16xi32>
        %parallel_loop3A_306 = vector.bitcast %parallel_loop3A_305 : vector<16xi32> to vector<16xi32>
        %parallel_loop3A_307 = arith.constant 8192 : i32
        %parallel_loop3A_308 = arith.addi %parallel_loop3A_307, %parallel_loop3A_287 : i32
        %parallel_loop3A_309 = arith.index_cast %parallel_loop3A_308 : i32 to index
        %parallel_loop3A_310 = tpu.vector_load %arg10[%parallel_loop3A_309] {strides = array<i32>} : memref<32768xi32, #tpu.memory_space<vmem>>, vector<16xi32>,
        tpu.vector_store %arg10[%parallel_loop3A_309], %parallel_loop3A_306 {strides = array<i32>} : memref<32768xi32, #tpu.memory_space<vmem>>, vector<16xi32>,
        %parallel_loop3A_311 = arith.constant 4 : i32
        %parallel_loop3A_312 = arith.muli %parallel_loop3A_281, %parallel_loop3A_311 : i32
        %parallel_loop3A_313 = arith.constant 1 : i32
        %parallel_loop3A_314 = arith.addi %parallel_loop3A_312, %parallel_loop3A_313 : i32
        %parallel_loop3A_315 = arith.constant 16 : i32
        %parallel_loop3A_316 = arith.muli %parallel_loop3A_314, %parallel_loop3A_315 : i32
        %parallel_loop3A_317 = arith.index_cast %parallel_loop3A_316 : i32 to index
        %parallel_loop3A_318 = tpu.vector_load %arg7[%parallel_loop3A_317] {strides = array<i32>} : memref<8192xf32, #tpu.memory_space<vmem>>, vector<16xf32>,
        %parallel_loop3A_319 = arith.index_cast %parallel_loop3A_316 : i32 to index
        %parallel_loop3A_320 = tpu.vector_load %arg9[%parallel_loop3A_319] {strides = array<i32>} : memref<8192xf32, #tpu.memory_space<vmem>>, vector<16xf32>,
        %parallel_loop3A_321 = vector.bitcast %parallel_loop3A_318 : vector<16xf32> to vector<16xi32>
        %parallel_loop3A_322 = vector.broadcast %scan3A : i32 to vector<16xi32>
        %parallel_loop3A_323 = arith.cmpi uge, %parallel_loop3A_321, %parallel_loop3A_322 : vector<16xi32>
        %parallel_loop3A_324 = arith.constant dense<-1> : vector<16xi32>
        %parallel_loop3A_325 = arith.xori %parallel_loop3A_321, %parallel_loop3A_324 : vector<16xi32>
        %parallel_loop3A_326 = vector.broadcast %scan3A : i32 to vector<16xi32>
        %parallel_loop3A_327 = arith.xori %parallel_loop3A_325, %parallel_loop3A_326 : vector<16xi32>
        %parallel_loop3A_328 = arith.select %parallel_loop3A_323, %parallel_loop3A_321, %parallel_loop3A_327 : vector<16xi1>, vector<16xi32>
        %parallel_loop3A_329 = arith.constant 0.000000e+00 : f32
        %parallel_loop3A_330 = vector.broadcast %parallel_loop3A_329 : f32 to vector<16xf32>
        %parallel_loop3A_331 = arith.cmpf ogt, %parallel_loop3A_320, %parallel_loop3A_330 : vector<16xf32>
        %parallel_loop3A_332 = arith.constant -1 : i32
        %parallel_loop3A_333 = vector.broadcast %parallel_loop3A_332 : i32 to vector<16xi32>
        %parallel_loop3A_334 = arith.select %parallel_loop3A_331, %parallel_loop3A_328, %parallel_loop3A_333 : vector<16xi1>, vector<16xi32>
        %parallel_loop3A_335 = vector.bitcast %parallel_loop3A_334 : vector<16xi32> to vector<16xi32>
        %parallel_loop3A_336 = arith.constant 8192 : i32
        %parallel_loop3A_337 = arith.addi %parallel_loop3A_336, %parallel_loop3A_316 : i32
        %parallel_loop3A_338 = arith.index_cast %parallel_loop3A_337 : i32 to index
        %parallel_loop3A_339 = tpu.vector_load %arg10[%parallel_loop3A_338] {strides = array<i32>} : memref<32768xi32, #tpu.memory_space<vmem>>, vector<16xi32>,
        tpu.vector_store %arg10[%parallel_loop3A_338], %parallel_loop3A_335 {strides = array<i32>} : memref<32768xi32, #tpu.memory_space<vmem>>, vector<16xi32>,
        %parallel_loop3A_340 = arith.constant 4 : i32
        %parallel_loop3A_341 = arith.muli %parallel_loop3A_281, %parallel_loop3A_340 : i32
        %parallel_loop3A_342 = arith.constant 2 : i32
        %parallel_loop3A_343 = arith.addi %parallel_loop3A_341, %parallel_loop3A_342 : i32
        %parallel_loop3A_344 = arith.constant 16 : i32
        %parallel_loop3A_345 = arith.muli %parallel_loop3A_343, %parallel_loop3A_344 : i32
        %parallel_loop3A_346 = arith.index_cast %parallel_loop3A_345 : i32 to index
        %parallel_loop3A_347 = tpu.vector_load %arg7[%parallel_loop3A_346] {strides = array<i32>} : memref<8192xf32, #tpu.memory_space<vmem>>, vector<16xf32>,
        %parallel_loop3A_348 = arith.index_cast %parallel_loop3A_345 : i32 to index
        %parallel_loop3A_349 = tpu.vector_load %arg9[%parallel_loop3A_348] {strides = array<i32>} : memref<8192xf32, #tpu.memory_space<vmem>>, vector<16xf32>,
        %parallel_loop3A_350 = vector.bitcast %parallel_loop3A_347 : vector<16xf32> to vector<16xi32>
        %parallel_loop3A_351 = vector.broadcast %scan3A : i32 to vector<16xi32>
        %parallel_loop3A_352 = arith.cmpi uge, %parallel_loop3A_350, %parallel_loop3A_351 : vector<16xi32>
        %parallel_loop3A_353 = arith.constant dense<-1> : vector<16xi32>
        %parallel_loop3A_354 = arith.xori %parallel_loop3A_350, %parallel_loop3A_353 : vector<16xi32>
        %parallel_loop3A_355 = vector.broadcast %scan3A : i32 to vector<16xi32>
        %parallel_loop3A_356 = arith.xori %parallel_loop3A_354, %parallel_loop3A_355 : vector<16xi32>
        %parallel_loop3A_357 = arith.select %parallel_loop3A_352, %parallel_loop3A_350, %parallel_loop3A_356 : vector<16xi1>, vector<16xi32>
        %parallel_loop3A_358 = arith.constant 0.000000e+00 : f32
        %parallel_loop3A_359 = vector.broadcast %parallel_loop3A_358 : f32 to vector<16xf32>
        %parallel_loop3A_360 = arith.cmpf ogt, %parallel_loop3A_349, %parallel_loop3A_359 : vector<16xf32>
        %parallel_loop3A_361 = arith.constant -1 : i32
        %parallel_loop3A_362 = vector.broadcast %parallel_loop3A_361 : i32 to vector<16xi32>
        %parallel_loop3A_363 = arith.select %parallel_loop3A_360, %parallel_loop3A_357, %parallel_loop3A_362 : vector<16xi1>, vector<16xi32>
        %parallel_loop3A_364 = vector.bitcast %parallel_loop3A_363 : vector<16xi32> to vector<16xi32>
        %parallel_loop3A_365 = arith.constant 8192 : i32
        %parallel_loop3A_366 = arith.addi %parallel_loop3A_365, %parallel_loop3A_345 : i32
        %parallel_loop3A_367 = arith.index_cast %parallel_loop3A_366 : i32 to index
        %parallel_loop3A_368 = tpu.vector_load %arg10[%parallel_loop3A_367] {strides = array<i32>} : memref<32768xi32, #tpu.memory_space<vmem>>, vector<16xi32>,
        tpu.vector_store %arg10[%parallel_loop3A_367], %parallel_loop3A_364 {strides = array<i32>} : memref<32768xi32, #tpu.memory_space<vmem>>, vector<16xi32>,
        %parallel_loop3A_369 = arith.constant 4 : i32
        %parallel_loop3A_370 = arith.muli %parallel_loop3A_281, %parallel_loop3A_369 : i32
        %parallel_loop3A_371 = arith.constant 3 : i32
        %parallel_loop3A_372 = arith.addi %parallel_loop3A_370, %parallel_loop3A_371 : i32
        %parallel_loop3A_373 = arith.constant 16 : i32
        %parallel_loop3A_374 = arith.muli %parallel_loop3A_372, %parallel_loop3A_373 : i32
        %parallel_loop3A_375 = arith.index_cast %parallel_loop3A_374 : i32 to index
        %parallel_loop3A_376 = tpu.vector_load %arg7[%parallel_loop3A_375] {strides = array<i32>} : memref<8192xf32, #tpu.memory_space<vmem>>, vector<16xf32>,
        %parallel_loop3A_377 = arith.index_cast %parallel_loop3A_374 : i32 to index
        %parallel_loop3A_378 = tpu.vector_load %arg9[%parallel_loop3A_377] {strides = array<i32>} : memref<8192xf32, #tpu.memory_space<vmem>>, vector<16xf32>,
        %parallel_loop3A_379 = vector.bitcast %parallel_loop3A_376 : vector<16xf32> to vector<16xi32>
        %parallel_loop3A_380 = vector.broadcast %scan3A : i32 to vector<16xi32>
        %parallel_loop3A_381 = arith.cmpi uge, %parallel_loop3A_379, %parallel_loop3A_380 : vector<16xi32>
        %parallel_loop3A_382 = arith.constant dense<-1> : vector<16xi32>
        %parallel_loop3A_383 = arith.xori %parallel_loop3A_379, %parallel_loop3A_382 : vector<16xi32>
        %parallel_loop3A_384 = vector.broadcast %scan3A : i32 to vector<16xi32>
        %parallel_loop3A_385 = arith.xori %parallel_loop3A_383, %parallel_loop3A_384 : vector<16xi32>
        %parallel_loop3A_386 = arith.select %parallel_loop3A_381, %parallel_loop3A_379, %parallel_loop3A_385 : vector<16xi1>, vector<16xi32>
        %parallel_loop3A_387 = arith.constant 0.000000e+00 : f32
        %parallel_loop3A_388 = vector.broadcast %parallel_loop3A_387 : f32 to vector<16xf32>
        %parallel_loop3A_389 = arith.cmpf ogt, %parallel_loop3A_378, %parallel_loop3A_388 : vector<16xf32>
        %parallel_loop3A_390 = arith.constant -1 : i32
        %parallel_loop3A_391 = vector.broadcast %parallel_loop3A_390 : i32 to vector<16xi32>
        %parallel_loop3A_392 = arith.select %parallel_loop3A_389, %parallel_loop3A_386, %parallel_loop3A_391 : vector<16xi1>, vector<16xi32>
        %parallel_loop3A_393 = vector.bitcast %parallel_loop3A_392 : vector<16xi32> to vector<16xi32>
        %parallel_loop3A_394 = arith.constant 8192 : i32
        %parallel_loop3A_395 = arith.addi %parallel_loop3A_394, %parallel_loop3A_374 : i32
        %parallel_loop3A_396 = arith.index_cast %parallel_loop3A_395 : i32 to index
        %parallel_loop3A_397 = tpu.vector_load %arg10[%parallel_loop3A_396] {strides = array<i32>} : memref<32768xi32, #tpu.memory_space<vmem>>, vector<16xi32>,
        tpu.vector_store %arg10[%parallel_loop3A_396], %parallel_loop3A_393 {strides = array<i32>} : memref<32768xi32, #tpu.memory_space<vmem>>, vector<16xi32>,
      } {sc.loop_unroll_factor = 4 : i64, sc.parallel_access}
      %dma_start3A_84 = arith.constant 24576 : i32
      %dma_start3A_85 = tpu.memref_slice %arg2[%add3A_17, %dma_start3A_84] : memref<128x32768xf32, #tpu.memory_space<hbm>> -> memref<1x8192xf32, #tpu.memory_space<hbm>>
      %dma_start3A_86 = tpu.memref_squeeze %dma_start3A_85 : memref<1x8192xf32, #tpu.memory_space<hbm>> -> memref<8192xf32, #tpu.memory_space<hbm>>
      %dma_start3A_87 = arith.constant 24576 : i32
      %dma_start3A_88 = tpu.memref_slice %arg2[%add3A_17, %dma_start3A_87] : memref<128x32768xf32, #tpu.memory_space<hbm>> -> memref<1x8192xf32, #tpu.memory_space<hbm>>
      %dma_start3A_89 = tpu.memref_squeeze %dma_start3A_88 : memref<1x8192xf32, #tpu.memory_space<hbm>> -> memref<8192xf32, #tpu.memory_space<hbm>>
      tpu.enqueue_dma source(%dma_start3A_89 : memref<8192xf32, #tpu.memory_space<hbm>>) target(%arg7 : memref<8192xf32, #tpu.memory_space<vmem>>) target_semaphore(%arg22 : memref<!tpu.dma_semaphore, #tpu.memory_space<semaphore_mem>>)
      %dma_start3A_90 = arith.constant 24576 : i32
      %dma_start3A_91 = tpu.memref_slice %arg3[%add3A_17, %dma_start3A_90] : memref<128x32768xf32, #tpu.memory_space<hbm>> -> memref<1x8192xf32, #tpu.memory_space<hbm>>
      %dma_start3A_92 = tpu.memref_squeeze %dma_start3A_91 : memref<1x8192xf32, #tpu.memory_space<hbm>> -> memref<8192xf32, #tpu.memory_space<hbm>>
      %dma_start3A_93 = arith.constant 24576 : i32
      %dma_start3A_94 = tpu.memref_slice %arg3[%add3A_17, %dma_start3A_93] : memref<128x32768xf32, #tpu.memory_space<hbm>> -> memref<1x8192xf32, #tpu.memory_space<hbm>>
      %dma_start3A_95 = tpu.memref_squeeze %dma_start3A_94 : memref<1x8192xf32, #tpu.memory_space<hbm>> -> memref<8192xf32, #tpu.memory_space<hbm>>
      tpu.enqueue_dma source(%dma_start3A_95 : memref<8192xf32, #tpu.memory_space<hbm>>) target(%arg9 : memref<8192xf32, #tpu.memory_space<vmem>>) target_semaphore(%arg24 : memref<!tpu.dma_semaphore, #tpu.memory_space<semaphore_mem>>)
      %dma_wait3A_96 = arith.constant 16384 : i32
      %dma_wait3A_97 = tpu.memref_slice %arg2[%add3A_17, %dma_wait3A_96] : memref<128x32768xf32, #tpu.memory_space<hbm>> -> memref<1x8192xf32, #tpu.memory_space<hbm>>
      %dma_wait3A_98 = tpu.memref_squeeze %dma_wait3A_97 : memref<1x8192xf32, #tpu.memory_space<hbm>> -> memref<8192xf32, #tpu.memory_space<hbm>>
      %dma_wait3A_99 = arith.constant 16384 : i32
      %dma_wait3A_100 = tpu.memref_slice %arg2[%add3A_17, %dma_wait3A_99] : memref<128x32768xf32, #tpu.memory_space<hbm>> -> memref<1x8192xf32, #tpu.memory_space<hbm>>
      %dma_wait3A_101 = tpu.memref_squeeze %dma_wait3A_100 : memref<1x8192xf32, #tpu.memory_space<hbm>> -> memref<8192xf32, #tpu.memory_space<hbm>>
      tpu.wait_dma2 semaphore(%arg21 : memref<!tpu.dma_semaphore, #tpu.memory_space<semaphore_mem>>) src(%dma_wait3A_101 : memref<8192xf32, #tpu.memory_space<hbm>>) dst(%arg6 : memref<8192xf32, #tpu.memory_space<vmem>>)
      %dma_wait3A_102 = arith.constant 16384 : i32
      %dma_wait3A_103 = tpu.memref_slice %arg3[%add3A_17, %dma_wait3A_102] : memref<128x32768xf32, #tpu.memory_space<hbm>> -> memref<1x8192xf32, #tpu.memory_space<hbm>>
      %dma_wait3A_104 = tpu.memref_squeeze %dma_wait3A_103 : memref<1x8192xf32, #tpu.memory_space<hbm>> -> memref<8192xf32, #tpu.memory_space<hbm>>
      %dma_wait3A_105 = arith.constant 16384 : i32
      %dma_wait3A_106 = tpu.memref_slice %arg3[%add3A_17, %dma_wait3A_105] : memref<128x32768xf32, #tpu.memory_space<hbm>> -> memref<1x8192xf32, #tpu.memory_space<hbm>>
      %dma_wait3A_107 = tpu.memref_squeeze %dma_wait3A_106 : memref<1x8192xf32, #tpu.memory_space<hbm>> -> memref<8192xf32, #tpu.memory_space<hbm>>
      tpu.wait_dma2 semaphore(%arg23 : memref<!tpu.dma_semaphore, #tpu.memory_space<semaphore_mem>>) src(%dma_wait3A_107 : memref<8192xf32, #tpu.memory_space<hbm>>) dst(%arg8 : memref<8192xf32, #tpu.memory_space<vmem>>)
      %parallel_loop3A_108 = arith.constant 0 : i32
      %parallel_loop3A_109 = arith.constant 128 : i32
      %parallel_loop3A_110 = arith.constant 1 : i32
      scf.for %parallel_loop3A_281 = %parallel_loop3A_108 to %parallel_loop3A_109 step %parallel_loop3A_110  : i32 {
        %parallel_loop3A_282 = arith.constant 4 : i32
        %parallel_loop3A_283 = arith.muli %parallel_loop3A_281, %parallel_loop3A_282 : i32
        %parallel_loop3A_284 = arith.constant 0 : i32
        %parallel_loop3A_285 = arith.addi %parallel_loop3A_283, %parallel_loop3A_284 : i32
        %parallel_loop3A_286 = arith.constant 16 : i32
        %parallel_loop3A_287 = arith.muli %parallel_loop3A_285, %parallel_loop3A_286 : i32
        %parallel_loop3A_288 = arith.index_cast %parallel_loop3A_287 : i32 to index
        %parallel_loop3A_289 = tpu.vector_load %arg6[%parallel_loop3A_288] {strides = array<i32>} : memref<8192xf32, #tpu.memory_space<vmem>>, vector<16xf32>,
        %parallel_loop3A_290 = arith.index_cast %parallel_loop3A_287 : i32 to index
        %parallel_loop3A_291 = tpu.vector_load %arg8[%parallel_loop3A_290] {strides = array<i32>} : memref<8192xf32, #tpu.memory_space<vmem>>, vector<16xf32>,
        %parallel_loop3A_292 = vector.bitcast %parallel_loop3A_289 : vector<16xf32> to vector<16xi32>
        %parallel_loop3A_293 = vector.broadcast %scan3A : i32 to vector<16xi32>
        %parallel_loop3A_294 = arith.cmpi uge, %parallel_loop3A_292, %parallel_loop3A_293 : vector<16xi32>
        %parallel_loop3A_295 = arith.constant dense<-1> : vector<16xi32>
        %parallel_loop3A_296 = arith.xori %parallel_loop3A_292, %parallel_loop3A_295 : vector<16xi32>
        %parallel_loop3A_297 = vector.broadcast %scan3A : i32 to vector<16xi32>
        %parallel_loop3A_298 = arith.xori %parallel_loop3A_296, %parallel_loop3A_297 : vector<16xi32>
        %parallel_loop3A_299 = arith.select %parallel_loop3A_294, %parallel_loop3A_292, %parallel_loop3A_298 : vector<16xi1>, vector<16xi32>
        %parallel_loop3A_300 = arith.constant 0.000000e+00 : f32
        %parallel_loop3A_301 = vector.broadcast %parallel_loop3A_300 : f32 to vector<16xf32>
        %parallel_loop3A_302 = arith.cmpf ogt, %parallel_loop3A_291, %parallel_loop3A_301 : vector<16xf32>
        %parallel_loop3A_303 = arith.constant -1 : i32
        %parallel_loop3A_304 = vector.broadcast %parallel_loop3A_303 : i32 to vector<16xi32>
        %parallel_loop3A_305 = arith.select %parallel_loop3A_302, %parallel_loop3A_299, %parallel_loop3A_304 : vector<16xi1>, vector<16xi32>
        %parallel_loop3A_306 = vector.bitcast %parallel_loop3A_305 : vector<16xi32> to vector<16xi32>
        %parallel_loop3A_307 = arith.constant 16384 : i32
        %parallel_loop3A_308 = arith.addi %parallel_loop3A_307, %parallel_loop3A_287 : i32
        %parallel_loop3A_309 = arith.index_cast %parallel_loop3A_308 : i32 to index
        %parallel_loop3A_310 = tpu.vector_load %arg10[%parallel_loop3A_309] {strides = array<i32>} : memref<32768xi32, #tpu.memory_space<vmem>>, vector<16xi32>,
        tpu.vector_store %arg10[%parallel_loop3A_309], %parallel_loop3A_306 {strides = array<i32>} : memref<32768xi32, #tpu.memory_space<vmem>>, vector<16xi32>,
        %parallel_loop3A_311 = arith.constant 4 : i32
        %parallel_loop3A_312 = arith.muli %parallel_loop3A_281, %parallel_loop3A_311 : i32
        %parallel_loop3A_313 = arith.constant 1 : i32
        %parallel_loop3A_314 = arith.addi %parallel_loop3A_312, %parallel_loop3A_313 : i32
        %parallel_loop3A_315 = arith.constant 16 : i32
        %parallel_loop3A_316 = arith.muli %parallel_loop3A_314, %parallel_loop3A_315 : i32
        %parallel_loop3A_317 = arith.index_cast %parallel_loop3A_316 : i32 to index
        %parallel_loop3A_318 = tpu.vector_load %arg6[%parallel_loop3A_317] {strides = array<i32>} : memref<8192xf32, #tpu.memory_space<vmem>>, vector<16xf32>,
        %parallel_loop3A_319 = arith.index_cast %parallel_loop3A_316 : i32 to index
        %parallel_loop3A_320 = tpu.vector_load %arg8[%parallel_loop3A_319] {strides = array<i32>} : memref<8192xf32, #tpu.memory_space<vmem>>, vector<16xf32>,
        %parallel_loop3A_321 = vector.bitcast %parallel_loop3A_318 : vector<16xf32> to vector<16xi32>
        %parallel_loop3A_322 = vector.broadcast %scan3A : i32 to vector<16xi32>
        %parallel_loop3A_323 = arith.cmpi uge, %parallel_loop3A_321, %parallel_loop3A_322 : vector<16xi32>
        %parallel_loop3A_324 = arith.constant dense<-1> : vector<16xi32>
        %parallel_loop3A_325 = arith.xori %parallel_loop3A_321, %parallel_loop3A_324 : vector<16xi32>
        %parallel_loop3A_326 = vector.broadcast %scan3A : i32 to vector<16xi32>
        %parallel_loop3A_327 = arith.xori %parallel_loop3A_325, %parallel_loop3A_326 : vector<16xi32>
        %parallel_loop3A_328 = arith.select %parallel_loop3A_323, %parallel_loop3A_321, %parallel_loop3A_327 : vector<16xi1>, vector<16xi32>
        %parallel_loop3A_329 = arith.constant 0.000000e+00 : f32
        %parallel_loop3A_330 = vector.broadcast %parallel_loop3A_329 : f32 to vector<16xf32>
        %parallel_loop3A_331 = arith.cmpf ogt, %parallel_loop3A_320, %parallel_loop3A_330 : vector<16xf32>
        %parallel_loop3A_332 = arith.constant -1 : i32
        %parallel_loop3A_333 = vector.broadcast %parallel_loop3A_332 : i32 to vector<16xi32>
        %parallel_loop3A_334 = arith.select %parallel_loop3A_331, %parallel_loop3A_328, %parallel_loop3A_333 : vector<16xi1>, vector<16xi32>
        %parallel_loop3A_335 = vector.bitcast %parallel_loop3A_334 : vector<16xi32> to vector<16xi32>
        %parallel_loop3A_336 = arith.constant 16384 : i32
        %parallel_loop3A_337 = arith.addi %parallel_loop3A_336, %parallel_loop3A_316 : i32
        %parallel_loop3A_338 = arith.index_cast %parallel_loop3A_337 : i32 to index
        %parallel_loop3A_339 = tpu.vector_load %arg10[%parallel_loop3A_338] {strides = array<i32>} : memref<32768xi32, #tpu.memory_space<vmem>>, vector<16xi32>,
        tpu.vector_store %arg10[%parallel_loop3A_338], %parallel_loop3A_335 {strides = array<i32>} : memref<32768xi32, #tpu.memory_space<vmem>>, vector<16xi32>,
        %parallel_loop3A_340 = arith.constant 4 : i32
        %parallel_loop3A_341 = arith.muli %parallel_loop3A_281, %parallel_loop3A_340 : i32
        %parallel_loop3A_342 = arith.constant 2 : i32
        %parallel_loop3A_343 = arith.addi %parallel_loop3A_341, %parallel_loop3A_342 : i32
        %parallel_loop3A_344 = arith.constant 16 : i32
        %parallel_loop3A_345 = arith.muli %parallel_loop3A_343, %parallel_loop3A_344 : i32
        %parallel_loop3A_346 = arith.index_cast %parallel_loop3A_345 : i32 to index
        %parallel_loop3A_347 = tpu.vector_load %arg6[%parallel_loop3A_346] {strides = array<i32>} : memref<8192xf32, #tpu.memory_space<vmem>>, vector<16xf32>,
        %parallel_loop3A_348 = arith.index_cast %parallel_loop3A_345 : i32 to index
        %parallel_loop3A_349 = tpu.vector_load %arg8[%parallel_loop3A_348] {strides = array<i32>} : memref<8192xf32, #tpu.memory_space<vmem>>, vector<16xf32>,
        %parallel_loop3A_350 = vector.bitcast %parallel_loop3A_347 : vector<16xf32> to vector<16xi32>
        %parallel_loop3A_351 = vector.broadcast %scan3A : i32 to vector<16xi32>
        %parallel_loop3A_352 = arith.cmpi uge, %parallel_loop3A_350, %parallel_loop3A_351 : vector<16xi32>
        %parallel_loop3A_353 = arith.constant dense<-1> : vector<16xi32>
        %parallel_loop3A_354 = arith.xori %parallel_loop3A_350, %parallel_loop3A_353 : vector<16xi32>
        %parallel_loop3A_355 = vector.broadcast %scan3A : i32 to vector<16xi32>
        %parallel_loop3A_356 = arith.xori %parallel_loop3A_354, %parallel_loop3A_355 : vector<16xi32>
        %parallel_loop3A_357 = arith.select %parallel_loop3A_352, %parallel_loop3A_350, %parallel_loop3A_356 : vector<16xi1>, vector<16xi32>
        %parallel_loop3A_358 = arith.constant 0.000000e+00 : f32
        %parallel_loop3A_359 = vector.broadcast %parallel_loop3A_358 : f32 to vector<16xf32>
        %parallel_loop3A_360 = arith.cmpf ogt, %parallel_loop3A_349, %parallel_loop3A_359 : vector<16xf32>
        %parallel_loop3A_361 = arith.constant -1 : i32
        %parallel_loop3A_362 = vector.broadcast %parallel_loop3A_361 : i32 to vector<16xi32>
        %parallel_loop3A_363 = arith.select %parallel_loop3A_360, %parallel_loop3A_357, %parallel_loop3A_362 : vector<16xi1>, vector<16xi32>
        %parallel_loop3A_364 = vector.bitcast %parallel_loop3A_363 : vector<16xi32> to vector<16xi32>
        %parallel_loop3A_365 = arith.constant 16384 : i32
        %parallel_loop3A_366 = arith.addi %parallel_loop3A_365, %parallel_loop3A_345 : i32
        %parallel_loop3A_367 = arith.index_cast %parallel_loop3A_366 : i32 to index
        %parallel_loop3A_368 = tpu.vector_load %arg10[%parallel_loop3A_367] {strides = array<i32>} : memref<32768xi32, #tpu.memory_space<vmem>>, vector<16xi32>,
        tpu.vector_store %arg10[%parallel_loop3A_367], %parallel_loop3A_364 {strides = array<i32>} : memref<32768xi32, #tpu.memory_space<vmem>>, vector<16xi32>,
        %parallel_loop3A_369 = arith.constant 4 : i32
        %parallel_loop3A_370 = arith.muli %parallel_loop3A_281, %parallel_loop3A_369 : i32
        %parallel_loop3A_371 = arith.constant 3 : i32
        %parallel_loop3A_372 = arith.addi %parallel_loop3A_370, %parallel_loop3A_371 : i32
        %parallel_loop3A_373 = arith.constant 16 : i32
        %parallel_loop3A_374 = arith.muli %parallel_loop3A_372, %parallel_loop3A_373 : i32
        %parallel_loop3A_375 = arith.index_cast %parallel_loop3A_374 : i32 to index
        %parallel_loop3A_376 = tpu.vector_load %arg6[%parallel_loop3A_375] {strides = array<i32>} : memref<8192xf32, #tpu.memory_space<vmem>>, vector<16xf32>,
        %parallel_loop3A_377 = arith.index_cast %parallel_loop3A_374 : i32 to index
        %parallel_loop3A_378 = tpu.vector_load %arg8[%parallel_loop3A_377] {strides = array<i32>} : memref<8192xf32, #tpu.memory_space<vmem>>, vector<16xf32>,
        %parallel_loop3A_379 = vector.bitcast %parallel_loop3A_376 : vector<16xf32> to vector<16xi32>
        %parallel_loop3A_380 = vector.broadcast %scan3A : i32 to vector<16xi32>
        %parallel_loop3A_381 = arith.cmpi uge, %parallel_loop3A_379, %parallel_loop3A_380 : vector<16xi32>
        %parallel_loop3A_382 = arith.constant dense<-1> : vector<16xi32>
        %parallel_loop3A_383 = arith.xori %parallel_loop3A_379, %parallel_loop3A_382 : vector<16xi32>
        %parallel_loop3A_384 = vector.broadcast %scan3A : i32 to vector<16xi32>
        %parallel_loop3A_385 = arith.xori %parallel_loop3A_383, %parallel_loop3A_384 : vector<16xi32>
        %parallel_loop3A_386 = arith.select %parallel_loop3A_381, %parallel_loop3A_379, %parallel_loop3A_385 : vector<16xi1>, vector<16xi32>
        %parallel_loop3A_387 = arith.constant 0.000000e+00 : f32
        %parallel_loop3A_388 = vector.broadcast %parallel_loop3A_387 : f32 to vector<16xf32>
        %parallel_loop3A_389 = arith.cmpf ogt, %parallel_loop3A_378, %parallel_loop3A_388 : vector<16xf32>
        %parallel_loop3A_390 = arith.constant -1 : i32
        %parallel_loop3A_391 = vector.broadcast %parallel_loop3A_390 : i32 to vector<16xi32>
        %parallel_loop3A_392 = arith.select %parallel_loop3A_389, %parallel_loop3A_386, %parallel_loop3A_391 : vector<16xi1>, vector<16xi32>
        %parallel_loop3A_393 = vector.bitcast %parallel_loop3A_392 : vector<16xi32> to vector<16xi32>
        %parallel_loop3A_394 = arith.constant 16384 : i32
        %parallel_loop3A_395 = arith.addi %parallel_loop3A_394, %parallel_loop3A_374 : i32
        %parallel_loop3A_396 = arith.index_cast %parallel_loop3A_395 : i32 to index
        %parallel_loop3A_397 = tpu.vector_load %arg10[%parallel_loop3A_396] {strides = array<i32>} : memref<32768xi32, #tpu.memory_space<vmem>>, vector<16xi32>,
        tpu.vector_store %arg10[%parallel_loop3A_396], %parallel_loop3A_393 {strides = array<i32>} : memref<32768xi32, #tpu.memory_space<vmem>>, vector<16xi32>,
      } {sc.loop_unroll_factor = 4 : i64, sc.parallel_access}
      %dma_wait3A_111 = arith.constant 24576 : i32
      %dma_wait3A_112 = tpu.memref_slice %arg2[%add3A_17, %dma_wait3A_111] : memref<128x32768xf32, #tpu.memory_space<hbm>> -> memref<1x8192xf32, #tpu.memory_space<hbm>>
      %dma_wait3A_113 = tpu.memref_squeeze %dma_wait3A_112 : memref<1x8192xf32, #tpu.memory_space<hbm>> -> memref<8192xf32, #tpu.memory_space<hbm>>
      %dma_wait3A_114 = arith.constant 24576 : i32
      %dma_wait3A_115 = tpu.memref_slice %arg2[%add3A_17, %dma_wait3A_114] : memref<128x32768xf32, #tpu.memory_space<hbm>> -> memref<1x8192xf32, #tpu.memory_space<hbm>>
      %dma_wait3A_116 = tpu.memref_squeeze %dma_wait3A_115 : memref<1x8192xf32, #tpu.memory_space<hbm>> -> memref<8192xf32, #tpu.memory_space<hbm>>
      tpu.wait_dma2 semaphore(%arg22 : memref<!tpu.dma_semaphore, #tpu.memory_space<semaphore_mem>>) src(%dma_wait3A_116 : memref<8192xf32, #tpu.memory_space<hbm>>) dst(%arg7 : memref<8192xf32, #tpu.memory_space<vmem>>)
      %dma_wait3A_117 = arith.constant 24576 : i32
      %dma_wait3A_118 = tpu.memref_slice %arg3[%add3A_17, %dma_wait3A_117] : memref<128x32768xf32, #tpu.memory_space<hbm>> -> memref<1x8192xf32, #tpu.memory_space<hbm>>
      %dma_wait3A_119 = tpu.memref_squeeze %dma_wait3A_118 : memref<1x8192xf32, #tpu.memory_space<hbm>> -> memref<8192xf32, #tpu.memory_space<hbm>>
      %dma_wait3A_120 = arith.constant 24576 : i32
      %dma_wait3A_121 = tpu.memref_slice %arg3[%add3A_17, %dma_wait3A_120] : memref<128x32768xf32, #tpu.memory_space<hbm>> -> memref<1x8192xf32, #tpu.memory_space<hbm>>
      %dma_wait3A_122 = tpu.memref_squeeze %dma_wait3A_121 : memref<1x8192xf32, #tpu.memory_space<hbm>> -> memref<8192xf32, #tpu.memory_space<hbm>>
      tpu.wait_dma2 semaphore(%arg24 : memref<!tpu.dma_semaphore, #tpu.memory_space<semaphore_mem>>) src(%dma_wait3A_122 : memref<8192xf32, #tpu.memory_space<hbm>>) dst(%arg9 : memref<8192xf32, #tpu.memory_space<vmem>>)
      %parallel_loop3A_123 = arith.constant 0 : i32
      %parallel_loop3A_124 = arith.constant 128 : i32
      %parallel_loop3A_125 = arith.constant 1 : i32
      scf.for %parallel_loop3A_281 = %parallel_loop3A_123 to %parallel_loop3A_124 step %parallel_loop3A_125  : i32 {
        %parallel_loop3A_282 = arith.constant 4 : i32
        %parallel_loop3A_283 = arith.muli %parallel_loop3A_281, %parallel_loop3A_282 : i32
        %parallel_loop3A_284 = arith.constant 0 : i32
        %parallel_loop3A_285 = arith.addi %parallel_loop3A_283, %parallel_loop3A_284 : i32
        %parallel_loop3A_286 = arith.constant 16 : i32
        %parallel_loop3A_287 = arith.muli %parallel_loop3A_285, %parallel_loop3A_286 : i32
        %parallel_loop3A_288 = arith.index_cast %parallel_loop3A_287 : i32 to index
        %parallel_loop3A_289 = tpu.vector_load %arg7[%parallel_loop3A_288] {strides = array<i32>} : memref<8192xf32, #tpu.memory_space<vmem>>, vector<16xf32>,
        %parallel_loop3A_290 = arith.index_cast %parallel_loop3A_287 : i32 to index
        %parallel_loop3A_291 = tpu.vector_load %arg9[%parallel_loop3A_290] {strides = array<i32>} : memref<8192xf32, #tpu.memory_space<vmem>>, vector<16xf32>,
        %parallel_loop3A_292 = vector.bitcast %parallel_loop3A_289 : vector<16xf32> to vector<16xi32>
        %parallel_loop3A_293 = vector.broadcast %scan3A : i32 to vector<16xi32>
        %parallel_loop3A_294 = arith.cmpi uge, %parallel_loop3A_292, %parallel_loop3A_293 : vector<16xi32>
        %parallel_loop3A_295 = arith.constant dense<-1> : vector<16xi32>
        %parallel_loop3A_296 = arith.xori %parallel_loop3A_292, %parallel_loop3A_295 : vector<16xi32>
        %parallel_loop3A_297 = vector.broadcast %scan3A : i32 to vector<16xi32>
        %parallel_loop3A_298 = arith.xori %parallel_loop3A_296, %parallel_loop3A_297 : vector<16xi32>
        %parallel_loop3A_299 = arith.select %parallel_loop3A_294, %parallel_loop3A_292, %parallel_loop3A_298 : vector<16xi1>, vector<16xi32>
        %parallel_loop3A_300 = arith.constant 0.000000e+00 : f32
        %parallel_loop3A_301 = vector.broadcast %parallel_loop3A_300 : f32 to vector<16xf32>
        %parallel_loop3A_302 = arith.cmpf ogt, %parallel_loop3A_291, %parallel_loop3A_301 : vector<16xf32>
        %parallel_loop3A_303 = arith.constant -1 : i32
        %parallel_loop3A_304 = vector.broadcast %parallel_loop3A_303 : i32 to vector<16xi32>
        %parallel_loop3A_305 = arith.select %parallel_loop3A_302, %parallel_loop3A_299, %parallel_loop3A_304 : vector<16xi1>, vector<16xi32>
        %parallel_loop3A_306 = vector.bitcast %parallel_loop3A_305 : vector<16xi32> to vector<16xi32>
        %parallel_loop3A_307 = arith.constant 24576 : i32
        %parallel_loop3A_308 = arith.addi %parallel_loop3A_307, %parallel_loop3A_287 : i32
        %parallel_loop3A_309 = arith.index_cast %parallel_loop3A_308 : i32 to index
        %parallel_loop3A_310 = tpu.vector_load %arg10[%parallel_loop3A_309] {strides = array<i32>} : memref<32768xi32, #tpu.memory_space<vmem>>, vector<16xi32>,
        tpu.vector_store %arg10[%parallel_loop3A_309], %parallel_loop3A_306 {strides = array<i32>} : memref<32768xi32, #tpu.memory_space<vmem>>, vector<16xi32>,
        %parallel_loop3A_311 = arith.constant 4 : i32
        %parallel_loop3A_312 = arith.muli %parallel_loop3A_281, %parallel_loop3A_311 : i32
        %parallel_loop3A_313 = arith.constant 1 : i32
        %parallel_loop3A_314 = arith.addi %parallel_loop3A_312, %parallel_loop3A_313 : i32
        %parallel_loop3A_315 = arith.constant 16 : i32
        %parallel_loop3A_316 = arith.muli %parallel_loop3A_314, %parallel_loop3A_315 : i32
        %parallel_loop3A_317 = arith.index_cast %parallel_loop3A_316 : i32 to index
        %parallel_loop3A_318 = tpu.vector_load %arg7[%parallel_loop3A_317] {strides = array<i32>} : memref<8192xf32, #tpu.memory_space<vmem>>, vector<16xf32>,
        %parallel_loop3A_319 = arith.index_cast %parallel_loop3A_316 : i32 to index
        %parallel_loop3A_320 = tpu.vector_load %arg9[%parallel_loop3A_319] {strides = array<i32>} : memref<8192xf32, #tpu.memory_space<vmem>>, vector<16xf32>,
        %parallel_loop3A_321 = vector.bitcast %parallel_loop3A_318 : vector<16xf32> to vector<16xi32>
        %parallel_loop3A_322 = vector.broadcast %scan3A : i32 to vector<16xi32>
        %parallel_loop3A_323 = arith.cmpi uge, %parallel_loop3A_321, %parallel_loop3A_322 : vector<16xi32>
        %parallel_loop3A_324 = arith.constant dense<-1> : vector<16xi32>
        %parallel_loop3A_325 = arith.xori %parallel_loop3A_321, %parallel_loop3A_324 : vector<16xi32>
        %parallel_loop3A_326 = vector.broadcast %scan3A : i32 to vector<16xi32>
        %parallel_loop3A_327 = arith.xori %parallel_loop3A_325, %parallel_loop3A_326 : vector<16xi32>
        %parallel_loop3A_328 = arith.select %parallel_loop3A_323, %parallel_loop3A_321, %parallel_loop3A_327 : vector<16xi1>, vector<16xi32>
        %parallel_loop3A_329 = arith.constant 0.000000e+00 : f32
        %parallel_loop3A_330 = vector.broadcast %parallel_loop3A_329 : f32 to vector<16xf32>
        %parallel_loop3A_331 = arith.cmpf ogt, %parallel_loop3A_320, %parallel_loop3A_330 : vector<16xf32>
        %parallel_loop3A_332 = arith.constant -1 : i32
        %parallel_loop3A_333 = vector.broadcast %parallel_loop3A_332 : i32 to vector<16xi32>
        %parallel_loop3A_334 = arith.select %parallel_loop3A_331, %parallel_loop3A_328, %parallel_loop3A_333 : vector<16xi1>, vector<16xi32>
        %parallel_loop3A_335 = vector.bitcast %parallel_loop3A_334 : vector<16xi32> to vector<16xi32>
        %parallel_loop3A_336 = arith.constant 24576 : i32
        %parallel_loop3A_337 = arith.addi %parallel_loop3A_336, %parallel_loop3A_316 : i32
        %parallel_loop3A_338 = arith.index_cast %parallel_loop3A_337 : i32 to index
        %parallel_loop3A_339 = tpu.vector_load %arg10[%parallel_loop3A_338] {strides = array<i32>} : memref<32768xi32, #tpu.memory_space<vmem>>, vector<16xi32>,
        tpu.vector_store %arg10[%parallel_loop3A_338], %parallel_loop3A_335 {strides = array<i32>} : memref<32768xi32, #tpu.memory_space<vmem>>, vector<16xi32>,
        %parallel_loop3A_340 = arith.constant 4 : i32
        %parallel_loop3A_341 = arith.muli %parallel_loop3A_281, %parallel_loop3A_340 : i32
        %parallel_loop3A_342 = arith.constant 2 : i32
        %parallel_loop3A_343 = arith.addi %parallel_loop3A_341, %parallel_loop3A_342 : i32
        %parallel_loop3A_344 = arith.constant 16 : i32
        %parallel_loop3A_345 = arith.muli %parallel_loop3A_343, %parallel_loop3A_344 : i32
        %parallel_loop3A_346 = arith.index_cast %parallel_loop3A_345 : i32 to index
        %parallel_loop3A_347 = tpu.vector_load %arg7[%parallel_loop3A_346] {strides = array<i32>} : memref<8192xf32, #tpu.memory_space<vmem>>, vector<16xf32>,
        %parallel_loop3A_348 = arith.index_cast %parallel_loop3A_345 : i32 to index
        %parallel_loop3A_349 = tpu.vector_load %arg9[%parallel_loop3A_348] {strides = array<i32>} : memref<8192xf32, #tpu.memory_space<vmem>>, vector<16xf32>,
        %parallel_loop3A_350 = vector.bitcast %parallel_loop3A_347 : vector<16xf32> to vector<16xi32>
        %parallel_loop3A_351 = vector.broadcast %scan3A : i32 to vector<16xi32>
        %parallel_loop3A_352 = arith.cmpi uge, %parallel_loop3A_350, %parallel_loop3A_351 : vector<16xi32>
        %parallel_loop3A_353 = arith.constant dense<-1> : vector<16xi32>
        %parallel_loop3A_354 = arith.xori %parallel_loop3A_350, %parallel_loop3A_353 : vector<16xi32>
        %parallel_loop3A_355 = vector.broadcast %scan3A : i32 to vector<16xi32>
        %parallel_loop3A_356 = arith.xori %parallel_loop3A_354, %parallel_loop3A_355 : vector<16xi32>
        %parallel_loop3A_357 = arith.select %parallel_loop3A_352, %parallel_loop3A_350, %parallel_loop3A_356 : vector<16xi1>, vector<16xi32>
        %parallel_loop3A_358 = arith.constant 0.000000e+00 : f32
        %parallel_loop3A_359 = vector.broadcast %parallel_loop3A_358 : f32 to vector<16xf32>
        %parallel_loop3A_360 = arith.cmpf ogt, %parallel_loop3A_349, %parallel_loop3A_359 : vector<16xf32>
        %parallel_loop3A_361 = arith.constant -1 : i32
        %parallel_loop3A_362 = vector.broadcast %parallel_loop3A_361 : i32 to vector<16xi32>
        %parallel_loop3A_363 = arith.select %parallel_loop3A_360, %parallel_loop3A_357, %parallel_loop3A_362 : vector<16xi1>, vector<16xi32>
        %parallel_loop3A_364 = vector.bitcast %parallel_loop3A_363 : vector<16xi32> to vector<16xi32>
        %parallel_loop3A_365 = arith.constant 24576 : i32
        %parallel_loop3A_366 = arith.addi %parallel_loop3A_365, %parallel_loop3A_345 : i32
        %parallel_loop3A_367 = arith.index_cast %parallel_loop3A_366 : i32 to index
        %parallel_loop3A_368 = tpu.vector_load %arg10[%parallel_loop3A_367] {strides = array<i32>} : memref<32768xi32, #tpu.memory_space<vmem>>, vector<16xi32>,
        tpu.vector_store %arg10[%parallel_loop3A_367], %parallel_loop3A_364 {strides = array<i32>} : memref<32768xi32, #tpu.memory_space<vmem>>, vector<16xi32>,
        %parallel_loop3A_369 = arith.constant 4 : i32
        %parallel_loop3A_370 = arith.muli %parallel_loop3A_281, %parallel_loop3A_369 : i32
        %parallel_loop3A_371 = arith.constant 3 : i32
        %parallel_loop3A_372 = arith.addi %parallel_loop3A_370, %parallel_loop3A_371 : i32
        %parallel_loop3A_373 = arith.constant 16 : i32
        %parallel_loop3A_374 = arith.muli %parallel_loop3A_372, %parallel_loop3A_373 : i32
        %parallel_loop3A_375 = arith.index_cast %parallel_loop3A_374 : i32 to index
        %parallel_loop3A_376 = tpu.vector_load %arg7[%parallel_loop3A_375] {strides = array<i32>} : memref<8192xf32, #tpu.memory_space<vmem>>, vector<16xf32>,
        %parallel_loop3A_377 = arith.index_cast %parallel_loop3A_374 : i32 to index
        %parallel_loop3A_378 = tpu.vector_load %arg9[%parallel_loop3A_377] {strides = array<i32>} : memref<8192xf32, #tpu.memory_space<vmem>>, vector<16xf32>,
        %parallel_loop3A_379 = vector.bitcast %parallel_loop3A_376 : vector<16xf32> to vector<16xi32>
        %parallel_loop3A_380 = vector.broadcast %scan3A : i32 to vector<16xi32>
        %parallel_loop3A_381 = arith.cmpi uge, %parallel_loop3A_379, %parallel_loop3A_380 : vector<16xi32>
        %parallel_loop3A_382 = arith.constant dense<-1> : vector<16xi32>
        %parallel_loop3A_383 = arith.xori %parallel_loop3A_379, %parallel_loop3A_382 : vector<16xi32>
        %parallel_loop3A_384 = vector.broadcast %scan3A : i32 to vector<16xi32>
        %parallel_loop3A_385 = arith.xori %parallel_loop3A_383, %parallel_loop3A_384 : vector<16xi32>
        %parallel_loop3A_386 = arith.select %parallel_loop3A_381, %parallel_loop3A_379, %parallel_loop3A_385 : vector<16xi1>, vector<16xi32>
        %parallel_loop3A_387 = arith.constant 0.000000e+00 : f32
        %parallel_loop3A_388 = vector.broadcast %parallel_loop3A_387 : f32 to vector<16xf32>
        %parallel_loop3A_389 = arith.cmpf ogt, %parallel_loop3A_378, %parallel_loop3A_388 : vector<16xf32>
        %parallel_loop3A_390 = arith.constant -1 : i32
        %parallel_loop3A_391 = vector.broadcast %parallel_loop3A_390 : i32 to vector<16xi32>
        %parallel_loop3A_392 = arith.select %parallel_loop3A_389, %parallel_loop3A_386, %parallel_loop3A_391 : vector<16xi1>, vector<16xi32>
        %parallel_loop3A_393 = vector.bitcast %parallel_loop3A_392 : vector<16xi32> to vector<16xi32>
        %parallel_loop3A_394 = arith.constant 24576 : i32
        %parallel_loop3A_395 = arith.addi %parallel_loop3A_394, %parallel_loop3A_374 : i32
        %parallel_loop3A_396 = arith.index_cast %parallel_loop3A_395 : i32 to index
        %parallel_loop3A_397 = tpu.vector_load %arg10[%parallel_loop3A_396] {strides = array<i32>} : memref<32768xi32, #tpu.memory_space<vmem>>, vector<16xi32>,
        tpu.vector_store %arg10[%parallel_loop3A_396], %parallel_loop3A_393 {strides = array<i32>} : memref<32768xi32, #tpu.memory_space<vmem>>, vector<16xi32>,
      } {sc.loop_unroll_factor = 4 : i64, sc.parallel_access}
      %parallel_loop3A_126 = arith.constant 0 : i32
      %parallel_loop3A_127 = arith.constant 128 : i32
      %parallel_loop3A_128 = arith.constant 1 : i32
      scf.for %parallel_loop3A_281 = %parallel_loop3A_126 to %parallel_loop3A_127 step %parallel_loop3A_128  : i32 {
        %parallel_loop3A_282 = arith.constant 256 : i32
        %parallel_loop3A_283 = arith.muli %parallel_loop3A_281, %parallel_loop3A_282 : i32
        %parallel_loop3A_284 = arith.index_cast %parallel_loop3A_283 : i32 to index
        %parallel_loop3A_285 = tpu.vector_load %arg10[%parallel_loop3A_284] {strides = array<i32>} : memref<32768xi32, #tpu.memory_space<vmem>>, vector<16xi32>,
        %parallel_loop3A_286 = vector.bitcast %parallel_loop3A_285 : vector<16xi32> to vector<16xi32>
        %parallel_loop3A_287 = arith.constant 21 : i32
        %parallel_loop3A_288 = vector.broadcast %parallel_loop3A_287 : i32 to vector<16xi32>
        %parallel_loop3A_289 = arith.shrui %parallel_loop3A_286, %parallel_loop3A_288 : vector<16xi32>
        %parallel_loop3A_290 = vector.bitcast %parallel_loop3A_289 : vector<16xi32> to vector<16xi32>
        tpu.vector_store_idx %arg11[%parallel_loop3A_290], %broadcast_in_dim3A_3 {add = true} : memref<2048xi32, #tpu.memory_space<vmem>>[vector<16xi32>], vector<16xi32>,
      } {sc.loop_unroll_factor = 4 : i64, sc.parallel_access}
      %scan3A_129 = arith.constant 0 : i32
      %scan3A_130 = arith.constant 0 : i32
      %scan3A_131 = arith.constant 0 : i32
      %scan3A_132 = arith.constant 128 : i32
      %scan3A_133 = arith.addi %scan3A_131, %scan3A_132 : i32
      %scan3A_134 = arith.constant 1 : i32
      %scan3A_135:2 = scf.for %scan3A_281 = %scan3A_131 to %scan3A_133 step %scan3A_134 iter_args(%scan3A_282 = %scan3A_129, %scan3A_283 = %scan3A_130) -> (i32, i32)  : i32 {
        %mul3A_284 = arith.constant 16 : i32
        %mul3A_285 = arith.muli %scan3A_281, %mul3A_284 : i32
        %get3A = arith.index_cast %mul3A_285 : i32 to index
        %get3A_286 = tpu.vector_load %arg11[%get3A] {strides = array<i32>} : memref<2048xi32, #tpu.memory_space<vmem>>, vector<16xi32>,
        %broadcast_in_dim3A_287 = arith.constant true
        %broadcast_in_dim3A_288 = vector.broadcast %broadcast_in_dim3A_287 : i1 to vector<16xi1>
        %masked_cumsum3A = tpu.scan <sum>, %get3A_286 masked %broadcast_in_dim3A_288 : vector<16xi32>, vector<16xi1> -> vector<16xi32>
        %add3A_289 = vector.broadcast %scan3A_282 : i32 to vector<16xi32>
        %add3A_290 = arith.addi %masked_cumsum3A, %add3A_289 : vector<16xi32>
        %lt3A = arith.constant 160 : i32
        %lt3A_291 = vector.broadcast %lt3A : i32 to vector<16xi32>
        %lt3A_292 = arith.cmpi slt, %add3A_290, %lt3A_291 : vector<16xi32>
        %convert_element_type3A = arith.extui %lt3A_292 : vector<16xi1> to vector<16xi32>
        %reduce_sum3A = arith.constant true
        %reduce_sum3A_293 = vector.broadcast %reduce_sum3A : i1 to vector<16xi1>
        %reduce_sum3A_294 = tpu.scan <sum>, %convert_element_type3A masked %reduce_sum3A_293 : vector<16xi32>, vector<16xi1> -> vector<16xi32>
        %reduce_sum3A_295 = vector.extract %reduce_sum3A_294[15] : i32 from vector<16xi32>
        %add3A_296 = arith.addi %scan3A_283, %reduce_sum3A_295 : i32
        %reduce_sum3A_297 = arith.constant true
        %reduce_sum3A_298 = vector.broadcast %reduce_sum3A_297 : i1 to vector<16xi1>
        %reduce_sum3A_299 = tpu.scan <sum>, %get3A_286 masked %reduce_sum3A_298 : vector<16xi32>, vector<16xi1> -> vector<16xi32>
        %reduce_sum3A_300 = vector.extract %reduce_sum3A_299[15] : i32 from vector<16xi32>
        %add3A_301 = arith.addi %scan3A_282, %reduce_sum3A_300 : i32
        scf.yield %add3A_301, %add3A_296 : i32, i32
      }
      %scan3A_136 = arith.constant 128 : i32
      %broadcast_in_dim3A_137 = arith.constant 4159 : i32
      %broadcast_in_dim3A_138 = vector.broadcast %broadcast_in_dim3A_137 : i32 to vector<16xi32>
      %while3A = arith.constant 0 : i32
      %while3A_139:2 = scf.while (%while3A_281 = %scan3A_135#1, %while3A_282 = %while3A) : (i32, i32) -> (i32, i32) {
        %lt3A = arith.constant 2048 : i32
        %lt3A_283 = arith.cmpi slt, %while3A_282, %lt3A : i32
        scf.condition(%lt3A_283) %while3A_281, %while3A_282 : i32, i32
      } do {
      ^bb0(%while3A_281: i32, %while3A_282: i32):
        %add3A_283 = arith.constant 1 : i32
        %add3A_284 = arith.addi %while3A_281, %add3A_283 : i32
        %shift_left3A = arith.constant 21 : i32
        %shift_left3A_285 = arith.shli %while3A_281, %shift_left3A : i32
        %or3A = arith.constant 2097151 : i32
        %or3A_286 = arith.ori %shift_left3A_285, %or3A : i32
        %parallel_loop3A_287 = arith.constant 0 : i32
        %parallel_loop3A_288 = arith.constant 2048 : i32
        %parallel_loop3A_289 = arith.constant 1 : i32
        %parallel_loop3A_290 = scf.for %parallel_loop3A_299 = %parallel_loop3A_287 to %parallel_loop3A_288 step %parallel_loop3A_289 iter_args(%parallel_loop3A_300 = %broadcast_in_dim3A_1) -> (vector<16xi32>)  : i32 {
          %parallel_loop3A_301 = arith.constant 16 : i32
          %parallel_loop3A_302 = arith.muli %parallel_loop3A_299, %parallel_loop3A_301 : i32
          %parallel_loop3A_303 = arith.index_cast %parallel_loop3A_302 : i32 to index
          %parallel_loop3A_304 = tpu.vector_load %arg10[%parallel_loop3A_303] {strides = array<i32>} : memref<32768xi32, #tpu.memory_space<vmem>>, vector<16xi32>,
          %parallel_loop3A_305 = vector.bitcast %parallel_loop3A_304 : vector<16xi32> to vector<16xi32>
          %parallel_loop3A_306 = vector.broadcast %or3A_286 : i32 to vector<16xi32>
          %parallel_loop3A_307 = arith.cmpi ule, %parallel_loop3A_305, %parallel_loop3A_306 : vector<16xi32>
          %parallel_loop3A_308 = arith.extui %parallel_loop3A_307 : vector<16xi1> to vector<16xi32>
          %parallel_loop3A_309 = arith.constant true
          %parallel_loop3A_310 = vector.broadcast %parallel_loop3A_309 : i1 to vector<16xi1>
          %parallel_loop3A_311 = tpu.scan <sum>, %parallel_loop3A_308 masked %parallel_loop3A_310 : vector<16xi32>, vector<16xi1> -> vector<16xi32>
          %parallel_loop3A_312 = arith.addi %parallel_loop3A_300, %parallel_loop3A_311 : vector<16xi32>
          %parallel_loop3A_313 = arith.constant 1 : i32
          %parallel_loop3A_314 = vector.broadcast %parallel_loop3A_313 : i32 to vector<16xi32>
          %parallel_loop3A_315 = arith.subi %parallel_loop3A_312, %parallel_loop3A_314 : vector<16xi32>
          %parallel_loop3A_316 = arith.minsi %parallel_loop3A_315, %broadcast_in_dim3A_138 : vector<16xi32>
          %parallel_loop3A_317 = vector.bitcast %parallel_loop3A_305 : vector<16xi32> to vector<16xi32>
          tpu.vector_store_idx %arg12[%parallel_loop3A_316], %parallel_loop3A_317 masked %parallel_loop3A_307 : memref<4160xi32, #tpu.memory_space<vmem>>[vector<16xi32>], vector<16xi32>, vector<16xi1>
          %parallel_loop3A_318 = arith.constant 16 : i32
          %parallel_loop3A_319 = arith.muli %parallel_loop3A_299, %parallel_loop3A_318 : i32
          %parallel_loop3A_320 = vector.broadcast %parallel_loop3A_319 : i32 to vector<16xi32>
          %parallel_loop3A_321 = arith.addi %iota3A, %parallel_loop3A_320 : vector<16xi32>
          tpu.vector_store_idx %arg13[%parallel_loop3A_316], %parallel_loop3A_321 masked %parallel_loop3A_307 : memref<4160xi32, #tpu.memory_space<vmem>>[vector<16xi32>], vector<16xi32>, vector<16xi1>
          %parallel_loop3A_322 = tpu.all_reduce %parallel_loop3A_307 {dim = 0 : i64, kind = #tpu.reduction_kind<sum>} : vector<16xi1> -> vector<16xi32>
          %parallel_loop3A_323 = arith.addi %parallel_loop3A_300, %parallel_loop3A_322 : vector<16xi32>
          scf.yield %parallel_loop3A_323 : vector<16xi32>
        } {sc.loop_unroll_factor = 4 : i64, sc.parallel_access}
        %reduce_max3A = arith.constant true
        %reduce_max3A_291 = vector.broadcast %reduce_max3A : i1 to vector<16xi1>
        %reduce_max3A_292 = arith.constant -2147483648 : i32
        %reduce_max3A_293 = vector.broadcast %reduce_max3A_292 : i32 to vector<16xi32>
        %reduce_max3A_294 = arith.xori %parallel_loop3A_290, %reduce_max3A_293 : vector<16xi32>
        %reduce_max3A_295 = tpu.scan <max>, %reduce_max3A_294 masked %reduce_max3A_291 : vector<16xi32>, vector<16xi1> -> vector<16xi32>
        %reduce_max3A_296 = arith.xori %reduce_max3A_295, %reduce_max3A_293 : vector<16xi32>
        %reduce_max3A_297 = vector.extract %reduce_max3A_296[15] : i32 from vector<16xi32>
        %min3A = arith.constant 4096 : i32
        %min3A_298 = arith.minsi %reduce_max3A_297, %min3A : i32
        scf.yield %add3A_284, %min3A_298 : i32, i32
      }
      %add3A_140 = arith.constant 0 : i32
      %add3A_141 = arith.addi %while3A_139#1, %add3A_140 : i32
      %swap3A = arith.index_cast %add3A_141 : i32 to index
      %swap3A_142 = tpu.vector_load %arg12[%swap3A] {strides = array<i32>} : memref<4160xi32, #tpu.memory_space<vmem>>, vector<16xi32>,
      tpu.vector_store %arg12[%swap3A], %broadcast_in_dim3A_5 {strides = array<i32>} : memref<4160xi32, #tpu.memory_space<vmem>>, vector<16xi32>,
      %add3A_143 = arith.constant 16 : i32
      %add3A_144 = arith.addi %while3A_139#1, %add3A_143 : i32
      %swap3A_145 = arith.index_cast %add3A_144 : i32 to index
      %swap3A_146 = tpu.vector_load %arg12[%swap3A_145] {strides = array<i32>} : memref<4160xi32, #tpu.memory_space<vmem>>, vector<16xi32>,
      tpu.vector_store %arg12[%swap3A_145], %broadcast_in_dim3A_5 {strides = array<i32>} : memref<4160xi32, #tpu.memory_space<vmem>>, vector<16xi32>,
      %add3A_147 = arith.constant 32 : i32
      %add3A_148 = arith.addi %while3A_139#1, %add3A_147 : i32
      %swap3A_149 = arith.index_cast %add3A_148 : i32 to index
      %swap3A_150 = tpu.vector_load %arg12[%swap3A_149] {strides = array<i32>} : memref<4160xi32, #tpu.memory_space<vmem>>, vector<16xi32>,
      tpu.vector_store %arg12[%swap3A_149], %broadcast_in_dim3A_5 {strides = array<i32>} : memref<4160xi32, #tpu.memory_space<vmem>>, vector<16xi32>,
      %add3A_151 = arith.constant 48 : i32
      %add3A_152 = arith.addi %while3A_139#1, %add3A_151 : i32
      %swap3A_153 = arith.index_cast %add3A_152 : i32 to index
      %swap3A_154 = tpu.vector_load %arg12[%swap3A_153] {strides = array<i32>} : memref<4160xi32, #tpu.memory_space<vmem>>, vector<16xi32>,
      tpu.vector_store %arg12[%swap3A_153], %broadcast_in_dim3A_5 {strides = array<i32>} : memref<4160xi32, #tpu.memory_space<vmem>>, vector<16xi32>,
      %add3A_155 = arith.constant 63 : i32
      %add3A_156 = arith.addi %while3A_139#1, %add3A_155 : i32
      %jit3A = arith.constant 64 : i32
      %div3A = arith.divsi %add3A_156, %jit3A : i32
      %sign3A = arith.constant 0 : i32
      %sign3A_157 = arith.cmpi sgt, %add3A_156, %sign3A : i32
      %sign3A_158 = arith.extui %sign3A_157 : i1 to i32
      %sign3A_159 = arith.constant 0 : i32
      %sign3A_160 = arith.cmpi slt, %add3A_156, %sign3A_159 : i32
      %sign3A_161 = arith.extui %sign3A_160 : i1 to i32
      %sign3A_162 = arith.subi %sign3A_158, %sign3A_161 : i32
      %sign3A_163 = arith.constant 0 : i32
      %sign3A_164 = arith.cmpi sgt, %jit3A, %sign3A_163 : i32
      %sign3A_165 = arith.extui %sign3A_164 : i1 to i32
      %sign3A_166 = arith.constant 0 : i32
      %sign3A_167 = arith.cmpi slt, %jit3A, %sign3A_166 : i32
      %sign3A_168 = arith.extui %sign3A_167 : i1 to i32
      %sign3A_169 = arith.subi %sign3A_165, %sign3A_168 : i32
      %ne3A = arith.cmpi ne, %sign3A_162, %sign3A_169 : i32
      %rem3A = arith.remsi %add3A_156, %jit3A : i32
      %ne3A_170 = arith.constant 0 : i32
      %ne3A_171 = arith.cmpi ne, %rem3A, %ne3A_170 : i32
      %and3A = arith.andi %ne3A, %ne3A_171 : i1
      %sub3A = arith.constant 1 : i32
      %sub3A_172 = arith.subi %div3A, %sub3A : i32
      %select_n3A = arith.select %and3A, %sub3A_172, %div3A : i32
      %parallel_loop3A_173 = arith.constant 0 : i32
      %parallel_loop3A_174 = arith.constant 16 : i32
      %parallel_loop3A_175 = arith.constant 1 : i32
      scf.for %parallel_loop3A_281 = %parallel_loop3A_173 to %parallel_loop3A_174 step %parallel_loop3A_175  : i32 {
        %parallel_loop3A_282 = arith.constant 16 : i32
        %parallel_loop3A_283 = arith.muli %parallel_loop3A_281, %parallel_loop3A_282 : i32
        %parallel_loop3A_284 = arith.index_cast %parallel_loop3A_283 : i32 to index
        %parallel_loop3A_285 = tpu.vector_load %arg16[%parallel_loop3A_284] {strides = array<i32>} : memref<256xi32, #tpu.memory_space<vmem>>, vector<16xi32>,
        tpu.vector_store %arg16[%parallel_loop3A_284], %broadcast_in_dim3A_1 {strides = array<i32>} : memref<256xi32, #tpu.memory_space<vmem>>, vector<16xi32>,
        %parallel_loop3A_286 = arith.constant 16 : i32
        %parallel_loop3A_287 = arith.muli %parallel_loop3A_281, %parallel_loop3A_286 : i32
        %parallel_loop3A_288 = arith.index_cast %parallel_loop3A_287 : i32 to index
        %parallel_loop3A_289 = tpu.vector_load %arg17[%parallel_loop3A_288] {strides = array<i32>} : memref<256xi32, #tpu.memory_space<vmem>>, vector<16xi32>,
        tpu.vector_store %arg17[%parallel_loop3A_288], %broadcast_in_dim3A_1 {strides = array<i32>} : memref<256xi32, #tpu.memory_space<vmem>>, vector<16xi32>,
      } {sc.loop_unroll_factor = 4 : i64, sc.parallel_access}
      %mul3A_176 = arith.constant 2 : i32
      %mul3A_177 = arith.muli %select_n3A, %mul3A_176 : i32
      %parallel_loop3A_178 = arith.constant 0 : i32
      %parallel_loop3A_179 = arith.constant 1 : i32
      scf.for %parallel_loop3A_281 = %parallel_loop3A_178 to %mul3A_177 step %parallel_loop3A_179  : i32 {
        %parallel_loop3A_282 = arith.constant 2 : i32
        %parallel_loop3A_283 = arith.muli %parallel_loop3A_281, %parallel_loop3A_282 : i32
        %parallel_loop3A_284 = arith.constant 0 : i32
        %parallel_loop3A_285 = arith.addi %parallel_loop3A_283, %parallel_loop3A_284 : i32
        %parallel_loop3A_286 = arith.constant 16 : i32
        %parallel_loop3A_287 = arith.muli %parallel_loop3A_285, %parallel_loop3A_286 : i32
        %parallel_loop3A_288 = arith.index_cast %parallel_loop3A_287 : i32 to index
        %parallel_loop3A_289 = tpu.vector_load %arg12[%parallel_loop3A_288] {strides = array<i32>} : memref<4160xi32, #tpu.memory_space<vmem>>, vector<16xi32>,
        %parallel_loop3A_290 = vector.bitcast %parallel_loop3A_289 : vector<16xi32> to vector<16xi32>
        %parallel_loop3A_291 = arith.constant 0 : i32
        %parallel_loop3A_292 = vector.broadcast %parallel_loop3A_291 : i32 to vector<16xi32>
        %parallel_loop3A_293 = arith.shrui %parallel_loop3A_290, %parallel_loop3A_292 : vector<16xi32>
        %parallel_loop3A_294 = arith.constant 255 : i32
        %parallel_loop3A_295 = vector.broadcast %parallel_loop3A_294 : i32 to vector<16xi32>
        %parallel_loop3A_296 = arith.andi %parallel_loop3A_293, %parallel_loop3A_295 : vector<16xi32>
        %parallel_loop3A_297 = vector.bitcast %parallel_loop3A_296 : vector<16xi32> to vector<16xi32>
        %parallel_loop3A_298 = arith.constant true
        %parallel_loop3A_299 = vector.broadcast %parallel_loop3A_298 : i1 to vector<16xi1>
        %parallel_loop3A_300, %parallel_loop3A_301 = tpu.scan_count mask(%parallel_loop3A_299 : vector<16xi1>) value(%parallel_loop3A_297 : vector<16xi32>) : vector<16xi1>, vector<16xi32>
        tpu.vector_store_idx %arg16[%parallel_loop3A_297], %parallel_loop3A_301 masked %parallel_loop3A_300 {add = true} : memref<256xi32, #tpu.memory_space<vmem>>[vector<16xi32>], vector<16xi32>, vector<16xi1>
        %parallel_loop3A_302 = arith.constant 1 : i32
        %parallel_loop3A_303 = vector.broadcast %parallel_loop3A_302 : i32 to vector<16xi32>
        %parallel_loop3A_304 = arith.subi %parallel_loop3A_301, %parallel_loop3A_303 : vector<16xi32>
        %parallel_loop3A_305 = arith.constant 8 : i32
        %parallel_loop3A_306 = vector.broadcast %parallel_loop3A_305 : i32 to vector<16xi32>
        %parallel_loop3A_307 = arith.shli %parallel_loop3A_304, %parallel_loop3A_306 : vector<16xi32>
        %parallel_loop3A_308 = arith.ori %parallel_loop3A_297, %parallel_loop3A_307 : vector<16xi32>
        %parallel_loop3A_309 = arith.extui %parallel_loop3A_300 : vector<16xi1> to vector<16xi32>
        %parallel_loop3A_310 = arith.constant 14 : i32
        %parallel_loop3A_311 = vector.broadcast %parallel_loop3A_310 : i32 to vector<16xi32>
        %parallel_loop3A_312 = arith.shli %parallel_loop3A_309, %parallel_loop3A_311 : vector<16xi32>
        %parallel_loop3A_313 = arith.ori %parallel_loop3A_308, %parallel_loop3A_312 : vector<16xi32>
        %parallel_loop3A_314 = arith.index_cast %parallel_loop3A_287 : i32 to index
        %parallel_loop3A_315 = tpu.vector_load %arg19[%parallel_loop3A_314] {strides = array<i32>} : memref<4160xi32, #tpu.memory_space<vmem>>, vector<16xi32>,
        tpu.vector_store %arg19[%parallel_loop3A_314], %parallel_loop3A_313 {strides = array<i32>} : memref<4160xi32, #tpu.memory_space<vmem>>, vector<16xi32>,
        %parallel_loop3A_316 = arith.constant 2 : i32
        %parallel_loop3A_317 = arith.muli %parallel_loop3A_281, %parallel_loop3A_316 : i32
        %parallel_loop3A_318 = arith.constant 1 : i32
        %parallel_loop3A_319 = arith.addi %parallel_loop3A_317, %parallel_loop3A_318 : i32
        %parallel_loop3A_320 = arith.constant 16 : i32
        %parallel_loop3A_321 = arith.muli %parallel_loop3A_319, %parallel_loop3A_320 : i32
        %parallel_loop3A_322 = arith.index_cast %parallel_loop3A_321 : i32 to index
        %parallel_loop3A_323 = tpu.vector_load %arg12[%parallel_loop3A_322] {strides = array<i32>} : memref<4160xi32, #tpu.memory_space<vmem>>, vector<16xi32>,
        %parallel_loop3A_324 = vector.bitcast %parallel_loop3A_323 : vector<16xi32> to vector<16xi32>
        %parallel_loop3A_325 = arith.constant 0 : i32
        %parallel_loop3A_326 = vector.broadcast %parallel_loop3A_325 : i32 to vector<16xi32>
        %parallel_loop3A_327 = arith.shrui %parallel_loop3A_324, %parallel_loop3A_326 : vector<16xi32>
        %parallel_loop3A_328 = arith.constant 255 : i32
        %parallel_loop3A_329 = vector.broadcast %parallel_loop3A_328 : i32 to vector<16xi32>
        %parallel_loop3A_330 = arith.andi %parallel_loop3A_327, %parallel_loop3A_329 : vector<16xi32>
        %parallel_loop3A_331 = vector.bitcast %parallel_loop3A_330 : vector<16xi32> to vector<16xi32>
        %parallel_loop3A_332 = arith.constant true
        %parallel_loop3A_333 = vector.broadcast %parallel_loop3A_332 : i1 to vector<16xi1>
        %parallel_loop3A_334, %parallel_loop3A_335 = tpu.scan_count mask(%parallel_loop3A_333 : vector<16xi1>) value(%parallel_loop3A_331 : vector<16xi32>) : vector<16xi1>, vector<16xi32>
        tpu.vector_store_idx %arg17[%parallel_loop3A_331], %parallel_loop3A_335 masked %parallel_loop3A_334 {add = true} : memref<256xi32, #tpu.memory_space<vmem>>[vector<16xi32>], vector<16xi32>, vector<16xi1>
        %parallel_loop3A_336 = arith.constant 1 : i32
        %parallel_loop3A_337 = vector.broadcast %parallel_loop3A_336 : i32 to vector<16xi32>
        %parallel_loop3A_338 = arith.subi %parallel_loop3A_335, %parallel_loop3A_337 : vector<16xi32>
        %parallel_loop3A_339 = arith.constant 8 : i32
        %parallel_loop3A_340 = vector.broadcast %parallel_loop3A_339 : i32 to vector<16xi32>
        %parallel_loop3A_341 = arith.shli %parallel_loop3A_338, %parallel_loop3A_340 : vector<16xi32>
        %parallel_loop3A_342 = arith.ori %parallel_loop3A_331, %parallel_loop3A_341 : vector<16xi32>
        %parallel_loop3A_343 = arith.extui %parallel_loop3A_334 : vector<16xi1> to vector<16xi32>
        %parallel_loop3A_344 = arith.constant 14 : i32
        %parallel_loop3A_345 = vector.broadcast %parallel_loop3A_344 : i32 to vector<16xi32>
        %parallel_loop3A_346 = arith.shli %parallel_loop3A_343, %parallel_loop3A_345 : vector<16xi32>
        %parallel_loop3A_347 = arith.ori %parallel_loop3A_342, %parallel_loop3A_346 : vector<16xi32>
        %parallel_loop3A_348 = arith.index_cast %parallel_loop3A_321 : i32 to index
        %parallel_loop3A_349 = tpu.vector_load %arg19[%parallel_loop3A_348] {strides = array<i32>} : memref<4160xi32, #tpu.memory_space<vmem>>, vector<16xi32>,
        tpu.vector_store %arg19[%parallel_loop3A_348], %parallel_loop3A_347 {strides = array<i32>} : memref<4160xi32, #tpu.memory_space<vmem>>, vector<16xi32>,
      } {sc.loop_unroll_factor = 2 : i64, sc.parallel_access}
      %scan3A_180 = arith.constant 0 : i32
      %scan3A_181 = arith.constant 0 : i32
      %scan3A_182 = arith.constant 16 : i32
      %scan3A_183 = arith.addi %scan3A_181, %scan3A_182 : i32
      %scan3A_184 = arith.constant 1 : i32
      %scan3A_185 = scf.for %scan3A_281 = %scan3A_181 to %scan3A_183 step %scan3A_184 iter_args(%scan3A_282 = %scan3A_180) -> (i32)  : i32 {
        %mul3A_283 = arith.constant 16 : i32
        %mul3A_284 = arith.muli %scan3A_281, %mul3A_283 : i32
        %get3A = arith.index_cast %mul3A_284 : i32 to index
        %get3A_285 = tpu.vector_load %arg16[%get3A] {strides = array<i32>} : memref<256xi32, #tpu.memory_space<vmem>>, vector<16xi32>,
        %mul3A_286 = arith.constant 16 : i32
        %mul3A_287 = arith.muli %scan3A_281, %mul3A_286 : i32
        %get3A_288 = arith.index_cast %mul3A_287 : i32 to index
        %get3A_289 = tpu.vector_load %arg17[%get3A_288] {strides = array<i32>} : memref<256xi32, #tpu.memory_space<vmem>>, vector<16xi32>,
        %add3A_290 = arith.addi %get3A_285, %get3A_289 : vector<16xi32>
        %broadcast_in_dim3A_291 = arith.constant true
        %broadcast_in_dim3A_292 = vector.broadcast %broadcast_in_dim3A_291 : i1 to vector<16xi1>
        %masked_cumsum3A = tpu.scan <sum>, %add3A_290 masked %broadcast_in_dim3A_292 : vector<16xi32>, vector<16xi1> -> vector<16xi32>
        %sub3A_293 = arith.subi %masked_cumsum3A, %add3A_290 : vector<16xi32>
        %add3A_294 = vector.broadcast %scan3A_282 : i32 to vector<16xi32>
        %add3A_295 = arith.addi %sub3A_293, %add3A_294 : vector<16xi32>
        %mul3A_296 = arith.constant 16 : i32
        %mul3A_297 = arith.muli %scan3A_281, %mul3A_296 : i32
        %swap3A_298 = arith.index_cast %mul3A_297 : i32 to index
        %swap3A_299 = tpu.vector_load %arg18[%swap3A_298] {strides = array<i32>} : memref<256xi32, #tpu.memory_space<vmem>>, vector<16xi32>,
        tpu.vector_store %arg18[%swap3A_298], %add3A_295 {strides = array<i32>} : memref<256xi32, #tpu.memory_space<vmem>>, vector<16xi32>,
        %reduce_sum3A = arith.constant true
        %reduce_sum3A_300 = vector.broadcast %reduce_sum3A : i1 to vector<16xi1>
        %reduce_sum3A_301 = tpu.scan <sum>, %add3A_290 masked %reduce_sum3A_300 : vector<16xi32>, vector<16xi1> -> vector<16xi32>
        %reduce_sum3A_302 = vector.extract %reduce_sum3A_301[15] : i32 from vector<16xi32>
        %add3A_303 = arith.addi %scan3A_282, %reduce_sum3A_302 : i32
        scf.yield %add3A_303 : i32
      }
      %scan3A_186 = arith.constant 16 : i32
      %while3A_187 = arith.constant 0 : i32
      %while3A_188 = arith.constant 0 : i32
      %while3A_189 = arith.subi %select_n3A, %while3A_187 : i32
      %while3A_190 = arith.addi %while3A_187, %while3A_189 : i32
      %while3A_191 = arith.constant 1 : i32
      %while3A_192 = arith.divsi %while3A_189, %while3A_191 : i32
      %while3A_193 = arith.muli %while3A_192, %while3A_191 : i32
      %while3A_194 = arith.addi %while3A_187, %while3A_193 : i32
      %while3A_195 = arith.constant 1 : i32
      %while3A_196 = scf.for %while3A_281 = %while3A_187 to %while3A_194 step %while3A_195 iter_args(%while3A_282 = %while3A_188) -> (i32)  : i32 {
        %mul3A_283 = arith.constant 4 : i32
        %mul3A_284 = arith.muli %while3A_281, %mul3A_283 : i32
        %add3A_285 = arith.constant 0 : i32
        %add3A_286 = arith.addi %mul3A_284, %add3A_285 : i32
        %mul3A_287 = arith.constant 16 : i32
        %mul3A_288 = arith.muli %add3A_286, %mul3A_287 : i32
        %get3A = arith.index_cast %mul3A_288 : i32 to index
        %get3A_289 = tpu.vector_load %arg19[%get3A] {strides = array<i32>} : memref<4160xi32, #tpu.memory_space<vmem>>, vector<16xi32>,
        %and3A_290 = arith.constant 255 : i32
        %and3A_291 = vector.broadcast %and3A_290 : i32 to vector<16xi32>
        %and3A_292 = arith.andi %get3A_289, %and3A_291 : vector<16xi32>
        %shift_right_arithmetic3A = arith.constant 8 : i32
        %shift_right_arithmetic3A_293 = vector.broadcast %shift_right_arithmetic3A : i32 to vector<16xi32>
        %shift_right_arithmetic3A_294 = arith.shrsi %get3A_289, %shift_right_arithmetic3A_293 : vector<16xi32>
        %and3A_295 = arith.constant 63 : i32
        %and3A_296 = vector.broadcast %and3A_295 : i32 to vector<16xi32>
        %and3A_297 = arith.andi %shift_right_arithmetic3A_294, %and3A_296 : vector<16xi32>
        %shift_right_arithmetic3A_298 = arith.constant 14 : i32
        %shift_right_arithmetic3A_299 = vector.broadcast %shift_right_arithmetic3A_298 : i32 to vector<16xi32>
        %shift_right_arithmetic3A_300 = arith.shrsi %get3A_289, %shift_right_arithmetic3A_299 : vector<16xi32>
        %gt3A = arith.constant 0 : i32
        %gt3A_301 = vector.broadcast %gt3A : i32 to vector<16xi32>
        %gt3A_302 = arith.cmpi sgt, %shift_right_arithmetic3A_300, %gt3A_301 : vector<16xi32>
        %get3A_303 = arith.index_cast %mul3A_288 : i32 to index
        %get3A_304 = tpu.vector_load %arg12[%get3A_303] {strides = array<i32>} : memref<4160xi32, #tpu.memory_space<vmem>>, vector<16xi32>,
        %get3A_305 = arith.index_cast %mul3A_288 : i32 to index
        %get3A_306 = tpu.vector_load %arg13[%get3A_305] {strides = array<i32>} : memref<4160xi32, #tpu.memory_space<vmem>>, vector<16xi32>,
        %gather3A = tpu.vector_load_idx %arg18[%and3A_292] : memref<256xi32, #tpu.memory_space<vmem>>[vector<16xi32>], vector<16xi32>,
        %add3A_307 = arith.addi %gather3A, %and3A_297 : vector<16xi32>
        tpu.vector_store_idx %arg14[%add3A_307], %get3A_304 : memref<4160xi32, #tpu.memory_space<vmem>>[vector<16xi32>], vector<16xi32>,
        tpu.vector_store_idx %arg15[%add3A_307], %get3A_306 : memref<4160xi32, #tpu.memory_space<vmem>>[vector<16xi32>], vector<16xi32>,
        %add3A_308 = arith.constant 1 : i32
        %add3A_309 = vector.broadcast %add3A_308 : i32 to vector<16xi32>
        %add3A_310 = arith.addi %and3A_297, %add3A_309 : vector<16xi32>
        tpu.vector_store_idx %arg18[%and3A_292], %add3A_310 masked %gt3A_302 {add = true} : memref<256xi32, #tpu.memory_space<vmem>>[vector<16xi32>], vector<16xi32>, vector<16xi1>
        %mul3A_311 = arith.constant 4 : i32
        %mul3A_312 = arith.muli %while3A_281, %mul3A_311 : i32
        %add3A_313 = arith.constant 1 : i32
        %add3A_314 = arith.addi %mul3A_312, %add3A_313 : i32
        %mul3A_315 = arith.constant 16 : i32
        %mul3A_316 = arith.muli %add3A_314, %mul3A_315 : i32
        %get3A_317 = arith.index_cast %mul3A_316 : i32 to index
        %get3A_318 = tpu.vector_load %arg19[%get3A_317] {strides = array<i32>} : memref<4160xi32, #tpu.memory_space<vmem>>, vector<16xi32>,
        %and3A_319 = arith.constant 255 : i32
        %and3A_320 = vector.broadcast %and3A_319 : i32 to vector<16xi32>
        %and3A_321 = arith.andi %get3A_318, %and3A_320 : vector<16xi32>
        %shift_right_arithmetic3A_322 = arith.constant 8 : i32
        %shift_right_arithmetic3A_323 = vector.broadcast %shift_right_arithmetic3A_322 : i32 to vector<16xi32>
        %shift_right_arithmetic3A_324 = arith.shrsi %get3A_318, %shift_right_arithmetic3A_323 : vector<16xi32>
        %and3A_325 = arith.constant 63 : i32
        %and3A_326 = vector.broadcast %and3A_325 : i32 to vector<16xi32>
        %and3A_327 = arith.andi %shift_right_arithmetic3A_324, %and3A_326 : vector<16xi32>
        %shift_right_arithmetic3A_328 = arith.constant 14 : i32
        %shift_right_arithmetic3A_329 = vector.broadcast %shift_right_arithmetic3A_328 : i32 to vector<16xi32>
        %shift_right_arithmetic3A_330 = arith.shrsi %get3A_318, %shift_right_arithmetic3A_329 : vector<16xi32>
        %gt3A_331 = arith.constant 0 : i32
        %gt3A_332 = vector.broadcast %gt3A_331 : i32 to vector<16xi32>
        %gt3A_333 = arith.cmpi sgt, %shift_right_arithmetic3A_330, %gt3A_332 : vector<16xi32>
        %get3A_334 = arith.index_cast %mul3A_316 : i32 to index
        %get3A_335 = tpu.vector_load %arg12[%get3A_334] {strides = array<i32>} : memref<4160xi32, #tpu.memory_space<vmem>>, vector<16xi32>,
        %get3A_336 = arith.index_cast %mul3A_316 : i32 to index
        %get3A_337 = tpu.vector_load %arg13[%get3A_336] {strides = array<i32>} : memref<4160xi32, #tpu.memory_space<vmem>>, vector<16xi32>,
        %gather3A_338 = tpu.vector_load_idx %arg18[%and3A_321] : memref<256xi32, #tpu.memory_space<vmem>>[vector<16xi32>], vector<16xi32>,
        %add3A_339 = arith.addi %gather3A_338, %and3A_327 : vector<16xi32>
        tpu.vector_store_idx %arg14[%add3A_339], %get3A_335 : memref<4160xi32, #tpu.memory_space<vmem>>[vector<16xi32>], vector<16xi32>,
        tpu.vector_store_idx %arg15[%add3A_339], %get3A_337 : memref<4160xi32, #tpu.memory_space<vmem>>[vector<16xi32>], vector<16xi32>,
        %add3A_340 = arith.constant 1 : i32
        %add3A_341 = vector.broadcast %add3A_340 : i32 to vector<16xi32>
        %add3A_342 = arith.addi %and3A_327, %add3A_341 : vector<16xi32>
        tpu.vector_store_idx %arg18[%and3A_321], %add3A_342 masked %gt3A_333 {add = true} : memref<256xi32, #tpu.memory_space<vmem>>[vector<16xi32>], vector<16xi32>, vector<16xi1>
        %mul3A_343 = arith.constant 4 : i32
        %mul3A_344 = arith.muli %while3A_281, %mul3A_343 : i32
        %add3A_345 = arith.constant 2 : i32
        %add3A_346 = arith.addi %mul3A_344, %add3A_345 : i32
        %mul3A_347 = arith.constant 16 : i32
        %mul3A_348 = arith.muli %add3A_346, %mul3A_347 : i32
        %get3A_349 = arith.index_cast %mul3A_348 : i32 to index
        %get3A_350 = tpu.vector_load %arg19[%get3A_349] {strides = array<i32>} : memref<4160xi32, #tpu.memory_space<vmem>>, vector<16xi32>,
        %and3A_351 = arith.constant 255 : i32
        %and3A_352 = vector.broadcast %and3A_351 : i32 to vector<16xi32>
        %and3A_353 = arith.andi %get3A_350, %and3A_352 : vector<16xi32>
        %shift_right_arithmetic3A_354 = arith.constant 8 : i32
        %shift_right_arithmetic3A_355 = vector.broadcast %shift_right_arithmetic3A_354 : i32 to vector<16xi32>
        %shift_right_arithmetic3A_356 = arith.shrsi %get3A_350, %shift_right_arithmetic3A_355 : vector<16xi32>
        %and3A_357 = arith.constant 63 : i32
        %and3A_358 = vector.broadcast %and3A_357 : i32 to vector<16xi32>
        %and3A_359 = arith.andi %shift_right_arithmetic3A_356, %and3A_358 : vector<16xi32>
        %shift_right_arithmetic3A_360 = arith.constant 14 : i32
        %shift_right_arithmetic3A_361 = vector.broadcast %shift_right_arithmetic3A_360 : i32 to vector<16xi32>
        %shift_right_arithmetic3A_362 = arith.shrsi %get3A_350, %shift_right_arithmetic3A_361 : vector<16xi32>
        %gt3A_363 = arith.constant 0 : i32
        %gt3A_364 = vector.broadcast %gt3A_363 : i32 to vector<16xi32>
        %gt3A_365 = arith.cmpi sgt, %shift_right_arithmetic3A_362, %gt3A_364 : vector<16xi32>
        %get3A_366 = arith.index_cast %mul3A_348 : i32 to index
        %get3A_367 = tpu.vector_load %arg12[%get3A_366] {strides = array<i32>} : memref<4160xi32, #tpu.memory_space<vmem>>, vector<16xi32>,
        %get3A_368 = arith.index_cast %mul3A_348 : i32 to index
        %get3A_369 = tpu.vector_load %arg13[%get3A_368] {strides = array<i32>} : memref<4160xi32, #tpu.memory_space<vmem>>, vector<16xi32>,
        %gather3A_370 = tpu.vector_load_idx %arg18[%and3A_353] : memref<256xi32, #tpu.memory_space<vmem>>[vector<16xi32>], vector<16xi32>,
        %add3A_371 = arith.addi %gather3A_370, %and3A_359 : vector<16xi32>
        tpu.vector_store_idx %arg14[%add3A_371], %get3A_367 : memref<4160xi32, #tpu.memory_space<vmem>>[vector<16xi32>], vector<16xi32>,
        tpu.vector_store_idx %arg15[%add3A_371], %get3A_369 : memref<4160xi32, #tpu.memory_space<vmem>>[vector<16xi32>], vector<16xi32>,
        %add3A_372 = arith.constant 1 : i32
        %add3A_373 = vector.broadcast %add3A_372 : i32 to vector<16xi32>
        %add3A_374 = arith.addi %and3A_359, %add3A_373 : vector<16xi32>
        tpu.vector_store_idx %arg18[%and3A_353], %add3A_374 masked %gt3A_365 {add = true} : memref<256xi32, #tpu.memory_space<vmem>>[vector<16xi32>], vector<16xi32>, vector<16xi1>
        %mul3A_375 = arith.constant 4 : i32
        %mul3A_376 = arith.muli %while3A_281, %mul3A_375 : i32
        %add3A_377 = arith.constant 3 : i32
        %add3A_378 = arith.addi %mul3A_376, %add3A_377 : i32
        %mul3A_379 = arith.constant 16 : i32
        %mul3A_380 = arith.muli %add3A_378, %mul3A_379 : i32
        %get3A_381 = arith.index_cast %mul3A_380 : i32 to index
        %get3A_382 = tpu.vector_load %arg19[%get3A_381] {strides = array<i32>} : memref<4160xi32, #tpu.memory_space<vmem>>, vector<16xi32>,
        %and3A_383 = arith.constant 255 : i32
        %and3A_384 = vector.broadcast %and3A_383 : i32 to vector<16xi32>
        %and3A_385 = arith.andi %get3A_382, %and3A_384 : vector<16xi32>
        %shift_right_arithmetic3A_386 = arith.constant 8 : i32
        %shift_right_arithmetic3A_387 = vector.broadcast %shift_right_arithmetic3A_386 : i32 to vector<16xi32>
        %shift_right_arithmetic3A_388 = arith.shrsi %get3A_382, %shift_right_arithmetic3A_387 : vector<16xi32>
        %and3A_389 = arith.constant 63 : i32
        %and3A_390 = vector.broadcast %and3A_389 : i32 to vector<16xi32>
        %and3A_391 = arith.andi %shift_right_arithmetic3A_388, %and3A_390 : vector<16xi32>
        %shift_right_arithmetic3A_392 = arith.constant 14 : i32
        %shift_right_arithmetic3A_393 = vector.broadcast %shift_right_arithmetic3A_392 : i32 to vector<16xi32>
        %shift_right_arithmetic3A_394 = arith.shrsi %get3A_382, %shift_right_arithmetic3A_393 : vector<16xi32>
        %gt3A_395 = arith.constant 0 : i32
        %gt3A_396 = vector.broadcast %gt3A_395 : i32 to vector<16xi32>
        %gt3A_397 = arith.cmpi sgt, %shift_right_arithmetic3A_394, %gt3A_396 : vector<16xi32>
        %get3A_398 = arith.index_cast %mul3A_380 : i32 to index
        %get3A_399 = tpu.vector_load %arg12[%get3A_398] {strides = array<i32>} : memref<4160xi32, #tpu.memory_space<vmem>>, vector<16xi32>,
        %get3A_400 = arith.index_cast %mul3A_380 : i32 to index
        %get3A_401 = tpu.vector_load %arg13[%get3A_400] {strides = array<i32>} : memref<4160xi32, #tpu.memory_space<vmem>>, vector<16xi32>,
        %gather3A_402 = tpu.vector_load_idx %arg18[%and3A_385] : memref<256xi32, #tpu.memory_space<vmem>>[vector<16xi32>], vector<16xi32>,
        %add3A_403 = arith.addi %gather3A_402, %and3A_391 : vector<16xi32>
        tpu.vector_store_idx %arg14[%add3A_403], %get3A_399 : memref<4160xi32, #tpu.memory_space<vmem>>[vector<16xi32>], vector<16xi32>,
        tpu.vector_store_idx %arg15[%add3A_403], %get3A_401 : memref<4160xi32, #tpu.memory_space<vmem>>[vector<16xi32>], vector<16xi32>,
        %add3A_404 = arith.constant 1 : i32
        %add3A_405 = vector.broadcast %add3A_404 : i32 to vector<16xi32>
        %add3A_406 = arith.addi %and3A_391, %add3A_405 : vector<16xi32>
        tpu.vector_store_idx %arg18[%and3A_385], %add3A_406 masked %gt3A_397 {add = true} : memref<256xi32, #tpu.memory_space<vmem>>[vector<16xi32>], vector<16xi32>, vector<16xi1>
        %while3A_407 = arith.constant 0 : i32
        scf.yield %while3A_407 : i32
      }
      %while3A_197 = arith.constant 1 : i32
      %while3A_198 = scf.for %while3A_281 = %while3A_194 to %while3A_190 step %while3A_197 iter_args(%while3A_282 = %while3A_196) -> (i32)  : i32 {
        %mul3A_283 = arith.constant 4 : i32
        %mul3A_284 = arith.muli %while3A_281, %mul3A_283 : i32
        %add3A_285 = arith.constant 0 : i32
        %add3A_286 = arith.addi %mul3A_284, %add3A_285 : i32
        %mul3A_287 = arith.constant 16 : i32
        %mul3A_288 = arith.muli %add3A_286, %mul3A_287 : i32
        %get3A = arith.index_cast %mul3A_288 : i32 to index
        %get3A_289 = tpu.vector_load %arg19[%get3A] {strides = array<i32>} : memref<4160xi32, #tpu.memory_space<vmem>>, vector<16xi32>,
        %and3A_290 = arith.constant 255 : i32
        %and3A_291 = vector.broadcast %and3A_290 : i32 to vector<16xi32>
        %and3A_292 = arith.andi %get3A_289, %and3A_291 : vector<16xi32>
        %shift_right_arithmetic3A = arith.constant 8 : i32
        %shift_right_arithmetic3A_293 = vector.broadcast %shift_right_arithmetic3A : i32 to vector<16xi32>
        %shift_right_arithmetic3A_294 = arith.shrsi %get3A_289, %shift_right_arithmetic3A_293 : vector<16xi32>
        %and3A_295 = arith.constant 63 : i32
        %and3A_296 = vector.broadcast %and3A_295 : i32 to vector<16xi32>
        %and3A_297 = arith.andi %shift_right_arithmetic3A_294, %and3A_296 : vector<16xi32>
        %shift_right_arithmetic3A_298 = arith.constant 14 : i32
        %shift_right_arithmetic3A_299 = vector.broadcast %shift_right_arithmetic3A_298 : i32 to vector<16xi32>
        %shift_right_arithmetic3A_300 = arith.shrsi %get3A_289, %shift_right_arithmetic3A_299 : vector<16xi32>
        %gt3A = arith.constant 0 : i32
        %gt3A_301 = vector.broadcast %gt3A : i32 to vector<16xi32>
        %gt3A_302 = arith.cmpi sgt, %shift_right_arithmetic3A_300, %gt3A_301 : vector<16xi32>
        %get3A_303 = arith.index_cast %mul3A_288 : i32 to index
        %get3A_304 = tpu.vector_load %arg12[%get3A_303] {strides = array<i32>} : memref<4160xi32, #tpu.memory_space<vmem>>, vector<16xi32>,
        %get3A_305 = arith.index_cast %mul3A_288 : i32 to index
        %get3A_306 = tpu.vector_load %arg13[%get3A_305] {strides = array<i32>} : memref<4160xi32, #tpu.memory_space<vmem>>, vector<16xi32>,
        %gather3A = tpu.vector_load_idx %arg18[%and3A_292] : memref<256xi32, #tpu.memory_space<vmem>>[vector<16xi32>], vector<16xi32>,
        %add3A_307 = arith.addi %gather3A, %and3A_297 : vector<16xi32>
        tpu.vector_store_idx %arg14[%add3A_307], %get3A_304 : memref<4160xi32, #tpu.memory_space<vmem>>[vector<16xi32>], vector<16xi32>,
        tpu.vector_store_idx %arg15[%add3A_307], %get3A_306 : memref<4160xi32, #tpu.memory_space<vmem>>[vector<16xi32>], vector<16xi32>,
        %add3A_308 = arith.constant 1 : i32
        %add3A_309 = vector.broadcast %add3A_308 : i32 to vector<16xi32>
        %add3A_310 = arith.addi %and3A_297, %add3A_309 : vector<16xi32>
        tpu.vector_store_idx %arg18[%and3A_292], %add3A_310 masked %gt3A_302 {add = true} : memref<256xi32, #tpu.memory_space<vmem>>[vector<16xi32>], vector<16xi32>, vector<16xi1>
        %mul3A_311 = arith.constant 4 : i32
        %mul3A_312 = arith.muli %while3A_281, %mul3A_311 : i32
        %add3A_313 = arith.constant 1 : i32
        %add3A_314 = arith.addi %mul3A_312, %add3A_313 : i32
        %mul3A_315 = arith.constant 16 : i32
        %mul3A_316 = arith.muli %add3A_314, %mul3A_315 : i32
        %get3A_317 = arith.index_cast %mul3A_316 : i32 to index
        %get3A_318 = tpu.vector_load %arg19[%get3A_317] {strides = array<i32>} : memref<4160xi32, #tpu.memory_space<vmem>>, vector<16xi32>,
        %and3A_319 = arith.constant 255 : i32
        %and3A_320 = vector.broadcast %and3A_319 : i32 to vector<16xi32>
        %and3A_321 = arith.andi %get3A_318, %and3A_320 : vector<16xi32>
        %shift_right_arithmetic3A_322 = arith.constant 8 : i32
        %shift_right_arithmetic3A_323 = vector.broadcast %shift_right_arithmetic3A_322 : i32 to vector<16xi32>
        %shift_right_arithmetic3A_324 = arith.shrsi %get3A_318, %shift_right_arithmetic3A_323 : vector<16xi32>
        %and3A_325 = arith.constant 63 : i32
        %and3A_326 = vector.broadcast %and3A_325 : i32 to vector<16xi32>
        %and3A_327 = arith.andi %shift_right_arithmetic3A_324, %and3A_326 : vector<16xi32>
        %shift_right_arithmetic3A_328 = arith.constant 14 : i32
        %shift_right_arithmetic3A_329 = vector.broadcast %shift_right_arithmetic3A_328 : i32 to vector<16xi32>
        %shift_right_arithmetic3A_330 = arith.shrsi %get3A_318, %shift_right_arithmetic3A_329 : vector<16xi32>
        %gt3A_331 = arith.constant 0 : i32
        %gt3A_332 = vector.broadcast %gt3A_331 : i32 to vector<16xi32>
        %gt3A_333 = arith.cmpi sgt, %shift_right_arithmetic3A_330, %gt3A_332 : vector<16xi32>
        %get3A_334 = arith.index_cast %mul3A_316 : i32 to index
        %get3A_335 = tpu.vector_load %arg12[%get3A_334] {strides = array<i32>} : memref<4160xi32, #tpu.memory_space<vmem>>, vector<16xi32>,
        %get3A_336 = arith.index_cast %mul3A_316 : i32 to index
        %get3A_337 = tpu.vector_load %arg13[%get3A_336] {strides = array<i32>} : memref<4160xi32, #tpu.memory_space<vmem>>, vector<16xi32>,
        %gather3A_338 = tpu.vector_load_idx %arg18[%and3A_321] : memref<256xi32, #tpu.memory_space<vmem>>[vector<16xi32>], vector<16xi32>,
        %add3A_339 = arith.addi %gather3A_338, %and3A_327 : vector<16xi32>
        tpu.vector_store_idx %arg14[%add3A_339], %get3A_335 : memref<4160xi32, #tpu.memory_space<vmem>>[vector<16xi32>], vector<16xi32>,
        tpu.vector_store_idx %arg15[%add3A_339], %get3A_337 : memref<4160xi32, #tpu.memory_space<vmem>>[vector<16xi32>], vector<16xi32>,
        %add3A_340 = arith.constant 1 : i32
        %add3A_341 = vector.broadcast %add3A_340 : i32 to vector<16xi32>
        %add3A_342 = arith.addi %and3A_327, %add3A_341 : vector<16xi32>
        tpu.vector_store_idx %arg18[%and3A_321], %add3A_342 masked %gt3A_333 {add = true} : memref<256xi32, #tpu.memory_space<vmem>>[vector<16xi32>], vector<16xi32>, vector<16xi1>
        %mul3A_343 = arith.constant 4 : i32
        %mul3A_344 = arith.muli %while3A_281, %mul3A_343 : i32
        %add3A_345 = arith.constant 2 : i32
        %add3A_346 = arith.addi %mul3A_344, %add3A_345 : i32
        %mul3A_347 = arith.constant 16 : i32
        %mul3A_348 = arith.muli %add3A_346, %mul3A_347 : i32
        %get3A_349 = arith.index_cast %mul3A_348 : i32 to index
        %get3A_350 = tpu.vector_load %arg19[%get3A_349] {strides = array<i32>} : memref<4160xi32, #tpu.memory_space<vmem>>, vector<16xi32>,
        %and3A_351 = arith.constant 255 : i32
        %and3A_352 = vector.broadcast %and3A_351 : i32 to vector<16xi32>
        %and3A_353 = arith.andi %get3A_350, %and3A_352 : vector<16xi32>
        %shift_right_arithmetic3A_354 = arith.constant 8 : i32
        %shift_right_arithmetic3A_355 = vector.broadcast %shift_right_arithmetic3A_354 : i32 to vector<16xi32>
        %shift_right_arithmetic3A_356 = arith.shrsi %get3A_350, %shift_right_arithmetic3A_355 : vector<16xi32>
        %and3A_357 = arith.constant 63 : i32
        %and3A_358 = vector.broadcast %and3A_357 : i32 to vector<16xi32>
        %and3A_359 = arith.andi %shift_right_arithmetic3A_356, %and3A_358 : vector<16xi32>
        %shift_right_arithmetic3A_360 = arith.constant 14 : i32
        %shift_right_arithmetic3A_361 = vector.broadcast %shift_right_arithmetic3A_360 : i32 to vector<16xi32>
        %shift_right_arithmetic3A_362 = arith.shrsi %get3A_350, %shift_right_arithmetic3A_361 : vector<16xi32>
        %gt3A_363 = arith.constant 0 : i32
        %gt3A_364 = vector.broadcast %gt3A_363 : i32 to vector<16xi32>
        %gt3A_365 = arith.cmpi sgt, %shift_right_arithmetic3A_362, %gt3A_364 : vector<16xi32>
        %get3A_366 = arith.index_cast %mul3A_348 : i32 to index
        %get3A_367 = tpu.vector_load %arg12[%get3A_366] {strides = array<i32>} : memref<4160xi32, #tpu.memory_space<vmem>>, vector<16xi32>,
        %get3A_368 = arith.index_cast %mul3A_348 : i32 to index
        %get3A_369 = tpu.vector_load %arg13[%get3A_368] {strides = array<i32>} : memref<4160xi32, #tpu.memory_space<vmem>>, vector<16xi32>,
        %gather3A_370 = tpu.vector_load_idx %arg18[%and3A_353] : memref<256xi32, #tpu.memory_space<vmem>>[vector<16xi32>], vector<16xi32>,
        %add3A_371 = arith.addi %gather3A_370, %and3A_359 : vector<16xi32>
        tpu.vector_store_idx %arg14[%add3A_371], %get3A_367 : memref<4160xi32, #tpu.memory_space<vmem>>[vector<16xi32>], vector<16xi32>,
        tpu.vector_store_idx %arg15[%add3A_371], %get3A_369 : memref<4160xi32, #tpu.memory_space<vmem>>[vector<16xi32>], vector<16xi32>,
        %add3A_372 = arith.constant 1 : i32
        %add3A_373 = vector.broadcast %add3A_372 : i32 to vector<16xi32>
        %add3A_374 = arith.addi %and3A_359, %add3A_373 : vector<16xi32>
        tpu.vector_store_idx %arg18[%and3A_353], %add3A_374 masked %gt3A_365 {add = true} : memref<256xi32, #tpu.memory_space<vmem>>[vector<16xi32>], vector<16xi32>, vector<16xi1>
        %mul3A_375 = arith.constant 4 : i32
        %mul3A_376 = arith.muli %while3A_281, %mul3A_375 : i32
        %add3A_377 = arith.constant 3 : i32
        %add3A_378 = arith.addi %mul3A_376, %add3A_377 : i32
        %mul3A_379 = arith.constant 16 : i32
        %mul3A_380 = arith.muli %add3A_378, %mul3A_379 : i32
        %get3A_381 = arith.index_cast %mul3A_380 : i32 to index
        %get3A_382 = tpu.vector_load %arg19[%get3A_381] {strides = array<i32>} : memref<4160xi32, #tpu.memory_space<vmem>>, vector<16xi32>,
        %and3A_383 = arith.constant 255 : i32
        %and3A_384 = vector.broadcast %and3A_383 : i32 to vector<16xi32>
        %and3A_385 = arith.andi %get3A_382, %and3A_384 : vector<16xi32>
        %shift_right_arithmetic3A_386 = arith.constant 8 : i32
        %shift_right_arithmetic3A_387 = vector.broadcast %shift_right_arithmetic3A_386 : i32 to vector<16xi32>
        %shift_right_arithmetic3A_388 = arith.shrsi %get3A_382, %shift_right_arithmetic3A_387 : vector<16xi32>
        %and3A_389 = arith.constant 63 : i32
        %and3A_390 = vector.broadcast %and3A_389 : i32 to vector<16xi32>
        %and3A_391 = arith.andi %shift_right_arithmetic3A_388, %and3A_390 : vector<16xi32>
        %shift_right_arithmetic3A_392 = arith.constant 14 : i32
        %shift_right_arithmetic3A_393 = vector.broadcast %shift_right_arithmetic3A_392 : i32 to vector<16xi32>
        %shift_right_arithmetic3A_394 = arith.shrsi %get3A_382, %shift_right_arithmetic3A_393 : vector<16xi32>
        %gt3A_395 = arith.constant 0 : i32
        %gt3A_396 = vector.broadcast %gt3A_395 : i32 to vector<16xi32>
        %gt3A_397 = arith.cmpi sgt, %shift_right_arithmetic3A_394, %gt3A_396 : vector<16xi32>
        %get3A_398 = arith.index_cast %mul3A_380 : i32 to index
        %get3A_399 = tpu.vector_load %arg12[%get3A_398] {strides = array<i32>} : memref<4160xi32, #tpu.memory_space<vmem>>, vector<16xi32>,
        %get3A_400 = arith.index_cast %mul3A_380 : i32 to index
        %get3A_401 = tpu.vector_load %arg13[%get3A_400] {strides = array<i32>} : memref<4160xi32, #tpu.memory_space<vmem>>, vector<16xi32>,
        %gather3A_402 = tpu.vector_load_idx %arg18[%and3A_385] : memref<256xi32, #tpu.memory_space<vmem>>[vector<16xi32>], vector<16xi32>,
        %add3A_403 = arith.addi %gather3A_402, %and3A_391 : vector<16xi32>
        tpu.vector_store_idx %arg14[%add3A_403], %get3A_399 : memref<4160xi32, #tpu.memory_space<vmem>>[vector<16xi32>], vector<16xi32>,
        tpu.vector_store_idx %arg15[%add3A_403], %get3A_401 : memref<4160xi32, #tpu.memory_space<vmem>>[vector<16xi32>], vector<16xi32>,
        %add3A_404 = arith.constant 1 : i32
        %add3A_405 = vector.broadcast %add3A_404 : i32 to vector<16xi32>
        %add3A_406 = arith.addi %and3A_391, %add3A_405 : vector<16xi32>
        tpu.vector_store_idx %arg18[%and3A_385], %add3A_406 masked %gt3A_397 {add = true} : memref<256xi32, #tpu.memory_space<vmem>>[vector<16xi32>], vector<16xi32>, vector<16xi1>
        %while3A_407 = arith.constant 0 : i32
        scf.yield %while3A_407 : i32
      }
      %parallel_loop3A_199 = arith.constant 0 : i32
      %parallel_loop3A_200 = arith.constant 16 : i32
      %parallel_loop3A_201 = arith.constant 1 : i32
      scf.for %parallel_loop3A_281 = %parallel_loop3A_199 to %parallel_loop3A_200 step %parallel_loop3A_201  : i32 {
        %parallel_loop3A_282 = arith.constant 16 : i32
        %parallel_loop3A_283 = arith.muli %parallel_loop3A_281, %parallel_loop3A_282 : i32
        %parallel_loop3A_284 = arith.index_cast %parallel_loop3A_283 : i32 to index
        %parallel_loop3A_285 = tpu.vector_load %arg16[%parallel_loop3A_284] {strides = array<i32>} : memref<256xi32, #tpu.memory_space<vmem>>, vector<16xi32>,
        tpu.vector_store %arg16[%parallel_loop3A_284], %broadcast_in_dim3A_1 {strides = array<i32>} : memref<256xi32, #tpu.memory_space<vmem>>, vector<16xi32>,
        %parallel_loop3A_286 = arith.constant 16 : i32
        %parallel_loop3A_287 = arith.muli %parallel_loop3A_281, %parallel_loop3A_286 : i32
        %parallel_loop3A_288 = arith.index_cast %parallel_loop3A_287 : i32 to index
        %parallel_loop3A_289 = tpu.vector_load %arg17[%parallel_loop3A_288] {strides = array<i32>} : memref<256xi32, #tpu.memory_space<vmem>>, vector<16xi32>,
        tpu.vector_store %arg17[%parallel_loop3A_288], %broadcast_in_dim3A_1 {strides = array<i32>} : memref<256xi32, #tpu.memory_space<vmem>>, vector<16xi32>,
      } {sc.loop_unroll_factor = 4 : i64, sc.parallel_access}
      %mul3A_202 = arith.constant 2 : i32
      %mul3A_203 = arith.muli %select_n3A, %mul3A_202 : i32
      %parallel_loop3A_204 = arith.constant 0 : i32
      %parallel_loop3A_205 = arith.constant 1 : i32
      scf.for %parallel_loop3A_281 = %parallel_loop3A_204 to %mul3A_203 step %parallel_loop3A_205  : i32 {
        %parallel_loop3A_282 = arith.constant 2 : i32
        %parallel_loop3A_283 = arith.muli %parallel_loop3A_281, %parallel_loop3A_282 : i32
        %parallel_loop3A_284 = arith.constant 0 : i32
        %parallel_loop3A_285 = arith.addi %parallel_loop3A_283, %parallel_loop3A_284 : i32
        %parallel_loop3A_286 = arith.constant 16 : i32
        %parallel_loop3A_287 = arith.muli %parallel_loop3A_285, %parallel_loop3A_286 : i32
        %parallel_loop3A_288 = arith.index_cast %parallel_loop3A_287 : i32 to index
        %parallel_loop3A_289 = tpu.vector_load %arg14[%parallel_loop3A_288] {strides = array<i32>} : memref<4160xi32, #tpu.memory_space<vmem>>, vector<16xi32>,
        %parallel_loop3A_290 = vector.bitcast %parallel_loop3A_289 : vector<16xi32> to vector<16xi32>
        %parallel_loop3A_291 = arith.constant 8 : i32
        %parallel_loop3A_292 = vector.broadcast %parallel_loop3A_291 : i32 to vector<16xi32>
        %parallel_loop3A_293 = arith.shrui %parallel_loop3A_290, %parallel_loop3A_292 : vector<16xi32>
        %parallel_loop3A_294 = arith.constant 255 : i32
        %parallel_loop3A_295 = vector.broadcast %parallel_loop3A_294 : i32 to vector<16xi32>
        %parallel_loop3A_296 = arith.andi %parallel_loop3A_293, %parallel_loop3A_295 : vector<16xi32>
        %parallel_loop3A_297 = vector.bitcast %parallel_loop3A_296 : vector<16xi32> to vector<16xi32>
        %parallel_loop3A_298 = arith.constant true
        %parallel_loop3A_299 = vector.broadcast %parallel_loop3A_298 : i1 to vector<16xi1>
        %parallel_loop3A_300, %parallel_loop3A_301 = tpu.scan_count mask(%parallel_loop3A_299 : vector<16xi1>) value(%parallel_loop3A_297 : vector<16xi32>) : vector<16xi1>, vector<16xi32>
        tpu.vector_store_idx %arg16[%parallel_loop3A_297], %parallel_loop3A_301 masked %parallel_loop3A_300 {add = true} : memref<256xi32, #tpu.memory_space<vmem>>[vector<16xi32>], vector<16xi32>, vector<16xi1>
        %parallel_loop3A_302 = arith.constant 1 : i32
        %parallel_loop3A_303 = vector.broadcast %parallel_loop3A_302 : i32 to vector<16xi32>
        %parallel_loop3A_304 = arith.subi %parallel_loop3A_301, %parallel_loop3A_303 : vector<16xi32>
        %parallel_loop3A_305 = arith.constant 8 : i32
        %parallel_loop3A_306 = vector.broadcast %parallel_loop3A_305 : i32 to vector<16xi32>
        %parallel_loop3A_307 = arith.shli %parallel_loop3A_304, %parallel_loop3A_306 : vector<16xi32>
        %parallel_loop3A_308 = arith.ori %parallel_loop3A_297, %parallel_loop3A_307 : vector<16xi32>
        %parallel_loop3A_309 = arith.extui %parallel_loop3A_300 : vector<16xi1> to vector<16xi32>
        %parallel_loop3A_310 = arith.constant 14 : i32
        %parallel_loop3A_311 = vector.broadcast %parallel_loop3A_310 : i32 to vector<16xi32>
        %parallel_loop3A_312 = arith.shli %parallel_loop3A_309, %parallel_loop3A_311 : vector<16xi32>
        %parallel_loop3A_313 = arith.ori %parallel_loop3A_308, %parallel_loop3A_312 : vector<16xi32>
        %parallel_loop3A_314 = arith.index_cast %parallel_loop3A_287 : i32 to index
        %parallel_loop3A_315 = tpu.vector_load %arg19[%parallel_loop3A_314] {strides = array<i32>} : memref<4160xi32, #tpu.memory_space<vmem>>, vector<16xi32>,
        tpu.vector_store %arg19[%parallel_loop3A_314], %parallel_loop3A_313 {strides = array<i32>} : memref<4160xi32, #tpu.memory_space<vmem>>, vector<16xi32>,
        %parallel_loop3A_316 = arith.constant 2 : i32
        %parallel_loop3A_317 = arith.muli %parallel_loop3A_281, %parallel_loop3A_316 : i32
        %parallel_loop3A_318 = arith.constant 1 : i32
        %parallel_loop3A_319 = arith.addi %parallel_loop3A_317, %parallel_loop3A_318 : i32
        %parallel_loop3A_320 = arith.constant 16 : i32
        %parallel_loop3A_321 = arith.muli %parallel_loop3A_319, %parallel_loop3A_320 : i32
        %parallel_loop3A_322 = arith.index_cast %parallel_loop3A_321 : i32 to index
        %parallel_loop3A_323 = tpu.vector_load %arg14[%parallel_loop3A_322] {strides = array<i32>} : memref<4160xi32, #tpu.memory_space<vmem>>, vector<16xi32>,
        %parallel_loop3A_324 = vector.bitcast %parallel_loop3A_323 : vector<16xi32> to vector<16xi32>
        %parallel_loop3A_325 = arith.constant 8 : i32
        %parallel_loop3A_326 = vector.broadcast %parallel_loop3A_325 : i32 to vector<16xi32>
        %parallel_loop3A_327 = arith.shrui %parallel_loop3A_324, %parallel_loop3A_326 : vector<16xi32>
        %parallel_loop3A_328 = arith.constant 255 : i32
        %parallel_loop3A_329 = vector.broadcast %parallel_loop3A_328 : i32 to vector<16xi32>
        %parallel_loop3A_330 = arith.andi %parallel_loop3A_327, %parallel_loop3A_329 : vector<16xi32>
        %parallel_loop3A_331 = vector.bitcast %parallel_loop3A_330 : vector<16xi32> to vector<16xi32>
        %parallel_loop3A_332 = arith.constant true
        %parallel_loop3A_333 = vector.broadcast %parallel_loop3A_332 : i1 to vector<16xi1>
        %parallel_loop3A_334, %parallel_loop3A_335 = tpu.scan_count mask(%parallel_loop3A_333 : vector<16xi1>) value(%parallel_loop3A_331 : vector<16xi32>) : vector<16xi1>, vector<16xi32>
        tpu.vector_store_idx %arg17[%parallel_loop3A_331], %parallel_loop3A_335 masked %parallel_loop3A_334 {add = true} : memref<256xi32, #tpu.memory_space<vmem>>[vector<16xi32>], vector<16xi32>, vector<16xi1>
        %parallel_loop3A_336 = arith.constant 1 : i32
        %parallel_loop3A_337 = vector.broadcast %parallel_loop3A_336 : i32 to vector<16xi32>
        %parallel_loop3A_338 = arith.subi %parallel_loop3A_335, %parallel_loop3A_337 : vector<16xi32>
        %parallel_loop3A_339 = arith.constant 8 : i32
        %parallel_loop3A_340 = vector.broadcast %parallel_loop3A_339 : i32 to vector<16xi32>
        %parallel_loop3A_341 = arith.shli %parallel_loop3A_338, %parallel_loop3A_340 : vector<16xi32>
        %parallel_loop3A_342 = arith.ori %parallel_loop3A_331, %parallel_loop3A_341 : vector<16xi32>
        %parallel_loop3A_343 = arith.extui %parallel_loop3A_334 : vector<16xi1> to vector<16xi32>
        %parallel_loop3A_344 = arith.constant 14 : i32
        %parallel_loop3A_345 = vector.broadcast %parallel_loop3A_344 : i32 to vector<16xi32>
        %parallel_loop3A_346 = arith.shli %parallel_loop3A_343, %parallel_loop3A_345 : vector<16xi32>
        %parallel_loop3A_347 = arith.ori %parallel_loop3A_342, %parallel_loop3A_346 : vector<16xi32>
        %parallel_loop3A_348 = arith.index_cast %parallel_loop3A_321 : i32 to index
        %parallel_loop3A_349 = tpu.vector_load %arg19[%parallel_loop3A_348] {strides = array<i32>} : memref<4160xi32, #tpu.memory_space<vmem>>, vector<16xi32>,
        tpu.vector_store %arg19[%parallel_loop3A_348], %parallel_loop3A_347 {strides = array<i32>} : memref<4160xi32, #tpu.memory_space<vmem>>, vector<16xi32>,
      } {sc.loop_unroll_factor = 2 : i64, sc.parallel_access}
      %scan3A_206 = arith.constant 0 : i32
      %scan3A_207 = arith.constant 0 : i32
      %scan3A_208 = arith.constant 16 : i32
      %scan3A_209 = arith.addi %scan3A_207, %scan3A_208 : i32
      %scan3A_210 = arith.constant 1 : i32
      %scan3A_211 = scf.for %scan3A_281 = %scan3A_207 to %scan3A_209 step %scan3A_210 iter_args(%scan3A_282 = %scan3A_206) -> (i32)  : i32 {
        %mul3A_283 = arith.constant 16 : i32
        %mul3A_284 = arith.muli %scan3A_281, %mul3A_283 : i32
        %get3A = arith.index_cast %mul3A_284 : i32 to index
        %get3A_285 = tpu.vector_load %arg16[%get3A] {strides = array<i32>} : memref<256xi32, #tpu.memory_space<vmem>>, vector<16xi32>,
        %mul3A_286 = arith.constant 16 : i32
        %mul3A_287 = arith.muli %scan3A_281, %mul3A_286 : i32
        %get3A_288 = arith.index_cast %mul3A_287 : i32 to index
        %get3A_289 = tpu.vector_load %arg17[%get3A_288] {strides = array<i32>} : memref<256xi32, #tpu.memory_space<vmem>>, vector<16xi32>,
        %add3A_290 = arith.addi %get3A_285, %get3A_289 : vector<16xi32>
        %broadcast_in_dim3A_291 = arith.constant true
        %broadcast_in_dim3A_292 = vector.broadcast %broadcast_in_dim3A_291 : i1 to vector<16xi1>
        %masked_cumsum3A = tpu.scan <sum>, %add3A_290 masked %broadcast_in_dim3A_292 : vector<16xi32>, vector<16xi1> -> vector<16xi32>
        %sub3A_293 = arith.subi %masked_cumsum3A, %add3A_290 : vector<16xi32>
        %add3A_294 = vector.broadcast %scan3A_282 : i32 to vector<16xi32>
        %add3A_295 = arith.addi %sub3A_293, %add3A_294 : vector<16xi32>
        %mul3A_296 = arith.constant 16 : i32
        %mul3A_297 = arith.muli %scan3A_281, %mul3A_296 : i32
        %swap3A_298 = arith.index_cast %mul3A_297 : i32 to index
        %swap3A_299 = tpu.vector_load %arg18[%swap3A_298] {strides = array<i32>} : memref<256xi32, #tpu.memory_space<vmem>>, vector<16xi32>,
        tpu.vector_store %arg18[%swap3A_298], %add3A_295 {strides = array<i32>} : memref<256xi32, #tpu.memory_space<vmem>>, vector<16xi32>,
        %reduce_sum3A = arith.constant true
        %reduce_sum3A_300 = vector.broadcast %reduce_sum3A : i1 to vector<16xi1>
        %reduce_sum3A_301 = tpu.scan <sum>, %add3A_290 masked %reduce_sum3A_300 : vector<16xi32>, vector<16xi1> -> vector<16xi32>
        %reduce_sum3A_302 = vector.extract %reduce_sum3A_301[15] : i32 from vector<16xi32>
        %add3A_303 = arith.addi %scan3A_282, %reduce_sum3A_302 : i32
        scf.yield %add3A_303 : i32
      }
      %scan3A_212 = arith.constant 16 : i32
      %while3A_213 = arith.constant 0 : i32
      %while3A_214 = arith.constant 0 : i32
      %while3A_215 = arith.subi %select_n3A, %while3A_213 : i32
      %while3A_216 = arith.addi %while3A_213, %while3A_215 : i32
      %while3A_217 = arith.constant 1 : i32
      %while3A_218 = arith.divsi %while3A_215, %while3A_217 : i32
      %while3A_219 = arith.muli %while3A_218, %while3A_217 : i32
      %while3A_220 = arith.addi %while3A_213, %while3A_219 : i32
      %while3A_221 = arith.constant 1 : i32
      %while3A_222 = scf.for %while3A_281 = %while3A_213 to %while3A_220 step %while3A_221 iter_args(%while3A_282 = %while3A_214) -> (i32)  : i32 {
        %mul3A_283 = arith.constant 4 : i32
        %mul3A_284 = arith.muli %while3A_281, %mul3A_283 : i32
        %add3A_285 = arith.constant 0 : i32
        %add3A_286 = arith.addi %mul3A_284, %add3A_285 : i32
        %mul3A_287 = arith.constant 16 : i32
        %mul3A_288 = arith.muli %add3A_286, %mul3A_287 : i32
        %get3A = arith.index_cast %mul3A_288 : i32 to index
        %get3A_289 = tpu.vector_load %arg19[%get3A] {strides = array<i32>} : memref<4160xi32, #tpu.memory_space<vmem>>, vector<16xi32>,
        %and3A_290 = arith.constant 255 : i32
        %and3A_291 = vector.broadcast %and3A_290 : i32 to vector<16xi32>
        %and3A_292 = arith.andi %get3A_289, %and3A_291 : vector<16xi32>
        %shift_right_arithmetic3A = arith.constant 8 : i32
        %shift_right_arithmetic3A_293 = vector.broadcast %shift_right_arithmetic3A : i32 to vector<16xi32>
        %shift_right_arithmetic3A_294 = arith.shrsi %get3A_289, %shift_right_arithmetic3A_293 : vector<16xi32>
        %and3A_295 = arith.constant 63 : i32
        %and3A_296 = vector.broadcast %and3A_295 : i32 to vector<16xi32>
        %and3A_297 = arith.andi %shift_right_arithmetic3A_294, %and3A_296 : vector<16xi32>
        %shift_right_arithmetic3A_298 = arith.constant 14 : i32
        %shift_right_arithmetic3A_299 = vector.broadcast %shift_right_arithmetic3A_298 : i32 to vector<16xi32>
        %shift_right_arithmetic3A_300 = arith.shrsi %get3A_289, %shift_right_arithmetic3A_299 : vector<16xi32>
        %gt3A = arith.constant 0 : i32
        %gt3A_301 = vector.broadcast %gt3A : i32 to vector<16xi32>
        %gt3A_302 = arith.cmpi sgt, %shift_right_arithmetic3A_300, %gt3A_301 : vector<16xi32>
        %get3A_303 = arith.index_cast %mul3A_288 : i32 to index
        %get3A_304 = tpu.vector_load %arg14[%get3A_303] {strides = array<i32>} : memref<4160xi32, #tpu.memory_space<vmem>>, vector<16xi32>,
        %get3A_305 = arith.index_cast %mul3A_288 : i32 to index
        %get3A_306 = tpu.vector_load %arg15[%get3A_305] {strides = array<i32>} : memref<4160xi32, #tpu.memory_space<vmem>>, vector<16xi32>,
        %gather3A = tpu.vector_load_idx %arg18[%and3A_292] : memref<256xi32, #tpu.memory_space<vmem>>[vector<16xi32>], vector<16xi32>,
        %add3A_307 = arith.addi %gather3A, %and3A_297 : vector<16xi32>
        tpu.vector_store_idx %arg12[%add3A_307], %get3A_304 : memref<4160xi32, #tpu.memory_space<vmem>>[vector<16xi32>], vector<16xi32>,
        tpu.vector_store_idx %arg13[%add3A_307], %get3A_306 : memref<4160xi32, #tpu.memory_space<vmem>>[vector<16xi32>], vector<16xi32>,
        %add3A_308 = arith.constant 1 : i32
        %add3A_309 = vector.broadcast %add3A_308 : i32 to vector<16xi32>
        %add3A_310 = arith.addi %and3A_297, %add3A_309 : vector<16xi32>
        tpu.vector_store_idx %arg18[%and3A_292], %add3A_310 masked %gt3A_302 {add = true} : memref<256xi32, #tpu.memory_space<vmem>>[vector<16xi32>], vector<16xi32>, vector<16xi1>
        %mul3A_311 = arith.constant 4 : i32
        %mul3A_312 = arith.muli %while3A_281, %mul3A_311 : i32
        %add3A_313 = arith.constant 1 : i32
        %add3A_314 = arith.addi %mul3A_312, %add3A_313 : i32
        %mul3A_315 = arith.constant 16 : i32
        %mul3A_316 = arith.muli %add3A_314, %mul3A_315 : i32
        %get3A_317 = arith.index_cast %mul3A_316 : i32 to index
        %get3A_318 = tpu.vector_load %arg19[%get3A_317] {strides = array<i32>} : memref<4160xi32, #tpu.memory_space<vmem>>, vector<16xi32>,
        %and3A_319 = arith.constant 255 : i32
        %and3A_320 = vector.broadcast %and3A_319 : i32 to vector<16xi32>
        %and3A_321 = arith.andi %get3A_318, %and3A_320 : vector<16xi32>
        %shift_right_arithmetic3A_322 = arith.constant 8 : i32
        %shift_right_arithmetic3A_323 = vector.broadcast %shift_right_arithmetic3A_322 : i32 to vector<16xi32>
        %shift_right_arithmetic3A_324 = arith.shrsi %get3A_318, %shift_right_arithmetic3A_323 : vector<16xi32>
        %and3A_325 = arith.constant 63 : i32
        %and3A_326 = vector.broadcast %and3A_325 : i32 to vector<16xi32>
        %and3A_327 = arith.andi %shift_right_arithmetic3A_324, %and3A_326 : vector<16xi32>
        %shift_right_arithmetic3A_328 = arith.constant 14 : i32
        %shift_right_arithmetic3A_329 = vector.broadcast %shift_right_arithmetic3A_328 : i32 to vector<16xi32>
        %shift_right_arithmetic3A_330 = arith.shrsi %get3A_318, %shift_right_arithmetic3A_329 : vector<16xi32>
        %gt3A_331 = arith.constant 0 : i32
        %gt3A_332 = vector.broadcast %gt3A_331 : i32 to vector<16xi32>
        %gt3A_333 = arith.cmpi sgt, %shift_right_arithmetic3A_330, %gt3A_332 : vector<16xi32>
        %get3A_334 = arith.index_cast %mul3A_316 : i32 to index
        %get3A_335 = tpu.vector_load %arg14[%get3A_334] {strides = array<i32>} : memref<4160xi32, #tpu.memory_space<vmem>>, vector<16xi32>,
        %get3A_336 = arith.index_cast %mul3A_316 : i32 to index
        %get3A_337 = tpu.vector_load %arg15[%get3A_336] {strides = array<i32>} : memref<4160xi32, #tpu.memory_space<vmem>>, vector<16xi32>,
        %gather3A_338 = tpu.vector_load_idx %arg18[%and3A_321] : memref<256xi32, #tpu.memory_space<vmem>>[vector<16xi32>], vector<16xi32>,
        %add3A_339 = arith.addi %gather3A_338, %and3A_327 : vector<16xi32>
        tpu.vector_store_idx %arg12[%add3A_339], %get3A_335 : memref<4160xi32, #tpu.memory_space<vmem>>[vector<16xi32>], vector<16xi32>,
        tpu.vector_store_idx %arg13[%add3A_339], %get3A_337 : memref<4160xi32, #tpu.memory_space<vmem>>[vector<16xi32>], vector<16xi32>,
        %add3A_340 = arith.constant 1 : i32
        %add3A_341 = vector.broadcast %add3A_340 : i32 to vector<16xi32>
        %add3A_342 = arith.addi %and3A_327, %add3A_341 : vector<16xi32>
        tpu.vector_store_idx %arg18[%and3A_321], %add3A_342 masked %gt3A_333 {add = true} : memref<256xi32, #tpu.memory_space<vmem>>[vector<16xi32>], vector<16xi32>, vector<16xi1>
        %mul3A_343 = arith.constant 4 : i32
        %mul3A_344 = arith.muli %while3A_281, %mul3A_343 : i32
        %add3A_345 = arith.constant 2 : i32
        %add3A_346 = arith.addi %mul3A_344, %add3A_345 : i32
        %mul3A_347 = arith.constant 16 : i32
        %mul3A_348 = arith.muli %add3A_346, %mul3A_347 : i32
        %get3A_349 = arith.index_cast %mul3A_348 : i32 to index
        %get3A_350 = tpu.vector_load %arg19[%get3A_349] {strides = array<i32>} : memref<4160xi32, #tpu.memory_space<vmem>>, vector<16xi32>,
        %and3A_351 = arith.constant 255 : i32
        %and3A_352 = vector.broadcast %and3A_351 : i32 to vector<16xi32>
        %and3A_353 = arith.andi %get3A_350, %and3A_352 : vector<16xi32>
        %shift_right_arithmetic3A_354 = arith.constant 8 : i32
        %shift_right_arithmetic3A_355 = vector.broadcast %shift_right_arithmetic3A_354 : i32 to vector<16xi32>
        %shift_right_arithmetic3A_356 = arith.shrsi %get3A_350, %shift_right_arithmetic3A_355 : vector<16xi32>
        %and3A_357 = arith.constant 63 : i32
        %and3A_358 = vector.broadcast %and3A_357 : i32 to vector<16xi32>
        %and3A_359 = arith.andi %shift_right_arithmetic3A_356, %and3A_358 : vector<16xi32>
        %shift_right_arithmetic3A_360 = arith.constant 14 : i32
        %shift_right_arithmetic3A_361 = vector.broadcast %shift_right_arithmetic3A_360 : i32 to vector<16xi32>
        %shift_right_arithmetic3A_362 = arith.shrsi %get3A_350, %shift_right_arithmetic3A_361 : vector<16xi32>
        %gt3A_363 = arith.constant 0 : i32
        %gt3A_364 = vector.broadcast %gt3A_363 : i32 to vector<16xi32>
        %gt3A_365 = arith.cmpi sgt, %shift_right_arithmetic3A_362, %gt3A_364 : vector<16xi32>
        %get3A_366 = arith.index_cast %mul3A_348 : i32 to index
        %get3A_367 = tpu.vector_load %arg14[%get3A_366] {strides = array<i32>} : memref<4160xi32, #tpu.memory_space<vmem>>, vector<16xi32>,
        %get3A_368 = arith.index_cast %mul3A_348 : i32 to index
        %get3A_369 = tpu.vector_load %arg15[%get3A_368] {strides = array<i32>} : memref<4160xi32, #tpu.memory_space<vmem>>, vector<16xi32>,
        %gather3A_370 = tpu.vector_load_idx %arg18[%and3A_353] : memref<256xi32, #tpu.memory_space<vmem>>[vector<16xi32>], vector<16xi32>,
        %add3A_371 = arith.addi %gather3A_370, %and3A_359 : vector<16xi32>
        tpu.vector_store_idx %arg12[%add3A_371], %get3A_367 : memref<4160xi32, #tpu.memory_space<vmem>>[vector<16xi32>], vector<16xi32>,
        tpu.vector_store_idx %arg13[%add3A_371], %get3A_369 : memref<4160xi32, #tpu.memory_space<vmem>>[vector<16xi32>], vector<16xi32>,
        %add3A_372 = arith.constant 1 : i32
        %add3A_373 = vector.broadcast %add3A_372 : i32 to vector<16xi32>
        %add3A_374 = arith.addi %and3A_359, %add3A_373 : vector<16xi32>
        tpu.vector_store_idx %arg18[%and3A_353], %add3A_374 masked %gt3A_365 {add = true} : memref<256xi32, #tpu.memory_space<vmem>>[vector<16xi32>], vector<16xi32>, vector<16xi1>
        %mul3A_375 = arith.constant 4 : i32
        %mul3A_376 = arith.muli %while3A_281, %mul3A_375 : i32
        %add3A_377 = arith.constant 3 : i32
        %add3A_378 = arith.addi %mul3A_376, %add3A_377 : i32
        %mul3A_379 = arith.constant 16 : i32
        %mul3A_380 = arith.muli %add3A_378, %mul3A_379 : i32
        %get3A_381 = arith.index_cast %mul3A_380 : i32 to index
        %get3A_382 = tpu.vector_load %arg19[%get3A_381] {strides = array<i32>} : memref<4160xi32, #tpu.memory_space<vmem>>, vector<16xi32>,
        %and3A_383 = arith.constant 255 : i32
        %and3A_384 = vector.broadcast %and3A_383 : i32 to vector<16xi32>
        %and3A_385 = arith.andi %get3A_382, %and3A_384 : vector<16xi32>
        %shift_right_arithmetic3A_386 = arith.constant 8 : i32
        %shift_right_arithmetic3A_387 = vector.broadcast %shift_right_arithmetic3A_386 : i32 to vector<16xi32>
        %shift_right_arithmetic3A_388 = arith.shrsi %get3A_382, %shift_right_arithmetic3A_387 : vector<16xi32>
        %and3A_389 = arith.constant 63 : i32
        %and3A_390 = vector.broadcast %and3A_389 : i32 to vector<16xi32>
        %and3A_391 = arith.andi %shift_right_arithmetic3A_388, %and3A_390 : vector<16xi32>
        %shift_right_arithmetic3A_392 = arith.constant 14 : i32
        %shift_right_arithmetic3A_393 = vector.broadcast %shift_right_arithmetic3A_392 : i32 to vector<16xi32>
        %shift_right_arithmetic3A_394 = arith.shrsi %get3A_382, %shift_right_arithmetic3A_393 : vector<16xi32>
        %gt3A_395 = arith.constant 0 : i32
        %gt3A_396 = vector.broadcast %gt3A_395 : i32 to vector<16xi32>
        %gt3A_397 = arith.cmpi sgt, %shift_right_arithmetic3A_394, %gt3A_396 : vector<16xi32>
        %get3A_398 = arith.index_cast %mul3A_380 : i32 to index
        %get3A_399 = tpu.vector_load %arg14[%get3A_398] {strides = array<i32>} : memref<4160xi32, #tpu.memory_space<vmem>>, vector<16xi32>,
        %get3A_400 = arith.index_cast %mul3A_380 : i32 to index
        %get3A_401 = tpu.vector_load %arg15[%get3A_400] {strides = array<i32>} : memref<4160xi32, #tpu.memory_space<vmem>>, vector<16xi32>,
        %gather3A_402 = tpu.vector_load_idx %arg18[%and3A_385] : memref<256xi32, #tpu.memory_space<vmem>>[vector<16xi32>], vector<16xi32>,
        %add3A_403 = arith.addi %gather3A_402, %and3A_391 : vector<16xi32>
        tpu.vector_store_idx %arg12[%add3A_403], %get3A_399 : memref<4160xi32, #tpu.memory_space<vmem>>[vector<16xi32>], vector<16xi32>,
        tpu.vector_store_idx %arg13[%add3A_403], %get3A_401 : memref<4160xi32, #tpu.memory_space<vmem>>[vector<16xi32>], vector<16xi32>,
        %add3A_404 = arith.constant 1 : i32
        %add3A_405 = vector.broadcast %add3A_404 : i32 to vector<16xi32>
        %add3A_406 = arith.addi %and3A_391, %add3A_405 : vector<16xi32>
        tpu.vector_store_idx %arg18[%and3A_385], %add3A_406 masked %gt3A_397 {add = true} : memref<256xi32, #tpu.memory_space<vmem>>[vector<16xi32>], vector<16xi32>, vector<16xi1>
        %while3A_407 = arith.constant 0 : i32
        scf.yield %while3A_407 : i32
      }
      %while3A_223 = arith.constant 1 : i32
      %while3A_224 = scf.for %while3A_281 = %while3A_220 to %while3A_216 step %while3A_223 iter_args(%while3A_282 = %while3A_222) -> (i32)  : i32 {
        %mul3A_283 = arith.constant 4 : i32
        %mul3A_284 = arith.muli %while3A_281, %mul3A_283 : i32
        %add3A_285 = arith.constant 0 : i32
        %add3A_286 = arith.addi %mul3A_284, %add3A_285 : i32
        %mul3A_287 = arith.constant 16 : i32
        %mul3A_288 = arith.muli %add3A_286, %mul3A_287 : i32
        %get3A = arith.index_cast %mul3A_288 : i32 to index
        %get3A_289 = tpu.vector_load %arg19[%get3A] {strides = array<i32>} : memref<4160xi32, #tpu.memory_space<vmem>>, vector<16xi32>,
        %and3A_290 = arith.constant 255 : i32
        %and3A_291 = vector.broadcast %and3A_290 : i32 to vector<16xi32>
        %and3A_292 = arith.andi %get3A_289, %and3A_291 : vector<16xi32>
        %shift_right_arithmetic3A = arith.constant 8 : i32
        %shift_right_arithmetic3A_293 = vector.broadcast %shift_right_arithmetic3A : i32 to vector<16xi32>
        %shift_right_arithmetic3A_294 = arith.shrsi %get3A_289, %shift_right_arithmetic3A_293 : vector<16xi32>
        %and3A_295 = arith.constant 63 : i32
        %and3A_296 = vector.broadcast %and3A_295 : i32 to vector<16xi32>
        %and3A_297 = arith.andi %shift_right_arithmetic3A_294, %and3A_296 : vector<16xi32>
        %shift_right_arithmetic3A_298 = arith.constant 14 : i32
        %shift_right_arithmetic3A_299 = vector.broadcast %shift_right_arithmetic3A_298 : i32 to vector<16xi32>
        %shift_right_arithmetic3A_300 = arith.shrsi %get3A_289, %shift_right_arithmetic3A_299 : vector<16xi32>
        %gt3A = arith.constant 0 : i32
        %gt3A_301 = vector.broadcast %gt3A : i32 to vector<16xi32>
        %gt3A_302 = arith.cmpi sgt, %shift_right_arithmetic3A_300, %gt3A_301 : vector<16xi32>
        %get3A_303 = arith.index_cast %mul3A_288 : i32 to index
        %get3A_304 = tpu.vector_load %arg14[%get3A_303] {strides = array<i32>} : memref<4160xi32, #tpu.memory_space<vmem>>, vector<16xi32>,
        %get3A_305 = arith.index_cast %mul3A_288 : i32 to index
        %get3A_306 = tpu.vector_load %arg15[%get3A_305] {strides = array<i32>} : memref<4160xi32, #tpu.memory_space<vmem>>, vector<16xi32>,
        %gather3A = tpu.vector_load_idx %arg18[%and3A_292] : memref<256xi32, #tpu.memory_space<vmem>>[vector<16xi32>], vector<16xi32>,
        %add3A_307 = arith.addi %gather3A, %and3A_297 : vector<16xi32>
        tpu.vector_store_idx %arg12[%add3A_307], %get3A_304 : memref<4160xi32, #tpu.memory_space<vmem>>[vector<16xi32>], vector<16xi32>,
        tpu.vector_store_idx %arg13[%add3A_307], %get3A_306 : memref<4160xi32, #tpu.memory_space<vmem>>[vector<16xi32>], vector<16xi32>,
        %add3A_308 = arith.constant 1 : i32
        %add3A_309 = vector.broadcast %add3A_308 : i32 to vector<16xi32>
        %add3A_310 = arith.addi %and3A_297, %add3A_309 : vector<16xi32>
        tpu.vector_store_idx %arg18[%and3A_292], %add3A_310 masked %gt3A_302 {add = true} : memref<256xi32, #tpu.memory_space<vmem>>[vector<16xi32>], vector<16xi32>, vector<16xi1>
        %mul3A_311 = arith.constant 4 : i32
        %mul3A_312 = arith.muli %while3A_281, %mul3A_311 : i32
        %add3A_313 = arith.constant 1 : i32
        %add3A_314 = arith.addi %mul3A_312, %add3A_313 : i32
        %mul3A_315 = arith.constant 16 : i32
        %mul3A_316 = arith.muli %add3A_314, %mul3A_315 : i32
        %get3A_317 = arith.index_cast %mul3A_316 : i32 to index
        %get3A_318 = tpu.vector_load %arg19[%get3A_317] {strides = array<i32>} : memref<4160xi32, #tpu.memory_space<vmem>>, vector<16xi32>,
        %and3A_319 = arith.constant 255 : i32
        %and3A_320 = vector.broadcast %and3A_319 : i32 to vector<16xi32>
        %and3A_321 = arith.andi %get3A_318, %and3A_320 : vector<16xi32>
        %shift_right_arithmetic3A_322 = arith.constant 8 : i32
        %shift_right_arithmetic3A_323 = vector.broadcast %shift_right_arithmetic3A_322 : i32 to vector<16xi32>
        %shift_right_arithmetic3A_324 = arith.shrsi %get3A_318, %shift_right_arithmetic3A_323 : vector<16xi32>
        %and3A_325 = arith.constant 63 : i32
        %and3A_326 = vector.broadcast %and3A_325 : i32 to vector<16xi32>
        %and3A_327 = arith.andi %shift_right_arithmetic3A_324, %and3A_326 : vector<16xi32>
        %shift_right_arithmetic3A_328 = arith.constant 14 : i32
        %shift_right_arithmetic3A_329 = vector.broadcast %shift_right_arithmetic3A_328 : i32 to vector<16xi32>
        %shift_right_arithmetic3A_330 = arith.shrsi %get3A_318, %shift_right_arithmetic3A_329 : vector<16xi32>
        %gt3A_331 = arith.constant 0 : i32
        %gt3A_332 = vector.broadcast %gt3A_331 : i32 to vector<16xi32>
        %gt3A_333 = arith.cmpi sgt, %shift_right_arithmetic3A_330, %gt3A_332 : vector<16xi32>
        %get3A_334 = arith.index_cast %mul3A_316 : i32 to index
        %get3A_335 = tpu.vector_load %arg14[%get3A_334] {strides = array<i32>} : memref<4160xi32, #tpu.memory_space<vmem>>, vector<16xi32>,
        %get3A_336 = arith.index_cast %mul3A_316 : i32 to index
        %get3A_337 = tpu.vector_load %arg15[%get3A_336] {strides = array<i32>} : memref<4160xi32, #tpu.memory_space<vmem>>, vector<16xi32>,
        %gather3A_338 = tpu.vector_load_idx %arg18[%and3A_321] : memref<256xi32, #tpu.memory_space<vmem>>[vector<16xi32>], vector<16xi32>,
        %add3A_339 = arith.addi %gather3A_338, %and3A_327 : vector<16xi32>
        tpu.vector_store_idx %arg12[%add3A_339], %get3A_335 : memref<4160xi32, #tpu.memory_space<vmem>>[vector<16xi32>], vector<16xi32>,
        tpu.vector_store_idx %arg13[%add3A_339], %get3A_337 : memref<4160xi32, #tpu.memory_space<vmem>>[vector<16xi32>], vector<16xi32>,
        %add3A_340 = arith.constant 1 : i32
        %add3A_341 = vector.broadcast %add3A_340 : i32 to vector<16xi32>
        %add3A_342 = arith.addi %and3A_327, %add3A_341 : vector<16xi32>
        tpu.vector_store_idx %arg18[%and3A_321], %add3A_342 masked %gt3A_333 {add = true} : memref<256xi32, #tpu.memory_space<vmem>>[vector<16xi32>], vector<16xi32>, vector<16xi1>
        %mul3A_343 = arith.constant 4 : i32
        %mul3A_344 = arith.muli %while3A_281, %mul3A_343 : i32
        %add3A_345 = arith.constant 2 : i32
        %add3A_346 = arith.addi %mul3A_344, %add3A_345 : i32
        %mul3A_347 = arith.constant 16 : i32
        %mul3A_348 = arith.muli %add3A_346, %mul3A_347 : i32
        %get3A_349 = arith.index_cast %mul3A_348 : i32 to index
        %get3A_350 = tpu.vector_load %arg19[%get3A_349] {strides = array<i32>} : memref<4160xi32, #tpu.memory_space<vmem>>, vector<16xi32>,
        %and3A_351 = arith.constant 255 : i32
        %and3A_352 = vector.broadcast %and3A_351 : i32 to vector<16xi32>
        %and3A_353 = arith.andi %get3A_350, %and3A_352 : vector<16xi32>
        %shift_right_arithmetic3A_354 = arith.constant 8 : i32
        %shift_right_arithmetic3A_355 = vector.broadcast %shift_right_arithmetic3A_354 : i32 to vector<16xi32>
        %shift_right_arithmetic3A_356 = arith.shrsi %get3A_350, %shift_right_arithmetic3A_355 : vector<16xi32>
        %and3A_357 = arith.constant 63 : i32
        %and3A_358 = vector.broadcast %and3A_357 : i32 to vector<16xi32>
        %and3A_359 = arith.andi %shift_right_arithmetic3A_356, %and3A_358 : vector<16xi32>
        %shift_right_arithmetic3A_360 = arith.constant 14 : i32
        %shift_right_arithmetic3A_361 = vector.broadcast %shift_right_arithmetic3A_360 : i32 to vector<16xi32>
        %shift_right_arithmetic3A_362 = arith.shrsi %get3A_350, %shift_right_arithmetic3A_361 : vector<16xi32>
        %gt3A_363 = arith.constant 0 : i32
        %gt3A_364 = vector.broadcast %gt3A_363 : i32 to vector<16xi32>
        %gt3A_365 = arith.cmpi sgt, %shift_right_arithmetic3A_362, %gt3A_364 : vector<16xi32>
        %get3A_366 = arith.index_cast %mul3A_348 : i32 to index
        %get3A_367 = tpu.vector_load %arg14[%get3A_366] {strides = array<i32>} : memref<4160xi32, #tpu.memory_space<vmem>>, vector<16xi32>,
        %get3A_368 = arith.index_cast %mul3A_348 : i32 to index
        %get3A_369 = tpu.vector_load %arg15[%get3A_368] {strides = array<i32>} : memref<4160xi32, #tpu.memory_space<vmem>>, vector<16xi32>,
        %gather3A_370 = tpu.vector_load_idx %arg18[%and3A_353] : memref<256xi32, #tpu.memory_space<vmem>>[vector<16xi32>], vector<16xi32>,
        %add3A_371 = arith.addi %gather3A_370, %and3A_359 : vector<16xi32>
        tpu.vector_store_idx %arg12[%add3A_371], %get3A_367 : memref<4160xi32, #tpu.memory_space<vmem>>[vector<16xi32>], vector<16xi32>,
        tpu.vector_store_idx %arg13[%add3A_371], %get3A_369 : memref<4160xi32, #tpu.memory_space<vmem>>[vector<16xi32>], vector<16xi32>,
        %add3A_372 = arith.constant 1 : i32
        %add3A_373 = vector.broadcast %add3A_372 : i32 to vector<16xi32>
        %add3A_374 = arith.addi %and3A_359, %add3A_373 : vector<16xi32>
        tpu.vector_store_idx %arg18[%and3A_353], %add3A_374 masked %gt3A_365 {add = true} : memref<256xi32, #tpu.memory_space<vmem>>[vector<16xi32>], vector<16xi32>, vector<16xi1>
        %mul3A_375 = arith.constant 4 : i32
        %mul3A_376 = arith.muli %while3A_281, %mul3A_375 : i32
        %add3A_377 = arith.constant 3 : i32
        %add3A_378 = arith.addi %mul3A_376, %add3A_377 : i32
        %mul3A_379 = arith.constant 16 : i32
        %mul3A_380 = arith.muli %add3A_378, %mul3A_379 : i32
        %get3A_381 = arith.index_cast %mul3A_380 : i32 to index
        %get3A_382 = tpu.vector_load %arg19[%get3A_381] {strides = array<i32>} : memref<4160xi32, #tpu.memory_space<vmem>>, vector<16xi32>,
        %and3A_383 = arith.constant 255 : i32
        %and3A_384 = vector.broadcast %and3A_383 : i32 to vector<16xi32>
        %and3A_385 = arith.andi %get3A_382, %and3A_384 : vector<16xi32>
        %shift_right_arithmetic3A_386 = arith.constant 8 : i32
        %shift_right_arithmetic3A_387 = vector.broadcast %shift_right_arithmetic3A_386 : i32 to vector<16xi32>
        %shift_right_arithmetic3A_388 = arith.shrsi %get3A_382, %shift_right_arithmetic3A_387 : vector<16xi32>
        %and3A_389 = arith.constant 63 : i32
        %and3A_390 = vector.broadcast %and3A_389 : i32 to vector<16xi32>
        %and3A_391 = arith.andi %shift_right_arithmetic3A_388, %and3A_390 : vector<16xi32>
        %shift_right_arithmetic3A_392 = arith.constant 14 : i32
        %shift_right_arithmetic3A_393 = vector.broadcast %shift_right_arithmetic3A_392 : i32 to vector<16xi32>
        %shift_right_arithmetic3A_394 = arith.shrsi %get3A_382, %shift_right_arithmetic3A_393 : vector<16xi32>
        %gt3A_395 = arith.constant 0 : i32
        %gt3A_396 = vector.broadcast %gt3A_395 : i32 to vector<16xi32>
        %gt3A_397 = arith.cmpi sgt, %shift_right_arithmetic3A_394, %gt3A_396 : vector<16xi32>
        %get3A_398 = arith.index_cast %mul3A_380 : i32 to index
        %get3A_399 = tpu.vector_load %arg14[%get3A_398] {strides = array<i32>} : memref<4160xi32, #tpu.memory_space<vmem>>, vector<16xi32>,
        %get3A_400 = arith.index_cast %mul3A_380 : i32 to index
        %get3A_401 = tpu.vector_load %arg15[%get3A_400] {strides = array<i32>} : memref<4160xi32, #tpu.memory_space<vmem>>, vector<16xi32>,
        %gather3A_402 = tpu.vector_load_idx %arg18[%and3A_385] : memref<256xi32, #tpu.memory_space<vmem>>[vector<16xi32>], vector<16xi32>,
        %add3A_403 = arith.addi %gather3A_402, %and3A_391 : vector<16xi32>
        tpu.vector_store_idx %arg12[%add3A_403], %get3A_399 : memref<4160xi32, #tpu.memory_space<vmem>>[vector<16xi32>], vector<16xi32>,
        tpu.vector_store_idx %arg13[%add3A_403], %get3A_401 : memref<4160xi32, #tpu.memory_space<vmem>>[vector<16xi32>], vector<16xi32>,
        %add3A_404 = arith.constant 1 : i32
        %add3A_405 = vector.broadcast %add3A_404 : i32 to vector<16xi32>
        %add3A_406 = arith.addi %and3A_391, %add3A_405 : vector<16xi32>
        tpu.vector_store_idx %arg18[%and3A_385], %add3A_406 masked %gt3A_397 {add = true} : memref<256xi32, #tpu.memory_space<vmem>>[vector<16xi32>], vector<16xi32>, vector<16xi1>
        %while3A_407 = arith.constant 0 : i32
        scf.yield %while3A_407 : i32
      }
      %parallel_loop3A_225 = arith.constant 0 : i32
      %parallel_loop3A_226 = arith.constant 16 : i32
      %parallel_loop3A_227 = arith.constant 1 : i32
      scf.for %parallel_loop3A_281 = %parallel_loop3A_225 to %parallel_loop3A_226 step %parallel_loop3A_227  : i32 {
        %parallel_loop3A_282 = arith.constant 16 : i32
        %parallel_loop3A_283 = arith.muli %parallel_loop3A_281, %parallel_loop3A_282 : i32
        %parallel_loop3A_284 = arith.index_cast %parallel_loop3A_283 : i32 to index
        %parallel_loop3A_285 = tpu.vector_load %arg16[%parallel_loop3A_284] {strides = array<i32>} : memref<256xi32, #tpu.memory_space<vmem>>, vector<16xi32>,
        tpu.vector_store %arg16[%parallel_loop3A_284], %broadcast_in_dim3A_1 {strides = array<i32>} : memref<256xi32, #tpu.memory_space<vmem>>, vector<16xi32>,
        %parallel_loop3A_286 = arith.constant 16 : i32
        %parallel_loop3A_287 = arith.muli %parallel_loop3A_281, %parallel_loop3A_286 : i32
        %parallel_loop3A_288 = arith.index_cast %parallel_loop3A_287 : i32 to index
        %parallel_loop3A_289 = tpu.vector_load %arg17[%parallel_loop3A_288] {strides = array<i32>} : memref<256xi32, #tpu.memory_space<vmem>>, vector<16xi32>,
        tpu.vector_store %arg17[%parallel_loop3A_288], %broadcast_in_dim3A_1 {strides = array<i32>} : memref<256xi32, #tpu.memory_space<vmem>>, vector<16xi32>,
      } {sc.loop_unroll_factor = 4 : i64, sc.parallel_access}
      %mul3A_228 = arith.constant 2 : i32
      %mul3A_229 = arith.muli %select_n3A, %mul3A_228 : i32
      %parallel_loop3A_230 = arith.constant 0 : i32
      %parallel_loop3A_231 = arith.constant 1 : i32
      scf.for %parallel_loop3A_281 = %parallel_loop3A_230 to %mul3A_229 step %parallel_loop3A_231  : i32 {
        %parallel_loop3A_282 = arith.constant 2 : i32
        %parallel_loop3A_283 = arith.muli %parallel_loop3A_281, %parallel_loop3A_282 : i32
        %parallel_loop3A_284 = arith.constant 0 : i32
        %parallel_loop3A_285 = arith.addi %parallel_loop3A_283, %parallel_loop3A_284 : i32
        %parallel_loop3A_286 = arith.constant 16 : i32
        %parallel_loop3A_287 = arith.muli %parallel_loop3A_285, %parallel_loop3A_286 : i32
        %parallel_loop3A_288 = arith.index_cast %parallel_loop3A_287 : i32 to index
        %parallel_loop3A_289 = tpu.vector_load %arg12[%parallel_loop3A_288] {strides = array<i32>} : memref<4160xi32, #tpu.memory_space<vmem>>, vector<16xi32>,
        %parallel_loop3A_290 = vector.bitcast %parallel_loop3A_289 : vector<16xi32> to vector<16xi32>
        %parallel_loop3A_291 = arith.constant 16 : i32
        %parallel_loop3A_292 = vector.broadcast %parallel_loop3A_291 : i32 to vector<16xi32>
        %parallel_loop3A_293 = arith.shrui %parallel_loop3A_290, %parallel_loop3A_292 : vector<16xi32>
        %parallel_loop3A_294 = arith.constant 255 : i32
        %parallel_loop3A_295 = vector.broadcast %parallel_loop3A_294 : i32 to vector<16xi32>
        %parallel_loop3A_296 = arith.andi %parallel_loop3A_293, %parallel_loop3A_295 : vector<16xi32>
        %parallel_loop3A_297 = vector.bitcast %parallel_loop3A_296 : vector<16xi32> to vector<16xi32>
        %parallel_loop3A_298 = arith.constant true
        %parallel_loop3A_299 = vector.broadcast %parallel_loop3A_298 : i1 to vector<16xi1>
        %parallel_loop3A_300, %parallel_loop3A_301 = tpu.scan_count mask(%parallel_loop3A_299 : vector<16xi1>) value(%parallel_loop3A_297 : vector<16xi32>) : vector<16xi1>, vector<16xi32>
        tpu.vector_store_idx %arg16[%parallel_loop3A_297], %parallel_loop3A_301 masked %parallel_loop3A_300 {add = true} : memref<256xi32, #tpu.memory_space<vmem>>[vector<16xi32>], vector<16xi32>, vector<16xi1>
        %parallel_loop3A_302 = arith.constant 1 : i32
        %parallel_loop3A_303 = vector.broadcast %parallel_loop3A_302 : i32 to vector<16xi32>
        %parallel_loop3A_304 = arith.subi %parallel_loop3A_301, %parallel_loop3A_303 : vector<16xi32>
        %parallel_loop3A_305 = arith.constant 8 : i32
        %parallel_loop3A_306 = vector.broadcast %parallel_loop3A_305 : i32 to vector<16xi32>
        %parallel_loop3A_307 = arith.shli %parallel_loop3A_304, %parallel_loop3A_306 : vector<16xi32>
        %parallel_loop3A_308 = arith.ori %parallel_loop3A_297, %parallel_loop3A_307 : vector<16xi32>
        %parallel_loop3A_309 = arith.extui %parallel_loop3A_300 : vector<16xi1> to vector<16xi32>
        %parallel_loop3A_310 = arith.constant 14 : i32
        %parallel_loop3A_311 = vector.broadcast %parallel_loop3A_310 : i32 to vector<16xi32>
        %parallel_loop3A_312 = arith.shli %parallel_loop3A_309, %parallel_loop3A_311 : vector<16xi32>
        %parallel_loop3A_313 = arith.ori %parallel_loop3A_308, %parallel_loop3A_312 : vector<16xi32>
        %parallel_loop3A_314 = arith.index_cast %parallel_loop3A_287 : i32 to index
        %parallel_loop3A_315 = tpu.vector_load %arg19[%parallel_loop3A_314] {strides = array<i32>} : memref<4160xi32, #tpu.memory_space<vmem>>, vector<16xi32>,
        tpu.vector_store %arg19[%parallel_loop3A_314], %parallel_loop3A_313 {strides = array<i32>} : memref<4160xi32, #tpu.memory_space<vmem>>, vector<16xi32>,
        %parallel_loop3A_316 = arith.constant 2 : i32
        %parallel_loop3A_317 = arith.muli %parallel_loop3A_281, %parallel_loop3A_316 : i32
        %parallel_loop3A_318 = arith.constant 1 : i32
        %parallel_loop3A_319 = arith.addi %parallel_loop3A_317, %parallel_loop3A_318 : i32
        %parallel_loop3A_320 = arith.constant 16 : i32
        %parallel_loop3A_321 = arith.muli %parallel_loop3A_319, %parallel_loop3A_320 : i32
        %parallel_loop3A_322 = arith.index_cast %parallel_loop3A_321 : i32 to index
        %parallel_loop3A_323 = tpu.vector_load %arg12[%parallel_loop3A_322] {strides = array<i32>} : memref<4160xi32, #tpu.memory_space<vmem>>, vector<16xi32>,
        %parallel_loop3A_324 = vector.bitcast %parallel_loop3A_323 : vector<16xi32> to vector<16xi32>
        %parallel_loop3A_325 = arith.constant 16 : i32
        %parallel_loop3A_326 = vector.broadcast %parallel_loop3A_325 : i32 to vector<16xi32>
        %parallel_loop3A_327 = arith.shrui %parallel_loop3A_324, %parallel_loop3A_326 : vector<16xi32>
        %parallel_loop3A_328 = arith.constant 255 : i32
        %parallel_loop3A_329 = vector.broadcast %parallel_loop3A_328 : i32 to vector<16xi32>
        %parallel_loop3A_330 = arith.andi %parallel_loop3A_327, %parallel_loop3A_329 : vector<16xi32>
        %parallel_loop3A_331 = vector.bitcast %parallel_loop3A_330 : vector<16xi32> to vector<16xi32>
        %parallel_loop3A_332 = arith.constant true
        %parallel_loop3A_333 = vector.broadcast %parallel_loop3A_332 : i1 to vector<16xi1>
        %parallel_loop3A_334, %parallel_loop3A_335 = tpu.scan_count mask(%parallel_loop3A_333 : vector<16xi1>) value(%parallel_loop3A_331 : vector<16xi32>) : vector<16xi1>, vector<16xi32>
        tpu.vector_store_idx %arg17[%parallel_loop3A_331], %parallel_loop3A_335 masked %parallel_loop3A_334 {add = true} : memref<256xi32, #tpu.memory_space<vmem>>[vector<16xi32>], vector<16xi32>, vector<16xi1>
        %parallel_loop3A_336 = arith.constant 1 : i32
        %parallel_loop3A_337 = vector.broadcast %parallel_loop3A_336 : i32 to vector<16xi32>
        %parallel_loop3A_338 = arith.subi %parallel_loop3A_335, %parallel_loop3A_337 : vector<16xi32>
        %parallel_loop3A_339 = arith.constant 8 : i32
        %parallel_loop3A_340 = vector.broadcast %parallel_loop3A_339 : i32 to vector<16xi32>
        %parallel_loop3A_341 = arith.shli %parallel_loop3A_338, %parallel_loop3A_340 : vector<16xi32>
        %parallel_loop3A_342 = arith.ori %parallel_loop3A_331, %parallel_loop3A_341 : vector<16xi32>
        %parallel_loop3A_343 = arith.extui %parallel_loop3A_334 : vector<16xi1> to vector<16xi32>
        %parallel_loop3A_344 = arith.constant 14 : i32
        %parallel_loop3A_345 = vector.broadcast %parallel_loop3A_344 : i32 to vector<16xi32>
        %parallel_loop3A_346 = arith.shli %parallel_loop3A_343, %parallel_loop3A_345 : vector<16xi32>
        %parallel_loop3A_347 = arith.ori %parallel_loop3A_342, %parallel_loop3A_346 : vector<16xi32>
        %parallel_loop3A_348 = arith.index_cast %parallel_loop3A_321 : i32 to index
        %parallel_loop3A_349 = tpu.vector_load %arg19[%parallel_loop3A_348] {strides = array<i32>} : memref<4160xi32, #tpu.memory_space<vmem>>, vector<16xi32>,
        tpu.vector_store %arg19[%parallel_loop3A_348], %parallel_loop3A_347 {strides = array<i32>} : memref<4160xi32, #tpu.memory_space<vmem>>, vector<16xi32>,
      } {sc.loop_unroll_factor = 2 : i64, sc.parallel_access}
      %scan3A_232 = arith.constant 0 : i32
      %scan3A_233 = arith.constant 0 : i32
      %scan3A_234 = arith.constant 16 : i32
      %scan3A_235 = arith.addi %scan3A_233, %scan3A_234 : i32
      %scan3A_236 = arith.constant 1 : i32
      %scan3A_237 = scf.for %scan3A_281 = %scan3A_233 to %scan3A_235 step %scan3A_236 iter_args(%scan3A_282 = %scan3A_232) -> (i32)  : i32 {
        %mul3A_283 = arith.constant 16 : i32
        %mul3A_284 = arith.muli %scan3A_281, %mul3A_283 : i32
        %get3A = arith.index_cast %mul3A_284 : i32 to index
        %get3A_285 = tpu.vector_load %arg16[%get3A] {strides = array<i32>} : memref<256xi32, #tpu.memory_space<vmem>>, vector<16xi32>,
        %mul3A_286 = arith.constant 16 : i32
        %mul3A_287 = arith.muli %scan3A_281, %mul3A_286 : i32
        %get3A_288 = arith.index_cast %mul3A_287 : i32 to index
        %get3A_289 = tpu.vector_load %arg17[%get3A_288] {strides = array<i32>} : memref<256xi32, #tpu.memory_space<vmem>>, vector<16xi32>,
        %add3A_290 = arith.addi %get3A_285, %get3A_289 : vector<16xi32>
        %broadcast_in_dim3A_291 = arith.constant true
        %broadcast_in_dim3A_292 = vector.broadcast %broadcast_in_dim3A_291 : i1 to vector<16xi1>
        %masked_cumsum3A = tpu.scan <sum>, %add3A_290 masked %broadcast_in_dim3A_292 : vector<16xi32>, vector<16xi1> -> vector<16xi32>
        %sub3A_293 = arith.subi %masked_cumsum3A, %add3A_290 : vector<16xi32>
        %add3A_294 = vector.broadcast %scan3A_282 : i32 to vector<16xi32>
        %add3A_295 = arith.addi %sub3A_293, %add3A_294 : vector<16xi32>
        %mul3A_296 = arith.constant 16 : i32
        %mul3A_297 = arith.muli %scan3A_281, %mul3A_296 : i32
        %swap3A_298 = arith.index_cast %mul3A_297 : i32 to index
        %swap3A_299 = tpu.vector_load %arg18[%swap3A_298] {strides = array<i32>} : memref<256xi32, #tpu.memory_space<vmem>>, vector<16xi32>,
        tpu.vector_store %arg18[%swap3A_298], %add3A_295 {strides = array<i32>} : memref<256xi32, #tpu.memory_space<vmem>>, vector<16xi32>,
        %reduce_sum3A = arith.constant true
        %reduce_sum3A_300 = vector.broadcast %reduce_sum3A : i1 to vector<16xi1>
        %reduce_sum3A_301 = tpu.scan <sum>, %add3A_290 masked %reduce_sum3A_300 : vector<16xi32>, vector<16xi1> -> vector<16xi32>
        %reduce_sum3A_302 = vector.extract %reduce_sum3A_301[15] : i32 from vector<16xi32>
        %add3A_303 = arith.addi %scan3A_282, %reduce_sum3A_302 : i32
        scf.yield %add3A_303 : i32
      }
      %scan3A_238 = arith.constant 16 : i32
      %while3A_239 = arith.constant 0 : i32
      %while3A_240 = arith.constant 0 : i32
      %while3A_241 = arith.subi %select_n3A, %while3A_239 : i32
      %while3A_242 = arith.addi %while3A_239, %while3A_241 : i32
      %while3A_243 = arith.constant 1 : i32
      %while3A_244 = arith.divsi %while3A_241, %while3A_243 : i32
      %while3A_245 = arith.muli %while3A_244, %while3A_243 : i32
      %while3A_246 = arith.addi %while3A_239, %while3A_245 : i32
      %while3A_247 = arith.constant 1 : i32
      %while3A_248 = scf.for %while3A_281 = %while3A_239 to %while3A_246 step %while3A_247 iter_args(%while3A_282 = %while3A_240) -> (i32)  : i32 {
        %mul3A_283 = arith.constant 4 : i32
        %mul3A_284 = arith.muli %while3A_281, %mul3A_283 : i32
        %add3A_285 = arith.constant 0 : i32
        %add3A_286 = arith.addi %mul3A_284, %add3A_285 : i32
        %mul3A_287 = arith.constant 16 : i32
        %mul3A_288 = arith.muli %add3A_286, %mul3A_287 : i32
        %get3A = arith.index_cast %mul3A_288 : i32 to index
        %get3A_289 = tpu.vector_load %arg19[%get3A] {strides = array<i32>} : memref<4160xi32, #tpu.memory_space<vmem>>, vector<16xi32>,
        %and3A_290 = arith.constant 255 : i32
        %and3A_291 = vector.broadcast %and3A_290 : i32 to vector<16xi32>
        %and3A_292 = arith.andi %get3A_289, %and3A_291 : vector<16xi32>
        %shift_right_arithmetic3A = arith.constant 8 : i32
        %shift_right_arithmetic3A_293 = vector.broadcast %shift_right_arithmetic3A : i32 to vector<16xi32>
        %shift_right_arithmetic3A_294 = arith.shrsi %get3A_289, %shift_right_arithmetic3A_293 : vector<16xi32>
        %and3A_295 = arith.constant 63 : i32
        %and3A_296 = vector.broadcast %and3A_295 : i32 to vector<16xi32>
        %and3A_297 = arith.andi %shift_right_arithmetic3A_294, %and3A_296 : vector<16xi32>
        %shift_right_arithmetic3A_298 = arith.constant 14 : i32
        %shift_right_arithmetic3A_299 = vector.broadcast %shift_right_arithmetic3A_298 : i32 to vector<16xi32>
        %shift_right_arithmetic3A_300 = arith.shrsi %get3A_289, %shift_right_arithmetic3A_299 : vector<16xi32>
        %gt3A = arith.constant 0 : i32
        %gt3A_301 = vector.broadcast %gt3A : i32 to vector<16xi32>
        %gt3A_302 = arith.cmpi sgt, %shift_right_arithmetic3A_300, %gt3A_301 : vector<16xi32>
        %get3A_303 = arith.index_cast %mul3A_288 : i32 to index
        %get3A_304 = tpu.vector_load %arg12[%get3A_303] {strides = array<i32>} : memref<4160xi32, #tpu.memory_space<vmem>>, vector<16xi32>,
        %get3A_305 = arith.index_cast %mul3A_288 : i32 to index
        %get3A_306 = tpu.vector_load %arg13[%get3A_305] {strides = array<i32>} : memref<4160xi32, #tpu.memory_space<vmem>>, vector<16xi32>,
        %gather3A = tpu.vector_load_idx %arg18[%and3A_292] : memref<256xi32, #tpu.memory_space<vmem>>[vector<16xi32>], vector<16xi32>,
        %add3A_307 = arith.addi %gather3A, %and3A_297 : vector<16xi32>
        tpu.vector_store_idx %arg14[%add3A_307], %get3A_304 : memref<4160xi32, #tpu.memory_space<vmem>>[vector<16xi32>], vector<16xi32>,
        tpu.vector_store_idx %arg15[%add3A_307], %get3A_306 : memref<4160xi32, #tpu.memory_space<vmem>>[vector<16xi32>], vector<16xi32>,
        %add3A_308 = arith.constant 1 : i32
        %add3A_309 = vector.broadcast %add3A_308 : i32 to vector<16xi32>
        %add3A_310 = arith.addi %and3A_297, %add3A_309 : vector<16xi32>
        tpu.vector_store_idx %arg18[%and3A_292], %add3A_310 masked %gt3A_302 {add = true} : memref<256xi32, #tpu.memory_space<vmem>>[vector<16xi32>], vector<16xi32>, vector<16xi1>
        %mul3A_311 = arith.constant 4 : i32
        %mul3A_312 = arith.muli %while3A_281, %mul3A_311 : i32
        %add3A_313 = arith.constant 1 : i32
        %add3A_314 = arith.addi %mul3A_312, %add3A_313 : i32
        %mul3A_315 = arith.constant 16 : i32
        %mul3A_316 = arith.muli %add3A_314, %mul3A_315 : i32
        %get3A_317 = arith.index_cast %mul3A_316 : i32 to index
        %get3A_318 = tpu.vector_load %arg19[%get3A_317] {strides = array<i32>} : memref<4160xi32, #tpu.memory_space<vmem>>, vector<16xi32>,
        %and3A_319 = arith.constant 255 : i32
        %and3A_320 = vector.broadcast %and3A_319 : i32 to vector<16xi32>
        %and3A_321 = arith.andi %get3A_318, %and3A_320 : vector<16xi32>
        %shift_right_arithmetic3A_322 = arith.constant 8 : i32
        %shift_right_arithmetic3A_323 = vector.broadcast %shift_right_arithmetic3A_322 : i32 to vector<16xi32>
        %shift_right_arithmetic3A_324 = arith.shrsi %get3A_318, %shift_right_arithmetic3A_323 : vector<16xi32>
        %and3A_325 = arith.constant 63 : i32
        %and3A_326 = vector.broadcast %and3A_325 : i32 to vector<16xi32>
        %and3A_327 = arith.andi %shift_right_arithmetic3A_324, %and3A_326 : vector<16xi32>
        %shift_right_arithmetic3A_328 = arith.constant 14 : i32
        %shift_right_arithmetic3A_329 = vector.broadcast %shift_right_arithmetic3A_328 : i32 to vector<16xi32>
        %shift_right_arithmetic3A_330 = arith.shrsi %get3A_318, %shift_right_arithmetic3A_329 : vector<16xi32>
        %gt3A_331 = arith.constant 0 : i32
        %gt3A_332 = vector.broadcast %gt3A_331 : i32 to vector<16xi32>
        %gt3A_333 = arith.cmpi sgt, %shift_right_arithmetic3A_330, %gt3A_332 : vector<16xi32>
        %get3A_334 = arith.index_cast %mul3A_316 : i32 to index
        %get3A_335 = tpu.vector_load %arg12[%get3A_334] {strides = array<i32>} : memref<4160xi32, #tpu.memory_space<vmem>>, vector<16xi32>,
        %get3A_336 = arith.index_cast %mul3A_316 : i32 to index
        %get3A_337 = tpu.vector_load %arg13[%get3A_336] {strides = array<i32>} : memref<4160xi32, #tpu.memory_space<vmem>>, vector<16xi32>,
        %gather3A_338 = tpu.vector_load_idx %arg18[%and3A_321] : memref<256xi32, #tpu.memory_space<vmem>>[vector<16xi32>], vector<16xi32>,
        %add3A_339 = arith.addi %gather3A_338, %and3A_327 : vector<16xi32>
        tpu.vector_store_idx %arg14[%add3A_339], %get3A_335 : memref<4160xi32, #tpu.memory_space<vmem>>[vector<16xi32>], vector<16xi32>,
        tpu.vector_store_idx %arg15[%add3A_339], %get3A_337 : memref<4160xi32, #tpu.memory_space<vmem>>[vector<16xi32>], vector<16xi32>,
        %add3A_340 = arith.constant 1 : i32
        %add3A_341 = vector.broadcast %add3A_340 : i32 to vector<16xi32>
        %add3A_342 = arith.addi %and3A_327, %add3A_341 : vector<16xi32>
        tpu.vector_store_idx %arg18[%and3A_321], %add3A_342 masked %gt3A_333 {add = true} : memref<256xi32, #tpu.memory_space<vmem>>[vector<16xi32>], vector<16xi32>, vector<16xi1>
        %mul3A_343 = arith.constant 4 : i32
        %mul3A_344 = arith.muli %while3A_281, %mul3A_343 : i32
        %add3A_345 = arith.constant 2 : i32
        %add3A_346 = arith.addi %mul3A_344, %add3A_345 : i32
        %mul3A_347 = arith.constant 16 : i32
        %mul3A_348 = arith.muli %add3A_346, %mul3A_347 : i32
        %get3A_349 = arith.index_cast %mul3A_348 : i32 to index
        %get3A_350 = tpu.vector_load %arg19[%get3A_349] {strides = array<i32>} : memref<4160xi32, #tpu.memory_space<vmem>>, vector<16xi32>,
        %and3A_351 = arith.constant 255 : i32
        %and3A_352 = vector.broadcast %and3A_351 : i32 to vector<16xi32>
        %and3A_353 = arith.andi %get3A_350, %and3A_352 : vector<16xi32>
        %shift_right_arithmetic3A_354 = arith.constant 8 : i32
        %shift_right_arithmetic3A_355 = vector.broadcast %shift_right_arithmetic3A_354 : i32 to vector<16xi32>
        %shift_right_arithmetic3A_356 = arith.shrsi %get3A_350, %shift_right_arithmetic3A_355 : vector<16xi32>
        %and3A_357 = arith.constant 63 : i32
        %and3A_358 = vector.broadcast %and3A_357 : i32 to vector<16xi32>
        %and3A_359 = arith.andi %shift_right_arithmetic3A_356, %and3A_358 : vector<16xi32>
        %shift_right_arithmetic3A_360 = arith.constant 14 : i32
        %shift_right_arithmetic3A_361 = vector.broadcast %shift_right_arithmetic3A_360 : i32 to vector<16xi32>
        %shift_right_arithmetic3A_362 = arith.shrsi %get3A_350, %shift_right_arithmetic3A_361 : vector<16xi32>
        %gt3A_363 = arith.constant 0 : i32
        %gt3A_364 = vector.broadcast %gt3A_363 : i32 to vector<16xi32>
        %gt3A_365 = arith.cmpi sgt, %shift_right_arithmetic3A_362, %gt3A_364 : vector<16xi32>
        %get3A_366 = arith.index_cast %mul3A_348 : i32 to index
        %get3A_367 = tpu.vector_load %arg12[%get3A_366] {strides = array<i32>} : memref<4160xi32, #tpu.memory_space<vmem>>, vector<16xi32>,
        %get3A_368 = arith.index_cast %mul3A_348 : i32 to index
        %get3A_369 = tpu.vector_load %arg13[%get3A_368] {strides = array<i32>} : memref<4160xi32, #tpu.memory_space<vmem>>, vector<16xi32>,
        %gather3A_370 = tpu.vector_load_idx %arg18[%and3A_353] : memref<256xi32, #tpu.memory_space<vmem>>[vector<16xi32>], vector<16xi32>,
        %add3A_371 = arith.addi %gather3A_370, %and3A_359 : vector<16xi32>
        tpu.vector_store_idx %arg14[%add3A_371], %get3A_367 : memref<4160xi32, #tpu.memory_space<vmem>>[vector<16xi32>], vector<16xi32>,
        tpu.vector_store_idx %arg15[%add3A_371], %get3A_369 : memref<4160xi32, #tpu.memory_space<vmem>>[vector<16xi32>], vector<16xi32>,
        %add3A_372 = arith.constant 1 : i32
        %add3A_373 = vector.broadcast %add3A_372 : i32 to vector<16xi32>
        %add3A_374 = arith.addi %and3A_359, %add3A_373 : vector<16xi32>
        tpu.vector_store_idx %arg18[%and3A_353], %add3A_374 masked %gt3A_365 {add = true} : memref<256xi32, #tpu.memory_space<vmem>>[vector<16xi32>], vector<16xi32>, vector<16xi1>
        %mul3A_375 = arith.constant 4 : i32
        %mul3A_376 = arith.muli %while3A_281, %mul3A_375 : i32
        %add3A_377 = arith.constant 3 : i32
        %add3A_378 = arith.addi %mul3A_376, %add3A_377 : i32
        %mul3A_379 = arith.constant 16 : i32
        %mul3A_380 = arith.muli %add3A_378, %mul3A_379 : i32
        %get3A_381 = arith.index_cast %mul3A_380 : i32 to index
        %get3A_382 = tpu.vector_load %arg19[%get3A_381] {strides = array<i32>} : memref<4160xi32, #tpu.memory_space<vmem>>, vector<16xi32>,
        %and3A_383 = arith.constant 255 : i32
        %and3A_384 = vector.broadcast %and3A_383 : i32 to vector<16xi32>
        %and3A_385 = arith.andi %get3A_382, %and3A_384 : vector<16xi32>
        %shift_right_arithmetic3A_386 = arith.constant 8 : i32
        %shift_right_arithmetic3A_387 = vector.broadcast %shift_right_arithmetic3A_386 : i32 to vector<16xi32>
        %shift_right_arithmetic3A_388 = arith.shrsi %get3A_382, %shift_right_arithmetic3A_387 : vector<16xi32>
        %and3A_389 = arith.constant 63 : i32
        %and3A_390 = vector.broadcast %and3A_389 : i32 to vector<16xi32>
        %and3A_391 = arith.andi %shift_right_arithmetic3A_388, %and3A_390 : vector<16xi32>
        %shift_right_arithmetic3A_392 = arith.constant 14 : i32
        %shift_right_arithmetic3A_393 = vector.broadcast %shift_right_arithmetic3A_392 : i32 to vector<16xi32>
        %shift_right_arithmetic3A_394 = arith.shrsi %get3A_382, %shift_right_arithmetic3A_393 : vector<16xi32>
        %gt3A_395 = arith.constant 0 : i32
        %gt3A_396 = vector.broadcast %gt3A_395 : i32 to vector<16xi32>
        %gt3A_397 = arith.cmpi sgt, %shift_right_arithmetic3A_394, %gt3A_396 : vector<16xi32>
        %get3A_398 = arith.index_cast %mul3A_380 : i32 to index
        %get3A_399 = tpu.vector_load %arg12[%get3A_398] {strides = array<i32>} : memref<4160xi32, #tpu.memory_space<vmem>>, vector<16xi32>,
        %get3A_400 = arith.index_cast %mul3A_380 : i32 to index
        %get3A_401 = tpu.vector_load %arg13[%get3A_400] {strides = array<i32>} : memref<4160xi32, #tpu.memory_space<vmem>>, vector<16xi32>,
        %gather3A_402 = tpu.vector_load_idx %arg18[%and3A_385] : memref<256xi32, #tpu.memory_space<vmem>>[vector<16xi32>], vector<16xi32>,
        %add3A_403 = arith.addi %gather3A_402, %and3A_391 : vector<16xi32>
        tpu.vector_store_idx %arg14[%add3A_403], %get3A_399 : memref<4160xi32, #tpu.memory_space<vmem>>[vector<16xi32>], vector<16xi32>,
        tpu.vector_store_idx %arg15[%add3A_403], %get3A_401 : memref<4160xi32, #tpu.memory_space<vmem>>[vector<16xi32>], vector<16xi32>,
        %add3A_404 = arith.constant 1 : i32
        %add3A_405 = vector.broadcast %add3A_404 : i32 to vector<16xi32>
        %add3A_406 = arith.addi %and3A_391, %add3A_405 : vector<16xi32>
        tpu.vector_store_idx %arg18[%and3A_385], %add3A_406 masked %gt3A_397 {add = true} : memref<256xi32, #tpu.memory_space<vmem>>[vector<16xi32>], vector<16xi32>, vector<16xi1>
        %while3A_407 = arith.constant 0 : i32
        scf.yield %while3A_407 : i32
      }
      %while3A_249 = arith.constant 1 : i32
      %while3A_250 = scf.for %while3A_281 = %while3A_246 to %while3A_242 step %while3A_249 iter_args(%while3A_282 = %while3A_248) -> (i32)  : i32 {
        %mul3A_283 = arith.constant 4 : i32
        %mul3A_284 = arith.muli %while3A_281, %mul3A_283 : i32
        %add3A_285 = arith.constant 0 : i32
        %add3A_286 = arith.addi %mul3A_284, %add3A_285 : i32
        %mul3A_287 = arith.constant 16 : i32
        %mul3A_288 = arith.muli %add3A_286, %mul3A_287 : i32
        %get3A = arith.index_cast %mul3A_288 : i32 to index
        %get3A_289 = tpu.vector_load %arg19[%get3A] {strides = array<i32>} : memref<4160xi32, #tpu.memory_space<vmem>>, vector<16xi32>,
        %and3A_290 = arith.constant 255 : i32
        %and3A_291 = vector.broadcast %and3A_290 : i32 to vector<16xi32>
        %and3A_292 = arith.andi %get3A_289, %and3A_291 : vector<16xi32>
        %shift_right_arithmetic3A = arith.constant 8 : i32
        %shift_right_arithmetic3A_293 = vector.broadcast %shift_right_arithmetic3A : i32 to vector<16xi32>
        %shift_right_arithmetic3A_294 = arith.shrsi %get3A_289, %shift_right_arithmetic3A_293 : vector<16xi32>
        %and3A_295 = arith.constant 63 : i32
        %and3A_296 = vector.broadcast %and3A_295 : i32 to vector<16xi32>
        %and3A_297 = arith.andi %shift_right_arithmetic3A_294, %and3A_296 : vector<16xi32>
        %shift_right_arithmetic3A_298 = arith.constant 14 : i32
        %shift_right_arithmetic3A_299 = vector.broadcast %shift_right_arithmetic3A_298 : i32 to vector<16xi32>
        %shift_right_arithmetic3A_300 = arith.shrsi %get3A_289, %shift_right_arithmetic3A_299 : vector<16xi32>
        %gt3A = arith.constant 0 : i32
        %gt3A_301 = vector.broadcast %gt3A : i32 to vector<16xi32>
        %gt3A_302 = arith.cmpi sgt, %shift_right_arithmetic3A_300, %gt3A_301 : vector<16xi32>
        %get3A_303 = arith.index_cast %mul3A_288 : i32 to index
        %get3A_304 = tpu.vector_load %arg12[%get3A_303] {strides = array<i32>} : memref<4160xi32, #tpu.memory_space<vmem>>, vector<16xi32>,
        %get3A_305 = arith.index_cast %mul3A_288 : i32 to index
        %get3A_306 = tpu.vector_load %arg13[%get3A_305] {strides = array<i32>} : memref<4160xi32, #tpu.memory_space<vmem>>, vector<16xi32>,
        %gather3A = tpu.vector_load_idx %arg18[%and3A_292] : memref<256xi32, #tpu.memory_space<vmem>>[vector<16xi32>], vector<16xi32>,
        %add3A_307 = arith.addi %gather3A, %and3A_297 : vector<16xi32>
        tpu.vector_store_idx %arg14[%add3A_307], %get3A_304 : memref<4160xi32, #tpu.memory_space<vmem>>[vector<16xi32>], vector<16xi32>,
        tpu.vector_store_idx %arg15[%add3A_307], %get3A_306 : memref<4160xi32, #tpu.memory_space<vmem>>[vector<16xi32>], vector<16xi32>,
        %add3A_308 = arith.constant 1 : i32
        %add3A_309 = vector.broadcast %add3A_308 : i32 to vector<16xi32>
        %add3A_310 = arith.addi %and3A_297, %add3A_309 : vector<16xi32>
        tpu.vector_store_idx %arg18[%and3A_292], %add3A_310 masked %gt3A_302 {add = true} : memref<256xi32, #tpu.memory_space<vmem>>[vector<16xi32>], vector<16xi32>, vector<16xi1>
        %mul3A_311 = arith.constant 4 : i32
        %mul3A_312 = arith.muli %while3A_281, %mul3A_311 : i32
        %add3A_313 = arith.constant 1 : i32
        %add3A_314 = arith.addi %mul3A_312, %add3A_313 : i32
        %mul3A_315 = arith.constant 16 : i32
        %mul3A_316 = arith.muli %add3A_314, %mul3A_315 : i32
        %get3A_317 = arith.index_cast %mul3A_316 : i32 to index
        %get3A_318 = tpu.vector_load %arg19[%get3A_317] {strides = array<i32>} : memref<4160xi32, #tpu.memory_space<vmem>>, vector<16xi32>,
        %and3A_319 = arith.constant 255 : i32
        %and3A_320 = vector.broadcast %and3A_319 : i32 to vector<16xi32>
        %and3A_321 = arith.andi %get3A_318, %and3A_320 : vector<16xi32>
        %shift_right_arithmetic3A_322 = arith.constant 8 : i32
        %shift_right_arithmetic3A_323 = vector.broadcast %shift_right_arithmetic3A_322 : i32 to vector<16xi32>
        %shift_right_arithmetic3A_324 = arith.shrsi %get3A_318, %shift_right_arithmetic3A_323 : vector<16xi32>
        %and3A_325 = arith.constant 63 : i32
        %and3A_326 = vector.broadcast %and3A_325 : i32 to vector<16xi32>
        %and3A_327 = arith.andi %shift_right_arithmetic3A_324, %and3A_326 : vector<16xi32>
        %shift_right_arithmetic3A_328 = arith.constant 14 : i32
        %shift_right_arithmetic3A_329 = vector.broadcast %shift_right_arithmetic3A_328 : i32 to vector<16xi32>
        %shift_right_arithmetic3A_330 = arith.shrsi %get3A_318, %shift_right_arithmetic3A_329 : vector<16xi32>
        %gt3A_331 = arith.constant 0 : i32
        %gt3A_332 = vector.broadcast %gt3A_331 : i32 to vector<16xi32>
        %gt3A_333 = arith.cmpi sgt, %shift_right_arithmetic3A_330, %gt3A_332 : vector<16xi32>
        %get3A_334 = arith.index_cast %mul3A_316 : i32 to index
        %get3A_335 = tpu.vector_load %arg12[%get3A_334] {strides = array<i32>} : memref<4160xi32, #tpu.memory_space<vmem>>, vector<16xi32>,
        %get3A_336 = arith.index_cast %mul3A_316 : i32 to index
        %get3A_337 = tpu.vector_load %arg13[%get3A_336] {strides = array<i32>} : memref<4160xi32, #tpu.memory_space<vmem>>, vector<16xi32>,
        %gather3A_338 = tpu.vector_load_idx %arg18[%and3A_321] : memref<256xi32, #tpu.memory_space<vmem>>[vector<16xi32>], vector<16xi32>,
        %add3A_339 = arith.addi %gather3A_338, %and3A_327 : vector<16xi32>
        tpu.vector_store_idx %arg14[%add3A_339], %get3A_335 : memref<4160xi32, #tpu.memory_space<vmem>>[vector<16xi32>], vector<16xi32>,
        tpu.vector_store_idx %arg15[%add3A_339], %get3A_337 : memref<4160xi32, #tpu.memory_space<vmem>>[vector<16xi32>], vector<16xi32>,
        %add3A_340 = arith.constant 1 : i32
        %add3A_341 = vector.broadcast %add3A_340 : i32 to vector<16xi32>
        %add3A_342 = arith.addi %and3A_327, %add3A_341 : vector<16xi32>
        tpu.vector_store_idx %arg18[%and3A_321], %add3A_342 masked %gt3A_333 {add = true} : memref<256xi32, #tpu.memory_space<vmem>>[vector<16xi32>], vector<16xi32>, vector<16xi1>
        %mul3A_343 = arith.constant 4 : i32
        %mul3A_344 = arith.muli %while3A_281, %mul3A_343 : i32
        %add3A_345 = arith.constant 2 : i32
        %add3A_346 = arith.addi %mul3A_344, %add3A_345 : i32
        %mul3A_347 = arith.constant 16 : i32
        %mul3A_348 = arith.muli %add3A_346, %mul3A_347 : i32
        %get3A_349 = arith.index_cast %mul3A_348 : i32 to index
        %get3A_350 = tpu.vector_load %arg19[%get3A_349] {strides = array<i32>} : memref<4160xi32, #tpu.memory_space<vmem>>, vector<16xi32>,
        %and3A_351 = arith.constant 255 : i32
        %and3A_352 = vector.broadcast %and3A_351 : i32 to vector<16xi32>
        %and3A_353 = arith.andi %get3A_350, %and3A_352 : vector<16xi32>
        %shift_right_arithmetic3A_354 = arith.constant 8 : i32
        %shift_right_arithmetic3A_355 = vector.broadcast %shift_right_arithmetic3A_354 : i32 to vector<16xi32>
        %shift_right_arithmetic3A_356 = arith.shrsi %get3A_350, %shift_right_arithmetic3A_355 : vector<16xi32>
        %and3A_357 = arith.constant 63 : i32
        %and3A_358 = vector.broadcast %and3A_357 : i32 to vector<16xi32>
        %and3A_359 = arith.andi %shift_right_arithmetic3A_356, %and3A_358 : vector<16xi32>
        %shift_right_arithmetic3A_360 = arith.constant 14 : i32
        %shift_right_arithmetic3A_361 = vector.broadcast %shift_right_arithmetic3A_360 : i32 to vector<16xi32>
        %shift_right_arithmetic3A_362 = arith.shrsi %get3A_350, %shift_right_arithmetic3A_361 : vector<16xi32>
        %gt3A_363 = arith.constant 0 : i32
        %gt3A_364 = vector.broadcast %gt3A_363 : i32 to vector<16xi32>
        %gt3A_365 = arith.cmpi sgt, %shift_right_arithmetic3A_362, %gt3A_364 : vector<16xi32>
        %get3A_366 = arith.index_cast %mul3A_348 : i32 to index
        %get3A_367 = tpu.vector_load %arg12[%get3A_366] {strides = array<i32>} : memref<4160xi32, #tpu.memory_space<vmem>>, vector<16xi32>,
        %get3A_368 = arith.index_cast %mul3A_348 : i32 to index
        %get3A_369 = tpu.vector_load %arg13[%get3A_368] {strides = array<i32>} : memref<4160xi32, #tpu.memory_space<vmem>>, vector<16xi32>,
        %gather3A_370 = tpu.vector_load_idx %arg18[%and3A_353] : memref<256xi32, #tpu.memory_space<vmem>>[vector<16xi32>], vector<16xi32>,
        %add3A_371 = arith.addi %gather3A_370, %and3A_359 : vector<16xi32>
        tpu.vector_store_idx %arg14[%add3A_371], %get3A_367 : memref<4160xi32, #tpu.memory_space<vmem>>[vector<16xi32>], vector<16xi32>,
        tpu.vector_store_idx %arg15[%add3A_371], %get3A_369 : memref<4160xi32, #tpu.memory_space<vmem>>[vector<16xi32>], vector<16xi32>,
        %add3A_372 = arith.constant 1 : i32
        %add3A_373 = vector.broadcast %add3A_372 : i32 to vector<16xi32>
        %add3A_374 = arith.addi %and3A_359, %add3A_373 : vector<16xi32>
        tpu.vector_store_idx %arg18[%and3A_353], %add3A_374 masked %gt3A_365 {add = true} : memref<256xi32, #tpu.memory_space<vmem>>[vector<16xi32>], vector<16xi32>, vector<16xi1>
        %mul3A_375 = arith.constant 4 : i32
        %mul3A_376 = arith.muli %while3A_281, %mul3A_375 : i32
        %add3A_377 = arith.constant 3 : i32
        %add3A_378 = arith.addi %mul3A_376, %add3A_377 : i32
        %mul3A_379 = arith.constant 16 : i32
        %mul3A_380 = arith.muli %add3A_378, %mul3A_379 : i32
        %get3A_381 = arith.index_cast %mul3A_380 : i32 to index
        %get3A_382 = tpu.vector_load %arg19[%get3A_381] {strides = array<i32>} : memref<4160xi32, #tpu.memory_space<vmem>>, vector<16xi32>,
        %and3A_383 = arith.constant 255 : i32
        %and3A_384 = vector.broadcast %and3A_383 : i32 to vector<16xi32>
        %and3A_385 = arith.andi %get3A_382, %and3A_384 : vector<16xi32>
        %shift_right_arithmetic3A_386 = arith.constant 8 : i32
        %shift_right_arithmetic3A_387 = vector.broadcast %shift_right_arithmetic3A_386 : i32 to vector<16xi32>
        %shift_right_arithmetic3A_388 = arith.shrsi %get3A_382, %shift_right_arithmetic3A_387 : vector<16xi32>
        %and3A_389 = arith.constant 63 : i32
        %and3A_390 = vector.broadcast %and3A_389 : i32 to vector<16xi32>
        %and3A_391 = arith.andi %shift_right_arithmetic3A_388, %and3A_390 : vector<16xi32>
        %shift_right_arithmetic3A_392 = arith.constant 14 : i32
        %shift_right_arithmetic3A_393 = vector.broadcast %shift_right_arithmetic3A_392 : i32 to vector<16xi32>
        %shift_right_arithmetic3A_394 = arith.shrsi %get3A_382, %shift_right_arithmetic3A_393 : vector<16xi32>
        %gt3A_395 = arith.constant 0 : i32
        %gt3A_396 = vector.broadcast %gt3A_395 : i32 to vector<16xi32>
        %gt3A_397 = arith.cmpi sgt, %shift_right_arithmetic3A_394, %gt3A_396 : vector<16xi32>
        %get3A_398 = arith.index_cast %mul3A_380 : i32 to index
        %get3A_399 = tpu.vector_load %arg12[%get3A_398] {strides = array<i32>} : memref<4160xi32, #tpu.memory_space<vmem>>, vector<16xi32>,
        %get3A_400 = arith.index_cast %mul3A_380 : i32 to index
        %get3A_401 = tpu.vector_load %arg13[%get3A_400] {strides = array<i32>} : memref<4160xi32, #tpu.memory_space<vmem>>, vector<16xi32>,
        %gather3A_402 = tpu.vector_load_idx %arg18[%and3A_385] : memref<256xi32, #tpu.memory_space<vmem>>[vector<16xi32>], vector<16xi32>,
        %add3A_403 = arith.addi %gather3A_402, %and3A_391 : vector<16xi32>
        tpu.vector_store_idx %arg14[%add3A_403], %get3A_399 : memref<4160xi32, #tpu.memory_space<vmem>>[vector<16xi32>], vector<16xi32>,
        tpu.vector_store_idx %arg15[%add3A_403], %get3A_401 : memref<4160xi32, #tpu.memory_space<vmem>>[vector<16xi32>], vector<16xi32>,
        %add3A_404 = arith.constant 1 : i32
        %add3A_405 = vector.broadcast %add3A_404 : i32 to vector<16xi32>
        %add3A_406 = arith.addi %and3A_391, %add3A_405 : vector<16xi32>
        tpu.vector_store_idx %arg18[%and3A_385], %add3A_406 masked %gt3A_397 {add = true} : memref<256xi32, #tpu.memory_space<vmem>>[vector<16xi32>], vector<16xi32>, vector<16xi1>
        %while3A_407 = arith.constant 0 : i32
        scf.yield %while3A_407 : i32
      }
      %parallel_loop3A_251 = arith.constant 0 : i32
      %parallel_loop3A_252 = arith.constant 16 : i32
      %parallel_loop3A_253 = arith.constant 1 : i32
      scf.for %parallel_loop3A_281 = %parallel_loop3A_251 to %parallel_loop3A_252 step %parallel_loop3A_253  : i32 {
        %parallel_loop3A_282 = arith.constant 16 : i32
        %parallel_loop3A_283 = arith.muli %parallel_loop3A_281, %parallel_loop3A_282 : i32
        %parallel_loop3A_284 = arith.index_cast %parallel_loop3A_283 : i32 to index
        %parallel_loop3A_285 = tpu.vector_load %arg16[%parallel_loop3A_284] {strides = array<i32>} : memref<256xi32, #tpu.memory_space<vmem>>, vector<16xi32>,
        tpu.vector_store %arg16[%parallel_loop3A_284], %broadcast_in_dim3A_1 {strides = array<i32>} : memref<256xi32, #tpu.memory_space<vmem>>, vector<16xi32>,
        %parallel_loop3A_286 = arith.constant 16 : i32
        %parallel_loop3A_287 = arith.muli %parallel_loop3A_281, %parallel_loop3A_286 : i32
        %parallel_loop3A_288 = arith.index_cast %parallel_loop3A_287 : i32 to index
        %parallel_loop3A_289 = tpu.vector_load %arg17[%parallel_loop3A_288] {strides = array<i32>} : memref<256xi32, #tpu.memory_space<vmem>>, vector<16xi32>,
        tpu.vector_store %arg17[%parallel_loop3A_288], %broadcast_in_dim3A_1 {strides = array<i32>} : memref<256xi32, #tpu.memory_space<vmem>>, vector<16xi32>,
      } {sc.loop_unroll_factor = 4 : i64, sc.parallel_access}
      %mul3A_254 = arith.constant 2 : i32
      %mul3A_255 = arith.muli %select_n3A, %mul3A_254 : i32
      %parallel_loop3A_256 = arith.constant 0 : i32
      %parallel_loop3A_257 = arith.constant 1 : i32
      scf.for %parallel_loop3A_281 = %parallel_loop3A_256 to %mul3A_255 step %parallel_loop3A_257  : i32 {
        %parallel_loop3A_282 = arith.constant 2 : i32
        %parallel_loop3A_283 = arith.muli %parallel_loop3A_281, %parallel_loop3A_282 : i32
        %parallel_loop3A_284 = arith.constant 0 : i32
        %parallel_loop3A_285 = arith.addi %parallel_loop3A_283, %parallel_loop3A_284 : i32
        %parallel_loop3A_286 = arith.constant 16 : i32
        %parallel_loop3A_287 = arith.muli %parallel_loop3A_285, %parallel_loop3A_286 : i32
        %parallel_loop3A_288 = arith.index_cast %parallel_loop3A_287 : i32 to index
        %parallel_loop3A_289 = tpu.vector_load %arg14[%parallel_loop3A_288] {strides = array<i32>} : memref<4160xi32, #tpu.memory_space<vmem>>, vector<16xi32>,
        %parallel_loop3A_290 = vector.bitcast %parallel_loop3A_289 : vector<16xi32> to vector<16xi32>
        %parallel_loop3A_291 = arith.constant 24 : i32
        %parallel_loop3A_292 = vector.broadcast %parallel_loop3A_291 : i32 to vector<16xi32>
        %parallel_loop3A_293 = arith.shrui %parallel_loop3A_290, %parallel_loop3A_292 : vector<16xi32>
        %parallel_loop3A_294 = arith.constant 255 : i32
        %parallel_loop3A_295 = vector.broadcast %parallel_loop3A_294 : i32 to vector<16xi32>
        %parallel_loop3A_296 = arith.andi %parallel_loop3A_293, %parallel_loop3A_295 : vector<16xi32>
        %parallel_loop3A_297 = vector.bitcast %parallel_loop3A_296 : vector<16xi32> to vector<16xi32>
        %parallel_loop3A_298 = arith.constant true
        %parallel_loop3A_299 = vector.broadcast %parallel_loop3A_298 : i1 to vector<16xi1>
        %parallel_loop3A_300, %parallel_loop3A_301 = tpu.scan_count mask(%parallel_loop3A_299 : vector<16xi1>) value(%parallel_loop3A_297 : vector<16xi32>) : vector<16xi1>, vector<16xi32>
        tpu.vector_store_idx %arg16[%parallel_loop3A_297], %parallel_loop3A_301 masked %parallel_loop3A_300 {add = true} : memref<256xi32, #tpu.memory_space<vmem>>[vector<16xi32>], vector<16xi32>, vector<16xi1>
        %parallel_loop3A_302 = arith.constant 1 : i32
        %parallel_loop3A_303 = vector.broadcast %parallel_loop3A_302 : i32 to vector<16xi32>
        %parallel_loop3A_304 = arith.subi %parallel_loop3A_301, %parallel_loop3A_303 : vector<16xi32>
        %parallel_loop3A_305 = arith.constant 8 : i32
        %parallel_loop3A_306 = vector.broadcast %parallel_loop3A_305 : i32 to vector<16xi32>
        %parallel_loop3A_307 = arith.shli %parallel_loop3A_304, %parallel_loop3A_306 : vector<16xi32>
        %parallel_loop3A_308 = arith.ori %parallel_loop3A_297, %parallel_loop3A_307 : vector<16xi32>
        %parallel_loop3A_309 = arith.extui %parallel_loop3A_300 : vector<16xi1> to vector<16xi32>
        %parallel_loop3A_310 = arith.constant 14 : i32
        %parallel_loop3A_311 = vector.broadcast %parallel_loop3A_310 : i32 to vector<16xi32>
        %parallel_loop3A_312 = arith.shli %parallel_loop3A_309, %parallel_loop3A_311 : vector<16xi32>
        %parallel_loop3A_313 = arith.ori %parallel_loop3A_308, %parallel_loop3A_312 : vector<16xi32>
        %parallel_loop3A_314 = arith.index_cast %parallel_loop3A_287 : i32 to index
        %parallel_loop3A_315 = tpu.vector_load %arg19[%parallel_loop3A_314] {strides = array<i32>} : memref<4160xi32, #tpu.memory_space<vmem>>, vector<16xi32>,
        tpu.vector_store %arg19[%parallel_loop3A_314], %parallel_loop3A_313 {strides = array<i32>} : memref<4160xi32, #tpu.memory_space<vmem>>, vector<16xi32>,
        %parallel_loop3A_316 = arith.constant 2 : i32
        %parallel_loop3A_317 = arith.muli %parallel_loop3A_281, %parallel_loop3A_316 : i32
        %parallel_loop3A_318 = arith.constant 1 : i32
        %parallel_loop3A_319 = arith.addi %parallel_loop3A_317, %parallel_loop3A_318 : i32
        %parallel_loop3A_320 = arith.constant 16 : i32
        %parallel_loop3A_321 = arith.muli %parallel_loop3A_319, %parallel_loop3A_320 : i32
        %parallel_loop3A_322 = arith.index_cast %parallel_loop3A_321 : i32 to index
        %parallel_loop3A_323 = tpu.vector_load %arg14[%parallel_loop3A_322] {strides = array<i32>} : memref<4160xi32, #tpu.memory_space<vmem>>, vector<16xi32>,
        %parallel_loop3A_324 = vector.bitcast %parallel_loop3A_323 : vector<16xi32> to vector<16xi32>
        %parallel_loop3A_325 = arith.constant 24 : i32
        %parallel_loop3A_326 = vector.broadcast %parallel_loop3A_325 : i32 to vector<16xi32>
        %parallel_loop3A_327 = arith.shrui %parallel_loop3A_324, %parallel_loop3A_326 : vector<16xi32>
        %parallel_loop3A_328 = arith.constant 255 : i32
        %parallel_loop3A_329 = vector.broadcast %parallel_loop3A_328 : i32 to vector<16xi32>
        %parallel_loop3A_330 = arith.andi %parallel_loop3A_327, %parallel_loop3A_329 : vector<16xi32>
        %parallel_loop3A_331 = vector.bitcast %parallel_loop3A_330 : vector<16xi32> to vector<16xi32>
        %parallel_loop3A_332 = arith.constant true
        %parallel_loop3A_333 = vector.broadcast %parallel_loop3A_332 : i1 to vector<16xi1>
        %parallel_loop3A_334, %parallel_loop3A_335 = tpu.scan_count mask(%parallel_loop3A_333 : vector<16xi1>) value(%parallel_loop3A_331 : vector<16xi32>) : vector<16xi1>, vector<16xi32>
        tpu.vector_store_idx %arg17[%parallel_loop3A_331], %parallel_loop3A_335 masked %parallel_loop3A_334 {add = true} : memref<256xi32, #tpu.memory_space<vmem>>[vector<16xi32>], vector<16xi32>, vector<16xi1>
        %parallel_loop3A_336 = arith.constant 1 : i32
        %parallel_loop3A_337 = vector.broadcast %parallel_loop3A_336 : i32 to vector<16xi32>
        %parallel_loop3A_338 = arith.subi %parallel_loop3A_335, %parallel_loop3A_337 : vector<16xi32>
        %parallel_loop3A_339 = arith.constant 8 : i32
        %parallel_loop3A_340 = vector.broadcast %parallel_loop3A_339 : i32 to vector<16xi32>
        %parallel_loop3A_341 = arith.shli %parallel_loop3A_338, %parallel_loop3A_340 : vector<16xi32>
        %parallel_loop3A_342 = arith.ori %parallel_loop3A_331, %parallel_loop3A_341 : vector<16xi32>
        %parallel_loop3A_343 = arith.extui %parallel_loop3A_334 : vector<16xi1> to vector<16xi32>
        %parallel_loop3A_344 = arith.constant 14 : i32
        %parallel_loop3A_345 = vector.broadcast %parallel_loop3A_344 : i32 to vector<16xi32>
        %parallel_loop3A_346 = arith.shli %parallel_loop3A_343, %parallel_loop3A_345 : vector<16xi32>
        %parallel_loop3A_347 = arith.ori %parallel_loop3A_342, %parallel_loop3A_346 : vector<16xi32>
        %parallel_loop3A_348 = arith.index_cast %parallel_loop3A_321 : i32 to index
        %parallel_loop3A_349 = tpu.vector_load %arg19[%parallel_loop3A_348] {strides = array<i32>} : memref<4160xi32, #tpu.memory_space<vmem>>, vector<16xi32>,
        tpu.vector_store %arg19[%parallel_loop3A_348], %parallel_loop3A_347 {strides = array<i32>} : memref<4160xi32, #tpu.memory_space<vmem>>, vector<16xi32>,
      } {sc.loop_unroll_factor = 2 : i64, sc.parallel_access}
      %scan3A_258 = arith.constant 0 : i32
      %scan3A_259 = arith.constant 0 : i32
      %scan3A_260 = arith.constant 16 : i32
      %scan3A_261 = arith.addi %scan3A_259, %scan3A_260 : i32
      %scan3A_262 = arith.constant 1 : i32
      %scan3A_263 = scf.for %scan3A_281 = %scan3A_259 to %scan3A_261 step %scan3A_262 iter_args(%scan3A_282 = %scan3A_258) -> (i32)  : i32 {
        %mul3A_283 = arith.constant 16 : i32
        %mul3A_284 = arith.muli %scan3A_281, %mul3A_283 : i32
        %get3A = arith.index_cast %mul3A_284 : i32 to index
        %get3A_285 = tpu.vector_load %arg16[%get3A] {strides = array<i32>} : memref<256xi32, #tpu.memory_space<vmem>>, vector<16xi32>,
        %mul3A_286 = arith.constant 16 : i32
        %mul3A_287 = arith.muli %scan3A_281, %mul3A_286 : i32
        %get3A_288 = arith.index_cast %mul3A_287 : i32 to index
        %get3A_289 = tpu.vector_load %arg17[%get3A_288] {strides = array<i32>} : memref<256xi32, #tpu.memory_space<vmem>>, vector<16xi32>,
        %add3A_290 = arith.addi %get3A_285, %get3A_289 : vector<16xi32>
        %broadcast_in_dim3A_291 = arith.constant true
        %broadcast_in_dim3A_292 = vector.broadcast %broadcast_in_dim3A_291 : i1 to vector<16xi1>
        %masked_cumsum3A = tpu.scan <sum>, %add3A_290 masked %broadcast_in_dim3A_292 : vector<16xi32>, vector<16xi1> -> vector<16xi32>
        %sub3A_293 = arith.subi %masked_cumsum3A, %add3A_290 : vector<16xi32>
        %add3A_294 = vector.broadcast %scan3A_282 : i32 to vector<16xi32>
        %add3A_295 = arith.addi %sub3A_293, %add3A_294 : vector<16xi32>
        %mul3A_296 = arith.constant 16 : i32
        %mul3A_297 = arith.muli %scan3A_281, %mul3A_296 : i32
        %swap3A_298 = arith.index_cast %mul3A_297 : i32 to index
        %swap3A_299 = tpu.vector_load %arg18[%swap3A_298] {strides = array<i32>} : memref<256xi32, #tpu.memory_space<vmem>>, vector<16xi32>,
        tpu.vector_store %arg18[%swap3A_298], %add3A_295 {strides = array<i32>} : memref<256xi32, #tpu.memory_space<vmem>>, vector<16xi32>,
        %reduce_sum3A = arith.constant true
        %reduce_sum3A_300 = vector.broadcast %reduce_sum3A : i1 to vector<16xi1>
        %reduce_sum3A_301 = tpu.scan <sum>, %add3A_290 masked %reduce_sum3A_300 : vector<16xi32>, vector<16xi1> -> vector<16xi32>
        %reduce_sum3A_302 = vector.extract %reduce_sum3A_301[15] : i32 from vector<16xi32>
        %add3A_303 = arith.addi %scan3A_282, %reduce_sum3A_302 : i32
        scf.yield %add3A_303 : i32
      }
      %scan3A_264 = arith.constant 16 : i32
      %while3A_265 = arith.constant 0 : i32
      %while3A_266 = arith.constant 0 : i32
      %while3A_267 = arith.subi %select_n3A, %while3A_265 : i32
      %while3A_268 = arith.addi %while3A_265, %while3A_267 : i32
      %while3A_269 = arith.constant 1 : i32
      %while3A_270 = arith.divsi %while3A_267, %while3A_269 : i32
      %while3A_271 = arith.muli %while3A_270, %while3A_269 : i32
      %while3A_272 = arith.addi %while3A_265, %while3A_271 : i32
      %while3A_273 = arith.constant 1 : i32
      %while3A_274 = scf.for %while3A_281 = %while3A_265 to %while3A_272 step %while3A_273 iter_args(%while3A_282 = %while3A_266) -> (i32)  : i32 {
        %mul3A_283 = arith.constant 4 : i32
        %mul3A_284 = arith.muli %while3A_281, %mul3A_283 : i32
        %add3A_285 = arith.constant 0 : i32
        %add3A_286 = arith.addi %mul3A_284, %add3A_285 : i32
        %mul3A_287 = arith.constant 16 : i32
        %mul3A_288 = arith.muli %add3A_286, %mul3A_287 : i32
        %get3A = arith.index_cast %mul3A_288 : i32 to index
        %get3A_289 = tpu.vector_load %arg19[%get3A] {strides = array<i32>} : memref<4160xi32, #tpu.memory_space<vmem>>, vector<16xi32>,
        %and3A_290 = arith.constant 255 : i32
        %and3A_291 = vector.broadcast %and3A_290 : i32 to vector<16xi32>
        %and3A_292 = arith.andi %get3A_289, %and3A_291 : vector<16xi32>
        %shift_right_arithmetic3A = arith.constant 8 : i32
        %shift_right_arithmetic3A_293 = vector.broadcast %shift_right_arithmetic3A : i32 to vector<16xi32>
        %shift_right_arithmetic3A_294 = arith.shrsi %get3A_289, %shift_right_arithmetic3A_293 : vector<16xi32>
        %and3A_295 = arith.constant 63 : i32
        %and3A_296 = vector.broadcast %and3A_295 : i32 to vector<16xi32>
        %and3A_297 = arith.andi %shift_right_arithmetic3A_294, %and3A_296 : vector<16xi32>
        %shift_right_arithmetic3A_298 = arith.constant 14 : i32
        %shift_right_arithmetic3A_299 = vector.broadcast %shift_right_arithmetic3A_298 : i32 to vector<16xi32>
        %shift_right_arithmetic3A_300 = arith.shrsi %get3A_289, %shift_right_arithmetic3A_299 : vector<16xi32>
        %gt3A = arith.constant 0 : i32
        %gt3A_301 = vector.broadcast %gt3A : i32 to vector<16xi32>
        %gt3A_302 = arith.cmpi sgt, %shift_right_arithmetic3A_300, %gt3A_301 : vector<16xi32>
        %get3A_303 = arith.index_cast %mul3A_288 : i32 to index
        %get3A_304 = tpu.vector_load %arg14[%get3A_303] {strides = array<i32>} : memref<4160xi32, #tpu.memory_space<vmem>>, vector<16xi32>,
        %get3A_305 = arith.index_cast %mul3A_288 : i32 to index
        %get3A_306 = tpu.vector_load %arg15[%get3A_305] {strides = array<i32>} : memref<4160xi32, #tpu.memory_space<vmem>>, vector<16xi32>,
        %gather3A = tpu.vector_load_idx %arg18[%and3A_292] : memref<256xi32, #tpu.memory_space<vmem>>[vector<16xi32>], vector<16xi32>,
        %add3A_307 = arith.addi %gather3A, %and3A_297 : vector<16xi32>
        tpu.vector_store_idx %arg12[%add3A_307], %get3A_304 : memref<4160xi32, #tpu.memory_space<vmem>>[vector<16xi32>], vector<16xi32>,
        tpu.vector_store_idx %arg13[%add3A_307], %get3A_306 : memref<4160xi32, #tpu.memory_space<vmem>>[vector<16xi32>], vector<16xi32>,
        %add3A_308 = arith.constant 1 : i32
        %add3A_309 = vector.broadcast %add3A_308 : i32 to vector<16xi32>
        %add3A_310 = arith.addi %and3A_297, %add3A_309 : vector<16xi32>
        tpu.vector_store_idx %arg18[%and3A_292], %add3A_310 masked %gt3A_302 {add = true} : memref<256xi32, #tpu.memory_space<vmem>>[vector<16xi32>], vector<16xi32>, vector<16xi1>
        %mul3A_311 = arith.constant 4 : i32
        %mul3A_312 = arith.muli %while3A_281, %mul3A_311 : i32
        %add3A_313 = arith.constant 1 : i32
        %add3A_314 = arith.addi %mul3A_312, %add3A_313 : i32
        %mul3A_315 = arith.constant 16 : i32
        %mul3A_316 = arith.muli %add3A_314, %mul3A_315 : i32
        %get3A_317 = arith.index_cast %mul3A_316 : i32 to index
        %get3A_318 = tpu.vector_load %arg19[%get3A_317] {strides = array<i32>} : memref<4160xi32, #tpu.memory_space<vmem>>, vector<16xi32>,
        %and3A_319 = arith.constant 255 : i32
        %and3A_320 = vector.broadcast %and3A_319 : i32 to vector<16xi32>
        %and3A_321 = arith.andi %get3A_318, %and3A_320 : vector<16xi32>
        %shift_right_arithmetic3A_322 = arith.constant 8 : i32
        %shift_right_arithmetic3A_323 = vector.broadcast %shift_right_arithmetic3A_322 : i32 to vector<16xi32>
        %shift_right_arithmetic3A_324 = arith.shrsi %get3A_318, %shift_right_arithmetic3A_323 : vector<16xi32>
        %and3A_325 = arith.constant 63 : i32
        %and3A_326 = vector.broadcast %and3A_325 : i32 to vector<16xi32>
        %and3A_327 = arith.andi %shift_right_arithmetic3A_324, %and3A_326 : vector<16xi32>
        %shift_right_arithmetic3A_328 = arith.constant 14 : i32
        %shift_right_arithmetic3A_329 = vector.broadcast %shift_right_arithmetic3A_328 : i32 to vector<16xi32>
        %shift_right_arithmetic3A_330 = arith.shrsi %get3A_318, %shift_right_arithmetic3A_329 : vector<16xi32>
        %gt3A_331 = arith.constant 0 : i32
        %gt3A_332 = vector.broadcast %gt3A_331 : i32 to vector<16xi32>
        %gt3A_333 = arith.cmpi sgt, %shift_right_arithmetic3A_330, %gt3A_332 : vector<16xi32>
        %get3A_334 = arith.index_cast %mul3A_316 : i32 to index
        %get3A_335 = tpu.vector_load %arg14[%get3A_334] {strides = array<i32>} : memref<4160xi32, #tpu.memory_space<vmem>>, vector<16xi32>,
        %get3A_336 = arith.index_cast %mul3A_316 : i32 to index
        %get3A_337 = tpu.vector_load %arg15[%get3A_336] {strides = array<i32>} : memref<4160xi32, #tpu.memory_space<vmem>>, vector<16xi32>,
        %gather3A_338 = tpu.vector_load_idx %arg18[%and3A_321] : memref<256xi32, #tpu.memory_space<vmem>>[vector<16xi32>], vector<16xi32>,
        %add3A_339 = arith.addi %gather3A_338, %and3A_327 : vector<16xi32>
        tpu.vector_store_idx %arg12[%add3A_339], %get3A_335 : memref<4160xi32, #tpu.memory_space<vmem>>[vector<16xi32>], vector<16xi32>,
        tpu.vector_store_idx %arg13[%add3A_339], %get3A_337 : memref<4160xi32, #tpu.memory_space<vmem>>[vector<16xi32>], vector<16xi32>,
        %add3A_340 = arith.constant 1 : i32
        %add3A_341 = vector.broadcast %add3A_340 : i32 to vector<16xi32>
        %add3A_342 = arith.addi %and3A_327, %add3A_341 : vector<16xi32>
        tpu.vector_store_idx %arg18[%and3A_321], %add3A_342 masked %gt3A_333 {add = true} : memref<256xi32, #tpu.memory_space<vmem>>[vector<16xi32>], vector<16xi32>, vector<16xi1>
        %mul3A_343 = arith.constant 4 : i32
        %mul3A_344 = arith.muli %while3A_281, %mul3A_343 : i32
        %add3A_345 = arith.constant 2 : i32
        %add3A_346 = arith.addi %mul3A_344, %add3A_345 : i32
        %mul3A_347 = arith.constant 16 : i32
        %mul3A_348 = arith.muli %add3A_346, %mul3A_347 : i32
        %get3A_349 = arith.index_cast %mul3A_348 : i32 to index
        %get3A_350 = tpu.vector_load %arg19[%get3A_349] {strides = array<i32>} : memref<4160xi32, #tpu.memory_space<vmem>>, vector<16xi32>,
        %and3A_351 = arith.constant 255 : i32
        %and3A_352 = vector.broadcast %and3A_351 : i32 to vector<16xi32>
        %and3A_353 = arith.andi %get3A_350, %and3A_352 : vector<16xi32>
        %shift_right_arithmetic3A_354 = arith.constant 8 : i32
        %shift_right_arithmetic3A_355 = vector.broadcast %shift_right_arithmetic3A_354 : i32 to vector<16xi32>
        %shift_right_arithmetic3A_356 = arith.shrsi %get3A_350, %shift_right_arithmetic3A_355 : vector<16xi32>
        %and3A_357 = arith.constant 63 : i32
        %and3A_358 = vector.broadcast %and3A_357 : i32 to vector<16xi32>
        %and3A_359 = arith.andi %shift_right_arithmetic3A_356, %and3A_358 : vector<16xi32>
        %shift_right_arithmetic3A_360 = arith.constant 14 : i32
        %shift_right_arithmetic3A_361 = vector.broadcast %shift_right_arithmetic3A_360 : i32 to vector<16xi32>
        %shift_right_arithmetic3A_362 = arith.shrsi %get3A_350, %shift_right_arithmetic3A_361 : vector<16xi32>
        %gt3A_363 = arith.constant 0 : i32
        %gt3A_364 = vector.broadcast %gt3A_363 : i32 to vector<16xi32>
        %gt3A_365 = arith.cmpi sgt, %shift_right_arithmetic3A_362, %gt3A_364 : vector<16xi32>
        %get3A_366 = arith.index_cast %mul3A_348 : i32 to index
        %get3A_367 = tpu.vector_load %arg14[%get3A_366] {strides = array<i32>} : memref<4160xi32, #tpu.memory_space<vmem>>, vector<16xi32>,
        %get3A_368 = arith.index_cast %mul3A_348 : i32 to index
        %get3A_369 = tpu.vector_load %arg15[%get3A_368] {strides = array<i32>} : memref<4160xi32, #tpu.memory_space<vmem>>, vector<16xi32>,
        %gather3A_370 = tpu.vector_load_idx %arg18[%and3A_353] : memref<256xi32, #tpu.memory_space<vmem>>[vector<16xi32>], vector<16xi32>,
        %add3A_371 = arith.addi %gather3A_370, %and3A_359 : vector<16xi32>
        tpu.vector_store_idx %arg12[%add3A_371], %get3A_367 : memref<4160xi32, #tpu.memory_space<vmem>>[vector<16xi32>], vector<16xi32>,
        tpu.vector_store_idx %arg13[%add3A_371], %get3A_369 : memref<4160xi32, #tpu.memory_space<vmem>>[vector<16xi32>], vector<16xi32>,
        %add3A_372 = arith.constant 1 : i32
        %add3A_373 = vector.broadcast %add3A_372 : i32 to vector<16xi32>
        %add3A_374 = arith.addi %and3A_359, %add3A_373 : vector<16xi32>
        tpu.vector_store_idx %arg18[%and3A_353], %add3A_374 masked %gt3A_365 {add = true} : memref<256xi32, #tpu.memory_space<vmem>>[vector<16xi32>], vector<16xi32>, vector<16xi1>
        %mul3A_375 = arith.constant 4 : i32
        %mul3A_376 = arith.muli %while3A_281, %mul3A_375 : i32
        %add3A_377 = arith.constant 3 : i32
        %add3A_378 = arith.addi %mul3A_376, %add3A_377 : i32
        %mul3A_379 = arith.constant 16 : i32
        %mul3A_380 = arith.muli %add3A_378, %mul3A_379 : i32
        %get3A_381 = arith.index_cast %mul3A_380 : i32 to index
        %get3A_382 = tpu.vector_load %arg19[%get3A_381] {strides = array<i32>} : memref<4160xi32, #tpu.memory_space<vmem>>, vector<16xi32>,
        %and3A_383 = arith.constant 255 : i32
        %and3A_384 = vector.broadcast %and3A_383 : i32 to vector<16xi32>
        %and3A_385 = arith.andi %get3A_382, %and3A_384 : vector<16xi32>
        %shift_right_arithmetic3A_386 = arith.constant 8 : i32
        %shift_right_arithmetic3A_387 = vector.broadcast %shift_right_arithmetic3A_386 : i32 to vector<16xi32>
        %shift_right_arithmetic3A_388 = arith.shrsi %get3A_382, %shift_right_arithmetic3A_387 : vector<16xi32>
        %and3A_389 = arith.constant 63 : i32
        %and3A_390 = vector.broadcast %and3A_389 : i32 to vector<16xi32>
        %and3A_391 = arith.andi %shift_right_arithmetic3A_388, %and3A_390 : vector<16xi32>
        %shift_right_arithmetic3A_392 = arith.constant 14 : i32
        %shift_right_arithmetic3A_393 = vector.broadcast %shift_right_arithmetic3A_392 : i32 to vector<16xi32>
        %shift_right_arithmetic3A_394 = arith.shrsi %get3A_382, %shift_right_arithmetic3A_393 : vector<16xi32>
        %gt3A_395 = arith.constant 0 : i32
        %gt3A_396 = vector.broadcast %gt3A_395 : i32 to vector<16xi32>
        %gt3A_397 = arith.cmpi sgt, %shift_right_arithmetic3A_394, %gt3A_396 : vector<16xi32>
        %get3A_398 = arith.index_cast %mul3A_380 : i32 to index
        %get3A_399 = tpu.vector_load %arg14[%get3A_398] {strides = array<i32>} : memref<4160xi32, #tpu.memory_space<vmem>>, vector<16xi32>,
        %get3A_400 = arith.index_cast %mul3A_380 : i32 to index
        %get3A_401 = tpu.vector_load %arg15[%get3A_400] {strides = array<i32>} : memref<4160xi32, #tpu.memory_space<vmem>>, vector<16xi32>,
        %gather3A_402 = tpu.vector_load_idx %arg18[%and3A_385] : memref<256xi32, #tpu.memory_space<vmem>>[vector<16xi32>], vector<16xi32>,
        %add3A_403 = arith.addi %gather3A_402, %and3A_391 : vector<16xi32>
        tpu.vector_store_idx %arg12[%add3A_403], %get3A_399 : memref<4160xi32, #tpu.memory_space<vmem>>[vector<16xi32>], vector<16xi32>,
        tpu.vector_store_idx %arg13[%add3A_403], %get3A_401 : memref<4160xi32, #tpu.memory_space<vmem>>[vector<16xi32>], vector<16xi32>,
        %add3A_404 = arith.constant 1 : i32
        %add3A_405 = vector.broadcast %add3A_404 : i32 to vector<16xi32>
        %add3A_406 = arith.addi %and3A_391, %add3A_405 : vector<16xi32>
        tpu.vector_store_idx %arg18[%and3A_385], %add3A_406 masked %gt3A_397 {add = true} : memref<256xi32, #tpu.memory_space<vmem>>[vector<16xi32>], vector<16xi32>, vector<16xi1>
        %while3A_407 = arith.constant 0 : i32
        scf.yield %while3A_407 : i32
      }
      %while3A_275 = arith.constant 1 : i32
      %while3A_276 = scf.for %while3A_281 = %while3A_272 to %while3A_268 step %while3A_275 iter_args(%while3A_282 = %while3A_274) -> (i32)  : i32 {
        %mul3A_283 = arith.constant 4 : i32
        %mul3A_284 = arith.muli %while3A_281, %mul3A_283 : i32
        %add3A_285 = arith.constant 0 : i32
        %add3A_286 = arith.addi %mul3A_284, %add3A_285 : i32
        %mul3A_287 = arith.constant 16 : i32
        %mul3A_288 = arith.muli %add3A_286, %mul3A_287 : i32
        %get3A = arith.index_cast %mul3A_288 : i32 to index
        %get3A_289 = tpu.vector_load %arg19[%get3A] {strides = array<i32>} : memref<4160xi32, #tpu.memory_space<vmem>>, vector<16xi32>,
        %and3A_290 = arith.constant 255 : i32
        %and3A_291 = vector.broadcast %and3A_290 : i32 to vector<16xi32>
        %and3A_292 = arith.andi %get3A_289, %and3A_291 : vector<16xi32>
        %shift_right_arithmetic3A = arith.constant 8 : i32
        %shift_right_arithmetic3A_293 = vector.broadcast %shift_right_arithmetic3A : i32 to vector<16xi32>
        %shift_right_arithmetic3A_294 = arith.shrsi %get3A_289, %shift_right_arithmetic3A_293 : vector<16xi32>
        %and3A_295 = arith.constant 63 : i32
        %and3A_296 = vector.broadcast %and3A_295 : i32 to vector<16xi32>
        %and3A_297 = arith.andi %shift_right_arithmetic3A_294, %and3A_296 : vector<16xi32>
        %shift_right_arithmetic3A_298 = arith.constant 14 : i32
        %shift_right_arithmetic3A_299 = vector.broadcast %shift_right_arithmetic3A_298 : i32 to vector<16xi32>
        %shift_right_arithmetic3A_300 = arith.shrsi %get3A_289, %shift_right_arithmetic3A_299 : vector<16xi32>
        %gt3A = arith.constant 0 : i32
        %gt3A_301 = vector.broadcast %gt3A : i32 to vector<16xi32>
        %gt3A_302 = arith.cmpi sgt, %shift_right_arithmetic3A_300, %gt3A_301 : vector<16xi32>
        %get3A_303 = arith.index_cast %mul3A_288 : i32 to index
        %get3A_304 = tpu.vector_load %arg14[%get3A_303] {strides = array<i32>} : memref<4160xi32, #tpu.memory_space<vmem>>, vector<16xi32>,
        %get3A_305 = arith.index_cast %mul3A_288 : i32 to index
        %get3A_306 = tpu.vector_load %arg15[%get3A_305] {strides = array<i32>} : memref<4160xi32, #tpu.memory_space<vmem>>, vector<16xi32>,
        %gather3A = tpu.vector_load_idx %arg18[%and3A_292] : memref<256xi32, #tpu.memory_space<vmem>>[vector<16xi32>], vector<16xi32>,
        %add3A_307 = arith.addi %gather3A, %and3A_297 : vector<16xi32>
        tpu.vector_store_idx %arg12[%add3A_307], %get3A_304 : memref<4160xi32, #tpu.memory_space<vmem>>[vector<16xi32>], vector<16xi32>,
        tpu.vector_store_idx %arg13[%add3A_307], %get3A_306 : memref<4160xi32, #tpu.memory_space<vmem>>[vector<16xi32>], vector<16xi32>,
        %add3A_308 = arith.constant 1 : i32
        %add3A_309 = vector.broadcast %add3A_308 : i32 to vector<16xi32>
        %add3A_310 = arith.addi %and3A_297, %add3A_309 : vector<16xi32>
        tpu.vector_store_idx %arg18[%and3A_292], %add3A_310 masked %gt3A_302 {add = true} : memref<256xi32, #tpu.memory_space<vmem>>[vector<16xi32>], vector<16xi32>, vector<16xi1>
        %mul3A_311 = arith.constant 4 : i32
        %mul3A_312 = arith.muli %while3A_281, %mul3A_311 : i32
        %add3A_313 = arith.constant 1 : i32
        %add3A_314 = arith.addi %mul3A_312, %add3A_313 : i32
        %mul3A_315 = arith.constant 16 : i32
        %mul3A_316 = arith.muli %add3A_314, %mul3A_315 : i32
        %get3A_317 = arith.index_cast %mul3A_316 : i32 to index
        %get3A_318 = tpu.vector_load %arg19[%get3A_317] {strides = array<i32>} : memref<4160xi32, #tpu.memory_space<vmem>>, vector<16xi32>,
        %and3A_319 = arith.constant 255 : i32
        %and3A_320 = vector.broadcast %and3A_319 : i32 to vector<16xi32>
        %and3A_321 = arith.andi %get3A_318, %and3A_320 : vector<16xi32>
        %shift_right_arithmetic3A_322 = arith.constant 8 : i32
        %shift_right_arithmetic3A_323 = vector.broadcast %shift_right_arithmetic3A_322 : i32 to vector<16xi32>
        %shift_right_arithmetic3A_324 = arith.shrsi %get3A_318, %shift_right_arithmetic3A_323 : vector<16xi32>
        %and3A_325 = arith.constant 63 : i32
        %and3A_326 = vector.broadcast %and3A_325 : i32 to vector<16xi32>
        %and3A_327 = arith.andi %shift_right_arithmetic3A_324, %and3A_326 : vector<16xi32>
        %shift_right_arithmetic3A_328 = arith.constant 14 : i32
        %shift_right_arithmetic3A_329 = vector.broadcast %shift_right_arithmetic3A_328 : i32 to vector<16xi32>
        %shift_right_arithmetic3A_330 = arith.shrsi %get3A_318, %shift_right_arithmetic3A_329 : vector<16xi32>
        %gt3A_331 = arith.constant 0 : i32
        %gt3A_332 = vector.broadcast %gt3A_331 : i32 to vector<16xi32>
        %gt3A_333 = arith.cmpi sgt, %shift_right_arithmetic3A_330, %gt3A_332 : vector<16xi32>
        %get3A_334 = arith.index_cast %mul3A_316 : i32 to index
        %get3A_335 = tpu.vector_load %arg14[%get3A_334] {strides = array<i32>} : memref<4160xi32, #tpu.memory_space<vmem>>, vector<16xi32>,
        %get3A_336 = arith.index_cast %mul3A_316 : i32 to index
        %get3A_337 = tpu.vector_load %arg15[%get3A_336] {strides = array<i32>} : memref<4160xi32, #tpu.memory_space<vmem>>, vector<16xi32>,
        %gather3A_338 = tpu.vector_load_idx %arg18[%and3A_321] : memref<256xi32, #tpu.memory_space<vmem>>[vector<16xi32>], vector<16xi32>,
        %add3A_339 = arith.addi %gather3A_338, %and3A_327 : vector<16xi32>
        tpu.vector_store_idx %arg12[%add3A_339], %get3A_335 : memref<4160xi32, #tpu.memory_space<vmem>>[vector<16xi32>], vector<16xi32>,
        tpu.vector_store_idx %arg13[%add3A_339], %get3A_337 : memref<4160xi32, #tpu.memory_space<vmem>>[vector<16xi32>], vector<16xi32>,
        %add3A_340 = arith.constant 1 : i32
        %add3A_341 = vector.broadcast %add3A_340 : i32 to vector<16xi32>
        %add3A_342 = arith.addi %and3A_327, %add3A_341 : vector<16xi32>
        tpu.vector_store_idx %arg18[%and3A_321], %add3A_342 masked %gt3A_333 {add = true} : memref<256xi32, #tpu.memory_space<vmem>>[vector<16xi32>], vector<16xi32>, vector<16xi1>
        %mul3A_343 = arith.constant 4 : i32
        %mul3A_344 = arith.muli %while3A_281, %mul3A_343 : i32
        %add3A_345 = arith.constant 2 : i32
        %add3A_346 = arith.addi %mul3A_344, %add3A_345 : i32
        %mul3A_347 = arith.constant 16 : i32
        %mul3A_348 = arith.muli %add3A_346, %mul3A_347 : i32
        %get3A_349 = arith.index_cast %mul3A_348 : i32 to index
        %get3A_350 = tpu.vector_load %arg19[%get3A_349] {strides = array<i32>} : memref<4160xi32, #tpu.memory_space<vmem>>, vector<16xi32>,
        %and3A_351 = arith.constant 255 : i32
        %and3A_352 = vector.broadcast %and3A_351 : i32 to vector<16xi32>
        %and3A_353 = arith.andi %get3A_350, %and3A_352 : vector<16xi32>
        %shift_right_arithmetic3A_354 = arith.constant 8 : i32
        %shift_right_arithmetic3A_355 = vector.broadcast %shift_right_arithmetic3A_354 : i32 to vector<16xi32>
        %shift_right_arithmetic3A_356 = arith.shrsi %get3A_350, %shift_right_arithmetic3A_355 : vector<16xi32>
        %and3A_357 = arith.constant 63 : i32
        %and3A_358 = vector.broadcast %and3A_357 : i32 to vector<16xi32>
        %and3A_359 = arith.andi %shift_right_arithmetic3A_356, %and3A_358 : vector<16xi32>
        %shift_right_arithmetic3A_360 = arith.constant 14 : i32
        %shift_right_arithmetic3A_361 = vector.broadcast %shift_right_arithmetic3A_360 : i32 to vector<16xi32>
        %shift_right_arithmetic3A_362 = arith.shrsi %get3A_350, %shift_right_arithmetic3A_361 : vector<16xi32>
        %gt3A_363 = arith.constant 0 : i32
        %gt3A_364 = vector.broadcast %gt3A_363 : i32 to vector<16xi32>
        %gt3A_365 = arith.cmpi sgt, %shift_right_arithmetic3A_362, %gt3A_364 : vector<16xi32>
        %get3A_366 = arith.index_cast %mul3A_348 : i32 to index
        %get3A_367 = tpu.vector_load %arg14[%get3A_366] {strides = array<i32>} : memref<4160xi32, #tpu.memory_space<vmem>>, vector<16xi32>,
        %get3A_368 = arith.index_cast %mul3A_348 : i32 to index
        %get3A_369 = tpu.vector_load %arg15[%get3A_368] {strides = array<i32>} : memref<4160xi32, #tpu.memory_space<vmem>>, vector<16xi32>,
        %gather3A_370 = tpu.vector_load_idx %arg18[%and3A_353] : memref<256xi32, #tpu.memory_space<vmem>>[vector<16xi32>], vector<16xi32>,
        %add3A_371 = arith.addi %gather3A_370, %and3A_359 : vector<16xi32>
        tpu.vector_store_idx %arg12[%add3A_371], %get3A_367 : memref<4160xi32, #tpu.memory_space<vmem>>[vector<16xi32>], vector<16xi32>,
        tpu.vector_store_idx %arg13[%add3A_371], %get3A_369 : memref<4160xi32, #tpu.memory_space<vmem>>[vector<16xi32>], vector<16xi32>,
        %add3A_372 = arith.constant 1 : i32
        %add3A_373 = vector.broadcast %add3A_372 : i32 to vector<16xi32>
        %add3A_374 = arith.addi %and3A_359, %add3A_373 : vector<16xi32>
        tpu.vector_store_idx %arg18[%and3A_353], %add3A_374 masked %gt3A_365 {add = true} : memref<256xi32, #tpu.memory_space<vmem>>[vector<16xi32>], vector<16xi32>, vector<16xi1>
        %mul3A_375 = arith.constant 4 : i32
        %mul3A_376 = arith.muli %while3A_281, %mul3A_375 : i32
        %add3A_377 = arith.constant 3 : i32
        %add3A_378 = arith.addi %mul3A_376, %add3A_377 : i32
        %mul3A_379 = arith.constant 16 : i32
        %mul3A_380 = arith.muli %add3A_378, %mul3A_379 : i32
        %get3A_381 = arith.index_cast %mul3A_380 : i32 to index
        %get3A_382 = tpu.vector_load %arg19[%get3A_381] {strides = array<i32>} : memref<4160xi32, #tpu.memory_space<vmem>>, vector<16xi32>,
        %and3A_383 = arith.constant 255 : i32
        %and3A_384 = vector.broadcast %and3A_383 : i32 to vector<16xi32>
        %and3A_385 = arith.andi %get3A_382, %and3A_384 : vector<16xi32>
        %shift_right_arithmetic3A_386 = arith.constant 8 : i32
        %shift_right_arithmetic3A_387 = vector.broadcast %shift_right_arithmetic3A_386 : i32 to vector<16xi32>
        %shift_right_arithmetic3A_388 = arith.shrsi %get3A_382, %shift_right_arithmetic3A_387 : vector<16xi32>
        %and3A_389 = arith.constant 63 : i32
        %and3A_390 = vector.broadcast %and3A_389 : i32 to vector<16xi32>
        %and3A_391 = arith.andi %shift_right_arithmetic3A_388, %and3A_390 : vector<16xi32>
        %shift_right_arithmetic3A_392 = arith.constant 14 : i32
        %shift_right_arithmetic3A_393 = vector.broadcast %shift_right_arithmetic3A_392 : i32 to vector<16xi32>
        %shift_right_arithmetic3A_394 = arith.shrsi %get3A_382, %shift_right_arithmetic3A_393 : vector<16xi32>
        %gt3A_395 = arith.constant 0 : i32
        %gt3A_396 = vector.broadcast %gt3A_395 : i32 to vector<16xi32>
        %gt3A_397 = arith.cmpi sgt, %shift_right_arithmetic3A_394, %gt3A_396 : vector<16xi32>
        %get3A_398 = arith.index_cast %mul3A_380 : i32 to index
        %get3A_399 = tpu.vector_load %arg14[%get3A_398] {strides = array<i32>} : memref<4160xi32, #tpu.memory_space<vmem>>, vector<16xi32>,
        %get3A_400 = arith.index_cast %mul3A_380 : i32 to index
        %get3A_401 = tpu.vector_load %arg15[%get3A_400] {strides = array<i32>} : memref<4160xi32, #tpu.memory_space<vmem>>, vector<16xi32>,
        %gather3A_402 = tpu.vector_load_idx %arg18[%and3A_385] : memref<256xi32, #tpu.memory_space<vmem>>[vector<16xi32>], vector<16xi32>,
        %add3A_403 = arith.addi %gather3A_402, %and3A_391 : vector<16xi32>
        tpu.vector_store_idx %arg12[%add3A_403], %get3A_399 : memref<4160xi32, #tpu.memory_space<vmem>>[vector<16xi32>], vector<16xi32>,
        tpu.vector_store_idx %arg13[%add3A_403], %get3A_401 : memref<4160xi32, #tpu.memory_space<vmem>>[vector<16xi32>], vector<16xi32>,
        %add3A_404 = arith.constant 1 : i32
        %add3A_405 = vector.broadcast %add3A_404 : i32 to vector<16xi32>
        %add3A_406 = arith.addi %and3A_391, %add3A_405 : vector<16xi32>
        tpu.vector_store_idx %arg18[%and3A_385], %add3A_406 masked %gt3A_397 {add = true} : memref<256xi32, #tpu.memory_space<vmem>>[vector<16xi32>], vector<16xi32>, vector<16xi1>
        %while3A_407 = arith.constant 0 : i32
        scf.yield %while3A_407 : i32
      }
      %parallel_loop3A_277 = arith.constant 0 : i32
      %parallel_loop3A_278 = arith.constant 128 : i32
      %parallel_loop3A_279 = arith.constant 1 : i32
      scf.for %parallel_loop3A_281 = %parallel_loop3A_277 to %parallel_loop3A_278 step %parallel_loop3A_279  : i32 {
        %parallel_loop3A_282 = arith.constant 16 : i32
        %parallel_loop3A_283 = arith.muli %parallel_loop3A_281, %parallel_loop3A_282 : i32
        %parallel_loop3A_284 = arith.index_cast %parallel_loop3A_283 : i32 to index
        %parallel_loop3A_285 = tpu.vector_load %arg12[%parallel_loop3A_284] {strides = array<i32>} : memref<4160xi32, #tpu.memory_space<vmem>>, vector<16xi32>,
        %parallel_loop3A_286 = vector.bitcast %parallel_loop3A_285 : vector<16xi32> to vector<16xi32>
        %parallel_loop3A_287 = arith.constant dense<-1> : vector<16xi32>
        %parallel_loop3A_288 = arith.xori %parallel_loop3A_286, %parallel_loop3A_287 : vector<16xi32>
        %parallel_loop3A_289 = vector.broadcast %scan3A : i32 to vector<16xi32>
        %parallel_loop3A_290 = arith.cmpi uge, %parallel_loop3A_288, %parallel_loop3A_289 : vector<16xi32>
        %parallel_loop3A_291 = vector.broadcast %scan3A : i32 to vector<16xi32>
        %parallel_loop3A_292 = arith.xori %parallel_loop3A_288, %parallel_loop3A_291 : vector<16xi32>
        %parallel_loop3A_293 = arith.constant dense<-1> : vector<16xi32>
        %parallel_loop3A_294 = arith.xori %parallel_loop3A_288, %parallel_loop3A_293 : vector<16xi32>
        %parallel_loop3A_295 = arith.select %parallel_loop3A_290, %parallel_loop3A_292, %parallel_loop3A_294 : vector<16xi1>, vector<16xi32>
        %parallel_loop3A_296 = vector.bitcast %parallel_loop3A_295 : vector<16xi32> to vector<16xf32>
        %parallel_loop3A_297 = arith.index_cast %parallel_loop3A_283 : i32 to index
        %parallel_loop3A_298 = tpu.vector_load %arg20[%parallel_loop3A_297] {strides = array<i32>} : memref<2048xf32, #tpu.memory_space<vmem>>, vector<16xf32>,
        tpu.vector_store %arg20[%parallel_loop3A_297], %parallel_loop3A_296 {strides = array<i32>} : memref<2048xf32, #tpu.memory_space<vmem>>, vector<16xf32>,
      } {sc.loop_unroll_factor = 4 : i64, sc.parallel_access}
      "tpu.region"() ({
        %run_scoped3A = tpu.sem_alloc : memref<!tpu.dma_semaphore, #tpu.memory_space<semaphore_mem>>
        %dma_start3A_281 = arith.constant 0 : i32
        %dma_start3A_282 = tpu.memref_slice %arg4[%add3A_17, %dma_start3A_281] : memref<128x2048xf32, #tpu.memory_space<hbm>> -> memref<1x2048xf32, #tpu.memory_space<hbm>>
        %dma_start3A_283 = tpu.memref_squeeze %dma_start3A_282 : memref<1x2048xf32, #tpu.memory_space<hbm>> -> memref<2048xf32, #tpu.memory_space<hbm>>
        %dma_start3A_284 = arith.constant 0 : i32
        %dma_start3A_285 = tpu.memref_slice %arg4[%add3A_17, %dma_start3A_284] : memref<128x2048xf32, #tpu.memory_space<hbm>> -> memref<1x2048xf32, #tpu.memory_space<hbm>>
        %dma_start3A_286 = tpu.memref_squeeze %dma_start3A_285 : memref<1x2048xf32, #tpu.memory_space<hbm>> -> memref<2048xf32, #tpu.memory_space<hbm>>
        tpu.enqueue_dma source(%arg20 : memref<2048xf32, #tpu.memory_space<vmem>>) target(%dma_start3A_286 : memref<2048xf32, #tpu.memory_space<hbm>>) target_semaphore(%run_scoped3A : memref<!tpu.dma_semaphore, #tpu.memory_space<semaphore_mem>>)
        %dma_wait3A_287 = arith.constant 0 : i32
        %dma_wait3A_288 = tpu.memref_slice %arg4[%add3A_17, %dma_wait3A_287] : memref<128x2048xf32, #tpu.memory_space<hbm>> -> memref<1x2048xf32, #tpu.memory_space<hbm>>
        %dma_wait3A_289 = tpu.memref_squeeze %dma_wait3A_288 : memref<1x2048xf32, #tpu.memory_space<hbm>> -> memref<2048xf32, #tpu.memory_space<hbm>>
        %dma_wait3A_290 = arith.constant 0 : i32
        %dma_wait3A_291 = tpu.memref_slice %arg4[%add3A_17, %dma_wait3A_290] : memref<128x2048xf32, #tpu.memory_space<hbm>> -> memref<1x2048xf32, #tpu.memory_space<hbm>>
        %dma_wait3A_292 = tpu.memref_squeeze %dma_wait3A_291 : memref<1x2048xf32, #tpu.memory_space<hbm>> -> memref<2048xf32, #tpu.memory_space<hbm>>
        tpu.wait_dma2 semaphore(%run_scoped3A : memref<!tpu.dma_semaphore, #tpu.memory_space<semaphore_mem>>) src(%arg20 : memref<2048xf32, #tpu.memory_space<vmem>>) dst(%dma_wait3A_292 : memref<2048xf32, #tpu.memory_space<hbm>>)
        tpu.yield
      }) : () -> ()
      "tpu.region"() ({
        %run_scoped3A = tpu.sem_alloc : memref<!tpu.dma_semaphore, #tpu.memory_space<semaphore_mem>>
        %dma_start3A_281 = arith.constant 0 : i32
        %dma_start3A_282 = tpu.memref_slice %arg13[%dma_start3A_281] : memref<4160xi32, #tpu.memory_space<vmem>> -> memref<2048xi32, #tpu.memory_space<vmem>>
        %dma_start3A_283 = arith.constant 0 : i32
        %dma_start3A_284 = tpu.memref_slice %arg5[%add3A_17, %dma_start3A_283] : memref<128x2048xi32, #tpu.memory_space<hbm>> -> memref<1x2048xi32, #tpu.memory_space<hbm>>
        %dma_start3A_285 = tpu.memref_squeeze %dma_start3A_284 : memref<1x2048xi32, #tpu.memory_space<hbm>> -> memref<2048xi32, #tpu.memory_space<hbm>>
        %dma_start3A_286 = arith.constant 0 : i32
        %dma_start3A_287 = tpu.memref_slice %arg5[%add3A_17, %dma_start3A_286] : memref<128x2048xi32, #tpu.memory_space<hbm>> -> memref<1x2048xi32, #tpu.memory_space<hbm>>
        %dma_start3A_288 = tpu.memref_squeeze %dma_start3A_287 : memref<1x2048xi32, #tpu.memory_space<hbm>> -> memref<2048xi32, #tpu.memory_space<hbm>>
        %dma_start3A_289 = arith.constant 0 : i32
        %dma_start3A_290 = tpu.memref_slice %arg13[%dma_start3A_289] : memref<4160xi32, #tpu.memory_space<vmem>> -> memref<2048xi32, #tpu.memory_space<vmem>>
        tpu.enqueue_dma source(%dma_start3A_290 : memref<2048xi32, #tpu.memory_space<vmem>>) target(%dma_start3A_288 : memref<2048xi32, #tpu.memory_space<hbm>>) target_semaphore(%run_scoped3A : memref<!tpu.dma_semaphore, #tpu.memory_space<semaphore_mem>>)
        %dma_wait3A_291 = arith.constant 0 : i32
        %dma_wait3A_292 = tpu.memref_slice %arg13[%dma_wait3A_291] : memref<4160xi32, #tpu.memory_space<vmem>> -> memref<2048xi32, #tpu.memory_space<vmem>>
        %dma_wait3A_293 = arith.constant 0 : i32
        %dma_wait3A_294 = tpu.memref_slice %arg5[%add3A_17, %dma_wait3A_293] : memref<128x2048xi32, #tpu.memory_space<hbm>> -> memref<1x2048xi32, #tpu.memory_space<hbm>>
        %dma_wait3A_295 = tpu.memref_squeeze %dma_wait3A_294 : memref<1x2048xi32, #tpu.memory_space<hbm>> -> memref<2048xi32, #tpu.memory_space<hbm>>
        %dma_wait3A_296 = arith.constant 0 : i32
        %dma_wait3A_297 = tpu.memref_slice %arg5[%add3A_17, %dma_wait3A_296] : memref<128x2048xi32, #tpu.memory_space<hbm>> -> memref<1x2048xi32, #tpu.memory_space<hbm>>
        %dma_wait3A_298 = tpu.memref_squeeze %dma_wait3A_297 : memref<1x2048xi32, #tpu.memory_space<hbm>> -> memref<2048xi32, #tpu.memory_space<hbm>>
        %dma_wait3A_299 = arith.constant 0 : i32
        %dma_wait3A_300 = tpu.memref_slice %arg13[%dma_wait3A_299] : memref<4160xi32, #tpu.memory_space<vmem>> -> memref<2048xi32, #tpu.memory_space<vmem>>
        tpu.wait_dma2 semaphore(%run_scoped3A : memref<!tpu.dma_semaphore, #tpu.memory_space<semaphore_mem>>) src(%dma_wait3A_300 : memref<2048xi32, #tpu.memory_space<vmem>>) dst(%dma_wait3A_298 : memref<2048xi32, #tpu.memory_space<hbm>>)
        tpu.yield
      }) : () -> ()
      %scan3A_280 = arith.constant 0 : i32
      scf.yield %scan3A_280 : i32
    }
    %scan3A_12 = arith.constant 4 : i32
    return
  }
}

</mosaic_0001>

<sc_bundles>
// kernel: kernel.3.cloned.1.call-start
scs
__scs_entry_jumppad:
0x0: {  	(pc) =	sbr.rel $0x88, $3  }
0x1: {  	(tag) =	ssettag $0x0;
	lr =	simm.s32 $0x1  }
0x2: {  	[smem:$0x3F9F] =	sst lr;
	_ =	strace $0xD0000000  }
0x3: {  	_ = 	snop  }
0x4: {  	_ = 	snop  }
0x5: {  	_ = 	snop  }
0x6: {  	_ = 	snop  }
0x7: {  	_ = 	snop  }
__scs_overlays_trampoline_lowered:
0x8: {  	[smem:$0x3FAE] =	sst s0  }
0x9: {  	[smem:$0x3FAF] =	sst s1  }
0xa: {  	[smem:$0x3FB0] =	sst s2  }
0xb: {  	[smem:$0x3FB1] =	sst s3  }
0xc: {  	[smem:$0x3FB2] =	sst s4  }
0xd: {  	[smem:$0x3FB3] =	sst s5  }
0xe: {  	[smem:$0x3FB4] =	sst s6  }
0xf: {  	[smem:$0x3FB5] =	sst s7  }
0x10: {  	[smem:$0x3FB6] =	sst s8  }
0x11: {  	[smem:$0x3FB7] =	sst s9;
	s0 =	simm.s32 @!p0 $0x0  }
0x12: {  	s1 =	sld [smem:$0x3F9D];
	s0 =	simm.s32 @p0 $0x1  }
0x13: {  	[smem:$0x3FB8] =	sst s0;
	s0 =	simm.s32 @!p1 $0x0  }
0x14: {  	s2 =	sld [smem:$0x3F9C];
	s0 =	simm.s32 @p1 $0x1  }
0x15: {  	[smem:$0x3FB9] =	sst s0;
	s0 =	simm.s32 @!p2 $0x0  }
0x16: {  	s3 =	sld [smem:$0x3FDB];
	s0 =	simm.s32 @p2 $0x1  }
0x17: {  	s4 =	simm.s32 $0x1BF5;
	[smem:$0x3FBB] =	sst s0  }
0x18: {  	s0 =	sld [smem:$0x3F9E];
	_ =	swait.ge [sflag:s4], $0x0  }
0x19: {  	s7 =	sld [smem:$0x3F9F]  }
0x1a: {  	s8 =	sadd.s32 $0xFFFFE003, lr  }
0x1b: {  	s9 =	sadd.s32 $0xFFFFFEF7, lr;
	s5 =	simm.s32 $0xFFFFFFFF;
	p2 =	slt.u32 s8, $0xFFFFF086  }
0x1c: {  	p1 =	slt.u32 s9, $0xF7A;
	s5 =	simm.s32 @!p2 $0x0  }
0x1d: {  	s5 =	simm.s32 @p1 $0x1;
	p0 =	seq.s32 s7, s2  }
0x1e: {  	s7 =	smul.u32 @!p0 $0xF7A, s2;
	p2 =	seq.s32 @!p0 s5, $0x0  }
0x1f: {  	s9 =	smul.u32 $0xF7A, s1;
	s8 =	simm.s32 @!p0 $0x1BF5;
	p2 =	por !p2, p0  }
0x20: {  	[sflag:s8] =	ssyncset.s32 @!p0 $0xFFFFF086;
	s6 =	sadd.s32 @!p0 s3, s7;
	s7 =	simm.s32 @!p0 $0x108  }
0x21: {  	s3 =	sadd.s32 s3, s9;
	s6 =	sadd.s32 @!p0 $0x88, s6;
	s7 =	simm.s32 @p2 $0x1082  }
0x22: {  	[simem:s7], [sflag:s8] =	dma.local @!p0 [hbm:s6], $0xF7A  }
0x23: {  	s9 =	sor.u32 $0xD0000000, s2;
	s6 =	simm.s32 $0x108;
	_ =	swait.ge @!p0 [sflag:s8], $0x0  }
0x24: {  	s3 =	sadd.s32 $0x88, s3;
	s6 =	simm.s32 @!p1 $0x1082;
	[sflag:s4] =	ssyncset.s32 $0xFFFFF086  }
0x25: {  	[simem:s6], [sflag:s4] =	dma.local [hbm:s3], $0xF7A  }
0x26: {  	[smem:$0x3F9F] =	sst s1;
	(tag) =	ssettag s2;
	_ =	strace s9  }
0x27: {  	s1 =	sld [smem:$0x3FAF]  }
0x28: {  	s2 =	sld [smem:$0x3FB0]  }
0x29: {  	s4 =	sld [smem:$0x3FB2]  }
0x2a: {  	p0 =	seq.s32 s5, $0x0;
	s5 =	sld [smem:$0x3FB3]  }
0x2b: {  	s6 =	sld [smem:$0x3FB4]  }
0x2c: {  	s7 =	sld [smem:$0x3FB5]  }
0x2d: {  	s3 =	simm.s32 $0x108;
	s8 =	sld [smem:$0x3FB6]  }
0x2e: {  	s3 =	simm.s32 @!p0 $0x1082;
	s9 =	sld [smem:$0x3FB7]  }
0x2f: {  	lr =	sadd.s32 s0, s3;
	s0 =	sld [smem:$0x3FAE]  }
0x30: {  	s3 =	sld [smem:$0x3FB1]  }
0x31: {  	[smem:$0x3FBA] =	sst s10  }
0x32: {  	s10 =	sld [smem:$0x3FB8];
	_ =	sdelay $0x3  }
0x33: {  	p0 =	seq.s32 s10, $0x1;
	s10 =	sld [smem:$0x3FBA];
	_ =	sdelay $0x3  }
0x34: {  	[smem:$0x3FBA] =	sst s10  }
0x35: {  	s10 =	sld [smem:$0x3FB9];
	_ =	sdelay $0x3  }
0x36: {  	p1 =	seq.s32 s10, $0x1;
	s10 =	sld [smem:$0x3FBA];
	_ =	sdelay $0x3  }
0x37: {  	[smem:$0x3FBA] =	sst s10  }
0x38: {  	s10 =	sld [smem:$0x3FBB]  }
0x39: {  	_ = 	snop;
	(pc) =	sbr.ind lr, $3  }
0x3a: {  	_ = 	snop  }
0x3b: {  	_ = 	snop  }
0x3c: {  	p2 =	seq.s32 s10, $0x1;
	s10 =	sld [smem:$0x3FBA]  }
0x3d: {  	_ =	shalt  }
0x3e: {  	_ =	shalt  }
0x3f: {  	_ =	shalt  }
0x40: {  	_ =	shalt  }
0x41: {  	_ =	shalt  }
0x42: {  	_ =	shalt  }
0x43: {  	_ =	shalt  }
0x44: {  	_ =	shalt  }
0x45: {  	_ =	shalt  }
0x46: {  	_ =	shalt  }
0x47: {  	_ =	shalt  }
0x48: {  	_ =	shalt  }
0x49: {  	_ =	shalt  }
0x4a: {  	_ =	shalt  }
0x4b: {  	_ =	shalt  }
0x4c: {  	_ =	shalt  }
0x4d: {  	_ =	shalt  }
0x4e: {  	_ =	shalt  }
0x4f: {  	_ =	shalt  }
0x50: {  	_ =	shalt  }
0x51: {  	_ =	shalt  }
0x52: {  	_ =	shalt  }
0x53: {  	_ =	shalt  }
0x54: {  	_ =	shalt  }
0x55: {  	_ =	shalt  }
0x56: {  	_ =	shalt  }
0x57: {  	_ =	shalt  }
0x58: {  	_ =	shalt  }
0x59: {  	_ =	shalt  }
0x5a: {  	_ =	shalt  }
0x5b: {  	_ =	shalt  }
0x5c: {  	_ =	shalt  }
0x5d: {  	_ =	shalt  }
0x5e: {  	_ =	shalt  }
0x5f: {  	_ =	shalt  }
0x60: {  	_ =	shalt  }
0x61: {  	_ =	shalt  }
0x62: {  	_ =	shalt  }
0x63: {  	_ =	shalt  }
0x64: {  	_ =	shalt  }
0x65: {  	_ =	shalt  }
0x66: {  	_ =	shalt  }
0x67: {  	_ =	shalt  }
0x68: {  	_ =	shalt  }
0x69: {  	_ =	shalt  }
0x6a: {  	_ =	shalt  }
0x6b: {  	_ =	shalt  }
0x6c: {  	_ =	shalt  }
0x6d: {  	_ =	shalt  }
0x6e: {  	_ =	shalt  }
0x6f: {  	_ =	shalt  }
0x70: {  	_ =	shalt  }
0x71: {  	_ =	shalt  }
0x72: {  	_ =	shalt  }
0x73: {  	_ =	shalt  }
0x74: {  	_ =	shalt  }
0x75: {  	_ =	shalt  }
0x76: {  	_ =	shalt  }
0x77: {  	_ =	shalt  }
0x78: {  	_ =	shalt  }
0x79: {  	_ =	shalt  }
0x7a: {  	_ =	shalt  }
0x7b: {  	_ =	shalt  }
0x7c: {  	_ =	shalt  }
0x7d: {  	_ =	shalt  }
0x7e: {  	_ =	shalt  }
0x7f: {  	_ =	shalt  }
0x80: {  	_ =	shalt  }
0x81: {  	_ =	shalt  }
0x82: {  	_ =	shalt  }
0x83: {  	_ =	shalt  }
0x84: {  	_ =	shalt  }
0x85: {  	_ =	shalt  }
0x86: {  	_ =	shalt  }
0x87: {  	_ =	shalt  }
.Lfunc_end0:
.L_simem_size_0:
called_computation_lowered:
.L_overlay_start_0:
0x88: {  	s2 =	sld [smem:$0x3FD9]  }
0x89: {  	s3 =	sld [smem:$0x3FFE];
	_ =	sdelay $0x1  }
0x8a: {  	s1 =	srdreg.scid  }
0x8b: {  	s0 =	sand.u32 $0x1, s1  }
0x8c: {  	s14 =	sshll.u32 s0, $0xA;
	s2 =	sadd.s32 s3, s2  }
0x8d: {  	s2 =	sadd.s32 s2, s14  }
0x8e: {  	[smem:$0x3FC6] =	sst s2  }
0x8f: {  	_ = 	snop  }
0x90: {  	s2 =	sld [smem:$0x3FD0];
	_ =	sdelay $0x2  }
0x91: {  	s4 =	simm.s32 $0xA;
	s5 =	simm.s32 $0x10;
	s15 =	sld [smem:$0x3FC9]  }
0x92: {  	[smem:s5], [sflag:s4] =	dma.local [hbm:s2], $0x1  }
0x93: {  	_ =	swait.eq [sflag:s4], $0x1  }
0x94: {  	[sflag:s4] =	ssyncset.done $0x0  }
0x95: {  	s16 =	sld [smem:$0x10];
	[sflag:s4] =	ssyncadd.s32 $0xFFFFFFFF  }
0x96: {  	s17 =	sld [smem:$0x11];
	(tm) =	ssettm $0x1  }
0x97: {  	s18 =	sld [smem:$0x3FFB];
	_ =	sdelay $0x3  }
0x98: {  	_ =	strace s18  }
0x99: {  	s5 =	sld [smem:$0x3FFC];
	_ =	sdelay $0x3  }
0x9a: {  	_ =	strace s5  }
0x9b: {  	s5 =	sld [smem:$0x3FFD];
	_ =	sdelay $0x3  }
0x9c: {  	_ =	strace s5  }
0x9d: {  	_ =	strace $0x8FFFFFFF  }
0x9e: {  	s19 =	sld [smem:$0x3FDB];
	_ =	sdelay $0x1  }
0x9f: {  	s6 =	simm.s32 $_scs_section_size  }
0xa0: {  	s7 =	simm.s32 $_size__tile_overlayer_lowered;
	s8 =	simm.s32 $_tile_overlayer_lowered  }
0xa1: {  	s22 =	simm.s32 $0x1BFF;
	s21 =	sshll.u32 s8, $0x1;
	s5 =	sadd.s32 s6, s19  }
0xa2: {  	s9 =	simm.s32 $0x0;
	s20 =	sshll.u32 s7, $0x1;
	s7 =	sadd.s32 s21, s5  }
0xa3: {  	[timem:s9], [sflag:s22] =	dma.local [hbm:s7], s20  }
0xa4: {  	_ =	swait.ge [sflag:s22], s20  }
0xa5: {  	s6 =	ssub.s32 $0x0, s20;
	[sflag:s22] =	ssyncset.done $0x0  }
0xa6: {  	[sflag:s22] =	ssyncadd.s32 s6;
	_ =	sdelay $0x1  }
0xa7: {  	s23 =	simm.s32 $0x1B8B  }
0xa8: {  	_ =	swait.ge [sflag:s23], $0x1  }
0xa9: {  	[sflag:s23] =	ssyncset.done $0x0  }
0xaa: {  	s25 =	simm.s32 $0x1B8E;
	s24 =	sld [smem:$0x3FFE];
	[sflag:s23] =	ssyncadd.s32 $0xFFFFFFFF  }
0xab: {  	s26 =	simm.s32 $execute0_lowered;
	[smem:$0x3FD2] =	sst s25  }
0xac: {  	s7 =	sshll.u32 s26, $0x1;
	_ =	strace $0x80000046;
	[dreg:$0x1] =	wrdreg $0xFFFFFFFF  }
0xad: {  	s28 =	simm.s32 $_size_execute0_lowered;
	s5 =	sadd.s32 s5, s7;
	[dreg:$0x0] =	wrdreg $0x0  }
0xae: {  	s7 =	sshll.u32 s28, $0x1;
	[dreg:$0x2] =	wrdreg s5  }
0xaf: {  	[dreg:$0x3] =	wrdreg s7  }
0xb0: {  	[dreg:$0x4] =	wrdreg $0xC0  }
0xb1: {  	_ =	task [dreg:s9], $0x5FFFF  }
0xb2: {  	[dreg:$0x1] =	wrdreg $0xFFFFFFFF  }
0xb3: {  	[dreg:$0x0] =	wrdreg $0x60  }
0xb4: {  	[dreg:$0x2] =	wrdreg s15  }
0xb5: {  	[dreg:$0x3] =	wrdreg s24  }
0xb6: {  	[dreg:$0x4] =	wrdreg s16  }
0xb7: {  	[dreg:$0x5] =	wrdreg s17  }
0xb8: {  	[dreg:$0x6] =	wrdreg $0x9  }
0xb9: {  	_ =	task.clear_ibuf [dreg:s9], $0x7FFFF;
	_ =	strace $0x90000046  }
0xba: {  	s29 =	simm.s32 $0x9;
	_ =	strace $0x80000048  }
0xbb: {  	_ =	swait.ge [sflag:s29], $0x1  }
0xbc: {  	[sflag:s29] =	ssyncadd.s32 $0xFFFFFFFF  }
0xbd: {  	_ =	strace $0x90000048  }
0xbe: {  	_ =	sfence  }
0xbf: {  	s30 =	sld [smem:$0x0];
	_ =	sdelay $0x2  }
0xc0: {  	s31 =	sshll.u32 s1, $0xD;
	s1 =	sshrl.u32 s1, $0x2  }
0xc1: {  	s3 =	sand.u32 $0x4000, s31;
	s1 =	sadd.s32 s1, s30  }
0xc2: {  	s0 =	sor.u32 s3, s0;
	s1 =	sshll.u32 s1, $0x11  }
0xc3: {  	s0 =	sor.u32 s1, s0  }
0xc4: {  	s0 =	sadd.s32 $0x8F2B, s0  }
0xc5: {  	[sflag:s0] =	ssyncadd.remote.s32 $0x1  }
0xc6: {  	_ =	sfence.sel $0xFFFF  }
0xc7: {  	[dreg:$0x0] =	wrdreg $0xFFFFFFFF;
	(pc) =	sbr.abs _section_cstart, $3  }
0xc8: {  	[dreg:$0x1] =	wrdreg $0xFFFFFFFF  }
0xc9: {  	_ =	task.clear_ibuf [dreg:s9], $0x2FFFF;
	_ =	strace $0x9FFFFFFF  }
0xca: {  	(tm) =	ssettm $0x7FFFFFFF  }
0xcb: {  	_ =	shalt  }
tec
execute0_lowered:
.L_overlay_start_1:
0x0: {  	(tag) =	ssettag $0x1  }
0x1: {  	s19 =	rddreg [dreg:$0x0]  }
0x2: {  	s0 =	rddreg [dreg:$0x1];
	s1 =	srdreg.scid  }
0x3: {  	s30 =	simm.s32 $0x0;
	s4 =	stileid.u32;
	s11 =	simm.s32 $0x400  }
0x4: {  	s29 =	simm.s32 $0x4000;
	s12 =	simm.s32 $0x2000;
	s13 =	simm.s32 $0x6000  }
0x5: {  	s14 =	simm.s32 $0x1;
	s15 =	simm.s32 $0x3;
	s16 =	simm.s32 $0x80  }
0x6: {  	s17 =	simm.s32 $0x2;
	s18 =	simm.s32 $0x4;
	s20 =	simm.s32 $0x10000  }
0x7: {  	s21 =	simm.s32 $0x10800;
	s22 =	simm.s32 $0x11880;
	s23 =	simm.s32 $0x14A00  }
0x8: {  	s24 =	simm.s32 $0x14B00;
	s28 =	simm.s32 $0x13980;
	s1 =	sand.u32 $0x1, s1  }
0x9: {  	[smem:$0x7FF] =	sst s30;
	s6 =	sadd.s32 $0x600, s0;
	s26 =	sshll.u32 s4, $0x12  }
.Ltmp0:
0xa: {  	s31 =	sshll.u32 s4, $0xE;
	s2 =	ssub.s32 $0x2, s1;
	(pc) =	sbr.rel .LBB2_1-.Ltmp0, $4  }
0xb: {  	_ =	strace $0x80000047;
	[dreg:$0x5] =	wrdreg s26;
	s3 =	sshrl.u32 s2, $0x1  }
0xc: {  	s1 =	sshll.u32 s1, $0x9;
	[dreg:$0x7] =	wrdreg s31;
	s25 =	ssub.s32 s2, s3  }
0xd: {  	v0 =	vimm.s32 $0x0;
	s26 =	simm.s32 $0x12900;
	[dreg:$0x6] =	wrdreg s1;
	s0 =	smax.u32 s25, $0x1  }
0xe: {  	v1 =	vimm.s32 $0x1;
	v2 =	vlaneseq.u32;
	v3 =	vimm.s32 $0xFFFFFFFF;
	s1 =	simm.s32 $0x0;
	s25 =	simm.s32 $0x14C00;
	[dreg:$0x8] =	wrdreg s0  }
.LBB2_99:
0xf: {  	s1 =	rddreg [dreg:$0x9]  }
0x10: {  	s0 =	rddreg [dreg:$0x8];
	s1 =	sadd.s32 $0x1, s1  }
0x11: {  	p0 =	sne.s32 s1, s0  }
.Ltmp1:
0x12: {  	_ = 	snop;
	(pc) =	sbr.rel @!p0 .LBB2_100-.Ltmp1, $1  }
0x13: {  	_ =	sdelay $0x3  }
.LBB2_1:
0x14: {  	[dreg:$0x9] =	wrdreg s1;
	s0 =	simm.s32 $0x0  }
.LBB2_2:
0x15: {  	s1 =	simm.s32 $0x10020  }
0x16: {  	[tilespmem:s1+$0xFFFFFFE0] =	vst v0  }
0x17: {  	[tilespmem:s1+$0x10] =	vst v0  }
0x18: {  	s2 =	simm.s32 $0x0;
	[tilespmem:s1+$0x0] =	vst v0  }
.LBB2_3:
0x19: {  	s2 =	sadd.s32 $0x4, s2  }
0x1a: {  	[tilespmem:s1+$0xFFFFFFF0] =	vst v0;
	s1 =	sadd.s32 $0x40, s1;
	p0 =	slt.u32 s2, $0x7C  }
.Ltmp2:
0x1b: {  	[tilespmem:s1+$0xFFFFFFE0] =	vst v0;
	(pc) =	sbr.rel @p0 .LBB2_3-.Ltmp2, $3  }
0x1c: {  	_ =	sdelay $0x1  }
0x1d: {  	[tilespmem:s1+$0x10] =	vst v0  }
0x1e: {  	[tilespmem:s1+$0x0] =	vst v0  }
0x1f: {  	s2 =	sshll.u32 s0, $0x7;
	s3 =	rddreg [dreg:$0x6]  }
0x20: {  	s8 =	rddreg [dreg:$0x5];
	s5 =	sadd.s32 s3, s2  }
0x21: {  	s2 =	sadd.s32 s8, s5  }
0x22: {  	s2 =	sshrl.u32 s2, $0x3  }
0x23: {  	[tilespmem:s1+$0xFFFFFFF0] =	vst v0;
	s1 =	simm.s32 $0x80;
	s9 =	sadd.s32 s19, s2  }
0x24: {  	[tilespmem:s30], [sflag:$0x1] =	stream.strided.gather [hbm4b:s9+s1], $0x2000, s11, s1, $0x38;
	[tilespmem:$0x16580] =	vst v63  }
0x25: {  	s10 =	sadd.s32 s6, s2;
	s31 =	sor.u32 $0x2000, s2  }
0x26: {  	[tilespmem:s29], [sflag:$0x3] =	stream.strided.gather [hbm4b:s10+s1], $0x2000, s11, s1, $0x38;
	[tilespmem:$0x16580] =	vst v63  }
0x27: {  	s4 =	sadd.s32 s19, s31  }
0x28: {  	[tilespmem:s12], [sflag:$0x2] =	stream.strided.gather [hbm4b:s4+s1], $0x2000, s11, s1, $0x38;
	[tilespmem:$0x16580] =	vst v63  }
0x29: {  	s3 =	sadd.s32 s6, s31  }
0x2a: {  	[tilespmem:s13], [sflag:$0x4] =	stream.strided.gather [hbm4b:s3+s1], $0x2000, s11, s1, $0x38;
	[tilespmem:$0x16580] =	vst v63  }
0x2b: {  	_ =	swait.ge [sflag:s14], $0x2000  }
0x2c: {  	[sflag:s14] =	ssyncset.done $0x0  }
0x2d: {  	[sflag:s14] =	ssyncadd.s32 $0xFFFFE000  }
0x2e: {  	_ =	swait.ge [sflag:s15], $0x2000  }
0x2f: {  	[sflag:s15] =	ssyncset.done $0x0  }
0x30: {  	[sflag:s15] =	ssyncadd.s32 $0xFFFFE000  }
0x31: {  	s4 =	simm.s32 $0x4080;
	v4 =	vld [tilespmem:s1+$0x40]  }
0x32: {  	v5 =	vld [tilespmem:s4+$0x40];
	_ =	sdelay $0x2  }
0x33: {  	v6 =	vld [tilespmem:s1+$0xFFFFFFC0]  }
0x34: {  	v7 =	vld [tilespmem:s1+$0xFFFFFF80];
	vm0 =	vlt.s32 v4, $0x0;
	v8 =	vxor.u32 $0x7FFFFFFF, v4  }
0x35: {  	v9 =	vld [tilespmem:s4+$0xFFFFFF80];
	v4 =	vsel vm0, v4, v8;
	vm0 =	vgt.f32 v5, $0.0e+00  }
0x36: {  	s3 =	simm.s32 $0x8080;
	v5 =	vld [tilespmem:s4+$0xFFFFFFC0];
	v4 =	vnsel vm0, $0xFFFFFFFF, v4  }
0x37: {  	[tilespmem:s3+$0x40] =	vst v4  }
0x38: {  	v4 =	vld [tilespmem:s1+$0x50]  }
0x39: {  	vm1 =	vlt.s32 v7, $0x0;
	v12 =	vxor.u32 $0x7FFFFFFF, v6;
	v8 =	vxor.u32 $0x7FFFFFFF, v7;
	v10 =	vld [tilespmem:s4+$0x50]  }
0x3a: {  	v11 =	vld [tilespmem:s1+$0x0];
	vm0 =	vlt.s32 v6, $0x0;
	v7 =	vsel vm1, v7, v8;
	vm1 =	vgt.f32 v9, $0.0e+00  }
0x3b: {  	v8 =	vld [tilespmem:s4+$0x0];
	v6 =	vsel vm0, v6, v12;
	v7 =	vnsel vm1, $0xFFFFFFFF, v7;
	vm0 =	vgt.f32 v5, $0.0e+00  }
0x3c: {  	[tilespmem:s3+$0xFFFFFF80] =	vst v7;
	v5 =	vnsel vm0, $0xFFFFFFFF, v6  }
0x3d: {  	v9 =	vld [tilespmem:s4+$0xFFFFFF90];
	[tilespmem:s3+$0xFFFFFFC0] =	vst v5;
	vm0 =	vlt.s32 v4, $0x0;
	v5 =	vxor.u32 $0x7FFFFFFF, v4  }
0x3e: {  	v6 =	vld [tilespmem:s1+$0xFFFFFF90];
	v4 =	vsel vm0, v4, v5;
	vm0 =	vgt.f32 v10, $0.0e+00  }
0x3f: {  	vm1 =	vlt.s32 v11, $0x0;
	v7 =	vld [tilespmem:s1+$0xFFFFFFD0];
	v5 =	vxor.u32 $0x7FFFFFFF, v11;
	v4 =	vnsel vm0, $0xFFFFFFFF, v4  }
0x40: {  	v5 =	vsel vm1, v11, v5;
	vm0 =	vgt.f32 v8, $0.0e+00;
	v8 =	vld [tilespmem:s4+$0xFFFFFFD0];
	[tilespmem:s3+$0x50] =	vst v4  }
0x41: {  	v4 =	vnsel vm0, $0xFFFFFFFF, v5;
	v5 =	vld [tilespmem:s1+$0x60]  }
0x42: {  	[tilespmem:s3+$0x0] =	vst v4;
	v10 =	vld [tilespmem:s4+$0x60]  }
0x43: {  	vm1 =	vgt.f32 v9, $0.0e+00;
	vm0 =	vlt.s32 v6, $0x0;
	v4 =	vxor.u32 $0x7FFFFFFF, v6;
	v11 =	vld [tilespmem:s1+$0x10]  }
0x44: {  	v4 =	vsel vm0, v6, v4;
	vm0 =	vlt.s32 v7, $0x0;
	v6 =	vxor.u32 $0x7FFFFFFF, v7;
	v62 =	vld [tilespmem:s4+$0x10]  }
0x45: {  	v6 =	vsel vm0, v7, v6;
	v4 =	vnsel vm1, $0xFFFFFFFF, v4;
	vm0 =	vgt.f32 v8, $0.0e+00  }
0x46: {  	[tilespmem:s3+$0xFFFFFF90] =	vst v4;
	v4 =	vnsel vm0, $0xFFFFFFFF, v6;
	vm0 =	vlt.s32 v5, $0x0;
	v6 =	vxor.u32 $0x7FFFFFFF, v5  }
0x47: {  	v8 =	vld [tilespmem:s1+$0xFFFFFFA0];
	[tilespmem:s3+$0xFFFFFFD0] =	vst v4;
	v4 =	vsel vm0, v5, v6;
	vm0 =	vgt.f32 v10, $0.0e+00  }
0x48: {  	vm1 =	vlt.s32 v11, $0x0;
	v5 =	vxor.u32 $0x7FFFFFFF, v11;
	v9 =	vld [tilespmem:s1+$0xFFFFFFE0];
	v4 =	vnsel vm0, $0xFFFFFFFF, v4  }
0x49: {  	v5 =	vsel vm1, v11, v5;
	vm0 =	vgt.f32 v62, $0.0e+00;
	v11 =	vld [tilespmem:s4+$0xFFFFFFA0];
	[tilespmem:s3+$0x60] =	vst v4  }
0x4a: {  	v5 =	vnsel vm0, $0xFFFFFFFF, v5;
	v4 =	vld [tilespmem:s1+$0x70]  }
0x4b: {  	[tilespmem:s3+$0x10] =	vst v5;
	v5 =	vld [tilespmem:s4+$0x70]  }
0x4c: {  	vm0 =	vlt.s32 v8, $0x0;
	v6 =	vld [tilespmem:s1+$0x20]  }
0x4d: {  	s7 =	simm.s32 $0x8080;
	v7 =	vld [tilespmem:s4+$0xFFFFFFE0];
	v10 =	vxor.u32 $0x7FFFFFFF, v8;
	vm1 =	vlt.s32 v9, $0x0;
	v63 =	vxor.u32 $0x7FFFFFFF, v9  }
0x4e: {  	s8 =	simm.s32 $0x4080;
	s9 =	simm.s32 $0x0;
	s10 =	simm.s32 $0x180;
	v10 =	vsel vm0, v8, v10;
	vm0 =	vgt.f32 v11, $0.0e+00;
	v8 =	vsel vm1, v9, v63;
	v9 =	vld [tilespmem:s4+$0x20]  }
.LBB2_5:
0x4f: {  	v11 =	vld [tilespmem:s10+$0x40];
	s9 =	sadd.s32 $0x4, s9;
	v10 =	vnsel vm0, $0xFFFFFFFF, v10;
	vm0 =	vlt.s32 v4, $0x0;
	v12 =	vxor.u32 $0x7FFFFFFF, v4;
	s4 =	sadd.s32 $0x100, s4  }
0x50: {  	v13 =	vld [tilespmem:s4+$0x40];
	p0 =	slt.u32 s9, $0x7C;
	[tilespmem:s3+$0xFFFFFFA0] =	vst v10;
	v4 =	vsel vm0, v4, v12;
	vm0 =	vgt.f32 v5, $0.0e+00  }
0x51: {  	v5 =	vld [tilespmem:s10+$0xFFFFFFC0];
	vm1 =	vlt.s32 v6, $0x0;
	v10 =	vxor.u32 $0x7FFFFFFF, v6;
	v4 =	vnsel vm0, $0xFFFFFFFF, v4  }
0x52: {  	v12 =	vld [tilespmem:s10+$0x0];
	vm0 =	vgt.f32 v7, $0.0e+00;
	v6 =	vsel vm1, v6, v10;
	[tilespmem:s3+$0x70] =	vst v4  }
0x53: {  	v4 =	vld [tilespmem:s10+$0xFFFFFF80];
	v7 =	vnsel vm0, $0xFFFFFFFF, v8;
	vm0 =	vgt.f32 v9, $0.0e+00  }
0x54: {  	v8 =	vld [tilespmem:s4+$0xFFFFFF80];
	vm1 =	vlt.s32 v11, $0x0;
	v9 =	vxor.u32 $0x7FFFFFFF, v11;
	[tilespmem:s3+$0xFFFFFFE0] =	vst v7;
	v6 =	vnsel vm0, $0xFFFFFFFF, v6  }
0x55: {  	v7 =	vld [tilespmem:s4+$0xFFFFFFC0];
	v9 =	vsel vm1, v11, v9;
	vm0 =	vgt.f32 v13, $0.0e+00;
	[tilespmem:s3+$0x20] =	vst v6  }
0x56: {  	s3 =	sadd.s32 $0x100, s3;
	vm1 =	vlt.s32 v5, $0x0;
	v6 =	vxor.u32 $0x7FFFFFFF, v5;
	v10 =	vld [tilespmem:s4+$0x0];
	v9 =	vnsel vm0, $0xFFFFFFFF, v9  }
0x57: {  	v5 =	vsel vm1, v5, v6;
	vm0 =	vlt.s32 v12, $0x0;
	v6 =	vxor.u32 $0x7FFFFFFF, v12;
	[tilespmem:s3+$0x40] =	vst v9;
	v9 =	vld [tilespmem:s1+$0xFFFFFFB0]  }
0x58: {  	vm1 =	vlt.s32 v4, $0x0;
	v11 =	vxor.u32 $0x7FFFFFFF, v4;
	v6 =	vsel vm0, v12, v6;
	v12 =	vld [tilespmem:s10+$0x50]  }
0x59: {  	v4 =	vsel vm1, v4, v11;
	vm0 =	vgt.f32 v8, $0.0e+00;
	v8 =	vld [tilespmem:s4+$0x50]  }
0x5a: {  	v4 =	vnsel vm0, $0xFFFFFFFF, v4;
	vm0 =	vgt.f32 v7, $0.0e+00;
	v7 =	vld [tilespmem:s1+$0xFFFFFFF0]  }
0x5b: {  	[tilespmem:s3+$0xFFFFFF80] =	vst v4;
	v4 =	vnsel vm0, $0xFFFFFFFF, v5;
	vm0 =	vgt.f32 v10, $0.0e+00;
	v5 =	vld [tilespmem:s1+$0x30];
	s1 =	smov.u32 s10  }
0x5c: {  	v10 =	vld [tilespmem:s10+$0xFFFFFF90];
	[tilespmem:s3+$0xFFFFFFC0] =	vst v4;
	v4 =	vnsel vm0, $0xFFFFFFFF, v6;
	vm0 =	vlt.s32 v9, $0x0;
	v6 =	vxor.u32 $0x7FFFFFFF, v9  }
0x5d: {  	v11 =	vld [tilespmem:s10+$0xFFFFFFD0];
	[tilespmem:s3+$0x0] =	vst v4;
	vm1 =	vlt.s32 v12, $0x0;
	v4 =	vxor.u32 $0x7FFFFFFF, v12;
	v6 =	vsel vm0, v9, v6  }
0x5e: {  	v9 =	vld [tilespmem:s10+$0x10];
	v4 =	vsel vm1, v12, v4;
	vm0 =	vgt.f32 v8, $0.0e+00  }
0x5f: {  	v8 =	vld [tilespmem:s4+$0xFFFFFF90];
	v4 =	vnsel vm0, $0xFFFFFFFF, v4;
	vm0 =	vlt.s32 v7, $0x0;
	v12 =	vxor.u32 $0x7FFFFFFF, v7  }
0x60: {  	v13 =	vld [tilespmem:s4+$0xFFFFFFD0];
	[tilespmem:s3+$0x50] =	vst v4;
	v7 =	vsel vm0, v7, v12;
	vm0 =	vlt.s32 v5, $0x0;
	v4 =	vxor.u32 $0x7FFFFFFF, v5  }
0x61: {  	vm1 =	vlt.s32 v10, $0x0;
	v12 =	vxor.u32 $0x7FFFFFFF, v10;
	v14 =	vld [tilespmem:s10+$0x60];
	v15 =	vsel vm0, v5, v4  }
0x62: {  	v4 =	vsel vm1, v10, v12;
	vm0 =	vlt.s32 v11, $0x0;
	v5 =	vxor.u32 $0x7FFFFFFF, v11;
	v10 =	vld [tilespmem:s4+$0x60]  }
0x63: {  	v5 =	vsel vm0, v11, v5;
	v11 =	vld [tilespmem:s4+$0x10];
	vm0 =	vlt.s32 v9, $0x0;
	v12 =	vxor.u32 $0x7FFFFFFF, v9  }
0x64: {  	vm1 =	vgt.f32 v8, $0.0e+00;
	v8 =	vsel vm0, v9, v12;
	v9 =	vld [tilespmem:s8+$0xFFFFFFB0]  }
0x65: {  	v4 =	vnsel vm1, $0xFFFFFFFF, v4;
	vm0 =	vgt.f32 v13, $0.0e+00;
	v12 =	vld [tilespmem:s8+$0xFFFFFFF0]  }
0x66: {  	[tilespmem:s3+$0xFFFFFF90] =	vst v4;
	v4 =	vnsel vm0, $0xFFFFFFFF, v5;
	vm0 =	vlt.s32 v14, $0x0;
	v5 =	vxor.u32 $0x7FFFFFFF, v14;
	v13 =	vld [tilespmem:s8+$0x30];
	s8 =	smov.u32 s4  }
0x67: {  	v16 =	vld [tilespmem:s10+$0xFFFFFFA0];
	[tilespmem:s3+$0xFFFFFFD0] =	vst v4;
	v4 =	vsel vm0, v14, v5;
	vm0 =	vgt.f32 v10, $0.0e+00  }
0x68: {  	v14 =	vld [tilespmem:s10+$0xFFFFFFE0];
	vm1 =	vgt.f32 v11, $0.0e+00;
	v4 =	vnsel vm0, $0xFFFFFFFF, v4  }
0x69: {  	v11 =	vld [tilespmem:s4+$0xFFFFFFA0];
	v5 =	vnsel vm1, $0xFFFFFFFF, v8;
	[tilespmem:s3+$0x60] =	vst v4;
	vm0 =	vgt.f32 v9, $0.0e+00  }
.Ltmp3:
0x6a: {  	[tilespmem:s3+$0x10] =	vst v5;
	v4 =	vld [tilespmem:s10+$0x70];
	v6 =	vnsel vm0, $0xFFFFFFFF, v6;
	vm0 =	vgt.f32 v12, $0.0e+00;
	(pc) =	sbr.rel @p0 .LBB2_5-.Ltmp3, $4  }
0x6b: {  	v5 =	vld [tilespmem:s4+$0x70];
	[tilespmem:s7+$0xFFFFFFB0] =	vst v6;
	v7 =	vnsel vm0, $0xFFFFFFFF, v7;
	vm0 =	vgt.f32 v13, $0.0e+00  }
0x6c: {  	vm1 =	vlt.s32 v16, $0x0;
	v8 =	vxor.u32 $0x7FFFFFFF, v16;
	v6 =	vld [tilespmem:s10+$0x20];
	[tilespmem:s7+$0xFFFFFFF0] =	vst v7;
	v9 =	vnsel vm0, $0xFFFFFFFF, v15  }
0x6d: {  	v10 =	vsel vm1, v16, v8;
	v7 =	vld [tilespmem:s4+$0xFFFFFFE0];
	vm1 =	vlt.s32 v14, $0x0;
	v8 =	vxor.u32 $0x7FFFFFFF, v14;
	[tilespmem:s7+$0x30] =	vst v9;
	s7 =	smov.u32 s3  }
0x6e: {  	s10 =	sadd.s32 $0x100, s10;
	vm0 =	vgt.f32 v11, $0.0e+00;
	v8 =	vsel vm1, v14, v8;
	v9 =	vld [tilespmem:s4+$0x20]  }
0x6f: {  	_ =	sdelay $0x1  }
0x70: {  	v10 =	vnsel vm0, $0xFFFFFFFF, v10  }
0x71: {  	[tilespmem:s3+$0xFFFFFFA0] =	vst v10;
	vm0 =	vlt.s32 v6, $0x0;
	v11 =	vxor.u32 $0x7FFFFFFF, v6;
	vm1 =	vgt.f32 v7, $0.0e+00  }
0x72: {  	v6 =	vsel vm0, v6, v11;
	v7 =	vnsel vm1, $0xFFFFFFFF, v8;
	vm0 =	vgt.f32 v9, $0.0e+00;
	v9 =	vld [tilespmem:s8+$0xFFFFFFB0]  }
0x73: {  	[tilespmem:s3+$0xFFFFFFE0] =	vst v7;
	v6 =	vnsel vm0, $0xFFFFFFFF, v6;
	v7 =	vld [tilespmem:s1+$0xFFFFFFB0]  }
0x74: {  	[tilespmem:s3+$0x20] =	vst v6;
	v6 =	vld [tilespmem:s1+$0xFFFFFFF0]  }
0x75: {  	v8 =	vld [tilespmem:s1+$0x30]  }
0x76: {  	v10 =	vxor.u32 $0x7FFFFFFF, v4;
	vm0 =	vlt.s32 v4, $0x0;
	v11 =	vld [tilespmem:s8+$0xFFFFFFF0]  }
0x77: {  	v4 =	vsel vm0, v4, v10;
	vm0 =	vgt.f32 v5, $0.0e+00;
	v5 =	vld [tilespmem:s8+$0x30]  }
0x78: {  	v4 =	vnsel vm0, $0xFFFFFFFF, v4;
	vm0 =	vlt.s32 v7, $0x0;
	v10 =	vxor.u32 $0x7FFFFFFF, v7  }
0x79: {  	v7 =	vsel vm0, v7, v10;
	vm0 =	vlt.s32 v6, $0x0;
	v10 =	vxor.u32 $0x7FFFFFFF, v6  }
0x7a: {  	vm1 =	vgt.f32 v9, $0.0e+00;
	v6 =	vsel vm0, v6, v10;
	vm0 =	vlt.s32 v8, $0x0  }
0x7b: {  	[tilespmem:s3+$0x70] =	vst v4;
	v4 =	vxor.u32 $0x7FFFFFFF, v8;
	v7 =	vnsel vm1, $0xFFFFFFFF, v7;
	vm1 =	vgt.f32 v11, $0.0e+00  }
0x7c: {  	v4 =	vsel vm0, v8, v4;
	[tilespmem:s7+$0xFFFFFFB0] =	vst v7;
	v6 =	vnsel vm1, $0xFFFFFFFF, v6;
	vm0 =	vgt.f32 v5, $0.0e+00  }
0x7d: {  	s10 =	sor.u32 $0x4000, s2;
	[tilespmem:s7+$0xFFFFFFF0] =	vst v6;
	v4 =	vnsel vm0, $0xFFFFFFFF, v4  }
0x7e: {  	s31 =	sadd.s32 s19, s10;
	[tilespmem:s7+$0x30] =	vst v4  }
0x7f: {  	[tilespmem:s30], [sflag:$0x1] =	stream.strided.gather [hbm4b:s31+s16], $0x2000, s11, s16, $0x38;
	[tilespmem:$0x16580] =	vst v63  }
0x80: {  	s1 =	sadd.s32 s6, s10  }
0x81: {  	[tilespmem:s29], [sflag:$0x3] =	stream.strided.gather [hbm4b:s1+s16], $0x2000, s11, s16, $0x38;
	[tilespmem:$0x16580] =	vst v63  }
0x82: {  	_ =	swait.ge [sflag:s17], $0x2000  }
0x83: {  	[sflag:s17] =	ssyncset.done $0x0  }
0x84: {  	[sflag:s17] =	ssyncadd.s32 $0xFFFFE000  }
0x85: {  	_ =	swait.ge [sflag:s18], $0x2000  }
0x86: {  	[sflag:s18] =	ssyncset.done $0x0  }
0x87: {  	s3 =	simm.s32 $0x2080;
	[sflag:s18] =	ssyncadd.s32 $0xFFFFE000  }
0x88: {  	s4 =	simm.s32 $0x6080;
	v4 =	vld [tilespmem:s3+$0x40]  }
0x89: {  	v5 =	vld [tilespmem:s4+$0x40];
	_ =	sdelay $0x2  }
0x8a: {  	v6 =	vld [tilespmem:s3+$0xFFFFFFC0]  }
0x8b: {  	v7 =	vld [tilespmem:s3+$0xFFFFFF80];
	vm0 =	vlt.s32 v4, $0x0;
	v8 =	vxor.u32 $0x7FFFFFFF, v4  }
0x8c: {  	v9 =	vld [tilespmem:s4+$0xFFFFFF80];
	v4 =	vsel vm0, v4, v8;
	vm0 =	vgt.f32 v5, $0.0e+00  }
0x8d: {  	s1 =	simm.s32 $0xA0F0;
	v5 =	vld [tilespmem:s4+$0xFFFFFFC0];
	v4 =	vnsel vm0, $0xFFFFFFFF, v4  }
0x8e: {  	[tilespmem:s1+$0xFFFFFFD0] =	vst v4  }
0x8f: {  	v4 =	vld [tilespmem:s3+$0x50]  }
0x90: {  	vm1 =	vlt.s32 v7, $0x0;
	v12 =	vxor.u32 $0x7FFFFFFF, v6;
	v8 =	vxor.u32 $0x7FFFFFFF, v7;
	v10 =	vld [tilespmem:s4+$0x50]  }
0x91: {  	v11 =	vld [tilespmem:s3+$0x0];
	vm0 =	vlt.s32 v6, $0x0;
	v7 =	vsel vm1, v7, v8;
	vm1 =	vgt.f32 v9, $0.0e+00  }
0x92: {  	v8 =	vld [tilespmem:s4+$0x0];
	v6 =	vsel vm0, v6, v12;
	v7 =	vnsel vm1, $0xFFFFFFFF, v7;
	vm0 =	vgt.f32 v5, $0.0e+00  }
0x93: {  	[tilespmem:s1+$0xFFFFFF10] =	vst v7;
	v5 =	vnsel vm0, $0xFFFFFFFF, v6  }
0x94: {  	v9 =	vld [tilespmem:s4+$0xFFFFFF90];
	[tilespmem:s1+$0xFFFFFF50] =	vst v5;
	vm0 =	vlt.s32 v4, $0x0;
	v5 =	vxor.u32 $0x7FFFFFFF, v4  }
0x95: {  	v6 =	vld [tilespmem:s3+$0xFFFFFF90];
	v4 =	vsel vm0, v4, v5;
	vm0 =	vgt.f32 v10, $0.0e+00  }
0x96: {  	vm1 =	vlt.s32 v11, $0x0;
	v7 =	vld [tilespmem:s3+$0xFFFFFFD0];
	v5 =	vxor.u32 $0x7FFFFFFF, v11;
	v4 =	vnsel vm0, $0xFFFFFFFF, v4  }
0x97: {  	v5 =	vsel vm1, v11, v5;
	vm0 =	vgt.f32 v8, $0.0e+00;
	v8 =	vld [tilespmem:s4+$0xFFFFFFD0];
	[tilespmem:s1+$0xFFFFFFE0] =	vst v4  }
0x98: {  	v4 =	vnsel vm0, $0xFFFFFFFF, v5;
	v5 =	vld [tilespmem:s3+$0x60]  }
0x99: {  	[tilespmem:s1+$0xFFFFFF90] =	vst v4;
	v10 =	vld [tilespmem:s4+$0x60]  }
0x9a: {  	vm1 =	vgt.f32 v9, $0.0e+00;
	vm0 =	vlt.s32 v6, $0x0;
	v4 =	vxor.u32 $0x7FFFFFFF, v6;
	v11 =	vld [tilespmem:s3+$0x10]  }
0x9b: {  	v4 =	vsel vm0, v6, v4;
	vm0 =	vlt.s32 v7, $0x0;
	v6 =	vxor.u32 $0x7FFFFFFF, v7;
	v62 =	vld [tilespmem:s4+$0x10]  }
0x9c: {  	v6 =	vsel vm0, v7, v6;
	v4 =	vnsel vm1, $0xFFFFFFFF, v4;
	vm0 =	vgt.f32 v8, $0.0e+00  }
0x9d: {  	[tilespmem:s1+$0xFFFFFF20] =	vst v4;
	v4 =	vnsel vm0, $0xFFFFFFFF, v6;
	vm0 =	vlt.s32 v5, $0x0;
	v6 =	vxor.u32 $0x7FFFFFFF, v5  }
0x9e: {  	v8 =	vld [tilespmem:s3+$0xFFFFFFA0];
	[tilespmem:s1+$0xFFFFFF60] =	vst v4;
	v4 =	vsel vm0, v5, v6;
	vm0 =	vgt.f32 v10, $0.0e+00  }
0x9f: {  	vm1 =	vlt.s32 v11, $0x0;
	v5 =	vxor.u32 $0x7FFFFFFF, v11;
	v9 =	vld [tilespmem:s3+$0xFFFFFFE0];
	v4 =	vnsel vm0, $0xFFFFFFFF, v4  }
0xa0: {  	v5 =	vsel vm1, v11, v5;
	vm0 =	vgt.f32 v62, $0.0e+00;
	v11 =	vld [tilespmem:s4+$0xFFFFFFA0];
	[tilespmem:s1+$0xFFFFFFF0] =	vst v4  }
0xa1: {  	v5 =	vnsel vm0, $0xFFFFFFFF, v5;
	v4 =	vld [tilespmem:s3+$0x70]  }
0xa2: {  	[tilespmem:s1+$0xFFFFFFA0] =	vst v5;
	v5 =	vld [tilespmem:s4+$0x70]  }
0xa3: {  	vm0 =	vlt.s32 v8, $0x0;
	v6 =	vld [tilespmem:s3+$0x20]  }
0xa4: {  	s9 =	simm.s32 $0x0;
	v7 =	vld [tilespmem:s4+$0xFFFFFFE0];
	v10 =	vxor.u32 $0x7FFFFFFF, v8;
	vm1 =	vlt.s32 v9, $0x0;
	v63 =	vxor.u32 $0x7FFFFFFF, v9  }
0xa5: {  	s10 =	simm.s32 $0x2180;
	s8 =	simm.s32 $0x6080;
	s7 =	simm.s32 $0xA0F0;
	v10 =	vsel vm0, v8, v10;
	vm0 =	vgt.f32 v11, $0.0e+00;
	v8 =	vsel vm1, v9, v63;
	v9 =	vld [tilespmem:s4+$0x20]  }
.LBB2_7:
0xa6: {  	v11 =	vld [tilespmem:s10+$0x40];
	s9 =	sadd.s32 $0x4, s9;
	v10 =	vnsel vm0, $0xFFFFFFFF, v10;
	vm0 =	vlt.s32 v4, $0x0;
	v12 =	vxor.u32 $0x7FFFFFFF, v4;
	s4 =	sadd.s32 $0x100, s4  }
0xa7: {  	v13 =	vld [tilespmem:s4+$0x40];
	p0 =	slt.u32 s9, $0x7C;
	[tilespmem:s1+$0xFFFFFF30] =	vst v10;
	v4 =	vsel vm0, v4, v12;
	vm0 =	vgt.f32 v5, $0.0e+00  }
0xa8: {  	v5 =	vld [tilespmem:s10+$0xFFFFFFC0];
	vm1 =	vlt.s32 v6, $0x0;
	v10 =	vxor.u32 $0x7FFFFFFF, v6;
	v4 =	vnsel vm0, $0xFFFFFFFF, v4  }
0xa9: {  	v12 =	vld [tilespmem:s10+$0x0];
	vm0 =	vgt.f32 v7, $0.0e+00;
	v6 =	vsel vm1, v6, v10;
	[tilespmem:s1+$0x0] =	vst v4  }
0xaa: {  	v4 =	vld [tilespmem:s10+$0xFFFFFF80];
	v7 =	vnsel vm0, $0xFFFFFFFF, v8;
	vm0 =	vgt.f32 v9, $0.0e+00  }
0xab: {  	v8 =	vld [tilespmem:s4+$0xFFFFFF80];
	vm1 =	vlt.s32 v11, $0x0;
	v9 =	vxor.u32 $0x7FFFFFFF, v11;
	[tilespmem:s1+$0xFFFFFF70] =	vst v7;
	v6 =	vnsel vm0, $0xFFFFFFFF, v6  }
0xac: {  	v7 =	vld [tilespmem:s4+$0xFFFFFFC0];
	v9 =	vsel vm1, v11, v9;
	vm0 =	vgt.f32 v13, $0.0e+00;
	[tilespmem:s1+$0xFFFFFFB0] =	vst v6  }
0xad: {  	s1 =	sadd.s32 $0x100, s1;
	vm1 =	vlt.s32 v5, $0x0;
	v6 =	vxor.u32 $0x7FFFFFFF, v5;
	v10 =	vld [tilespmem:s4+$0x0];
	v9 =	vnsel vm0, $0xFFFFFFFF, v9  }
0xae: {  	v5 =	vsel vm1, v5, v6;
	vm0 =	vlt.s32 v12, $0x0;
	v6 =	vxor.u32 $0x7FFFFFFF, v12;
	[tilespmem:s1+$0xFFFFFFD0] =	vst v9;
	v9 =	vld [tilespmem:s3+$0xFFFFFFB0]  }
0xaf: {  	vm1 =	vlt.s32 v4, $0x0;
	v11 =	vxor.u32 $0x7FFFFFFF, v4;
	v6 =	vsel vm0, v12, v6;
	v12 =	vld [tilespmem:s10+$0x50]  }
0xb0: {  	v4 =	vsel vm1, v4, v11;
	vm0 =	vgt.f32 v8, $0.0e+00;
	v8 =	vld [tilespmem:s4+$0x50]  }
0xb1: {  	v4 =	vnsel vm0, $0xFFFFFFFF, v4;
	vm0 =	vgt.f32 v7, $0.0e+00;
	v7 =	vld [tilespmem:s3+$0xFFFFFFF0]  }
0xb2: {  	[tilespmem:s1+$0xFFFFFF10] =	vst v4;
	v4 =	vnsel vm0, $0xFFFFFFFF, v5;
	vm0 =	vgt.f32 v10, $0.0e+00;
	v5 =	vld [tilespmem:s3+$0x30];
	s3 =	smov.u32 s10  }
0xb3: {  	v10 =	vld [tilespmem:s10+$0xFFFFFF90];
	[tilespmem:s1+$0xFFFFFF50] =	vst v4;
	v4 =	vnsel vm0, $0xFFFFFFFF, v6;
	vm0 =	vlt.s32 v9, $0x0;
	v6 =	vxor.u32 $0x7FFFFFFF, v9  }
0xb4: {  	v11 =	vld [tilespmem:s10+$0xFFFFFFD0];
	[tilespmem:s1+$0xFFFFFF90] =	vst v4;
	vm1 =	vlt.s32 v12, $0x0;
	v4 =	vxor.u32 $0x7FFFFFFF, v12;
	v6 =	vsel vm0, v9, v6  }
0xb5: {  	v9 =	vld [tilespmem:s10+$0x10];
	v4 =	vsel vm1, v12, v4;
	vm0 =	vgt.f32 v8, $0.0e+00  }
0xb6: {  	v8 =	vld [tilespmem:s4+$0xFFFFFF90];
	v4 =	vnsel vm0, $0xFFFFFFFF, v4;
	vm0 =	vlt.s32 v7, $0x0;
	v12 =	vxor.u32 $0x7FFFFFFF, v7  }
0xb7: {  	v13 =	vld [tilespmem:s4+$0xFFFFFFD0];
	[tilespmem:s1+$0xFFFFFFE0] =	vst v4;
	v7 =	vsel vm0, v7, v12;
	vm0 =	vlt.s32 v5, $0x0;
	v4 =	vxor.u32 $0x7FFFFFFF, v5  }
0xb8: {  	vm1 =	vlt.s32 v10, $0x0;
	v12 =	vxor.u32 $0x7FFFFFFF, v10;
	v14 =	vld [tilespmem:s10+$0x60];
	v15 =	vsel vm0, v5, v4  }
0xb9: {  	v4 =	vsel vm1, v10, v12;
	vm0 =	vlt.s32 v11, $0x0;
	v5 =	vxor.u32 $0x7FFFFFFF, v11;
	v10 =	vld [tilespmem:s4+$0x60]  }
0xba: {  	v5 =	vsel vm0, v11, v5;
	v11 =	vld [tilespmem:s4+$0x10];
	vm0 =	vlt.s32 v9, $0x0;
	v12 =	vxor.u32 $0x7FFFFFFF, v9  }
0xbb: {  	vm1 =	vgt.f32 v8, $0.0e+00;
	v8 =	vsel vm0, v9, v12;
	v9 =	vld [tilespmem:s8+$0xFFFFFFB0]  }
0xbc: {  	v4 =	vnsel vm1, $0xFFFFFFFF, v4;
	vm0 =	vgt.f32 v13, $0.0e+00;
	v12 =	vld [tilespmem:s8+$0xFFFFFFF0]  }
0xbd: {  	[tilespmem:s1+$0xFFFFFF20] =	vst v4;
	v4 =	vnsel vm0, $0xFFFFFFFF, v5;
	vm0 =	vlt.s32 v14, $0x0;
	v5 =	vxor.u32 $0x7FFFFFFF, v14;
	v13 =	vld [tilespmem:s8+$0x30];
	s8 =	smov.u32 s4  }
0xbe: {  	v16 =	vld [tilespmem:s10+$0xFFFFFFA0];
	[tilespmem:s1+$0xFFFFFF60] =	vst v4;
	v4 =	vsel vm0, v14, v5;
	vm0 =	vgt.f32 v10, $0.0e+00  }
0xbf: {  	v14 =	vld [tilespmem:s10+$0xFFFFFFE0];
	vm1 =	vgt.f32 v11, $0.0e+00;
	v4 =	vnsel vm0, $0xFFFFFFFF, v4  }
0xc0: {  	v11 =	vld [tilespmem:s4+$0xFFFFFFA0];
	v5 =	vnsel vm1, $0xFFFFFFFF, v8;
	[tilespmem:s1+$0xFFFFFFF0] =	vst v4;
	vm0 =	vgt.f32 v9, $0.0e+00  }
.Ltmp4:
0xc1: {  	[tilespmem:s1+$0xFFFFFFA0] =	vst v5;
	v4 =	vld [tilespmem:s10+$0x70];
	v6 =	vnsel vm0, $0xFFFFFFFF, v6;
	vm0 =	vgt.f32 v12, $0.0e+00;
	(pc) =	sbr.rel @p0 .LBB2_7-.Ltmp4, $4  }
0xc2: {  	v5 =	vld [tilespmem:s4+$0x70];
	[tilespmem:s7+$0xFFFFFF40] =	vst v6;
	v7 =	vnsel vm0, $0xFFFFFFFF, v7;
	vm0 =	vgt.f32 v13, $0.0e+00  }
0xc3: {  	vm1 =	vlt.s32 v16, $0x0;
	v8 =	vxor.u32 $0x7FFFFFFF, v16;
	v6 =	vld [tilespmem:s10+$0x20];
	[tilespmem:s7+$0xFFFFFF80] =	vst v7;
	v9 =	vnsel vm0, $0xFFFFFFFF, v15  }
0xc4: {  	v10 =	vsel vm1, v16, v8;
	v7 =	vld [tilespmem:s4+$0xFFFFFFE0];
	vm1 =	vlt.s32 v14, $0x0;
	v8 =	vxor.u32 $0x7FFFFFFF, v14;
	[tilespmem:s7+$0xFFFFFFC0] =	vst v9;
	s7 =	smov.u32 s1  }
0xc5: {  	s10 =	sadd.s32 $0x100, s10;
	vm0 =	vgt.f32 v11, $0.0e+00;
	v8 =	vsel vm1, v14, v8;
	v9 =	vld [tilespmem:s4+$0x20]  }
0xc6: {  	_ =	sdelay $0x1  }
0xc7: {  	v10 =	vnsel vm0, $0xFFFFFFFF, v10  }
0xc8: {  	[tilespmem:s1+$0xFFFFFF30] =	vst v10;
	vm0 =	vlt.s32 v6, $0x0;
	v11 =	vxor.u32 $0x7FFFFFFF, v6;
	vm1 =	vgt.f32 v7, $0.0e+00  }
0xc9: {  	v6 =	vsel vm0, v6, v11;
	v7 =	vnsel vm1, $0xFFFFFFFF, v8;
	vm0 =	vgt.f32 v9, $0.0e+00;
	v9 =	vld [tilespmem:s8+$0xFFFFFFB0]  }
0xca: {  	[tilespmem:s1+$0xFFFFFF70] =	vst v7;
	v6 =	vnsel vm0, $0xFFFFFFFF, v6;
	v7 =	vld [tilespmem:s3+$0xFFFFFFB0]  }
0xcb: {  	[tilespmem:s1+$0xFFFFFFB0] =	vst v6;
	v6 =	vld [tilespmem:s3+$0xFFFFFFF0]  }
0xcc: {  	v8 =	vld [tilespmem:s3+$0x30]  }
0xcd: {  	v10 =	vxor.u32 $0x7FFFFFFF, v4;
	vm0 =	vlt.s32 v4, $0x0;
	v11 =	vld [tilespmem:s8+$0xFFFFFFF0]  }
0xce: {  	v4 =	vsel vm0, v4, v10;
	vm0 =	vgt.f32 v5, $0.0e+00;
	v5 =	vld [tilespmem:s8+$0x30]  }
0xcf: {  	v4 =	vnsel vm0, $0xFFFFFFFF, v4;
	vm0 =	vlt.s32 v7, $0x0;
	v10 =	vxor.u32 $0x7FFFFFFF, v7  }
0xd0: {  	v7 =	vsel vm0, v7, v10;
	vm0 =	vlt.s32 v6, $0x0;
	v10 =	vxor.u32 $0x7FFFFFFF, v6  }
0xd1: {  	vm1 =	vgt.f32 v9, $0.0e+00;
	v6 =	vsel vm0, v6, v10;
	vm0 =	vlt.s32 v8, $0x0  }
0xd2: {  	[tilespmem:s1+$0x0] =	vst v4;
	v4 =	vxor.u32 $0x7FFFFFFF, v8;
	v7 =	vnsel vm1, $0xFFFFFFFF, v7;
	vm1 =	vgt.f32 v11, $0.0e+00  }
0xd3: {  	v4 =	vsel vm0, v8, v4;
	[tilespmem:s7+$0xFFFFFF40] =	vst v7;
	v6 =	vnsel vm1, $0xFFFFFFFF, v6;
	vm0 =	vgt.f32 v5, $0.0e+00  }
0xd4: {  	s31 =	sor.u32 $0x6000, s2;
	[tilespmem:s7+$0xFFFFFF80] =	vst v6;
	v4 =	vnsel vm0, $0xFFFFFFFF, v4  }
0xd5: {  	s2 =	sadd.s32 s19, s31;
	[tilespmem:s7+$0xFFFFFFC0] =	vst v4  }
0xd6: {  	[tilespmem:s12], [sflag:$0x2] =	stream.strided.gather [hbm4b:s2+s16], $0x2000, s11, s16, $0x38;
	[tilespmem:$0x16580] =	vst v63  }
0xd7: {  	s1 =	sadd.s32 s6, s31  }
0xd8: {  	[tilespmem:s13], [sflag:$0x4] =	stream.strided.gather [hbm4b:s1+s16], $0x2000, s11, s16, $0x38;
	[tilespmem:$0x16580] =	vst v63  }
0xd9: {  	_ =	swait.ge [sflag:s14], $0x2000  }
0xda: {  	[sflag:s14] =	ssyncset.done $0x0  }
0xdb: {  	[sflag:s14] =	ssyncadd.s32 $0xFFFFE000  }
0xdc: {  	_ =	swait.ge [sflag:s15], $0x2000  }
0xdd: {  	[sflag:s15] =	ssyncset.done $0x0  }
0xde: {  	s1 =	simm.s32 $0x0;
	[sflag:s15] =	ssyncadd.s32 $0xFFFFE000  }
0xdf: {  	v4 =	vld [tilespmem:s1+$0xF0]  }
0xe0: {  	v5 =	vld [tilespmem:s1+$0x40F0]  }
0xe1: {  	v6 =	vld [tilespmem:s1+$0x0]  }
0xe2: {  	v7 =	vld [tilespmem:s1+$0x10]  }
0xe3: {  	v8 =	vld [tilespmem:s1+$0x20]  }
0xe4: {  	v9 =	vld [tilespmem:s1+$0x30]  }
0xe5: {  	v10 =	vld [tilespmem:s1+$0x40]  }
0xe6: {  	v11 =	vld [tilespmem:s1+$0x50]  }
0xe7: {  	v13 =	vld [tilespmem:s1+$0x60];
	vm0 =	vlt.s32 v4, $0x0;
	v12 =	vxor.u32 $0x7FFFFFFF, v4  }
0xe8: {  	v14 =	vld [tilespmem:s1+$0x80];
	v4 =	vsel vm0, v4, v12;
	vm0 =	vgt.f32 v5, $0.0e+00  }
0xe9: {  	v15 =	vld [tilespmem:s1+$0x90];
	vm1 =	vlt.s32 v6, $0x0;
	v12 =	vxor.u32 $0x7FFFFFFF, v6;
	v4 =	vnsel vm0, $0xFFFFFFFF, v4  }
0xea: {  	v18 =	vld [tilespmem:s1+$0xC0];
	v12 =	vsel vm1, v6, v12;
	vm0 =	vlt.s32 v7, $0x0;
	v6 =	vxor.u32 $0x7FFFFFFF, v7  }
0xeb: {  	v5 =	vld [tilespmem:s1+$0x70];
	v16 =	vsel vm0, v7, v6;
	vm0 =	vlt.s32 v8, $0x0;
	v6 =	vxor.u32 $0x7FFFFFFF, v8  }
0xec: {  	v19 =	vld [tilespmem:s1+$0xD0];
	[tilespmem:s1+$0xC0F0] =	vst v4;
	v4 =	vxor.u32 $0x7FFFFFFF, v9;
	v17 =	vsel vm0, v8, v6;
	vm0 =	vlt.s32 v9, $0x0  }
0xed: {  	v21 =	vld [tilespmem:s1+$0xE0];
	v9 =	vsel vm0, v9, v4;
	vm0 =	vlt.s32 v10, $0x0;
	v4 =	vxor.u32 $0x7FFFFFFF, v10  }
0xee: {  	v7 =	vld [tilespmem:s1+$0xA0];
	v10 =	vsel vm0, v10, v4;
	vm0 =	vlt.s32 v11, $0x0;
	v4 =	vxor.u32 $0x7FFFFFFF, v11  }
0xef: {  	v8 =	vld [tilespmem:s1+$0xB0];
	v20 =	vsel vm0, v11, v4;
	vm0 =	vlt.s32 v13, $0x0;
	v4 =	vxor.u32 $0x7FFFFFFF, v13  }
0xf0: {  	v11 =	vld [tilespmem:s1+$0x4000];
	v22 =	vsel vm0, v13, v4;
	vm0 =	vlt.s32 v5, $0x0;
	v4 =	vxor.u32 $0x7FFFFFFF, v5  }
0xf1: {  	v13 =	vld [tilespmem:s1+$0x4010];
	v23 =	vsel vm0, v5, v4;
	vm0 =	vlt.s32 v14, $0x0;
	v4 =	vxor.u32 $0x7FFFFFFF, v14  }
0xf2: {  	v5 =	vsel vm0, v14, v4;
	vm0 =	vlt.s32 v15, $0x0;
	v4 =	vxor.u32 $0x7FFFFFFF, v15;
	v14 =	vld [tilespmem:s1+$0x4020]  }
0xf3: {  	v6 =	vxor.u32 $0x7FFFFFFF, v7;
	v4 =	vsel vm0, v15, v4;
	vm0 =	vlt.s32 v7, $0x0;
	v15 =	vld [tilespmem:s1+$0x4030]  }
0xf4: {  	v24 =	vld [tilespmem:s1+$0x4040];
	v6 =	vsel vm0, v7, v6;
	vm0 =	vlt.s32 v8, $0x0;
	v7 =	vxor.u32 $0x7FFFFFFF, v8  }
0xf5: {  	vm1 =	vgt.f32 v11, $0.0e+00;
	v11 =	vld [tilespmem:s1+$0x4050];
	v7 =	vsel vm0, v8, v7;
	vm0 =	vlt.s32 v18, $0x0  }
0xf6: {  	v8 =	vxor.u32 $0x7FFFFFFF, v18;
	v12 =	vnsel vm1, $0xFFFFFFFF, v12;
	vm1 =	vgt.f32 v13, $0.0e+00;
	v13 =	vld [tilespmem:s1+$0x4060]  }
0xf7: {  	v8 =	vsel vm0, v18, v8;
	[tilespmem:s1+$0xC000] =	vst v12;
	v12 =	vnsel vm1, $0xFFFFFFFF, v16;
	vm0 =	vgt.f32 v14, $0.0e+00;
	v14 =	vld [tilespmem:s1+$0x4070]  }
0xf8: {  	vm1 =	vlt.s32 v19, $0x0;
	[tilespmem:s1+$0xC010] =	vst v12;
	v12 =	vnsel vm0, $0xFFFFFFFF, v17;
	vm0 =	vgt.f32 v15, $0.0e+00;
	v15 =	vld [tilespmem:s1+$0x4080]  }
0xf9: {  	v16 =	vxor.u32 $0x7FFFFFFF, v19;
	[tilespmem:s1+$0xC020] =	vst v12;
	v17 =	vnsel vm0, $0xFFFFFFFF, v9;
	vm0 =	vgt.f32 v24, $0.0e+00;
	v12 =	vld [tilespmem:s1+$0x4090]  }
0xfa: {  	v9 =	vsel vm1, v19, v16;
	[tilespmem:s1+$0xC030] =	vst v17;
	v10 =	vnsel vm0, $0xFFFFFFFF, v10;
	vm0 =	vgt.f32 v11, $0.0e+00;
	v11 =	vld [tilespmem:s1+$0x40A0]  }
0xfb: {  	vm1 =	vlt.s32 v21, $0x0;
	[tilespmem:s1+$0xC040] =	vst v10;
	v10 =	vnsel vm0, $0xFFFFFFFF, v20;
	vm0 =	vgt.f32 v13, $0.0e+00;
	v13 =	vld [tilespmem:s1+$0x40B0]  }
0xfc: {  	v16 =	vxor.u32 $0x7FFFFFFF, v21;
	[tilespmem:s1+$0xC050] =	vst v10;
	v17 =	vnsel vm0, $0xFFFFFFFF, v22;
	vm0 =	vgt.f32 v14, $0.0e+00;
	v14 =	vld [tilespmem:s1+$0x40C0]  }
0xfd: {  	s3 =	simm.s32 $0x400;
	s2 =	simm.s32 $0x0;
	v10 =	vsel vm1, v21, v16;
	[tilespmem:s1+$0xC060] =	vst v17;
	v16 =	vnsel vm0, $0xFFFFFFFF, v23;
	vm0 =	vgt.f32 v15, $0.0e+00;
	v15 =	vld [tilespmem:s1+$0x40D0]  }
.LBB2_9:
0xfe: {  	s4 =	sshra.s32 s3, $0x2;
	s2 =	sadd.s32 $0x4, s2;
	[tilespmem:s1+$0xC070] =	vst v16;
	v5 =	vnsel vm0, $0xFFFFFFFF, v5;
	vm0 =	vgt.f32 v12, $0.0e+00;
	v12 =	vld [tilespmem:s1+$0x40E0]  }
0xff: {  	v16 =	vld [tilespmem:s4+$0xF0];
	p0 =	slt.u32 s2, $0x7C;
	[tilespmem:s1+$0xC080] =	vst v5;
	v4 =	vnsel vm0, $0xFFFFFFFF, v4;
	vm0 =	vgt.f32 v11, $0.0e+00  }
0x100: {  	v5 =	vld [tilespmem:s4+$0x40F0];
	[tilespmem:s1+$0xC090] =	vst v4;
	v4 =	vnsel vm0, $0xFFFFFFFF, v6;
	vm0 =	vgt.f32 v13, $0.0e+00  }
0x101: {  	v6 =	vld [tilespmem:s4+$0x0];
	[tilespmem:s1+$0xC0A0] =	vst v4;
	v4 =	vnsel vm0, $0xFFFFFFFF, v7;
	vm0 =	vgt.f32 v14, $0.0e+00  }
0x102: {  	v7 =	vld [tilespmem:s4+$0x10];
	[tilespmem:s1+$0xC0B0] =	vst v4;
	v4 =	vnsel vm0, $0xFFFFFFFF, v8;
	vm0 =	vgt.f32 v15, $0.0e+00  }
0x103: {  	v8 =	vld [tilespmem:s4+$0x20];
	[tilespmem:s1+$0xC0C0] =	vst v4;
	v4 =	vnsel vm0, $0xFFFFFFFF, v9;
	vm0 =	vgt.f32 v12, $0.0e+00  }
0x104: {  	v9 =	vld [tilespmem:s4+$0x30];
	vm1 =	vlt.s32 v16, $0x0;
	v11 =	vxor.u32 $0x7FFFFFFF, v16;
	[tilespmem:s1+$0xC0D0] =	vst v4;
	v4 =	vnsel vm0, $0xFFFFFFFF, v10  }
0x105: {  	v10 =	vld [tilespmem:s4+$0x40];
	v11 =	vsel vm1, v16, v11;
	vm0 =	vgt.f32 v5, $0.0e+00;
	[tilespmem:s1+$0xC0E0] =	vst v4;
	s1 =	smov.u32 s4  }
0x106: {  	vm1 =	vlt.s32 v6, $0x0;
	v4 =	vxor.u32 $0x7FFFFFFF, v6;
	v5 =	vld [tilespmem:s1+$0x50];
	v11 =	vnsel vm0, $0xFFFFFFFF, v11  }
0x107: {  	v12 =	vsel vm1, v6, v4;
	vm0 =	vlt.s32 v7, $0x0;
	v4 =	vxor.u32 $0x7FFFFFFF, v7;
	v6 =	vld [tilespmem:s1+$0x60];
	[tilespmem:s1+$0xC0F0] =	vst v11  }
0x108: {  	v11 =	vsel vm0, v7, v4;
	vm0 =	vlt.s32 v8, $0x0;
	v4 =	vxor.u32 $0x7FFFFFFF, v8;
	v7 =	vld [tilespmem:s1+$0x70]  }
0x109: {  	v13 =	vsel vm0, v8, v4;
	vm0 =	vlt.s32 v9, $0x0;
	v4 =	vxor.u32 $0x7FFFFFFF, v9;
	v8 =	vld [tilespmem:s1+$0x80]  }
0x10a: {  	v14 =	vsel vm0, v9, v4;
	vm0 =	vlt.s32 v10, $0x0;
	v4 =	vxor.u32 $0x7FFFFFFF, v10;
	v9 =	vld [tilespmem:s1+$0x90]  }
0x10b: {  	v15 =	vsel vm0, v10, v4;
	vm0 =	vlt.s32 v5, $0x0;
	v4 =	vxor.u32 $0x7FFFFFFF, v5;
	v10 =	vld [tilespmem:s1+$0xA0]  }
0x10c: {  	v16 =	vsel vm0, v5, v4;
	vm0 =	vlt.s32 v6, $0x0;
	v4 =	vxor.u32 $0x7FFFFFFF, v6;
	v17 =	vld [tilespmem:s1+$0xB0]  }
0x10d: {  	v18 =	vsel vm0, v6, v4;
	vm0 =	vlt.s32 v7, $0x0;
	v4 =	vxor.u32 $0x7FFFFFFF, v7;
	v19 =	vld [tilespmem:s1+$0xC0]  }
0x10e: {  	v20 =	vsel vm0, v7, v4;
	vm0 =	vlt.s32 v8, $0x0;
	v4 =	vxor.u32 $0x7FFFFFFF, v8;
	v21 =	vld [tilespmem:s1+$0xD0]  }
0x10f: {  	v5 =	vsel vm0, v8, v4;
	vm0 =	vlt.s32 v9, $0x0;
	v4 =	vxor.u32 $0x7FFFFFFF, v9;
	v22 =	vld [tilespmem:s1+$0xE0]  }
0x110: {  	v23 =	vld [tilespmem:s1+$0x4000];
	v4 =	vsel vm0, v9, v4;
	vm0 =	vlt.s32 v10, $0x0;
	v6 =	vxor.u32 $0x7FFFFFFF, v10  }
0x111: {  	v24 =	vld [tilespmem:s1+$0x4010];
	v6 =	vsel vm0, v10, v6;
	vm0 =	vlt.s32 v17, $0x0;
	v7 =	vxor.u32 $0x7FFFFFFF, v17  }
0x112: {  	v25 =	vld [tilespmem:s1+$0x4020];
	v7 =	vsel vm0, v17, v7;
	vm0 =	vlt.s32 v19, $0x0;
	v8 =	vxor.u32 $0x7FFFFFFF, v19  }
0x113: {  	v17 =	vld [tilespmem:s1+$0x4030];
	v8 =	vsel vm0, v19, v8;
	vm0 =	vlt.s32 v21, $0x0;
	v9 =	vxor.u32 $0x7FFFFFFF, v21  }
0x114: {  	v19 =	vld [tilespmem:s1+$0x4040];
	v9 =	vsel vm0, v21, v9;
	vm0 =	vlt.s32 v22, $0x0;
	v10 =	vxor.u32 $0x7FFFFFFF, v22  }
0x115: {  	vm1 =	vgt.f32 v23, $0.0e+00;
	v21 =	vld [tilespmem:s1+$0x4050];
	v10 =	vsel vm0, v22, v10  }
0x116: {  	v12 =	vnsel vm1, $0xFFFFFFFF, v12;
	vm0 =	vgt.f32 v24, $0.0e+00;
	v22 =	vld [tilespmem:s1+$0x4060]  }
0x117: {  	[tilespmem:s1+$0xC000] =	vst v12;
	v11 =	vnsel vm0, $0xFFFFFFFF, v11;
	vm0 =	vgt.f32 v25, $0.0e+00;
	v23 =	vld [tilespmem:s1+$0x4070]  }
0x118: {  	[tilespmem:s1+$0xC010] =	vst v11;
	v11 =	vnsel vm0, $0xFFFFFFFF, v13;
	vm0 =	vgt.f32 v17, $0.0e+00;
	v17 =	vld [tilespmem:s1+$0x4080]  }
.Ltmp5:
0x119: {  	[tilespmem:s1+$0xC020] =	vst v11;
	v11 =	vnsel vm0, $0xFFFFFFFF, v14;
	vm0 =	vgt.f32 v19, $0.0e+00;
	v12 =	vld [tilespmem:s1+$0x4090];
	(pc) =	sbr.rel @p0 .LBB2_9-.Ltmp5, $4  }
0x11a: {  	[tilespmem:s1+$0xC030] =	vst v11;
	v13 =	vnsel vm0, $0xFFFFFFFF, v15;
	vm0 =	vgt.f32 v21, $0.0e+00;
	v11 =	vld [tilespmem:s1+$0x40A0]  }
0x11b: {  	[tilespmem:s1+$0xC040] =	vst v13;
	v14 =	vnsel vm0, $0xFFFFFFFF, v16;
	vm0 =	vgt.f32 v22, $0.0e+00;
	v13 =	vld [tilespmem:s1+$0x40B0]  }
0x11c: {  	[tilespmem:s1+$0xC050] =	vst v14;
	v15 =	vnsel vm0, $0xFFFFFFFF, v18;
	vm0 =	vgt.f32 v23, $0.0e+00;
	v14 =	vld [tilespmem:s1+$0x40C0]  }
0x11d: {  	s3 =	sadd.s32 $0x400, s3;
	[tilespmem:s1+$0xC060] =	vst v15;
	v16 =	vnsel vm0, $0xFFFFFFFF, v20;
	vm0 =	vgt.f32 v17, $0.0e+00;
	v15 =	vld [tilespmem:s1+$0x40D0]  }
0x11e: {  	[tilespmem:s1+$0xC070] =	vst v16;
	v5 =	vnsel vm0, $0xFFFFFFFF, v5;
	vm0 =	vgt.f32 v12, $0.0e+00;
	v12 =	vld [tilespmem:s1+$0x40E0]  }
0x11f: {  	[tilespmem:s1+$0xC080] =	vst v5;
	v4 =	vnsel vm0, $0xFFFFFFFF, v4;
	vm0 =	vgt.f32 v11, $0.0e+00  }
0x120: {  	[tilespmem:s1+$0xC090] =	vst v4;
	v4 =	vnsel vm0, $0xFFFFFFFF, v6;
	vm0 =	vgt.f32 v13, $0.0e+00  }
0x121: {  	[tilespmem:s1+$0xC0A0] =	vst v4;
	v4 =	vnsel vm0, $0xFFFFFFFF, v7;
	vm0 =	vgt.f32 v14, $0.0e+00  }
0x122: {  	[tilespmem:s1+$0xC0B0] =	vst v4;
	v4 =	vnsel vm0, $0xFFFFFFFF, v8;
	vm0 =	vgt.f32 v15, $0.0e+00  }
0x123: {  	[tilespmem:s1+$0xC0C0] =	vst v4;
	v4 =	vnsel vm0, $0xFFFFFFFF, v9;
	vm0 =	vgt.f32 v12, $0.0e+00  }
0x124: {  	[tilespmem:s1+$0xC0D0] =	vst v4;
	v4 =	vnsel vm0, $0xFFFFFFFF, v10  }
0x125: {  	[tilespmem:s1+$0xC0E0] =	vst v4  }
0x126: {  	_ =	swait.ge [sflag:s17], $0x2000  }
0x127: {  	[sflag:s17] =	ssyncset.done $0x0  }
0x128: {  	[sflag:s17] =	ssyncadd.s32 $0xFFFFE000  }
0x129: {  	_ =	swait.ge [sflag:s18], $0x2000  }
0x12a: {  	[sflag:s18] =	ssyncset.done $0x0  }
0x12b: {  	s1 =	simm.s32 $0x0;
	[sflag:s18] =	ssyncadd.s32 $0xFFFFE000  }
0x12c: {  	v4 =	vld [tilespmem:s1+$0x20F0]  }
0x12d: {  	v5 =	vld [tilespmem:s1+$0x60F0]  }
0x12e: {  	v6 =	vld [tilespmem:s1+$0x2000]  }
0x12f: {  	v7 =	vld [tilespmem:s1+$0x2010]  }
0x130: {  	v8 =	vld [tilespmem:s1+$0x2020]  }
0x131: {  	v9 =	vld [tilespmem:s1+$0x2030]  }
0x132: {  	v10 =	vld [tilespmem:s1+$0x2040]  }
0x133: {  	v11 =	vld [tilespmem:s1+$0x2050]  }
0x134: {  	v13 =	vld [tilespmem:s1+$0x2060];
	vm0 =	vlt.s32 v4, $0x0;
	v12 =	vxor.u32 $0x7FFFFFFF, v4  }
0x135: {  	v14 =	vld [tilespmem:s1+$0x2080];
	v4 =	vsel vm0, v4, v12;
	vm0 =	vgt.f32 v5, $0.0e+00  }
0x136: {  	v15 =	vld [tilespmem:s1+$0x2090];
	vm1 =	vlt.s32 v6, $0x0;
	v12 =	vxor.u32 $0x7FFFFFFF, v6;
	v4 =	vnsel vm0, $0xFFFFFFFF, v4  }
0x137: {  	v18 =	vld [tilespmem:s1+$0x20C0];
	v12 =	vsel vm1, v6, v12;
	vm0 =	vlt.s32 v7, $0x0;
	v6 =	vxor.u32 $0x7FFFFFFF, v7  }
0x138: {  	v5 =	vld [tilespmem:s1+$0x2070];
	v16 =	vsel vm0, v7, v6;
	vm0 =	vlt.s32 v8, $0x0;
	v6 =	vxor.u32 $0x7FFFFFFF, v8  }
0x139: {  	v19 =	vld [tilespmem:s1+$0x20D0];
	[tilespmem:s1+$0xE0F0] =	vst v4;
	v4 =	vxor.u32 $0x7FFFFFFF, v9;
	v17 =	vsel vm0, v8, v6;
	vm0 =	vlt.s32 v9, $0x0  }
0x13a: {  	v21 =	vld [tilespmem:s1+$0x20E0];
	v9 =	vsel vm0, v9, v4;
	vm0 =	vlt.s32 v10, $0x0;
	v4 =	vxor.u32 $0x7FFFFFFF, v10  }
0x13b: {  	v7 =	vld [tilespmem:s1+$0x20A0];
	v10 =	vsel vm0, v10, v4;
	vm0 =	vlt.s32 v11, $0x0;
	v4 =	vxor.u32 $0x7FFFFFFF, v11  }
0x13c: {  	v8 =	vld [tilespmem:s1+$0x20B0];
	v20 =	vsel vm0, v11, v4;
	vm0 =	vlt.s32 v13, $0x0;
	v4 =	vxor.u32 $0x7FFFFFFF, v13  }
0x13d: {  	v11 =	vld [tilespmem:s1+$0x6000];
	v22 =	vsel vm0, v13, v4;
	vm0 =	vlt.s32 v5, $0x0;
	v4 =	vxor.u32 $0x7FFFFFFF, v5  }
0x13e: {  	v13 =	vld [tilespmem:s1+$0x6010];
	v23 =	vsel vm0, v5, v4;
	vm0 =	vlt.s32 v14, $0x0;
	v4 =	vxor.u32 $0x7FFFFFFF, v14  }
0x13f: {  	v5 =	vsel vm0, v14, v4;
	vm0 =	vlt.s32 v15, $0x0;
	v4 =	vxor.u32 $0x7FFFFFFF, v15;
	v14 =	vld [tilespmem:s1+$0x6020]  }
0x140: {  	v6 =	vxor.u32 $0x7FFFFFFF, v7;
	v4 =	vsel vm0, v15, v4;
	vm0 =	vlt.s32 v7, $0x0;
	v15 =	vld [tilespmem:s1+$0x6030]  }
0x141: {  	v24 =	vld [tilespmem:s1+$0x6040];
	v6 =	vsel vm0, v7, v6;
	vm0 =	vlt.s32 v8, $0x0;
	v7 =	vxor.u32 $0x7FFFFFFF, v8  }
0x142: {  	vm1 =	vgt.f32 v11, $0.0e+00;
	v11 =	vld [tilespmem:s1+$0x6050];
	v7 =	vsel vm0, v8, v7;
	vm0 =	vlt.s32 v18, $0x0  }
0x143: {  	v8 =	vxor.u32 $0x7FFFFFFF, v18;
	v12 =	vnsel vm1, $0xFFFFFFFF, v12;
	vm1 =	vgt.f32 v13, $0.0e+00;
	v13 =	vld [tilespmem:s1+$0x6060]  }
0x144: {  	v8 =	vsel vm0, v18, v8;
	[tilespmem:s1+$0xE000] =	vst v12;
	v12 =	vnsel vm1, $0xFFFFFFFF, v16;
	vm0 =	vgt.f32 v14, $0.0e+00;
	v14 =	vld [tilespmem:s1+$0x6070]  }
0x145: {  	vm1 =	vlt.s32 v19, $0x0;
	[tilespmem:s1+$0xE010] =	vst v12;
	v12 =	vnsel vm0, $0xFFFFFFFF, v17;
	vm0 =	vgt.f32 v15, $0.0e+00;
	v15 =	vld [tilespmem:s1+$0x6080]  }
0x146: {  	v16 =	vxor.u32 $0x7FFFFFFF, v19;
	[tilespmem:s1+$0xE020] =	vst v12;
	v17 =	vnsel vm0, $0xFFFFFFFF, v9;
	vm0 =	vgt.f32 v24, $0.0e+00;
	v12 =	vld [tilespmem:s1+$0x6090]  }
0x147: {  	v9 =	vsel vm1, v19, v16;
	[tilespmem:s1+$0xE030] =	vst v17;
	v10 =	vnsel vm0, $0xFFFFFFFF, v10;
	vm0 =	vgt.f32 v11, $0.0e+00;
	v11 =	vld [tilespmem:s1+$0x60A0]  }
0x148: {  	vm1 =	vlt.s32 v21, $0x0;
	[tilespmem:s1+$0xE040] =	vst v10;
	v10 =	vnsel vm0, $0xFFFFFFFF, v20;
	vm0 =	vgt.f32 v13, $0.0e+00;
	v13 =	vld [tilespmem:s1+$0x60B0]  }
0x149: {  	v16 =	vxor.u32 $0x7FFFFFFF, v21;
	[tilespmem:s1+$0xE050] =	vst v10;
	v17 =	vnsel vm0, $0xFFFFFFFF, v22;
	vm0 =	vgt.f32 v14, $0.0e+00;
	v14 =	vld [tilespmem:s1+$0x60C0]  }
0x14a: {  	s3 =	simm.s32 $0x0;
	s2 =	simm.s32 $0x8200;
	s4 =	simm.s32 $0x400;
	v10 =	vsel vm1, v21, v16;
	[tilespmem:s1+$0xE060] =	vst v17;
	v16 =	vnsel vm0, $0xFFFFFFFF, v23;
	vm0 =	vgt.f32 v15, $0.0e+00;
	v15 =	vld [tilespmem:s1+$0x60D0]  }
.LBB2_11:
0x14b: {  	s7 =	sshra.s32 s4, $0x2;
	s3 =	sadd.s32 $0x4, s3;
	[tilespmem:s1+$0xE070] =	vst v16;
	v5 =	vnsel vm0, $0xFFFFFFFF, v5;
	vm0 =	vgt.f32 v12, $0.0e+00;
	v12 =	vld [tilespmem:s1+$0x60E0]  }
0x14c: {  	v16 =	vld [tilespmem:s7+$0x20F0];
	p0 =	slt.u32 s3, $0x7C;
	[tilespmem:s1+$0xE080] =	vst v5;
	v4 =	vnsel vm0, $0xFFFFFFFF, v4;
	vm0 =	vgt.f32 v11, $0.0e+00  }
0x14d: {  	v5 =	vld [tilespmem:s7+$0x60F0];
	[tilespmem:s1+$0xE090] =	vst v4;
	v4 =	vnsel vm0, $0xFFFFFFFF, v6;
	vm0 =	vgt.f32 v13, $0.0e+00  }
0x14e: {  	v6 =	vld [tilespmem:s7+$0x2000];
	[tilespmem:s1+$0xE0A0] =	vst v4;
	v4 =	vnsel vm0, $0xFFFFFFFF, v7;
	vm0 =	vgt.f32 v14, $0.0e+00  }
0x14f: {  	v7 =	vld [tilespmem:s7+$0x2010];
	[tilespmem:s1+$0xE0B0] =	vst v4;
	v4 =	vnsel vm0, $0xFFFFFFFF, v8;
	vm0 =	vgt.f32 v15, $0.0e+00  }
0x150: {  	v8 =	vld [tilespmem:s7+$0x2020];
	[tilespmem:s1+$0xE0C0] =	vst v4;
	v4 =	vnsel vm0, $0xFFFFFFFF, v9;
	vm0 =	vgt.f32 v12, $0.0e+00  }
0x151: {  	v9 =	vld [tilespmem:s7+$0x2030];
	vm1 =	vlt.s32 v16, $0x0;
	v11 =	vxor.u32 $0x7FFFFFFF, v16;
	[tilespmem:s1+$0xE0D0] =	vst v4;
	v4 =	vnsel vm0, $0xFFFFFFFF, v10  }
0x152: {  	v10 =	vld [tilespmem:s7+$0x2040];
	v11 =	vsel vm1, v16, v11;
	vm0 =	vgt.f32 v5, $0.0e+00;
	[tilespmem:s1+$0xE0E0] =	vst v4;
	s1 =	smov.u32 s7  }
0x153: {  	vm1 =	vlt.s32 v6, $0x0;
	v4 =	vxor.u32 $0x7FFFFFFF, v6;
	v5 =	vld [tilespmem:s1+$0x2050];
	v11 =	vnsel vm0, $0xFFFFFFFF, v11  }
0x154: {  	v12 =	vsel vm1, v6, v4;
	vm0 =	vlt.s32 v7, $0x0;
	v4 =	vxor.u32 $0x7FFFFFFF, v7;
	v6 =	vld [tilespmem:s1+$0x2060];
	[tilespmem:s1+$0xE0F0] =	vst v11  }
0x155: {  	v11 =	vsel vm0, v7, v4;
	vm0 =	vlt.s32 v8, $0x0;
	v4 =	vxor.u32 $0x7FFFFFFF, v8;
	v7 =	vld [tilespmem:s1+$0x2070]  }
0x156: {  	v13 =	vsel vm0, v8, v4;
	vm0 =	vlt.s32 v9, $0x0;
	v4 =	vxor.u32 $0x7FFFFFFF, v9;
	v8 =	vld [tilespmem:s1+$0x2080]  }
0x157: {  	v14 =	vsel vm0, v9, v4;
	vm0 =	vlt.s32 v10, $0x0;
	v4 =	vxor.u32 $0x7FFFFFFF, v10;
	v9 =	vld [tilespmem:s1+$0x2090]  }
0x158: {  	v15 =	vsel vm0, v10, v4;
	vm0 =	vlt.s32 v5, $0x0;
	v4 =	vxor.u32 $0x7FFFFFFF, v5;
	v10 =	vld [tilespmem:s1+$0x20A0]  }
0x159: {  	v16 =	vsel vm0, v5, v4;
	vm0 =	vlt.s32 v6, $0x0;
	v4 =	vxor.u32 $0x7FFFFFFF, v6;
	v17 =	vld [tilespmem:s1+$0x20B0]  }
0x15a: {  	v18 =	vsel vm0, v6, v4;
	vm0 =	vlt.s32 v7, $0x0;
	v4 =	vxor.u32 $0x7FFFFFFF, v7;
	v19 =	vld [tilespmem:s1+$0x20C0]  }
0x15b: {  	v20 =	vsel vm0, v7, v4;
	vm0 =	vlt.s32 v8, $0x0;
	v4 =	vxor.u32 $0x7FFFFFFF, v8;
	v21 =	vld [tilespmem:s1+$0x20D0]  }
0x15c: {  	v5 =	vsel vm0, v8, v4;
	vm0 =	vlt.s32 v9, $0x0;
	v4 =	vxor.u32 $0x7FFFFFFF, v9;
	v22 =	vld [tilespmem:s1+$0x20E0]  }
0x15d: {  	v23 =	vld [tilespmem:s1+$0x6000];
	v4 =	vsel vm0, v9, v4;
	vm0 =	vlt.s32 v10, $0x0;
	v6 =	vxor.u32 $0x7FFFFFFF, v10  }
0x15e: {  	v24 =	vld [tilespmem:s1+$0x6010];
	v6 =	vsel vm0, v10, v6;
	vm0 =	vlt.s32 v17, $0x0;
	v7 =	vxor.u32 $0x7FFFFFFF, v17  }
0x15f: {  	v25 =	vld [tilespmem:s1+$0x6020];
	v7 =	vsel vm0, v17, v7;
	vm0 =	vlt.s32 v19, $0x0;
	v8 =	vxor.u32 $0x7FFFFFFF, v19  }
0x160: {  	v17 =	vld [tilespmem:s1+$0x6030];
	v8 =	vsel vm0, v19, v8;
	vm0 =	vlt.s32 v21, $0x0;
	v9 =	vxor.u32 $0x7FFFFFFF, v21  }
0x161: {  	v19 =	vld [tilespmem:s1+$0x6040];
	v9 =	vsel vm0, v21, v9;
	vm0 =	vlt.s32 v22, $0x0;
	v10 =	vxor.u32 $0x7FFFFFFF, v22  }
0x162: {  	vm1 =	vgt.f32 v23, $0.0e+00;
	v21 =	vld [tilespmem:s1+$0x6050];
	v10 =	vsel vm0, v22, v10  }
0x163: {  	v12 =	vnsel vm1, $0xFFFFFFFF, v12;
	vm0 =	vgt.f32 v24, $0.0e+00;
	v22 =	vld [tilespmem:s1+$0x6060]  }
0x164: {  	[tilespmem:s1+$0xE000] =	vst v12;
	v11 =	vnsel vm0, $0xFFFFFFFF, v11;
	vm0 =	vgt.f32 v25, $0.0e+00;
	v23 =	vld [tilespmem:s1+$0x6070]  }
0x165: {  	[tilespmem:s1+$0xE010] =	vst v11;
	v11 =	vnsel vm0, $0xFFFFFFFF, v13;
	vm0 =	vgt.f32 v17, $0.0e+00;
	v17 =	vld [tilespmem:s1+$0x6080]  }
.Ltmp6:
0x166: {  	[tilespmem:s1+$0xE020] =	vst v11;
	v11 =	vnsel vm0, $0xFFFFFFFF, v14;
	vm0 =	vgt.f32 v19, $0.0e+00;
	v12 =	vld [tilespmem:s1+$0x6090];
	(pc) =	sbr.rel @p0 .LBB2_11-.Ltmp6, $4  }
0x167: {  	[tilespmem:s1+$0xE030] =	vst v11;
	v13 =	vnsel vm0, $0xFFFFFFFF, v15;
	vm0 =	vgt.f32 v21, $0.0e+00;
	v11 =	vld [tilespmem:s1+$0x60A0]  }
0x168: {  	[tilespmem:s1+$0xE040] =	vst v13;
	v14 =	vnsel vm0, $0xFFFFFFFF, v16;
	vm0 =	vgt.f32 v22, $0.0e+00;
	v13 =	vld [tilespmem:s1+$0x60B0]  }
0x169: {  	[tilespmem:s1+$0xE050] =	vst v14;
	v15 =	vnsel vm0, $0xFFFFFFFF, v18;
	vm0 =	vgt.f32 v23, $0.0e+00;
	v14 =	vld [tilespmem:s1+$0x60C0]  }
0x16a: {  	s4 =	sadd.s32 $0x400, s4;
	[tilespmem:s1+$0xE060] =	vst v15;
	v16 =	vnsel vm0, $0xFFFFFFFF, v20;
	vm0 =	vgt.f32 v17, $0.0e+00;
	v15 =	vld [tilespmem:s1+$0x60D0]  }
0x16b: {  	[tilespmem:s1+$0xE070] =	vst v16;
	v5 =	vnsel vm0, $0xFFFFFFFF, v5;
	vm10 =	vgt.f32 v12, $0.0e+00;
	v63 =	vld [tilespmem:s1+$0x60E0]  }
0x16c: {  	[tilespmem:s1+$0xE080] =	vst v5;
	v4 =	vnsel vm10, $0xFFFFFFFF, v4;
	vm11 =	vgt.f32 v11, $0.0e+00  }
0x16d: {  	[tilespmem:s1+$0xE090] =	vst v4;
	v4 =	vnsel vm11, $0xFFFFFFFF, v6;
	vm12 =	vgt.f32 v13, $0.0e+00  }
0x16e: {  	[tilespmem:s1+$0xE0A0] =	vst v4;
	v4 =	vnsel vm12, $0xFFFFFFFF, v7;
	vm13 =	vgt.f32 v14, $0.0e+00  }
0x16f: {  	[tilespmem:s1+$0xE0B0] =	vst v4;
	v4 =	vnsel vm13, $0xFFFFFFFF, v8;
	vm14 =	vgt.f32 v15, $0.0e+00  }
0x170: {  	[tilespmem:s1+$0xE0C0] =	vst v4;
	v4 =	vnsel vm14, $0xFFFFFFFF, v9;
	vm15 =	vgt.f32 v63, $0.0e+00  }
0x171: {  	[tilespmem:s1+$0xE0D0] =	vst v4;
	v4 =	vnsel vm15, $0xFFFFFFFF, v10  }
0x172: {  	[tilespmem:s1+$0xE0E0] =	vst v4  }
0x173: {  	v4 =	vld [tilespmem:s2+$0x100];
	_ =	sdelay $0x1  }
0x174: {  	v8 =	vld [tilespmem:s2+$0xFFFFFF00]  }
0x175: {  	v5 =	vld [tilespmem:s2+$0x0]  }
0x176: {  	v7 =	vld [tilespmem:s2+$0xFFFFFE00]  }
0x177: {  	v6 =	vshrl.u32 v4, $0x15;
	_ =	sdelay $0x1  }
0x178: {  	s1 =	simm.s32 $0x0;
	s2 =	simm.s32 $0x8600;
	v4 =	vshrl.u32 v8, $0x15  }
.LBB2_13:
0x179: {  	v8 =	vld [tilespmem:s2+$0x100];
	s1 =	sadd.s32 $0x4, s1;
	v9 =	vshrl.u32 v5, $0x15  }
0x17a: {  	v10 =	vld [tilespmem:s2+$0xFFFFFF00];
	p0 =	slt.u32 s1, $0x7C;
	v11 =	vshrl.u32 v7, $0x15  }
0x17b: {  	[tilespmem:v6+s20+$0x0] =	vst.idx.add.s32.msk $0xffff, v1  }
.Ltmp7:
0x17c: {  	v5 =	vld [tilespmem:s2+$0x0];
	(pc) =	sbr.rel @p0 .LBB2_13-.Ltmp7, $4  }
0x17d: {  	v7 =	vld [tilespmem:s2+$0xFFFFFE00]  }
0x17e: {  	v6 =	vshrl.u32 v8, $0x15;
	[tilespmem:v4+s20+$0x0] =	vst.idx.add.s32.msk $0xffff, v1  }
0x17f: {  	v4 =	vshrl.u32 v10, $0x15;
	[tilespmem:v11+s20+$0x0] =	vst.idx.add.s32.msk $0xffff, v1  }
0x180: {  	s2 =	sadd.s32 $0x400, s2;
	[tilespmem:v9+s20+$0x0] =	vst.idx.add.s32.msk $0xffff, v1  }
0x181: {  	_ = 	snop  }
0x182: {  	v5 =	vshrl.u32 v5, $0x15  }
0x183: {  	v7 =	vshrl.u32 v7, $0x15;
	_ =	sdelay $0x1  }
0x184: {  	[tilespmem:v6+s20+$0x0] =	vst.idx.add.s32.msk $0xffff, v1  }
0x185: {  	[tilespmem:v4+s20+$0x0] =	vst.idx.add.s32.msk $0xffff, v1  }
0x186: {  	[tilespmem:v5+s20+$0x0] =	vst.idx.add.s32.msk $0xffff, v1  }
0x187: {  	s1 =	simm.s32 $0x0;
	[tilespmem:v7+s20+$0x0] =	vst.idx.add.s32.msk $0xffff, v1  }
0x188: {  	v4 =	vld [tilespmem:s1+$0x10000]  }
0x189: {  	s10 =	simm.s32 $0x10  }
0x18a: {  	v5 =	vld [tilespmem:s10+$0x10000];
	_ =	sdelay $0x2  }
0x18b: {  	(xrf0) =	vadd.scan.msk.s32 $0xffff, v4;
	_ =	sdelay $0x1  }
0x18c: {  	s12 =	simm.s32 $0x20;
	(xrf0) =	vadd.scan.msk.s32 $0xffff, v5  }
0x18d: {  	v4 =	vld [tilespmem:s12+$0x10000];
	_ =	sdelay $0x2  }
0x18e: {  	v5, _, _ =	vpop (xrf0)  }
0x18f: {  	(v2sf) =	vpush v5, $0xF  }
0x190: {  	s13 =	simm.s32 $0x30;
	(xrf0) =	vadd.scan.msk.s32 $0xffff, v4;
	v7, _, _ =	vpop (xrf0)  }
0x191: {  	v6 =	vld [tilespmem:s13+$0x10000];
	(v2sf) =	vpush v7, $0xF;
	_ =	sdelay $0x2  }
0x192: {  	s1 =	simm.s32 $0x0  }
0x193: {  	v4 =	vadd.s32 s1, v5  }
0x194: {  	(xrf0) =	vadd.scan.msk.s32 $0xffff, v6;
	vm0 =	vlt.s32 v4, $0xA0;
	v5, _, _ =	vpop (xrf0)  }
0x195: {  	v4 =	vsel vm0, $0x1, v0;
	(v2sf) =	vpush v5, $0xF  }
0x196: {  	(xrf0) =	vadd.scan.msk.s32 $0xffff, v4;
	_ =	sdelay $0x3  }
0x197: {  	s2 =	simm.s32 $0x40;
	v4, _, _ =	vpop (xrf0)  }
0x198: {  	v6 =	vld [tilespmem:s2+$0x10000];
	(v2sf) =	vpush v4, $0xF  }
0x199: {  	s3 =	simm.s32 $0x50;
	v8, _, _ =	vpop (xrf0);
	s14 =	spop (v2sf)  }
0x19a: {  	(v2sf) =	vpush v8, $0xF;
	v8 =	vld [tilespmem:s3+$0x10000];
	s2 =	sadd.s32 $0x0, s14  }
0x19b: {  	s15 =	spop (v2sf);
	v7 =	vadd.s32 s2, v7  }
0x19c: {  	s2 =	sadd.s32 s2, s15;
	vm0 =	vlt.s32 v7, $0xA0  }
0x19d: {  	(xrf0) =	vadd.scan.msk.s32 $0xffff, v6;
	v5 =	vadd.s32 s2, v5;
	v6 =	vsel vm0, $0x1, v0  }
0x19e: {  	s4 =	simm.s32 $0x60;
	vm0 =	vlt.s32 v5, $0xA0;
	(xrf0) =	vadd.scan.msk.s32 $0xffff, v6  }
0x19f: {  	v7 =	vld [tilespmem:s4+$0x10000];
	v5 =	vsel vm0, $0x1, v0;
	(xrf0) =	vadd.scan.msk.s32 $0xffff, v8  }
0x1a0: {  	(xrf0) =	vadd.scan.msk.s32 $0xffff, v5  }
0x1a1: {  	s16 =	spop (v2sf)  }
0x1a2: {  	s2 =	sadd.s32 s2, s16  }
0x1a3: {  	v6, _, _ =	vpop (xrf0);
	v8 =	vadd.s32 s2, v4  }
0x1a4: {  	(xrf0) =	vadd.scan.msk.s32 $0xffff, v7;
	(v2sf) =	vpush v6, $0xF;
	v5, _, _ =	vpop (xrf0)  }
0x1a5: {  	(v2sf) =	vpush v5, $0xF;
	v4, _, _ =	vpop (xrf0)  }
0x1a6: {  	vm0 =	vlt.s32 v8, $0xA0;
	(v2sf) =	vpush v4, $0xF;
	v8, _, _ =	vpop (xrf0)  }
0x1a7: {  	s18 =	spop (v2sf);
	v5 =	vsel vm0, $0x1, v0;
	(v2sf) =	vpush v8, $0xF;
	_ =	sdelay $0x2  }
0x1a8: {  	(xrf0) =	vadd.scan.msk.s32 $0xffff, v5;
	v5, _, _ =	vpop (xrf0)  }
0x1a9: {  	(v2sf) =	vpush v5, $0xF  }
0x1aa: {  	s17 =	simm.s32 $0x70  }
0x1ab: {  	v7 =	vld [tilespmem:s17+$0x10000];
	_ =	sdelay $0x2  }
0x1ac: {  	s3 =	sadd.s32 s2, s18  }
0x1ad: {  	s31 =	simm.s32 $0x80;
	v8 =	vadd.s32 s3, v6  }
0x1ae: {  	s4 =	simm.s32 $0x240;
	s2 =	spop (v2sf);
	(xrf0) =	vadd.scan.msk.s32 $0xffff, v7;
	v6 =	vld [tilespmem:s31+$0x10000];
	vm0 =	vlt.s32 v8, $0xA0  }
.LBB2_15:
0x1af: {  	p0 =	sne.s32 s4, $0x1FC0  }
0x1b0: {  	v8 =	vsel vm0, $0x1, v0;
	s1 =	sadd.s32 s1, s2;
	s2 =	smov.u32 s4;
	s4 =	sadd.s32 $0x40, s4  }
.Ltmp8:
0x1b1: {  	(xrf0) =	vadd.scan.msk.s32 $0xffff, v8;
	v7, _, _ =	vpop (xrf0);
	(pc) =	sbr.rel @p0 .LBB2_15-.Ltmp8, $4  }
0x1b2: {  	s7 =	spop (v2sf);
	(v2sf) =	vpush v7, $0xF  }
0x1b3: {  	s3 =	sadd.s32 s3, s7  }
0x1b4: {  	s2 =	sshra.s32 s2, $0x2;
	(xrf0) =	vadd.scan.msk.s32 $0xffff, v6;
	v7 =	vadd.s32 s3, v4;
	v4 =	vmov v5;
	v5, _, _ =	vpop (xrf0);
	_ =	sdelay $0x1  }
0x1b5: {  	v6 =	vld [tilespmem:s2+$0x10000];
	(v2sf) =	vpush v5, $0xF;
	vm0 =	vlt.s32 v7, $0xA0;
	s2 =	spop (v2sf)  }
0x1b6: {  	_ =	sdelay $0x1  }
0x1b7: {  	v7, _, _ =	vpop (xrf0)  }
0x1b8: {  	(v2sf) =	vpush v7, $0xF;
	v59, _, _ =	vpop (xrf0)  }
0x1b9: {  	(v2sf) =	vpush v59, $0xF;
	_ =	sdelay $0x7  }
0x1ba: {  	v8 =	vsel vm0, $0x1, v0  }
0x1bb: {  	s4 =	spop (v2sf);
	(xrf0) =	vadd.scan.msk.s32 $0xffff, v8  }
0x1bc: {  	s7 =	spop (v2sf);
	(xrf0) =	vadd.scan.msk.s32 $0xffff, v6  }
0x1bd: {  	s3 =	sadd.s32 s3, s4;
	s8 =	spop (v2sf)  }
0x1be: {  	v4 =	vadd.s32 s3, v4;
	s9 =	spop (v2sf)  }
0x1bf: {  	s10 =	spop (v2sf)  }
0x1c0: {  	s3 =	sadd.s32 s3, s8;
	s12 =	spop (v2sf)  }
0x1c1: {  	vm12 =	vlt.s32 v4, $0xA0;
	v5 =	vadd.s32 s3, v5;
	v4, _, _ =	vpop (xrf0);
	s3 =	sadd.s32 s3, s10;
	s13 =	spop (v2sf)  }
0x1c2: {  	v61 =	vsel vm12, $0x1, v0;
	vm13 =	vlt.s32 v5, $0xA0;
	v62, _, _ =	vpop (xrf0);
	v60 =	vadd.s32 s3, v59;
	s3 =	sadd.s32 s3, s13  }
0x1c3: {  	(xrf0) =	vadd.scan.msk.s32 $0xffff, v61;
	v63 =	vsel vm13, $0x1, v0;
	vm14 =	vlt.s32 v60, $0xA0;
	v5 =	vadd.s32 s3, v62  }
0x1c4: {  	(xrf0) =	vadd.scan.msk.s32 $0xffff, v63;
	v6 =	vsel vm14, $0x1, v0;
	vm15 =	vlt.s32 v5, $0xA0  }
0x1c5: {  	(xrf0) =	vadd.scan.msk.s32 $0xffff, v6;
	v5 =	vsel vm15, $0x1, v0  }
0x1c6: {  	(xrf0) =	vadd.scan.msk.s32 $0xffff, v5;
	_ =	sdelay $0x1  }
0x1c7: {  	(v2sf) =	vpush v4, $0xF  }
0x1c8: {  	(v2sf) =	vpush v62, $0xF;
	v4, _, _ =	vpop (xrf0)  }
0x1c9: {  	(v2sf) =	vpush v4, $0xF;
	v4, _, _ =	vpop (xrf0)  }
0x1ca: {  	(v2sf) =	vpush v4, $0xF;
	v4, _, _ =	vpop (xrf0)  }
0x1cb: {  	(v2sf) =	vpush v4, $0xF;
	v4, _, _ =	vpop (xrf0)  }
0x1cc: {  	(v2sf) =	vpush v4, $0xF;
	_ =	sdelay $0x7  }
0x1cd: {  	s1 =	sadd.s32 s1, s2  }
0x1ce: {  	s1 =	sadd.s32 s1, s7  }
0x1cf: {  	s1 =	sadd.s32 s1, s9;
	s14 =	spop (v2sf)  }
0x1d0: {  	s1 =	sadd.s32 s1, s12;
	s15 =	spop (v2sf)  }
0x1d1: {  	s1 =	sadd.s32 s1, s14;
	s16 =	spop (v2sf)  }
0x1d2: {  	s1 =	sadd.s32 s1, s16;
	s17 =	spop (v2sf)  }
0x1d3: {  	s1 =	sadd.s32 s1, s17;
	s18 =	spop (v2sf)  }
0x1d4: {  	s1 =	sadd.s32 s1, s18;
	s31 =	spop (v2sf)  }
0x1d5: {  	s1 =	sadd.s32 s1, s31  }
.LBB2_17:
0x1d6: {  	s2 =	simm.s32 $0x8020  }
0x1d7: {  	v10 =	vld [tilespmem:s2+$0xFFFFFFE0]  }
0x1d8: {  	v11 =	vld [tilespmem:s2+$0xFFFFFFF0]  }
0x1d9: {  	s3 =	sshll.u32 s1, $0x15;
	v15 =	vld [tilespmem:s2+$0x0]  }
0x1da: {  	s3 =	sor.u32 $0x1FFFFF, s3;
	v4 =	vld [tilespmem:s2+$0x10]  }
0x1db: {  	v8 =	vmov s3  }
0x1dc: {  	vm1 =	vle.u32 v10, v8  }
0x1dd: {  	vm0 =	vle.u32 v11, v8;
	v5 =	vsel vm1, $0x1, v0  }
0x1de: {  	v7 =	vimm.s32 $0x0;
	v6 =	vsel vm0, $0x1, v0;
	(xrf0) =	vadd.scan.msk.s32 $0xffff, v5;
	v5 =	vmpcnt.ones.xlane vm1  }
0x1df: {  	vm3 =	vle.u32 v15, v8;
	vm2 =	vle.u32 v4, v8;
	v9 =	vmpcnt.ones.xlane vm0;
	(xrf0) =	vadd.scan.msk.s32 $0xffff, v6  }
0x1e0: {  	v6 =	vsel vm3, $0x1, v0;
	v12 =	vadd.s32 v7, v5;
	v5 =	vmpcnt.ones.xlane vm3  }
0x1e1: {  	s15 =	simm.s32 $0x8060;
	(xrf0) =	vadd.scan.msk.s32 $0xffff, v6;
	v6 =	vsel vm2, $0x1, v0;
	v13 =	vadd.s32 v12, v9;
	v9 =	vmpcnt.ones.xlane vm2  }
0x1e2: {  	s16 =	simm.s32 $0x0;
	(xrf0) =	vadd.scan.msk.s32 $0xffff, v6;
	v6 =	vld [tilespmem:s15+$0xFFFFFFE0]  }
0x1e3: {  	v21 =	vor.u32 s16, v2  }
0x1e4: {  	vm6 =	vmmov vm0;
	vm0 =	vmmov vm3;
	v14 =	vadd.s32 v13, v5;
	v5, _, _ =	vpop (xrf0)  }
0x1e5: {  	vm1 =	vmmov vm1;
	v20 =	vadd.s32 v14, v9;
	v7 =	vadd.s32 v5, v7;
	v9, _, _ =	vpop (xrf0);
	v5 =	vld [tilespmem:s15+$0xFFFFFFF0]  }
0x1e6: {  	vm2 =	vmmov vm2;
	v7 =	vadd.s32 $0xFFFFFFFF, v7;
	v12 =	vadd.s32 v9, v12  }
0x1e7: {  	v9 =	vld [tilespmem:s15+$0x0];
	v16, _, _ =	vpop (xrf0);
	vm5 =	vle.u32 v6, v8;
	vm4 =	vlt.s32 v7, $0x103F;
	v12 =	vadd.s32 $0xFFFFFFFF, v12  }
0x1e8: {  	v13 =	vadd.s32 v16, v13;
	v16, _, _ =	vpop (xrf0);
	v22 =	vnsel vm4, $0x103F, v7;
	vm4 =	vlt.s32 v12, $0x103F;
	v7 =	vld [tilespmem:s15+$0x10]  }
0x1e9: {  	v23 =	vnsel vm4, $0x103F, v12;
	v12 =	vadd.s32 $0xFFFFFFFF, v13;
	v13 =	vadd.s32 v16, v14  }
0x1ea: {  	v14 =	vsel vm5, $0x1, v0;
	v16 =	vmpcnt.ones.xlane vm5;
	vm4 =	vle.u32 v5, v8  }
0x1eb: {  	(xrf0) =	vadd.scan.msk.s32 $0xffff, v14;
	vm7 =	vlt.s32 v12, $0x103F;
	v13 =	vadd.s32 $0xFFFFFFFF, v13;
	v17 =	vsel vm4, $0x1, v0  }
0x1ec: {  	v18 =	vmpcnt.ones.xlane vm4;
	vm3 =	vle.u32 v9, v8;
	v24 =	vadd.s32 v20, v16;
	(xrf0) =	vadd.scan.msk.s32 $0xffff, v17  }
0x1ed: {  	v14 =	vmpcnt.ones.xlane vm3;
	v16 =	vsel vm3, $0x1, v0;
	vm8 =	vle.u32 v7, v8  }
0x1ee: {  	s2 =	simm.s32 $0x40;
	v17 =	vadd.s32 v24, v18;
	(xrf0) =	vadd.scan.msk.s32 $0xffff, v16;
	v18 =	vnsel vm7, $0x103F, v12;
	vm7 =	vlt.s32 v13, $0x103F  }
0x1ef: {  	[tilespmem:v22+s21+$0x0] =	vst.idx.msk vm1, v10;
	v12 =	vor.u32 s2, v2;
	v19 =	vmpcnt.ones.xlane vm8;
	v16 =	vsel vm8, $0x1, v0  }
0x1f0: {  	s17 =	simm.s32 $0x10;
	v14 =	vadd.s32 v17, v14;
	[tilespmem:v22+s22+$0x0] =	vst.idx.msk vm1, v21;
	vm1 =	vmmov vm5;
	(xrf0) =	vadd.scan.msk.s32 $0xffff, v16  }
0x1f1: {  	s4 =	simm.s32 $0x80A0;
	vm5 =	vmmov vm2;
	[tilespmem:v23+s21+$0x0] =	vst.idx.msk vm6, v11;
	v16 =	vnsel vm7, $0x103F, v13;
	v13 =	vor.u32 s17, v2;
	v10, _, _ =	vpop (xrf0)  }
0x1f2: {  	s18 =	simm.s32 $0x20;
	vm2 =	vmmov vm8;
	v11 =	vld [tilespmem:s4+$0xFFFFFFE0];
	v19 =	vadd.s32 v14, v19;
	[tilespmem:v23+s22+$0x0] =	vst.idx.msk vm6, v13;
	v20 =	vadd.s32 v10, v20;
	v21, _, _ =	vpop (xrf0)  }
0x1f3: {  	s31 =	simm.s32 $0x30;
	v13 =	vld [tilespmem:s4+$0x0];
	v23 =	vadd.s32 $0xFFFFFFFF, v20;
	[tilespmem:v18+s21+$0x0] =	vst.idx.msk vm0, v15;
	v15 =	vmovc v19;
	v20 =	vadd.s32 v21, v24;
	v21 =	vor.u32 s18, v2  }
0x1f4: {  	s7 =	simm.s32 $0x8;
	s3 =	simm.s32 $0x40;
	v10 =	vld [tilespmem:s4+$0xFFFFFFF0];
	vm10 =	vlt.s32 v23, $0x103F;
	v24, _, _ =	vpop (xrf0);
	v22 =	vadd.s32 $0xFFFFFFFF, v20;
	v20 =	vor.u32 s31, v2  }
.LBB2_18:
0x1f5: {  	v23 =	vnsel vm10, $0x103F, v23;
	vm7 =	vlt.s32 v22, $0x103F;
	v17 =	vadd.s32 v24, v17  }
0x1f6: {  	s7 =	sadd.s32 $0x4, s7;
	v25 =	vld [tilespmem:s4+$0x10];
	v24, _, _ =	vpop (xrf0);
	[tilespmem:v18+s22+$0x0] =	vst.idx.msk vm0, v21;
	v26 =	vmov v9;
	vm6 =	vmmov vm4;
	vm0 =	vmmov vm3  }
0x1f7: {  	p0 =	slt.u32 s7, $0x7FC;
	v21 =	vnsel vm7, $0x103F, v22;
	v18 =	vadd.s32 $0xFFFFFFFF, v17;
	v9 =	vadd.s32 v24, v14;
	[tilespmem:v16+s21+$0x0] =	vst.idx.msk vm5, v4;
	v4 =	vmovc v7  }
0x1f8: {  	vm7 =	vle.u32 v11, v8;
	vm8 =	vlt.s32 v18, $0x103F;
	v22 =	vadd.s32 $0xFFFFFFFF, v9;
	[tilespmem:v16+s22+$0x0] =	vst.idx.msk vm5, v20  }
0x1f9: {  	v20 =	vsel vm7, $0x1, v0;
	v14 =	vmpcnt.ones.xlane vm7;
	vm4 =	vle.u32 v10, v8  }
0x1fa: {  	v16 =	vsel vm4, $0x1, v0;
	v17 =	vmpcnt.ones.xlane vm4;
	vm3 =	vle.u32 v13, v8;
	(xrf0) =	vadd.scan.msk.s32 $0xffff, v20;
	v9 =	vmovc v13  }
0x1fb: {  	v13 =	vadd.s32 v19, v14;
	v14 =	vmpcnt.ones.xlane vm3;
	vm9 =	vle.u32 v25, v8;
	(xrf0) =	vadd.scan.msk.s32 $0xffff, v16;
	v7 =	vmovc v25  }
0x1fc: {  	v16 =	vsel vm3, $0x1, v0;
	v17 =	vadd.s32 v13, v17;
	v19 =	vmpcnt.ones.xlane vm9;
	[tilespmem:v23+s21+$0x0] =	vst.idx.msk vm1, v6;
	v6 =	vmovc v11  }
0x1fd: {  	vm5 =	vlt.s32 v22, $0x103F;
	v11 =	vsel vm9, $0x1, v0;
	v14 =	vadd.s32 v17, v14;
	(xrf0) =	vadd.scan.msk.s32 $0xffff, v16  }
0x1fe: {  	v18 =	vnsel vm8, $0x103F, v18;
	v16 =	vnsel vm5, $0x103F, v22;
	v19 =	vadd.s32 v14, v19;
	(xrf0) =	vadd.scan.msk.s32 $0xffff, v11  }
.Ltmp9:
0x1ff: {  	s8 =	sadd.s32 $0x10, s2;
	vm5 =	vmmov vm2;
	vm2 =	vmmov vm9;
	[tilespmem:v23+s22+$0x0] =	vst.idx.msk vm1, v12;
	vm1 =	vmmov vm7;
	(pc) =	sbr.rel @p0 .LBB2_18-.Ltmp9, $4  }
0x200: {  	s4 =	sadd.s32 $0x40, s4;
	s2 =	sadd.s32 $0x40, s2;
	v20 =	vor.u32 s8, v2;
	v12, _, _ =	vpop (xrf0);
	[tilespmem:v21+s21+$0x0] =	vst.idx.msk vm6, v5;
	v5 =	vmov v10  }
0x201: {  	s8 =	sadd.s32 $0x20, s3;
	v11 =	vld [tilespmem:s4+$0xFFFFFFE0];
	v22 =	vadd.s32 v12, v15;
	v12 =	vor.u32 s2, v2;
	v24, _, _ =	vpop (xrf0);
	[tilespmem:v21+s22+$0x0] =	vst.idx.msk vm6, v20;
	v15 =	vmov v19  }
0x202: {  	v21 =	vor.u32 s8, v2;
	s8 =	sadd.s32 $0x30, s3;
	s3 =	smov.u32 s2;
	v10 =	vld [tilespmem:s4+$0xFFFFFFF0];
	v23 =	vadd.s32 $0xFFFFFFFF, v22;
	v20 =	vadd.s32 v24, v13  }
0x203: {  	v13 =	vld [tilespmem:s4+$0x0];
	vm10 =	vlt.s32 v23, $0x103F;
	v22 =	vadd.s32 $0xFFFFFFFF, v20;
	v24, _, _ =	vpop (xrf0);
	[tilespmem:v18+s21+$0x0] =	vst.idx.msk vm0, v26;
	v20 =	vor.u32 s8, v2  }
0x204: {  	v25 =	vld [tilespmem:s4+$0x10];
	_ =	sdelay $0x1  }
0x205: {  	vm9 =	vle.u32 v11, v8  }
0x206: {  	v26 =	vmpcnt.ones.xlane vm9;
	vm8 =	vle.u32 v10, v8  }
0x207: {  	v27 =	vsel vm9, $0x1, v0;
	v28 =	vmpcnt.ones.xlane vm8;
	vm7 =	vle.u32 v13, v8  }
0x208: {  	v19 =	vadd.s32 v19, v26;
	v45 =	vmpcnt.ones.xlane vm7;
	vm6 =	vle.u32 v25, v8  }
0x209: {  	v46 =	vsel vm8, $0x1, v0;
	(xrf0) =	vadd.scan.msk.s32 $0xffff, v27;
	v47 =	vadd.s32 v19, v28;
	v48 =	vmpcnt.ones.xlane vm6  }
0x20a: {  	(xrf0) =	vadd.scan.msk.s32 $0xffff, v46;
	v49 =	vsel vm7, $0x1, v0;
	v26 =	vadd.s32 v47, v45  }
0x20b: {  	v29 =	vsel vm6, $0x1, v0;
	(xrf0) =	vadd.scan.msk.s32 $0xffff, v49;
	v50 =	vadd.s32 v26, v48  }
0x20c: {  	(xrf0) =	vadd.scan.msk.s32 $0xffff, v29;
	v8 =	vxor.u32 $0x80000000, v50  }
0x20d: {  	(xrf0) =	vmax.scan.msk.u32 $0xffff, v8  }
0x20e: {  	v51, _, _ =	vpop (xrf0)  }
0x20f: {  	v52, _, _ =	vpop (xrf0)  }
0x210: {  	v53, _, _ =	vpop (xrf0)  }
0x211: {  	v30, _, _ =	vpop (xrf0)  }
0x212: {  	v31, _, _ =	vpop (xrf0)  }
0x213: {  	v54, _, _ =	vpop (xrf0)  }
0x214: {  	(v2sf) =	vpush v54, $0xF;
	_ =	sdelay $0x1  }
0x215: {  	v23 =	vnsel vm10, $0x103F, v23  }
0x216: {  	vm15 =	vlt.s32 v22, $0x103F;
	v17 =	vadd.s32 v24, v17;
	vm4 =	vmmov vm4  }
0x217: {  	[tilespmem:v18+s22+$0x0] =	vst.idx.msk vm0, v21;
	v55 =	vnsel vm15, $0x103F, v22;
	v17 =	vadd.s32 $0xFFFFFFFF, v17  }
0x218: {  	[tilespmem:v16+s21+$0x0] =	vst.idx.msk vm5, v4;
	vm3 =	vmmov vm3;
	vm11 =	vlt.s32 v17, $0x103F;
	v8 =	vadd.s32 v51, v14  }
0x219: {  	[tilespmem:v16+s22+$0x0] =	vst.idx.msk vm5, v20;
	v4 =	vnsel vm11, $0x103F, v17;
	v8 =	vadd.s32 $0xFFFFFFFF, v8  }
0x21a: {  	vm2 =	vmmov vm2;
	[tilespmem:v23+s21+$0x0] =	vst.idx.msk vm1, v6;
	v56 =	vadd.s32 v52, v15;
	vm12 =	vlt.s32 v8, $0x103F  }
0x21b: {  	s12 =	sadd.s32 $0x10, s2;
	[tilespmem:v23+s22+$0x0] =	vst.idx.msk vm1, v12;
	v6 =	vadd.s32 $0xFFFFFFFF, v56;
	v8 =	vnsel vm12, $0x103F, v8  }
0x21c: {  	[tilespmem:v55+s21+$0x0] =	vst.idx.msk vm4, v5;
	v5 =	vor.u32 s12, v2;
	v57 =	vadd.s32 v53, v19;
	vm14 =	vlt.s32 v6, $0x103F  }
0x21d: {  	s13 =	sadd.s32 $0x20, s3;
	[tilespmem:v55+s22+$0x0] =	vst.idx.msk vm4, v5;
	v12 =	vadd.s32 $0xFFFFFFFF, v57;
	v6 =	vnsel vm14, $0x103F, v6  }
0x21e: {  	v5 =	vor.u32 s13, v2;
	[tilespmem:v4+s21+$0x0] =	vst.idx.msk vm3, v9;
	v58 =	vadd.s32 v30, v47;
	vm15 =	vlt.s32 v12, $0x103F  }
0x21f: {  	s14 =	sadd.s32 $0x30, s3;
	[tilespmem:v4+s22+$0x0] =	vst.idx.msk vm3, v5;
	v5 =	vadd.s32 $0xFFFFFFFF, v58;
	v4 =	vnsel vm15, $0x103F, v12  }
0x220: {  	v59 =	vor.u32 s14, v2;
	v60 =	vadd.s32 v31, v26;
	vm12 =	vlt.s32 v5, $0x103F;
	[tilespmem:v8+s21+$0x0] =	vst.idx.msk vm2, v7  }
0x221: {  	s15 =	sadd.s32 $0x40, s2;
	vm13 =	vmmov vm9;
	v61 =	vadd.s32 $0xFFFFFFFF, v60;
	v5 =	vnsel vm12, $0x103F, v5;
	[tilespmem:v8+s22+$0x0] =	vst.idx.msk vm2, v59  }
0x222: {  	v62 =	vor.u32 s15, v2;
	vm13 =	vmmov vm6;
	vm14 =	vlt.s32 v61, $0x103F;
	[tilespmem:v6+s21+$0x0] =	vst.idx.msk vm9, v11;
	s18 =	spop (v2sf)  }
0x223: {  	s16 =	sadd.s32 $0x10, s15;
	v7 =	vnsel vm14, $0x103F, v61;
	[tilespmem:v6+s22+$0x0] =	vst.idx.msk vm9, v62;
	s2 =	sxor.u32 $0x80000000, s18  }
0x224: {  	v63 =	vor.u32 s16, v2;
	[tilespmem:v4+s21+$0x0] =	vst.idx.msk vm8, v10;
	p0 =	slt.s32 s2, $0x800  }
.Ltmp10:
0x225: {  	s17 =	sadd.s32 $0x20, s15;
	[tilespmem:v4+s22+$0x0] =	vst.idx.msk vm8, v63;
	(pc) =	sbr.rel @p0 .LBB2_17-.Ltmp10, $4  }
0x226: {  	v4 =	vor.u32 s17, v2;
	[tilespmem:v5+s21+$0x0] =	vst.idx.msk vm7, v13  }
0x227: {  	s31 =	sadd.s32 $0x30, s15;
	[tilespmem:v5+s22+$0x0] =	vst.idx.msk vm7, v4  }
0x228: {  	v4 =	vor.u32 s31, v2;
	[tilespmem:v7+s21+$0x0] =	vst.idx.msk vm13, v25  }
0x229: {  	s1 =	sadd.s32 $0x1, s1;
	vm10 =	vmmov vm8;
	vm11 =	vmmov vm7;
	vm15 =	vmmov vm13;
	[tilespmem:v7+s22+$0x0] =	vst.idx.msk vm13, v4  }
0x22a: {  	s2 =	smin.u32 s2, $0x1000  }
0x22b: {  	[tilespmem:s2+$0x10800] =	vst v3  }
0x22c: {  	[tilespmem:s2+$0x10810] =	vst v3  }
0x22d: {  	[tilespmem:s2+$0x10820] =	vst v3  }
0x22e: {  	s3 =	simm.s32 $0x14A20;
	[tilespmem:s2+$0x10830] =	vst v3  }
0x22f: {  	[tilespmem:s3+$0xFFFFFFF0] =	vst v0  }
0x230: {  	[tilespmem:s3+$0x0] =	vst v0  }
0x231: {  	[tilespmem:s3+$0x10] =	vst v0  }
0x232: {  	s1 =	simm.s32 $0x14B20;
	[tilespmem:s3+$0xFFFFFFE0] =	vst v0  }
0x233: {  	[tilespmem:s1+$0xFFFFFFF0] =	vst v0  }
0x234: {  	[tilespmem:s1+$0x0] =	vst v0  }
0x235: {  	[tilespmem:s1+$0x10] =	vst v0  }
0x236: {  	s4 =	simm.s32 $0x14A60;
	s3 =	simm.s32 $0x0;
	[tilespmem:s1+$0xFFFFFFE0] =	vst v0  }
.LBB2_21:
0x237: {  	[tilespmem:s4+$0xFFFFFFF0] =	vst v0;
	s1 =	sadd.s32 $0x40, s1  }
0x238: {  	s3 =	sadd.s32 $0x4, s3;
	[tilespmem:s1+$0xFFFFFFF0] =	vst v0  }
0x239: {  	p0 =	slt.u32 s3, $0xC;
	[tilespmem:s4+$0x0] =	vst v0  }
.Ltmp11:
0x23a: {  	[tilespmem:s1+$0x0] =	vst v0;
	(pc) =	sbr.rel @p0 .LBB2_21-.Ltmp11, $4  }
0x23b: {  	[tilespmem:s4+$0x10] =	vst v0  }
0x23c: {  	[tilespmem:s1+$0x10] =	vst v0  }
0x23d: {  	[tilespmem:s4+$0xFFFFFFE0] =	vst v0  }
0x23e: {  	s4 =	sadd.s32 $0x40, s4;
	[tilespmem:s1+$0xFFFFFFE0] =	vst v0  }
0x23f: {  	s1 =	simm.s32 $0x10820;
	s2 =	sadd.s32 $0x3F, s2  }
0x240: {  	v31 =	vld [tilespmem:s1+$0x0];
	s10 =	sshrl.u32 s2, $0x6  }
0x241: {  	v4 =	vld [tilespmem:s1+$0xFFFFFFE0];
	s31 =	sshll.u32 s10, $0x1  }
0x242: {  	p4 =	sgt.u32 s31, $0x2  }
.Ltmp12:
0x243: {  	_ = 	snop;
	(pc) =	sbr.rel @!p4 .LBB2_23-.Ltmp12, $4  }
0x244: {  	_ = 	snop  }
0x245: {  	s3 =	simm.s32 $0x14D20;
	v30 =	vand.u32 $0xFF, v31  }
0x246: {  	s7 =	simm.s32 $0x10860;
	p0 =	por $0x0, $0x0;
	p1 =	por $0x0, $0x0;
	v28 =	vand.u32 $0xFF, v4;
	(xrf1) =	vunique.msk.u32 $0xffff, v30  }
0x247: {  	p2 =	por $0x0, $0x0;
	p3 =	por $0x0, $0x0;
	s2 =	simm.s32 $0x0;
	v27 =	vor.u32 $0xFFFFFF00, v4;
	(xrf1) =	vunique.msk.u32 $0xffff, v28  }
0x248: {  	_ =	sdelay $0x5  }
0x249: {  	v11 =	vld [tilespmem:s7+$0x0]  }
0x24a: {  	v4 =	vld [tilespmem:s7+$0xFFFFFFE0]  }
0x24b: {  	p4 =	sgt.u32 s31, $0x4  }
.Ltmp13:
0x24c: {  	_ = 	snop;
	(pc) =	sbr.rel @!p4 .LBB2_25-.Ltmp13, $4  }
0x24d: {  	_ = 	snop  }
0x24e: {  	v6 =	vand.u32 $0xFF, v11  }
0x24f: {  	v8 =	vand.u32 $0xFF, v4;
	(xrf1) =	vunique.msk.u32 $0xffff, v6;
	_, v13, vm1 =	vpop (xrf1)  }
0x250: {  	s8 =	simm.s32 $0x108A0;
	p0 =	por $0x1, $0x1;
	v4 =	vor.u32 $0xFFFFFF00, v4;
	(xrf1) =	vunique.msk.u32 $0xffff, v8;
	_, v7, vm0 =	vpop (xrf1)  }
0x251: {  	_ =	sdelay $0x5  }
0x252: {  	v14 =	vld [tilespmem:s8+$0x0]  }
0x253: {  	v10 =	vld [tilespmem:s8+$0xFFFFFFE0]  }
0x254: {  	v5 =	vshll.u32 v13, $0x8;
	v9 =	vor.u32 $0xFFFFFF00, v31;
	p4 =	sgt.u32 s31, $0x6  }
.Ltmp14:
0x255: {  	v12 =	vshll.u32 v7, $0x8;
	[tilespmem:v30+s23+$0x0] =	vst.idx.add.s32.msk vm1, v13;
	v5 =	vadd.s32 v9, v5;
	v9 =	vsel vm1, $0x4000, v0;
	(pc) =	sbr.rel @!p4 .LBB2_27-.Ltmp14, $4  }
0x256: {  	[tilespmem:v28+s23+$0x0] =	vst.idx.add.s32.msk vm0, v7;
	v12 =	vadd.s32 v27, v12;
	v5 =	vor.u32 v9, v5;
	v9 =	vsel vm0, $0x4000, v0  }
0x257: {  	[tilespmem:s3+$0x0] =	vst v5;
	v9 =	vor.u32 v9, v12;
	v32 =	vand.u32 $0xFF, v14  }
0x258: {  	v5 =	vld [tilespmem:s1+$0x10];
	[tilespmem:s3+$0xFFFFFFE0] =	vst v9;
	v26 =	vand.u32 $0xFF, v10;
	(xrf1) =	vunique.msk.u32 $0xffff, v32;
	_, v13, vm1 =	vpop (xrf1)  }
0x259: {  	p1 =	por $0x1, $0x1;
	v16 =	vld [tilespmem:s1+$0xFFFFFFF0];
	v21 =	vor.u32 $0xFFFFFF00, v10;
	s1 =	simm.s32 $0x108E0;
	(xrf1) =	vunique.msk.u32 $0xffff, v26;
	_, v7, vm0 =	vpop (xrf1)  }
0x25a: {  	_ =	sdelay $0x5  }
0x25b: {  	v28 =	vld [tilespmem:s1+$0x0]  }
0x25c: {  	v9 =	vshll.u32 v13, $0x8;
	v10 =	vor.u32 $0xFFFFFF00, v11;
	v11 =	vld [tilespmem:s1+$0xFFFFFFE0];
	v12 =	vshll.u32 v7, $0x8  }
0x25d: {  	p4 =	sgt.u32 s31, $0x8;
	v9 =	vadd.s32 v10, v9;
	v10 =	vsel vm1, $0x4000, v0;
	v4 =	vadd.s32 v4, v12  }
.Ltmp15:
0x25e: {  	[tilespmem:v6+s23+$0x0] =	vst.idx.add.s32.msk vm1, v13;
	v6 =	vor.u32 v10, v9;
	v10 =	vsel vm0, $0x4000, v0;
	v9 =	vand.u32 $0xFF, v5;
	(pc) =	sbr.rel @!p4 .LBB2_29-.Ltmp15, $4  }
0x25f: {  	s4 =	simm.s32 $0x14D60;
	[tilespmem:v8+s23+$0x0] =	vst.idx.add.s32.msk vm0, v7;
	v4 =	vor.u32 v10, v4;
	(xrf1) =	vunique.msk.u32 $0xffff, v9;
	v10 =	vand.u32 $0xFF, v16  }
0x260: {  	[tilespmem:s4+$0x0] =	vst v6;
	(xrf1) =	vunique.msk.u32 $0xffff, v10;
	v6 =	vand.u32 $0xFF, v28  }
0x261: {  	v19 =	vld [tilespmem:s7+$0x10];
	[tilespmem:s4+$0xFFFFFFE0] =	vst v4;
	v29 =	vand.u32 $0xFF, v11;
	(xrf1) =	vunique.msk.u32 $0xffff, v6;
	_, v13, vm1 =	vpop (xrf1)  }
0x262: {  	p2 =	por $0x1, $0x1;
	v12 =	vor.u32 $0xFFFFFF00, v16;
	v20 =	vld [tilespmem:s7+$0xFFFFFFF0];
	v4 =	vor.u32 $0xFFFFFF00, v11;
	s7 =	simm.s32 $0x10920;
	(xrf1) =	vunique.msk.u32 $0xffff, v29;
	_, v7, vm0 =	vpop (xrf1)  }
0x263: {  	_ =	sdelay $0x8  }
0x264: {  	v11 =	vld [tilespmem:s7+$0x0];
	v15 =	vand.u32 $0xFF, v19  }
0x265: {  	v8 =	vshll.u32 v7, $0x8;
	v17 =	vld [tilespmem:s7+$0xFFFFFFE0];
	_, v22, vm3 =	vpop (xrf1);
	(xrf1) =	vunique.msk.u32 $0xffff, v15  }
0x266: {  	v18 =	vshll.u32 v13, $0x8;
	v14 =	vor.u32 $0xFFFFFF00, v14;
	[tilespmem:v32+s23+$0x0] =	vst.idx.add.s32.msk vm1, v13;
	v8 =	vadd.s32 v21, v8  }
0x267: {  	[tilespmem:v26+s23+$0x0] =	vst.idx.add.s32.msk vm0, v7;
	v18 =	vadd.s32 v14, v18;
	v21 =	vsel vm1, $0x4000, v0;
	v14 =	vand.u32 $0xFF, v20  }
0x268: {  	s12 =	simm.s32 $0x14DA0;
	v23 =	vor.u32 $0xFFFFFF00, v5;
	v13 =	vor.u32 v21, v18;
	(xrf1) =	vunique.msk.u32 $0xffff, v14;
	v7 =	vshll.u32 v22, $0x8  }
0x269: {  	v16 =	vsel vm0, $0x4000, v0;
	p4 =	sgt.u32 s31, $0xA;
	[tilespmem:s12+$0x0] =	vst v13;
	v32 =	vand.u32 $0xFF, v11;
	v23 =	vadd.s32 v23, v7  }
.Ltmp16:
0x26a: {  	v16 =	vor.u32 v16, v8;
	v8 =	vand.u32 $0xFF, v17;
	v31 =	vor.u32 $0xFFFFFF00, v17;
	v17 =	vld [tilespmem:s8+$0x10];
	(xrf1) =	vunique.msk.u32 $0xffff, v32;
	(pc) =	sbr.rel @!p4 .LBB2_31-.Ltmp16, $4  }
0x26b: {  	[tilespmem:s12+$0xFFFFFFE0] =	vst v16;
	_, v21, vm2 =	vpop (xrf1);
	v26 =	vsel vm3, $0x4000, v0;
	(xrf1) =	vunique.msk.u32 $0xffff, v8  }
0x26c: {  	[tilespmem:v9+s24+$0x0] =	vst.idx.add.s32.msk vm3, v22;
	v22 =	vor.u32 v26, v23;
	v23 =	vmov v10  }
0x26d: {  	s9 =	simm.s32 $0xA;
	v18 =	vor.u32 $0xFFFFFF00, v20;
	v16 =	vld [tilespmem:s8+$0xFFFFFFF0];
	v24 =	vshll.u32 v21, $0x8;
	_, v13, vm1 =	vpop (xrf1)  }
0x26e: {  	s13 =	simm.s32 $0x10960;
	p3 =	por $0x1, $0x1;
	s8 =	simm.s32 $0x14D20;
	v25 =	vsel vm2, $0x4000, v0;
	v24 =	vadd.s32 v12, v24;
	_, v7, vm0 =	vpop (xrf1);
	v26 =	vmov v19  }
.LBB2_32:
0x26f: {  	v27 =	vld [tilespmem:s13+$0x0];
	v30 =	vshll.u32 v7, $0x8;
	v33 =	vsel vm0, $0x4000, v0;
	v34 =	vand.u32 $0xFF, v17;
	[tilespmem:s8+$0x10] =	vst v22;
	v22 =	vmovc v18;
	v35 =	vmovc v17  }
0x270: {  	v24 =	vor.u32 v25, v24;
	v17 =	vld [tilespmem:s13+$0xFFFFFFE0];
	v18 =	vadd.s32 v4, v30;
	(xrf1) =	vunique.msk.u32 $0xffff, v34;
	v4 =	vmov v31  }
0x271: {  	s9 =	sadd.s32 $0x2, s9;
	v31 =	vor.u32 $0xFFFFFF00, v28;
	v28 =	vmovc v11;
	v25 =	vor.u32 v33, v18;
	v18 =	vshll.u32 v13, $0x8;
	[tilespmem:v23+s24+$0x0] =	vst.idx.add.s32.msk vm2, v21  }
0x272: {  	p4 =	slt.u32 s9, s31;
	v23 =	vmovc v14;
	v21 =	vadd.s32 v31, v18;
	v18 =	vsel vm1, $0x4000, v0;
	[tilespmem:s8+$0xFFFFFFF0] =	vst v24;
	v14 =	vand.u32 $0xFF, v16;
	s8 =	smov.u32 s4;
	s4 =	smov.u32 s12  }
0x273: {  	s12 =	sadd.s32 $0x40, s12;
	[tilespmem:v6+s23+$0x0] =	vst.idx.add.s32.msk vm1, v13;
	v13 =	vor.u32 v18, v21;
	v18 =	vor.u32 $0xFFFFFF00, v16;
	(xrf1) =	vunique.msk.u32 $0xffff, v14;
	_, v30, vm3 =	vpop (xrf1)  }
0x274: {  	v6 =	vmov v32;
	[tilespmem:s12+$0x0] =	vst v13;
	v11 =	vmov v27;
	v32 =	vand.u32 $0xFF, v27  }
.Ltmp17:
0x275: {  	v16 =	vand.u32 $0xFF, v17;
	v31 =	vor.u32 $0xFFFFFF00, v17;
	(xrf1) =	vunique.msk.u32 $0xffff, v32;
	v17 =	vld [tilespmem:s1+$0x10];
	(pc) =	sbr.rel @p4 .LBB2_32-.Ltmp17, $4  }
0x276: {  	(xrf1) =	vunique.msk.u32 $0xffff, v16;
	[tilespmem:v29+s23+$0x0] =	vst.idx.add.s32.msk vm0, v7;
	_, v21, vm2 =	vpop (xrf1);
	v29 =	vmov v8;
	v8 =	vmov v16  }
0x277: {  	v27 =	vor.u32 $0xFFFFFF00, v26;
	v26 =	vmovc v35;
	[tilespmem:s12+$0xFFFFFFE0] =	vst v25;
	v33 =	vshll.u32 v21, $0x8;
	v25 =	vshll.u32 v30, $0x8  }
0x278: {  	_, v13, vm1 =	vpop (xrf1);
	v16 =	vld [tilespmem:s1+$0xFFFFFFF0];
	v24 =	vadd.s32 v22, v33;
	v22 =	vadd.s32 v27, v25;
	v27 =	vsel vm3, $0x4000, v0;
	s1 =	smov.u32 s7;
	s7 =	smov.u32 s13  }
0x279: {  	s13 =	sadd.s32 $0x40, s13;
	v25 =	vsel vm2, $0x4000, v0;
	_, v7, vm0 =	vpop (xrf1);
	[tilespmem:v15+s24+$0x0] =	vst.idx.add.s32.msk vm3, v30;
	v22 =	vor.u32 v27, v22;
	v15 =	vmov v34  }
0x27a: {  	v27 =	vmov v4  }
0x27b: {  	s9 =	smov.u32 s4;
	v30 =	vmovc v6;
	v4 =	vmovc v31;
	v31 =	vmov v28;
	s4 =	smov.u32 s12;
	v6 =	vmov v32;
	v28 =	vmov v29  }
.LBB2_34:
0x27c: {  	_ =	sdelay $0x1  }
0x27d: {  	_, v29, vm3 =	vpop @p2 (xrf1)  }
0x27e: {  	_, v33, vm4 =	vpop @p2 (xrf1)  }
0x27f: {  	v32 =	vshll.u32 @p0 v13, $0x8;
	v31 =	vor.u32 @p0 $0xFFFFFF00, v31;
	_, v34, vm5 =	vpop (xrf1)  }
0x280: {  	s13 =	sadd.s32 @p1 $0x40, s4;
	s12 =	smov.u32 s3;
	[tilespmem:v30+s23+$0x0] =	vst.idx.add.s32.msk @p0 vm1, v13;
	v13 =	vshll.u32 @p0 v7, $0x8;
	v31 =	vadd.s32 @p0 v31, v32;
	v32 =	vsel @p0 vm1, $0x4000, v0  }
0x281: {  	[tilespmem:v28+s23+$0x0] =	vst.idx.add.s32.msk @p0 vm0, v7;
	s12 =	smov.u32 @p1 s13;
	v13 =	vadd.s32 @p0 v27, v13;
	v30 =	vor.u32 @p0 v32, v31;
	v31 =	vsel @p0 vm0, $0x4000, v0;
	_, v7, vm0 =	vpop (xrf1)  }
0x282: {  	[tilespmem:s12+$0x0] =	vst @p0 v30;
	v13 =	vor.u32 @p0 v31, v13  }
0x283: {  	v11 =	vor.u32 $0xFFFFFF00, v11;
	v28 =	vld @p0 [tilespmem:s1+$0x10];
	[tilespmem:s12+$0xFFFFFFE0] =	vst @p0 v13;
	v59 =	vshll.u32 v34, $0x8  }
0x284: {  	v27 =	vand.u32 @p1 $0xFF, v17;
	s13 =	sadd.s32 @p0 $0x40, s12;
	v31 =	vld @p0 [tilespmem:s1+$0xFFFFFFF0];
	v60 =	vsel vm5, $0x4000, v0;
	v11 =	vadd.s32 v11, v59  }
0x285: {  	(xrf1) =	vunique.msk.u32 @p1 $0xffff, v27;
	s1 =	smov.u32 s3;
	s3 =	smov.u32 @p0 s13;
	[tilespmem:v6+s23+$0x0] =	vst.idx.add.s32.msk vm5, v34;
	v6 =	vor.u32 v60, v11  }
0x286: {  	v30 =	vand.u32 @p1 $0xFF, v16;
	v11 =	vshll.u32 v7, $0x8;
	[tilespmem:s3+$0x0] =	vst v6  }
0x287: {  	(xrf1) =	vunique.msk.u32 @p1 $0xffff, v30;
	v6 =	vsel vm0, $0x4000, v0;
	v4 =	vadd.s32 v4, v11;
	[tilespmem:v8+s23+$0x0] =	vst.idx.add.s32.msk vm0, v7  }
0x288: {  	v13 =	vpsel p0, v28, v19;
	v11 =	vld [tilespmem:s7+$0x10];
	v4 =	vor.u32 v6, v4  }
0x289: {  	v7 =	vand.u32 @p0 $0xFF, v13;
	v6 =	vpsel p0, v31, v20;
	[tilespmem:s3+$0xFFFFFFE0] =	vst v4  }
0x28a: {  	(xrf1) =	vunique.msk.u32 @p0 $0xffff, v7;
	v4 =	vand.u32 @p0 $0xFF, v6;
	v8 =	vld [tilespmem:s7+$0xFFFFFFF0]  }
0x28b: {  	(xrf1) =	vunique.msk.u32 @p0 $0xffff, v4;
	_ =	sdelay $0x1  }
0x28c: {  	v26 =	vor.u32 @p2 $0xFFFFFF00, v26;
	v14 =	vpsel p2, v14, v0;
	v61 =	vand.u32 $0xFF, v11  }
0x28d: {  	v5 =	vpsel p1, v17, v5;
	v16 =	vor.u32 @p1 $0xFFFFFF00, v16;
	vm1 =	vmmov @p2 vm4;
	(xrf1) =	vunique.msk.u32 $0xffff, v61  }
0x28e: {  	[tilespmem:v23+s24+$0x0] =	vst.idx.add.s32.msk @p3 vm2, v21;
	v21 =	vsel @p2 vm3, $0x4000, v0;
	v10 =	vpsel p1, v30, v10;
	v62 =	vand.u32 $0xFF, v8  }
0x28f: {  	v12 =	vpsel p1, v16, v12;
	v10 =	vpsel p1, v10, v0;
	v19 =	vor.u32 @p3 v25, v24;
	(xrf1) =	vunique.msk.u32 $0xffff, v62  }
0x290: {  	v25 =	vshll.u32 @p2 v29, $0x8;
	v13 =	vpsel p0, v13, v0;
	v20 =	vshll.u32 @p2 v33, $0x8  }
0x291: {  	v18 =	vadd.s32 @p2 v18, v20;
	v20 =	vadd.s32 @p2 v26, v25;
	v25 =	vsel @p2 vm4, $0x4000, v0  }
0x292: {  	v16 =	vpsel p2, v18, v0;
	v18 =	vpsel p2, v25, v0;
	v25 =	vpsel p2, v33, v0;
	_, v26, vm0 =	vpop @p1 (xrf1)  }
0x293: {  	v5 =	vor.u32 @p1 $0xFFFFFF00, v5;
	v20 =	vor.u32 @p2 v21, v20;
	v21 =	vmovc @p1 v27;
	[tilespmem:v14+s24+$0x0] =	vst.idx.add.s32.msk @p2 vm1, v25;
	v14 =	vsel @p1 vm0, $0x4000, v0  }
0x294: {  	[tilespmem:s8+$0x10] =	vst @p3 v22;
	v7 =	vpsel p0, v7, v0;
	v9 =	vpsel p1, v21, v9;
	v16 =	vor.u32 @p2 v18, v16;
	_, v17, vm2 =	vpop @p1 (xrf1)  }
0x295: {  	[tilespmem:v15+s24+$0x0] =	vst.idx.add.s32.msk @p2 vm3, v29;
	v13 =	vor.u32 @p0 $0xFFFFFF00, v13;
	s7 =	smov.u32 @p2 s9;
	v15 =	vshll.u32 @p1 v26, $0x8;
	vm1 =	vmmov @p1 vm2  }
0x296: {  	[tilespmem:s8+$0xFFFFFFF0] =	vst @p3 v19;
	v4 =	vpsel p0, v4, v0;
	v20 =	vpsel p2, v20, v0;
	s7 =	smov.u32 @p2 s7;
	v5 =	vadd.s32 @p1 v5, v15  }
0x297: {  	[tilespmem:s7+$0x10] =	vst @p2 v20;
	v18 =	vshll.u32 @p1 v17, $0x8;
	v15 =	vsel @p1 vm2, $0x4000, v0;
	v5 =	vor.u32 @p1 v14, v5;
	_, v14, vm2 =	vpop @p0 (xrf1)  }
0x298: {  	s1 =	smov.u32 @p1 s4;
	v6 =	vor.u32 @p0 $0xFFFFFF00, v6;
	v4 =	vpsel p0, v4, v0;
	[tilespmem:s7+$0xFFFFFFF0] =	vst @p2 v16;
	v12 =	vadd.s32 @p1 v12, v18;
	_, v16, vm3 =	vpop @p0 (xrf1)  }
0x299: {  	s1 =	smov.u32 @p1 s1;
	v15 =	vpsel p1, v15, v0;
	v5 =	vpsel p1, v5, v0;
	[tilespmem:v9+s24+$0x0] =	vst.idx.add.s32.msk @p1 vm0, v26;
	vm0 =	vmmov @p0 vm3  }
0x29a: {  	s4 =	smov.u32 @p0 s12;
	v12 =	vpsel p1, v12, v0;
	v9 =	vpsel p1, v17, v0;
	[tilespmem:s1+$0x10] =	vst @p1 v5;
	v5 =	vshll.u32 @p0 v14, $0x8  }
0x29b: {  	s4 =	smov.u32 @p0 s4;
	v12 =	vor.u32 @p1 v15, v12;
	[tilespmem:v10+s24+$0x0] =	vst.idx.add.s32.msk @p1 vm1, v9;
	v9 =	vsel @p0 vm2, $0x4000, v0;
	v5 =	vadd.s32 @p0 v13, v5;
	_, v10, vm1 =	vpop (xrf1)  }
0x29c: {  	v6 =	vpsel p0, v6, v0;
	[tilespmem:s1+$0xFFFFFFF0] =	vst @p1 v12;
	s1 =	smov.u32 @p0 s4;
	v12 =	vshll.u32 @p0 v16, $0x8;
	v5 =	vor.u32 @p0 v9, v5  }
0x29d: {  	s1 =	smov.u32 @p0 s1;
	v9 =	vsel @p0 vm3, $0x4000, v0;
	v6 =	vadd.s32 @p0 v6, v12;
	v5 =	vpsel p0, v5, v0;
	[tilespmem:v7+s24+$0x0] =	vst.idx.add.s32.msk @p0 vm2, v14;
	_, v7, vm2 =	vpop (xrf1)  }
0x29e: {  	v9 =	vpsel p0, v9, v0;
	v12 =	vpsel p0, v16, v0;
	v6 =	vpsel p0, v6, v0;
	[tilespmem:s1+$0x10] =	vst @p0 v5  }
0x29f: {  	v5 =	vor.u32 @p0 v9, v6;
	v6 =	vor.u32 $0xFFFFFF00, v11;
	[tilespmem:v4+s24+$0x0] =	vst.idx.add.s32.msk @p0 vm0, v12;
	v4 =	vshll.u32 v10, $0x8  }
0x2a0: {  	[tilespmem:s1+$0xFFFFFFF0] =	vst @p0 v5;
	v4 =	vadd.s32 v6, v4;
	v5 =	vsel vm1, $0x4000, v0  }
0x2a1: {  	v6 =	vor.u32 $0xFFFFFF00, v8;
	v8 =	vshll.u32 v7, $0x8;
	v4 =	vor.u32 v5, v4;
	[tilespmem:v61+s24+$0x0] =	vst.idx.add.s32.msk vm1, v10  }
0x2a2: {  	v5 =	vadd.s32 v6, v8;
	v6 =	vsel vm2, $0x4000, v0;
	[tilespmem:s3+$0x10] =	vst v4  }
0x2a3: {  	v4 =	vor.u32 v6, v5;
	[tilespmem:v62+s24+$0x0] =	vst.idx.add.s32.msk vm2, v7  }
0x2a4: {  	s18 =	simm.s32 $0x0;
	[tilespmem:s3+$0xFFFFFFF0] =	vst v4  }
0x2a5: {  	v4 =	vld [tilespmem:s18+$0x14A00]  }
0x2a6: {  	v5 =	vld [tilespmem:s18+$0x14B00]  }
0x2a7: {  	s3 =	simm.s32 $0x10  }
0x2a8: {  	v6 =	vld [tilespmem:s3+$0x14A00]  }
0x2a9: {  	s1 =	simm.s32 $0x20;
	v7 =	vld [tilespmem:s3+$0x14B00]  }
0x2aa: {  	v8 =	vld [tilespmem:s1+$0x14A00]  }
0x2ab: {  	v9 =	vld [tilespmem:s1+$0x14B00];
	v10 =	vadd.s32 v4, v5  }
0x2ac: {  	(xrf0) =	vadd.scan.msk.s32 $0xffff, v10;
	_ =	sdelay $0x2  }
0x2ad: {  	v5 =	vadd.s32 v6, v7  }
0x2ae: {  	s4 =	simm.s32 $0x30;
	v4 =	vadd.s32 v8, v9;
	(xrf0) =	vadd.scan.msk.s32 $0xffff, v5  }
0x2af: {  	v6 =	vld [tilespmem:s4+$0x14A00];
	(xrf0) =	vadd.scan.msk.s32 $0xffff, v4  }
0x2b0: {  	v8 =	vld [tilespmem:s4+$0x14B00];
	v11, _, _ =	vpop (xrf0)  }
0x2b1: {  	(v2sf) =	vpush v11, $0xF;
	_ =	sdelay $0x2  }
0x2b2: {  	v7, _, _ =	vpop (xrf0)  }
0x2b3: {  	v6 =	vadd.s32 v6, v8;
	(v2sf) =	vpush v7, $0xF;
	v8, _, _ =	vpop (xrf0)  }
0x2b4: {  	(v2sf) =	vpush v8, $0xF;
	_ =	sdelay $0x3  }
0x2b5: {  	s7 =	simm.s32 $0x40  }
0x2b6: {  	v9 =	vld [tilespmem:s7+$0x14A00]  }
0x2b7: {  	v63 =	vsub.s32 s2, v10;
	v10 =	vld [tilespmem:s7+$0x14B00];
	(xrf0) =	vadd.scan.msk.s32 $0xffff, v6;
	_ =	sdelay $0x1  }
0x2b8: {  	v11 =	vadd.s32 v11, v63  }
0x2b9: {  	s8 =	simm.s32 $0x140;
	[tilespmem:s18+$0x14C00] =	vst v11  }
.LBB2_35:
0x2ba: {  	s9 =	sshra.s32 s8, $0x2;
	s12 =	spop (v2sf);
	p0 =	sne.s32 s8, $0x3C0  }
.Ltmp18:
0x2bb: {  	s8 =	sadd.s32 $0x40, s8;
	v11 =	vadd.s32 v9, v10;
	v9 =	vld [tilespmem:s9+$0x14A00];
	s2 =	sadd.s32 s2, s12;
	(pc) =	sbr.rel @p0 .LBB2_35-.Ltmp18, $4  }
0x2bc: {  	v10 =	vld [tilespmem:s9+$0x14B00];
	(xrf0) =	vadd.scan.msk.s32 $0xffff, v11;
	v12, _, _ =	vpop (xrf0);
	v13 =	vsub.s32 s2, v5;
	v5 =	vmov v4;
	v4 =	vmov v6  }
0x2bd: {  	v6 =	vmovc v11;
	(v2sf) =	vpush v12, $0xF;
	v13 =	vadd.s32 v7, v13;
	v7 =	vmovc v8;
	v8 =	vmov v12  }
0x2be: {  	[tilespmem:s3+$0x14C00] =	vst v13;
	s3 =	smov.u32 s1;
	s1 =	smov.u32 s4;
	s4 =	smov.u32 s7  }
0x2bf: {  	s7 =	smov.u32 s9  }
0x2c0: {  	_ = 	snop  }
0x2c1: {  	v9 =	vadd.s32 v9, v10  }
0x2c2: {  	(xrf0) =	vadd.scan.msk.s32 $0xffff, v9;
	_ =	sdelay $0x1  }
0x2c3: {  	v63, _, _ =	vpop (xrf0)  }
0x2c4: {  	(v2sf) =	vpush v63, $0xF;
	_ =	sdelay $0x2  }
0x2c5: {  	v11, _, _ =	vpop (xrf0)  }
0x2c6: {  	(v2sf) =	vpush v11, $0xF;
	_ =	sdelay $0x7  }
0x2c7: {  	s8 =	spop (v2sf)  }
0x2c8: {  	s2 =	sadd.s32 s2, s8;
	s15 =	spop (v2sf)  }
0x2c9: {  	v5 =	vsub.s32 s2, v5;
	s2 =	sadd.s32 s2, s15;
	s16 =	spop (v2sf)  }
0x2ca: {  	v5 =	vadd.s32 v7, v5;
	v4 =	vsub.s32 s2, v4;
	s2 =	sadd.s32 s2, s16;
	s17 =	spop (v2sf)  }
0x2cb: {  	[tilespmem:s3+$0x14C00] =	vst v5;
	v4 =	vadd.s32 v8, v4;
	v5 =	vsub.s32 s2, v6;
	s2 =	sadd.s32 s2, s17  }
0x2cc: {  	[tilespmem:s1+$0x14C00] =	vst v4;
	v4 =	vadd.s32 v63, v5;
	v5 =	vsub.s32 s2, v9  }
0x2cd: {  	s3 =	simm.s32 $0x14D20;
	s1 =	simm.s32 $0x118A0;
	[tilespmem:s4+$0x14C00] =	vst v4;
	v4 =	vadd.s32 v11, v5  }
0x2ce: {  	s4 =	smov.u32 s10;
	s2 =	simm.s32 $0x10820;
	[tilespmem:s7+$0x14C00] =	vst v4;
	s18 =	spop (v2sf)  }
.LBB2_37:
0x2cf: {  	v4 =	vld [tilespmem:s3+$0xFFFFFFE0];
	_ =	sdelay $0x4  }
0x2d0: {  	v5 =	vand.u32 $0xFF, v4;
	_ =	sdelay $0x4  }
0x2d1: {  	v6 =	vld.idx.msk [tilespmem:v5+s25+$0x0], $0xffff;
	_ =	sdelay $0x2  }
0x2d2: {  	v7 =	vshrl.u32 v4, $0x8  }
0x2d3: {  	v7 =	vand.u32 $0x3F, v7  }
0x2d4: {  	v8 =	vld [tilespmem:s2+$0xFFFFFFE0];
	v6 =	vadd.s32 v7, v6  }
0x2d5: {  	vm0 =	vgt.s32 v4, $0x3FFF;
	v4 =	vld [tilespmem:s1+$0xFFFFFFE0];
	_ =	sdelay $0x3  }
0x2d6: {  	[tilespmem:v6+s26+$0x0] =	vst.idx.msk $0xffff, v8  }
0x2d7: {  	[tilespmem:v6+s28+$0x0] =	vst.idx.msk $0xffff, v4;
	v4 =	vadd.s32 $0x1, v7  }
0x2d8: {  	[tilespmem:v5+s25+$0x0] =	vst.idx.add.s32.msk vm0, v4  }
0x2d9: {  	v4 =	vld [tilespmem:s3+$0xFFFFFFF0];
	_ =	sdelay $0x4  }
0x2da: {  	v5 =	vand.u32 $0xFF, v4;
	_ =	sdelay $0x4  }
0x2db: {  	v6 =	vld.idx.msk [tilespmem:v5+s25+$0x0], $0xffff;
	_ =	sdelay $0x2  }
0x2dc: {  	v61 =	vshrl.u32 v4, $0x8  }
0x2dd: {  	v7 =	vand.u32 $0x3F, v61  }
0x2de: {  	v8 =	vld [tilespmem:s2+$0xFFFFFFF0];
	v6 =	vadd.s32 v7, v6  }
0x2df: {  	vm13 =	vgt.s32 v4, $0x3FFF;
	v4 =	vld [tilespmem:s1+$0xFFFFFFF0];
	_ =	sdelay $0x3  }
0x2e0: {  	[tilespmem:v6+s26+$0x0] =	vst.idx.msk $0xffff, v8  }
0x2e1: {  	[tilespmem:v6+s28+$0x0] =	vst.idx.msk $0xffff, v4;
	v4 =	vadd.s32 $0x1, v7  }
0x2e2: {  	[tilespmem:v5+s25+$0x0] =	vst.idx.add.s32.msk vm13, v4  }
0x2e3: {  	v4 =	vld [tilespmem:s3+$0x0];
	_ =	sdelay $0x4  }
0x2e4: {  	v5 =	vand.u32 $0xFF, v4;
	_ =	sdelay $0x4  }
0x2e5: {  	v6 =	vld.idx.msk [tilespmem:v5+s25+$0x0], $0xffff;
	_ =	sdelay $0x2  }
0x2e6: {  	v62 =	vshrl.u32 v4, $0x8  }
0x2e7: {  	v7 =	vand.u32 $0x3F, v62  }
0x2e8: {  	v8 =	vld [tilespmem:s2+$0x0];
	v6 =	vadd.s32 v7, v6  }
0x2e9: {  	vm14 =	vgt.s32 v4, $0x3FFF;
	v4 =	vld [tilespmem:s1+$0x0];
	_ =	sdelay $0x3  }
0x2ea: {  	[tilespmem:v6+s26+$0x0] =	vst.idx.msk $0xffff, v8  }
0x2eb: {  	[tilespmem:v6+s28+$0x0] =	vst.idx.msk $0xffff, v4;
	v4 =	vadd.s32 $0x1, v7  }
0x2ec: {  	[tilespmem:v5+s25+$0x0] =	vst.idx.add.s32.msk vm14, v4  }
0x2ed: {  	v4 =	vld [tilespmem:s3+$0x10];
	_ =	sdelay $0x4  }
0x2ee: {  	v5 =	vand.u32 $0xFF, v4;
	_ =	sdelay $0x4  }
0x2ef: {  	v6 =	vld.idx.msk [tilespmem:v5+s25+$0x0], $0xffff;
	_ =	sdelay $0x2  }
0x2f0: {  	v63 =	vshrl.u32 v4, $0x8  }
0x2f1: {  	v7 =	vand.u32 $0x3F, v63  }
0x2f2: {  	v8 =	vld [tilespmem:s2+$0x10];
	v6 =	vadd.s32 v7, v6  }
0x2f3: {  	vm15 =	vgt.s32 v4, $0x3FFF;
	v4 =	vld [tilespmem:s1+$0x10]  }
0x2f4: {  	p0 =	seq.s32 s4, $0x1  }
.Ltmp19:
0x2f5: {  	_ = 	snop;
	(pc) =	sbr.rel @!p0 .LBB2_37-.Ltmp19, $4  }
0x2f6: {  	_ = 	snop  }
0x2f7: {  	[tilespmem:v6+s26+$0x0] =	vst.idx.msk $0xffff, v8  }
0x2f8: {  	s4 =	sadd.s32 $0xFFFFFFFF, s4;
	[tilespmem:v6+s28+$0x0] =	vst.idx.msk $0xffff, v4;
	v4 =	vadd.s32 $0x1, v7  }
0x2f9: {  	s2 =	sadd.s32 $0x40, s2;
	s3 =	sadd.s32 $0x40, s3;
	s1 =	sadd.s32 $0x40, s1;
	[tilespmem:v5+s25+$0x0] =	vst.idx.add.s32.msk vm15, v4  }
0x2fa: {  	s2 =	simm.s32 $0x14A20  }
0x2fb: {  	[tilespmem:s2+$0xFFFFFFF0] =	vst v0  }
0x2fc: {  	[tilespmem:s2+$0x0] =	vst v0  }
0x2fd: {  	[tilespmem:s2+$0x10] =	vst v0  }
0x2fe: {  	s1 =	simm.s32 $0x14B20;
	[tilespmem:s2+$0xFFFFFFE0] =	vst v0  }
0x2ff: {  	[tilespmem:s1+$0xFFFFFFF0] =	vst v0  }
0x300: {  	[tilespmem:s1+$0x0] =	vst v0  }
0x301: {  	[tilespmem:s1+$0x10] =	vst v0  }
0x302: {  	s3 =	simm.s32 $0x14A60;
	s2 =	simm.s32 $0x0;
	[tilespmem:s1+$0xFFFFFFE0] =	vst v0  }
.LBB2_39:
0x303: {  	[tilespmem:s3+$0xFFFFFFF0] =	vst v0;
	s1 =	sadd.s32 $0x40, s1  }
0x304: {  	s2 =	sadd.s32 $0x4, s2;
	[tilespmem:s1+$0xFFFFFFF0] =	vst v0  }
0x305: {  	p0 =	slt.u32 s2, $0xC;
	[tilespmem:s3+$0x0] =	vst v0  }
.Ltmp20:
0x306: {  	[tilespmem:s1+$0x0] =	vst v0;
	(pc) =	sbr.rel @p0 .LBB2_39-.Ltmp20, $4  }
0x307: {  	[tilespmem:s3+$0x10] =	vst v0  }
0x308: {  	[tilespmem:s1+$0x10] =	vst v0  }
0x309: {  	[tilespmem:s3+$0xFFFFFFE0] =	vst v0  }
0x30a: {  	s3 =	sadd.s32 $0x40, s3;
	[tilespmem:s1+$0xFFFFFFE0] =	vst v0  }
0x30b: {  	s9 =	simm.s32 $0x12920  }
0x30c: {  	v4 =	vld [tilespmem:s9+$0x0]  }
0x30d: {  	v5 =	vld [tilespmem:s9+$0xFFFFFFE0];
	_ =	sdelay $0x1  }
0x30e: {  	p4 =	sgt.u32 s31, $0x2  }
.Ltmp21:
0x30f: {  	_ = 	snop;
	(pc) =	sbr.rel @!p4 .LBB2_41-.Ltmp21, $4  }
0x310: {  	v26 =	vshrl.u32 v4, $0x8  }
0x311: {  	s2 =	simm.s32 $0x0;
	v25 =	vshrl.u32 v5, $0x8;
	v32 =	vand.u32 $0xFF, v26  }
0x312: {  	s3 =	simm.s32 $0x14D20;
	s8 =	simm.s32 $0x12960;
	p0 =	por $0x0, $0x0;
	v28 =	vand.u32 $0xFF, v25;
	(xrf1) =	vunique.msk.u32 $0xffff, v32  }
0x313: {  	p1 =	por $0x0, $0x0;
	p2 =	por $0x0, $0x0;
	p3 =	por $0x0, $0x0;
	(xrf1) =	vunique.msk.u32 $0xffff, v28  }
0x314: {  	v4 =	vld [tilespmem:s8+$0x0]  }
0x315: {  	v5 =	vld [tilespmem:s8+$0xFFFFFFE0];
	_ =	sdelay $0x1  }
0x316: {  	p4 =	sgt.u32 s31, $0x4  }
.Ltmp22:
0x317: {  	_ = 	snop;
	(pc) =	sbr.rel @!p4 .LBB2_43-.Ltmp22, $4  }
0x318: {  	v4 =	vshrl.u32 v4, $0x8  }
0x319: {  	v5 =	vshrl.u32 v5, $0x8;
	v7 =	vand.u32 $0xFF, v4  }
0x31a: {  	v6 =	vand.u32 $0xFF, v5;
	(xrf1) =	vunique.msk.u32 $0xffff, v7  }
0x31b: {  	s7 =	simm.s32 $0x129A0;
	p0 =	por $0x1, $0x1;
	(xrf1) =	vunique.msk.u32 $0xffff, v6  }
0x31c: {  	_ =	sdelay $0x2  }
0x31d: {  	_, v8, vm0 =	vpop (xrf1)  }
0x31e: {  	_, v9, vm1 =	vpop (xrf1)  }
0x31f: {  	v10 =	vld [tilespmem:s7+$0x0]  }
0x320: {  	v11 =	vld [tilespmem:s7+$0xFFFFFFE0]  }
0x321: {  	v12 =	vor.u32 $0xFFFFFF00, v26;
	v13 =	vshll.u32 v8, $0x8  }
0x322: {  	p4 =	sgt.u32 s31, $0x6;
	v14 =	vsel vm0, $0x4000, v0;
	v12 =	vadd.s32 v12, v13  }
.Ltmp23:
0x323: {  	v13 =	vor.u32 $0xFFFFFF00, v25;
	v15 =	vshll.u32 v9, $0x8;
	v63 =	vsel vm1, $0x4000, v0;
	[tilespmem:v32+s23+$0x0] =	vst.idx.add.s32.msk vm0, v8;
	(pc) =	sbr.rel @!p4 .LBB2_45-.Ltmp23, $4  }
0x324: {  	v12 =	vor.u32 v14, v12;
	v8 =	vadd.s32 v13, v15;
	v13 =	vshrl.u32 v10, $0x8;
	[tilespmem:v28+s23+$0x0] =	vst.idx.add.s32.msk vm1, v9  }
0x325: {  	v16 =	vshrl.u32 v11, $0x8;
	v31 =	vand.u32 $0xFF, v13;
	v8 =	vor.u32 v63, v8;
	[tilespmem:s3+$0x0] =	vst v12  }
0x326: {  	v30 =	vand.u32 $0xFF, v16;
	(xrf1) =	vunique.msk.u32 $0xffff, v31;
	[tilespmem:s3+$0xFFFFFFE0] =	vst v8;
	v21 =	vld [tilespmem:s9+$0x10]  }
0x327: {  	s12 =	simm.s32 $0x129E0;
	p1 =	por $0x1, $0x1;
	(xrf1) =	vunique.msk.u32 $0xffff, v30;
	v23 =	vld [tilespmem:s9+$0xFFFFFFF0]  }
0x328: {  	_, v12, vm0 =	vpop (xrf1);
	v11 =	vld [tilespmem:s12+$0x0]  }
0x329: {  	v4 =	vor.u32 $0xFFFFFF00, v4;
	v15 =	vld [tilespmem:s12+$0xFFFFFFE0];
	v8 =	vshll.u32 v12, $0x8  }
0x32a: {  	v5 =	vor.u32 $0xFFFFFF00, v5;
	_, v14, vm1 =	vpop (xrf1);
	v9 =	vsel vm0, $0x4000, v0;
	v4 =	vadd.s32 v4, v8  }
0x32b: {  	v8 =	vshll.u32 v14, $0x8;
	v17 =	vor.u32 v9, v4;
	v9 =	vshrl.u32 v21, $0x8  }
0x32c: {  	v18 =	vadd.s32 v5, v8;
	v8 =	vshrl.u32 v23, $0x8;
	v10 =	vand.u32 $0xFF, v9  }
0x32d: {  	v4 =	vshrl.u32 v11, $0x8;
	v11 =	vand.u32 $0xFF, v8;
	(xrf1) =	vunique.msk.u32 $0xffff, v10  }
0x32e: {  	v5 =	vshrl.u32 v15, $0x8;
	v28 =	vand.u32 $0xFF, v4;
	(xrf1) =	vunique.msk.u32 $0xffff, v11  }
0x32f: {  	v29 =	vand.u32 $0xFF, v5;
	(xrf1) =	vunique.msk.u32 $0xffff, v28  }
0x330: {  	(xrf1) =	vunique.msk.u32 $0xffff, v29;
	_ =	sdelay $0x6  }
0x331: {  	p4 =	sgt.u32 s31, $0x8  }
.Ltmp24:
0x332: {  	[tilespmem:v7+s23+$0x0] =	vst.idx.add.s32.msk vm0, v12;
	(pc) =	sbr.rel @!p4 .LBB2_47-.Ltmp24, $4  }
0x333: {  	s4 =	simm.s32 $0x14D60;
	[tilespmem:v6+s23+$0x0] =	vst.idx.add.s32.msk vm1, v14;
	v6 =	vsel vm1, $0x4000, v0  }
0x334: {  	[tilespmem:s4+$0x0] =	vst v17;
	v6 =	vor.u32 v6, v18  }
0x335: {  	v18 =	vld [tilespmem:s8+$0x10];
	[tilespmem:s4+$0xFFFFFFE0] =	vst v6  }
0x336: {  	s13 =	simm.s32 $0x12A20;
	p2 =	por $0x1, $0x1;
	v17 =	vld [tilespmem:s8+$0xFFFFFFF0]  }
0x337: {  	v7 =	vld [tilespmem:s13+$0x0]  }
0x338: {  	_, v6, vm0 =	vpop (xrf1);
	v15 =	vld [tilespmem:s13+$0xFFFFFFE0]  }
0x339: {  	v12 =	vor.u32 $0xFFFFFF00, v13;
	v13 =	vshll.u32 v6, $0x8  }
0x33a: {  	_, v14, vm1 =	vpop (xrf1);
	v19 =	vsel vm0, $0x4000, v0;
	v12 =	vadd.s32 v12, v13;
	v13 =	vor.u32 $0xFFFFFF00, v16  }
0x33b: {  	v16 =	vshll.u32 v14, $0x8;
	v19 =	vor.u32 v19, v12;
	v12 =	vshrl.u32 v18, $0x8  }
0x33c: {  	v20 =	vadd.s32 v13, v16;
	v24 =	vshrl.u32 v17, $0x8;
	v13 =	vand.u32 $0xFF, v12  }
0x33d: {  	v33 =	vshrl.u32 v7, $0x8;
	v16 =	vand.u32 $0xFF, v24;
	(xrf1) =	vunique.msk.u32 $0xffff, v13;
	v32 =	vshrl.u32 v15, $0x8  }
0x33e: {  	p4 =	sgt.u32 s31, $0xA;
	[tilespmem:v31+s23+$0x0] =	vst.idx.add.s32.msk vm0, v6;
	v6 =	vsel vm1, $0x4000, v0;
	v7 =	vand.u32 $0xFF, v33;
	(xrf1) =	vunique.msk.u32 $0xffff, v16  }
.Ltmp25:
0x33f: {  	v15 =	vor.u32 v6, v20;
	v6 =	vand.u32 $0xFF, v32;
	(xrf1) =	vunique.msk.u32 $0xffff, v7;
	(pc) =	sbr.rel @!p4 .LBB2_49-.Ltmp25, $4  }
0x340: {  	s1 =	simm.s32 $0x14DA0;
	[tilespmem:v30+s23+$0x0] =	vst.idx.add.s32.msk vm1, v14;
	(xrf1) =	vunique.msk.u32 $0xffff, v6  }
0x341: {  	[tilespmem:s1+$0x0] =	vst v19;
	_, v14, vm0 =	vpop (xrf1)  }
0x342: {  	s8 =	simm.s32 $0xA;
	[tilespmem:s1+$0xFFFFFFE0] =	vst v15;
	v21 =	vld [tilespmem:s7+$0x10];
	_, v19, vm1 =	vpop (xrf1);
	v15 =	vmov v10  }
0x343: {  	s9 =	simm.s32 $0x12A60;
	p3 =	por $0x1, $0x1;
	v22 =	vmovc v9;
	v31 =	vor.u32 $0xFFFFFF00, v8;
	v20 =	vmovc v11;
	v27 =	vshll.u32 v14, $0x8;
	v23 =	vld [tilespmem:s7+$0xFFFFFFF0];
	v30 =	vshll.u32 v19, $0x8;
	s7 =	simm.s32 $0x14D20  }
.LBB2_50:
0x344: {  	v25 =	vld [tilespmem:s9+$0x0];
	s8 =	sadd.s32 $0x2, s8;
	v5 =	vor.u32 $0xFFFFFF00, v5;
	v41 =	vor.u32 $0xFFFFFF00, v4;
	_, v26, vm2 =	vpop (xrf1);
	v40 =	vor.u32 $0xFFFFFF00, v22;
	s14 =	smov.u32 s1;
	s15 =	smov.u32 s12  }
0x345: {  	v38 =	vsel vm0, $0x4000, v0;
	s12 =	smov.u32 s13;
	s13 =	smov.u32 s9;
	v34 =	vld [tilespmem:s9+$0xFFFFFFE0];
	p4 =	slt.u32 s8, s31;
	v35 =	vshll.u32 v26, $0x8;
	v36 =	vsel vm2, $0x4000, v0;
	_, v37, vm3 =	vpop (xrf1)  }
0x346: {  	v22 =	vmovc v12;
	v4 =	vmovc v33;
	v27 =	vadd.s32 v40, v27;
	v39 =	vshll.u32 v37, $0x8;
	v35 =	vadd.s32 v41, v35  }
0x347: {  	v35 =	vor.u32 v36, v35;
	v12 =	vshrl.u32 v21, $0x8;
	[tilespmem:v15+s24+$0x0] =	vst.idx.add.s32.msk vm0, v14;
	v14 =	vor.u32 v38, v27  }
0x348: {  	v21 =	vadd.s32 v5, v39;
	v15 =	vmovc v13;
	v5 =	vmovc v32;
	v36 =	vshrl.u32 v23, $0x8;
	[tilespmem:s7+$0x10] =	vst v14;
	v13 =	vand.u32 $0xFF, v12  }
0x349: {  	v33 =	vshrl.u32 v25, $0x8;
	(xrf1) =	vunique.msk.u32 $0xffff, v13;
	[tilespmem:v20+s24+$0x0] =	vst.idx.add.s32.msk vm1, v19;
	v20 =	vmovc v16;
	v16 =	vand.u32 $0xFF, v36  }
.Ltmp26:
0x34a: {  	s1 =	sadd.s32 $0x40, s1;
	v32 =	vshrl.u32 v34, $0x8;
	[tilespmem:v28+s23+$0x0] =	vst.idx.add.s32.msk vm2, v26;
	(xrf1) =	vunique.msk.u32 $0xffff, v16;
	v28 =	vmovc v7;
	v7 =	vand.u32 $0xFF, v33;
	(pc) =	sbr.rel @p4 .LBB2_50-.Ltmp26, $4  }
0x34b: {  	v23 =	vsel vm1, $0x4000, v0;
	v25 =	vsel vm3, $0x4000, v0;
	[tilespmem:v29+s23+$0x0] =	vst.idx.add.s32.msk vm3, v37;
	v29 =	vmovc v6;
	v6 =	vand.u32 $0xFF, v32  }
0x34c: {  	v26 =	vor.u32 v25, v21;
	v25 =	vadd.s32 v31, v30;
	(xrf1) =	vunique.msk.u32 $0xffff, v7;
	[tilespmem:s1+$0x0] =	vst v35;
	_, v14, vm0 =	vpop (xrf1)  }
0x34d: {  	v25 =	vor.u32 v23, v25;
	(xrf1) =	vunique.msk.u32 $0xffff, v6;
	[tilespmem:s1+$0xFFFFFFE0] =	vst v26;
	v21 =	vld [tilespmem:s15+$0x10];
	v27 =	vshll.u32 v14, $0x8;
	_, v19, vm1 =	vpop (xrf1)  }
0x34e: {  	s9 =	sadd.s32 $0x40, s9;
	v31 =	vor.u32 $0xFFFFFF00, v24;
	v24 =	vmov v36;
	v23 =	vld [tilespmem:s15+$0xFFFFFFF0];
	v30 =	vshll.u32 v19, $0x8;
	[tilespmem:s7+$0xFFFFFFF0] =	vst v25;
	s7 =	smov.u32 s4;
	s4 =	smov.u32 s14  }
0x34f: {  	v25 =	vmov v5  }
0x350: {  	v26 =	vmovc v4;
	s9 =	smov.u32 s12;
	s8 =	smov.u32 s13;
	v4 =	vmovc v33;
	v5 =	vmov v32;
	v32 =	vmov v28;
	v28 =	vmov v29  }
.LBB2_52:
0x351: {  	_ =	sdelay $0x2  }
0x352: {  	_, v29, vm4 =	vpop @p0 (xrf1)  }
0x353: {  	_, v33, vm5 =	vpop @p0 (xrf1);
	_ =	sdelay $0x1  }
0x354: {  	v25 =	vor.u32 @p0 $0xFFFFFF00, v25;
	v26 =	vor.u32 @p0 $0xFFFFFF00, v26;
	v22 =	vor.u32 @p3 $0xFFFFFF00, v22  }
0x355: {  	v37 =	vsel @p3 vm0, $0x4000, v0;
	v4 =	vor.u32 $0xFFFFFF00, v4;
	v24 =	vor.u32 @p2 $0xFFFFFF00, v24;
	_, v36, vm3 =	vpop @p2 (xrf1)  }
0x356: {  	v5 =	vor.u32 $0xFFFFFF00, v5;
	v34 =	vshll.u32 @p0 v29, $0x8;
	v22 =	vadd.s32 @p3 v22, v27;
	_, v27, vm2 =	vpop @p2 (xrf1)  }
0x357: {  	s13 =	sadd.s32 @p1 $0x40, s1;
	s12 =	smov.u32 s3;
	v16 =	vpsel p2, v16, v0;
	v35 =	vsel @p0 vm4, $0x4000, v0;
	v26 =	vadd.s32 @p0 v26, v34;
	[tilespmem:v32+s23+$0x0] =	vst.idx.add.s32.msk @p0 vm4, v29;
	_, v54, vm6 =	vpop (xrf1)  }
0x358: {  	v21 =	vshrl.u32 @p1 v21, $0x8;
	s12 =	smov.u32 @p1 s13;
	v34 =	vshll.u32 @p0 v33, $0x8;
	v26 =	vor.u32 @p0 v35, v26;
	[tilespmem:v28+s23+$0x0] =	vst.idx.add.s32.msk @p0 vm5, v33;
	_, v32, vm4 =	vpop (xrf1)  }
0x359: {  	v24 =	vpsel p2, v24, v0;
	v25 =	vadd.s32 @p0 v25, v34;
	v28 =	vsel @p0 vm5, $0x4000, v0;
	[tilespmem:s12+$0x0] =	vst @p0 v26  }
0x35a: {  	v33 =	vand.u32 @p1 $0xFF, v21;
	v25 =	vor.u32 @p0 v28, v25;
	v28 =	vadd.s32 @p3 v31, v30;
	v30 =	vld @p0 [tilespmem:s9+$0x10]  }
0x35b: {  	v22 =	vor.u32 @p3 v37, v22;
	v26 =	vsel @p3 vm1, $0x4000, v0;
	(xrf1) =	vunique.msk.u32 @p1 $0xffff, v33;
	[tilespmem:s12+$0xFFFFFFE0] =	vst @p0 v25  }
0x35c: {  	v23 =	vshrl.u32 @p1 v23, $0x8;
	v26 =	vor.u32 @p3 v26, v28;
	v28 =	vld @p0 [tilespmem:s9+$0xFFFFFFF0];
	v55 =	vshll.u32 v54, $0x8  }
0x35d: {  	s13 =	sadd.s32 @p0 $0x40, s12;
	v34 =	vand.u32 @p1 $0xFF, v23;
	v56 =	vsel vm6, $0x4000, v0;
	v4 =	vadd.s32 v4, v55;
	[tilespmem:v7+s23+$0x0] =	vst.idx.add.s32.msk vm6, v54  }
0x35e: {  	(xrf1) =	vunique.msk.u32 @p1 $0xffff, v34;
	s9 =	smov.u32 s3;
	s3 =	smov.u32 @p0 s13;
	v57 =	vshll.u32 v32, $0x8;
	v4 =	vor.u32 v56, v4;
	[tilespmem:v6+s23+$0x0] =	vst.idx.add.s32.msk vm4, v32  }
0x35f: {  	v58 =	vsel vm4, $0x4000, v0;
	v5 =	vadd.s32 v5, v57;
	v6 =	vmovc @p2 v12;
	v12 =	vpsel p0, v30, v18;
	[tilespmem:s3+$0x0] =	vst v4  }
0x360: {  	v5 =	vor.u32 v58, v5;
	v4 =	vpsel p2, v6, v0;
	v6 =	vshrl.u32 @p0 v12, $0x8;
	v59 =	vld [tilespmem:s8+$0x10]  }
0x361: {  	v9 =	vpsel p1, v21, v9;
	v17 =	vpsel p0, v28, v17;
	[tilespmem:s3+$0xFFFFFFE0] =	vst v5;
	v18 =	vand.u32 @p0 $0xFF, v6  }
0x362: {  	vm3 =	vmmov @p2 vm3;
	v8 =	vpsel p1, v23, v8;
	v17 =	vshrl.u32 @p0 v17, $0x8;
	v60 =	vld [tilespmem:s8+$0xFFFFFFF0];
	(xrf1) =	vunique.msk.u32 @p0 $0xffff, v18  }
0x363: {  	[tilespmem:v15+s24+$0x0] =	vst.idx.add.s32.msk @p3 vm0, v14;
	v9 =	vpsel p1, v9, v0;
	vm2 =	vmmov @p2 vm2;
	v28 =	vand.u32 @p0 $0xFF, v17  }
0x364: {  	v11 =	vpsel p1, v34, v11;
	v14 =	vsel @p2 vm3, $0x4000, v0;
	v25 =	vshll.u32 @p2 v36, $0x8;
	(xrf1) =	vunique.msk.u32 @p0 $0xffff, v28  }
0x365: {  	v8 =	vor.u32 @p1 $0xFFFFFF00, v8;
	v5 =	vmovc @p2 v13;
	v13 =	vpsel p2, v25, v0;
	v12 =	vshrl.u32 v59, $0x8  }
0x366: {  	v9 =	vor.u32 @p1 $0xFFFFFF00, v9;
	v10 =	vpsel p1, v33, v10;
	v61 =	vand.u32 $0xFF, v12  }
0x367: {  	v8 =	vpsel p1, v8, v0;
	v10 =	vpsel p1, v10, v0;
	v21 =	vshrl.u32 v60, $0x8;
	(xrf1) =	vunique.msk.u32 $0xffff, v61  }
0x368: {  	v7 =	vshll.u32 @p2 v27, $0x8;
	v4 =	vor.u32 @p2 $0xFFFFFF00, v4;
	v62 =	vand.u32 $0xFF, v21  }
0x369: {  	v27 =	vpsel p2, v27, v0;
	v7 =	vpsel p2, v7, v0;
	v4 =	vadd.s32 @p2 v4, v13;
	_, v13, vm0 =	vpop @p1 (xrf1);
	(xrf1) =	vunique.msk.u32 $0xffff, v62  }
0x36a: {  	v25 =	vpsel p2, v36, v0;
	v7 =	vadd.s32 @p2 v24, v7;
	v5 =	vpsel p2, v5, v0  }
0x36b: {  	[tilespmem:v20+s24+$0x0] =	vst.idx.add.s32.msk @p3 vm1, v19;
	v18 =	vpsel p0, v18, v0;
	v19 =	vshll.u32 @p1 v13, $0x8;
	vm0 =	vmmov @p1 vm0  }
0x36c: {  	[tilespmem:v16+s24+$0x0] =	vst.idx.add.s32.msk @p2 vm2, v27;
	v4 =	vor.u32 @p2 v14, v4;
	v14 =	vsel @p2 vm2, $0x4000, v0;
	_, v23, vm4 =	vpop @p1 (xrf1);
	v19 =	vpsel p1, v19, v0  }
0x36d: {  	v6 =	vpsel p0, v6, v0;
	v16 =	vmovc @p0 v18;
	v7 =	vor.u32 @p2 v14, v7;
	v14 =	vshll.u32 @p1 v23, $0x8  }
0x36e: {  	[tilespmem:s7+$0x10] =	vst @p3 v22;
	v6 =	vpsel p0, v6, v0;
	v16 =	vpsel p0, v16, v0;
	v14 =	vpsel p1, v14, v0  }
0x36f: {  	s4 =	smov.u32 @p2 s4;
	[tilespmem:v5+s24+$0x0] =	vst.idx.add.s32.msk @p2 vm3, v25;
	v5 =	vpsel p1, v11, v0;
	v11 =	vpsel p0, v28, v0;
	vm1 =	vmmov @p1 vm4  }
0x370: {  	v13 =	vpsel p1, v13, v0;
	[tilespmem:s4+$0x10] =	vst @p2 v4;
	v4 =	vpsel p0, v17, v0;
	v9 =	vadd.s32 @p1 v9, v19;
	_, v19, vm3 =	vpop @p0 (xrf1)  }
0x371: {  	s9 =	smov.u32 @p1 s1;
	v6 =	vor.u32 @p0 $0xFFFFFF00, v6;
	v20 =	vpsel p1, v23, v0;
	[tilespmem:v10+s24+$0x0] =	vst.idx.add.s32.msk @p1 vm0, v13;
	v10 =	vmovc @p0 v11;
	vm2 =	vmmov @p0 vm3  }
0x372: {  	s1 =	smov.u32 @p1 s9;
	[tilespmem:s4+$0xFFFFFFF0] =	vst @p2 v7;
	v17 =	vsel @p1 vm0, $0x4000, v0;
	v4 =	vor.u32 @p0 $0xFFFFFF00, v4;
	v7 =	vadd.s32 @p1 v8, v14;
	_, v14, vm3 =	vpop @p0 (xrf1)  }
0x373: {  	[tilespmem:s7+$0xFFFFFFF0] =	vst @p3 v26;
	s1 =	smov.u32 @p1 s1;
	v9 =	vor.u32 @p1 v17, v9;
	v17 =	vsel @p1 vm1, $0x4000, v0;
	vm0 =	vmmov @p0 vm3  }
0x374: {  	s4 =	smov.u32 @p0 s12;
	v7 =	vor.u32 @p1 v17, v7;
	[tilespmem:s1+$0x10] =	vst @p1 v9;
	v9 =	vpsel p0, v10, v0;
	v8 =	vshll.u32 @p0 v19, $0x8  }
0x375: {  	s4 =	smov.u32 @p0 s4;
	[tilespmem:v5+s24+$0x0] =	vst.idx.add.s32.msk @p1 vm1, v20;
	v11 =	vshll.u32 @p0 v14, $0x8;
	v5 =	vpsel p0, v8, v0;
	v8 =	vpsel p0, v19, v0;
	_, v10, vm14 =	vpop (xrf1)  }
0x376: {  	[tilespmem:s1+$0xFFFFFFF0] =	vst @p1 v7;
	s1 =	smov.u32 @p0 s4;
	v7 =	vpsel p0, v11, v0;
	v11 =	vsel @p0 vm2, $0x4000, v0;
	v5 =	vadd.s32 @p0 v6, v5  }
0x377: {  	v4 =	vpsel p0, v4, v0;
	s1 =	smov.u32 @p0 s1;
	v5 =	vor.u32 @p0 v11, v5;
	_, v6, vm15 =	vpop (xrf1);
	[tilespmem:v16+s24+$0x0] =	vst.idx.add.s32.msk @p0 vm2, v8  }
0x378: {  	v4 =	vadd.s32 @p0 v4, v7;
	v8 =	vpsel p0, v14, v0;
	[tilespmem:s1+$0x10] =	vst @p0 v5;
	v5 =	vsel @p0 vm0, $0x4000, v0  }
0x379: {  	v7 =	vshll.u32 v10, $0x8;
	[tilespmem:v9+s24+$0x0] =	vst.idx.add.s32.msk @p0 vm0, v8;
	v4 =	vor.u32 @p0 v5, v4;
	v5 =	vor.u32 $0xFFFFFF00, v12  }
0x37a: {  	[tilespmem:s1+$0xFFFFFFF0] =	vst @p0 v4;
	v4 =	vsel vm14, $0x4000, v0;
	v5 =	vadd.s32 v5, v7  }
0x37b: {  	v8 =	vor.u32 $0xFFFFFF00, v21;
	v7 =	vshll.u32 v6, $0x8;
	[tilespmem:v61+s24+$0x0] =	vst.idx.add.s32.msk vm14, v10;
	v4 =	vor.u32 v4, v5  }
0x37c: {  	v5 =	vadd.s32 v8, v7;
	[tilespmem:s3+$0x10] =	vst v4;
	v4 =	vsel vm15, $0x4000, v0  }
0x37d: {  	[tilespmem:v62+s24+$0x0] =	vst.idx.add.s32.msk vm15, v6;
	v4 =	vor.u32 v4, v5  }
0x37e: {  	s18 =	simm.s32 $0x0;
	[tilespmem:s3+$0xFFFFFFF0] =	vst v4  }
0x37f: {  	v4 =	vld [tilespmem:s18+$0x14A00]  }
0x380: {  	v5 =	vld [tilespmem:s18+$0x14B00]  }
0x381: {  	s3 =	simm.s32 $0x10  }
0x382: {  	v6 =	vld [tilespmem:s3+$0x14A00]  }
0x383: {  	s1 =	simm.s32 $0x20;
	v7 =	vld [tilespmem:s3+$0x14B00]  }
0x384: {  	v8 =	vld [tilespmem:s1+$0x14A00]  }
0x385: {  	v9 =	vld [tilespmem:s1+$0x14B00];
	v10 =	vadd.s32 v4, v5  }
0x386: {  	(xrf0) =	vadd.scan.msk.s32 $0xffff, v10;
	_ =	sdelay $0x2  }
0x387: {  	v5 =	vadd.s32 v6, v7  }
0x388: {  	s4 =	simm.s32 $0x30;
	v4 =	vadd.s32 v8, v9;
	(xrf0) =	vadd.scan.msk.s32 $0xffff, v5  }
0x389: {  	v6 =	vld [tilespmem:s4+$0x14A00];
	(xrf0) =	vadd.scan.msk.s32 $0xffff, v4  }
0x38a: {  	v8 =	vld [tilespmem:s4+$0x14B00];
	v11, _, _ =	vpop (xrf0)  }
0x38b: {  	(v2sf) =	vpush v11, $0xF;
	_ =	sdelay $0x2  }
0x38c: {  	v7, _, _ =	vpop (xrf0)  }
0x38d: {  	v6 =	vadd.s32 v6, v8;
	(v2sf) =	vpush v7, $0xF;
	v8, _, _ =	vpop (xrf0)  }
0x38e: {  	(v2sf) =	vpush v8, $0xF;
	_ =	sdelay $0x3  }
0x38f: {  	s7 =	simm.s32 $0x40  }
0x390: {  	v9 =	vld [tilespmem:s7+$0x14A00]  }
0x391: {  	v63 =	vsub.s32 s2, v10;
	v10 =	vld [tilespmem:s7+$0x14B00];
	(xrf0) =	vadd.scan.msk.s32 $0xffff, v6;
	_ =	sdelay $0x1  }
0x392: {  	v11 =	vadd.s32 v11, v63  }
0x393: {  	s8 =	simm.s32 $0x140;
	[tilespmem:s18+$0x14C00] =	vst v11  }
.LBB2_53:
0x394: {  	s9 =	sshra.s32 s8, $0x2;
	s12 =	spop (v2sf);
	p0 =	sne.s32 s8, $0x3C0  }
.Ltmp27:
0x395: {  	s8 =	sadd.s32 $0x40, s8;
	v11 =	vadd.s32 v9, v10;
	v9 =	vld [tilespmem:s9+$0x14A00];
	s2 =	sadd.s32 s2, s12;
	(pc) =	sbr.rel @p0 .LBB2_53-.Ltmp27, $4  }
0x396: {  	v10 =	vld [tilespmem:s9+$0x14B00];
	(xrf0) =	vadd.scan.msk.s32 $0xffff, v11;
	v12, _, _ =	vpop (xrf0);
	v13 =	vsub.s32 s2, v5;
	v5 =	vmov v4;
	v4 =	vmov v6  }
0x397: {  	v6 =	vmovc v11;
	(v2sf) =	vpush v12, $0xF;
	v13 =	vadd.s32 v7, v13;
	v7 =	vmovc v8;
	v8 =	vmov v12  }
0x398: {  	[tilespmem:s3+$0x14C00] =	vst v13;
	s3 =	smov.u32 s1;
	s1 =	smov.u32 s4;
	s4 =	smov.u32 s7  }
0x399: {  	s7 =	smov.u32 s9  }
0x39a: {  	_ = 	snop  }
0x39b: {  	v9 =	vadd.s32 v9, v10  }
0x39c: {  	(xrf0) =	vadd.scan.msk.s32 $0xffff, v9;
	_ =	sdelay $0x1  }
0x39d: {  	v63, _, _ =	vpop (xrf0)  }
0x39e: {  	(v2sf) =	vpush v63, $0xF;
	_ =	sdelay $0x2  }
0x39f: {  	v11, _, _ =	vpop (xrf0)  }
0x3a0: {  	(v2sf) =	vpush v11, $0xF;
	_ =	sdelay $0x7  }
0x3a1: {  	s8 =	spop (v2sf)  }
0x3a2: {  	s2 =	sadd.s32 s2, s8;
	s15 =	spop (v2sf)  }
0x3a3: {  	v5 =	vsub.s32 s2, v5;
	s2 =	sadd.s32 s2, s15;
	s16 =	spop (v2sf)  }
0x3a4: {  	v5 =	vadd.s32 v7, v5;
	v4 =	vsub.s32 s2, v4;
	s2 =	sadd.s32 s2, s16;
	s17 =	spop (v2sf)  }
0x3a5: {  	[tilespmem:s3+$0x14C00] =	vst v5;
	v4 =	vadd.s32 v8, v4;
	v5 =	vsub.s32 s2, v6;
	s2 =	sadd.s32 s2, s17  }
0x3a6: {  	[tilespmem:s1+$0x14C00] =	vst v4;
	v4 =	vadd.s32 v63, v5;
	v5 =	vsub.s32 s2, v9  }
0x3a7: {  	s3 =	simm.s32 $0x14D20;
	s1 =	simm.s32 $0x139A0;
	[tilespmem:s4+$0x14C00] =	vst v4;
	v4 =	vadd.s32 v11, v5  }
0x3a8: {  	s4 =	smov.u32 s10;
	s2 =	simm.s32 $0x12920;
	[tilespmem:s7+$0x14C00] =	vst v4;
	s18 =	spop (v2sf)  }
.LBB2_55:
0x3a9: {  	v4 =	vld [tilespmem:s3+$0xFFFFFFE0];
	_ =	sdelay $0x4  }
0x3aa: {  	v5 =	vand.u32 $0xFF, v4;
	_ =	sdelay $0x4  }
0x3ab: {  	v6 =	vld.idx.msk [tilespmem:v5+s25+$0x0], $0xffff;
	_ =	sdelay $0x2  }
0x3ac: {  	v7 =	vshrl.u32 v4, $0x8  }
0x3ad: {  	v7 =	vand.u32 $0x3F, v7  }
0x3ae: {  	v8 =	vld [tilespmem:s2+$0xFFFFFFE0];
	v6 =	vadd.s32 v7, v6  }
0x3af: {  	vm0 =	vgt.s32 v4, $0x3FFF;
	v4 =	vld [tilespmem:s1+$0xFFFFFFE0];
	_ =	sdelay $0x3  }
0x3b0: {  	[tilespmem:v6+s21+$0x0] =	vst.idx.msk $0xffff, v8  }
0x3b1: {  	[tilespmem:v6+s22+$0x0] =	vst.idx.msk $0xffff, v4;
	v4 =	vadd.s32 $0x1, v7  }
0x3b2: {  	[tilespmem:v5+s25+$0x0] =	vst.idx.add.s32.msk vm0, v4  }
0x3b3: {  	v4 =	vld [tilespmem:s3+$0xFFFFFFF0];
	_ =	sdelay $0x4  }
0x3b4: {  	v5 =	vand.u32 $0xFF, v4;
	_ =	sdelay $0x4  }
0x3b5: {  	v6 =	vld.idx.msk [tilespmem:v5+s25+$0x0], $0xffff;
	_ =	sdelay $0x2  }
0x3b6: {  	v61 =	vshrl.u32 v4, $0x8  }
0x3b7: {  	v7 =	vand.u32 $0x3F, v61  }
0x3b8: {  	v8 =	vld [tilespmem:s2+$0xFFFFFFF0];
	v6 =	vadd.s32 v7, v6  }
0x3b9: {  	vm13 =	vgt.s32 v4, $0x3FFF;
	v4 =	vld [tilespmem:s1+$0xFFFFFFF0];
	_ =	sdelay $0x3  }
0x3ba: {  	[tilespmem:v6+s21+$0x0] =	vst.idx.msk $0xffff, v8  }
0x3bb: {  	[tilespmem:v6+s22+$0x0] =	vst.idx.msk $0xffff, v4;
	v4 =	vadd.s32 $0x1, v7  }
0x3bc: {  	[tilespmem:v5+s25+$0x0] =	vst.idx.add.s32.msk vm13, v4  }
0x3bd: {  	v4 =	vld [tilespmem:s3+$0x0];
	_ =	sdelay $0x4  }
0x3be: {  	v5 =	vand.u32 $0xFF, v4;
	_ =	sdelay $0x4  }
0x3bf: {  	v6 =	vld.idx.msk [tilespmem:v5+s25+$0x0], $0xffff;
	_ =	sdelay $0x2  }
0x3c0: {  	v62 =	vshrl.u32 v4, $0x8  }
0x3c1: {  	v7 =	vand.u32 $0x3F, v62  }
0x3c2: {  	v8 =	vld [tilespmem:s2+$0x0];
	v6 =	vadd.s32 v7, v6  }
0x3c3: {  	vm14 =	vgt.s32 v4, $0x3FFF;
	v4 =	vld [tilespmem:s1+$0x0];
	_ =	sdelay $0x3  }
0x3c4: {  	[tilespmem:v6+s21+$0x0] =	vst.idx.msk $0xffff, v8  }
0x3c5: {  	[tilespmem:v6+s22+$0x0] =	vst.idx.msk $0xffff, v4;
	v4 =	vadd.s32 $0x1, v7  }
0x3c6: {  	[tilespmem:v5+s25+$0x0] =	vst.idx.add.s32.msk vm14, v4  }
0x3c7: {  	v4 =	vld [tilespmem:s3+$0x10];
	_ =	sdelay $0x4  }
0x3c8: {  	v5 =	vand.u32 $0xFF, v4;
	_ =	sdelay $0x4  }
0x3c9: {  	v6 =	vld.idx.msk [tilespmem:v5+s25+$0x0], $0xffff;
	_ =	sdelay $0x2  }
0x3ca: {  	v63 =	vshrl.u32 v4, $0x8  }
0x3cb: {  	v7 =	vand.u32 $0x3F, v63  }
0x3cc: {  	v8 =	vld [tilespmem:s2+$0x10];
	v6 =	vadd.s32 v7, v6  }
0x3cd: {  	vm15 =	vgt.s32 v4, $0x3FFF;
	v4 =	vld [tilespmem:s1+$0x10]  }
0x3ce: {  	p0 =	seq.s32 s4, $0x1  }
.Ltmp28:
0x3cf: {  	_ = 	snop;
	(pc) =	sbr.rel @!p0 .LBB2_55-.Ltmp28, $4  }
0x3d0: {  	_ = 	snop  }
0x3d1: {  	[tilespmem:v6+s21+$0x0] =	vst.idx.msk $0xffff, v8  }
0x3d2: {  	s4 =	sadd.s32 $0xFFFFFFFF, s4;
	[tilespmem:v6+s22+$0x0] =	vst.idx.msk $0xffff, v4;
	v4 =	vadd.s32 $0x1, v7  }
0x3d3: {  	s2 =	sadd.s32 $0x40, s2;
	s3 =	sadd.s32 $0x40, s3;
	s1 =	sadd.s32 $0x40, s1;
	[tilespmem:v5+s25+$0x0] =	vst.idx.add.s32.msk vm15, v4  }
0x3d4: {  	s2 =	simm.s32 $0x14A20  }
0x3d5: {  	[tilespmem:s2+$0xFFFFFFF0] =	vst v0  }
0x3d6: {  	[tilespmem:s2+$0x0] =	vst v0  }
0x3d7: {  	[tilespmem:s2+$0x10] =	vst v0  }
0x3d8: {  	s1 =	simm.s32 $0x14B20;
	[tilespmem:s2+$0xFFFFFFE0] =	vst v0  }
0x3d9: {  	[tilespmem:s1+$0xFFFFFFF0] =	vst v0  }
0x3da: {  	[tilespmem:s1+$0x0] =	vst v0  }
0x3db: {  	[tilespmem:s1+$0x10] =	vst v0  }
0x3dc: {  	s3 =	simm.s32 $0x14A60;
	s2 =	simm.s32 $0x0;
	[tilespmem:s1+$0xFFFFFFE0] =	vst v0  }
.LBB2_57:
0x3dd: {  	[tilespmem:s3+$0xFFFFFFF0] =	vst v0;
	s1 =	sadd.s32 $0x40, s1  }
0x3de: {  	s2 =	sadd.s32 $0x4, s2;
	[tilespmem:s1+$0xFFFFFFF0] =	vst v0  }
0x3df: {  	p0 =	slt.u32 s2, $0xC;
	[tilespmem:s3+$0x0] =	vst v0  }
.Ltmp29:
0x3e0: {  	[tilespmem:s1+$0x0] =	vst v0;
	(pc) =	sbr.rel @p0 .LBB2_57-.Ltmp29, $4  }
0x3e1: {  	[tilespmem:s3+$0x10] =	vst v0  }
0x3e2: {  	[tilespmem:s1+$0x10] =	vst v0  }
0x3e3: {  	[tilespmem:s3+$0xFFFFFFE0] =	vst v0  }
0x3e4: {  	s3 =	sadd.s32 $0x40, s3;
	[tilespmem:s1+$0xFFFFFFE0] =	vst v0  }
0x3e5: {  	s9 =	simm.s32 $0x10820  }
0x3e6: {  	v4 =	vld [tilespmem:s9+$0x0]  }
0x3e7: {  	v5 =	vld [tilespmem:s9+$0xFFFFFFE0];
	_ =	sdelay $0x1  }
0x3e8: {  	p4 =	sgt.u32 s31, $0x2  }
.Ltmp30:
0x3e9: {  	_ = 	snop;
	(pc) =	sbr.rel @!p4 .LBB2_59-.Ltmp30, $4  }
0x3ea: {  	v26 =	vshrl.u32 v4, $0x10  }
0x3eb: {  	s2 =	simm.s32 $0x0;
	v25 =	vshrl.u32 v5, $0x10;
	v32 =	vand.u32 $0xFF, v26  }
0x3ec: {  	s3 =	simm.s32 $0x14D20;
	s8 =	simm.s32 $0x10860;
	p0 =	por $0x0, $0x0;
	v28 =	vand.u32 $0xFF, v25;
	(xrf1) =	vunique.msk.u32 $0xffff, v32  }
0x3ed: {  	p1 =	por $0x0, $0x0;
	p2 =	por $0x0, $0x0;
	p3 =	por $0x0, $0x0;
	(xrf1) =	vunique.msk.u32 $0xffff, v28  }
0x3ee: {  	v4 =	vld [tilespmem:s8+$0x0]  }
0x3ef: {  	v5 =	vld [tilespmem:s8+$0xFFFFFFE0];
	_ =	sdelay $0x1  }
0x3f0: {  	p4 =	sgt.u32 s31, $0x4  }
.Ltmp31:
0x3f1: {  	_ = 	snop;
	(pc) =	sbr.rel @!p4 .LBB2_61-.Ltmp31, $4  }
0x3f2: {  	v4 =	vshrl.u32 v4, $0x10  }
0x3f3: {  	v5 =	vshrl.u32 v5, $0x10;
	v7 =	vand.u32 $0xFF, v4  }
0x3f4: {  	v6 =	vand.u32 $0xFF, v5;
	(xrf1) =	vunique.msk.u32 $0xffff, v7  }
0x3f5: {  	s7 =	simm.s32 $0x108A0;
	p0 =	por $0x1, $0x1;
	(xrf1) =	vunique.msk.u32 $0xffff, v6  }
0x3f6: {  	_ =	sdelay $0x2  }
0x3f7: {  	_, v8, vm0 =	vpop (xrf1)  }
0x3f8: {  	_, v9, vm1 =	vpop (xrf1)  }
0x3f9: {  	v10 =	vld [tilespmem:s7+$0x0]  }
0x3fa: {  	v11 =	vld [tilespmem:s7+$0xFFFFFFE0]  }
0x3fb: {  	v12 =	vor.u32 $0xFFFFFF00, v26;
	v13 =	vshll.u32 v8, $0x8  }
0x3fc: {  	p4 =	sgt.u32 s31, $0x6;
	v14 =	vsel vm0, $0x4000, v0;
	v12 =	vadd.s32 v12, v13  }
.Ltmp32:
0x3fd: {  	v13 =	vor.u32 $0xFFFFFF00, v25;
	v15 =	vshll.u32 v9, $0x8;
	v63 =	vsel vm1, $0x4000, v0;
	[tilespmem:v32+s23+$0x0] =	vst.idx.add.s32.msk vm0, v8;
	(pc) =	sbr.rel @!p4 .LBB2_63-.Ltmp32, $4  }
0x3fe: {  	v12 =	vor.u32 v14, v12;
	v8 =	vadd.s32 v13, v15;
	v13 =	vshrl.u32 v10, $0x10;
	[tilespmem:v28+s23+$0x0] =	vst.idx.add.s32.msk vm1, v9  }
0x3ff: {  	v16 =	vshrl.u32 v11, $0x10;
	v31 =	vand.u32 $0xFF, v13;
	v8 =	vor.u32 v63, v8;
	[tilespmem:s3+$0x0] =	vst v12  }
0x400: {  	v30 =	vand.u32 $0xFF, v16;
	(xrf1) =	vunique.msk.u32 $0xffff, v31;
	[tilespmem:s3+$0xFFFFFFE0] =	vst v8;
	v21 =	vld [tilespmem:s9+$0x10]  }
0x401: {  	s12 =	simm.s32 $0x108E0;
	p1 =	por $0x1, $0x1;
	(xrf1) =	vunique.msk.u32 $0xffff, v30;
	v23 =	vld [tilespmem:s9+$0xFFFFFFF0]  }
0x402: {  	_, v12, vm0 =	vpop (xrf1);
	v11 =	vld [tilespmem:s12+$0x0]  }
0x403: {  	v4 =	vor.u32 $0xFFFFFF00, v4;
	v15 =	vld [tilespmem:s12+$0xFFFFFFE0];
	v8 =	vshll.u32 v12, $0x8  }
0x404: {  	v5 =	vor.u32 $0xFFFFFF00, v5;
	_, v14, vm1 =	vpop (xrf1);
	v9 =	vsel vm0, $0x4000, v0;
	v4 =	vadd.s32 v4, v8  }
0x405: {  	v8 =	vshll.u32 v14, $0x8;
	v17 =	vor.u32 v9, v4;
	v9 =	vshrl.u32 v21, $0x10  }
0x406: {  	v18 =	vadd.s32 v5, v8;
	v8 =	vshrl.u32 v23, $0x10;
	v10 =	vand.u32 $0xFF, v9  }
0x407: {  	v4 =	vshrl.u32 v11, $0x10;
	v11 =	vand.u32 $0xFF, v8;
	(xrf1) =	vunique.msk.u32 $0xffff, v10  }
0x408: {  	v5 =	vshrl.u32 v15, $0x10;
	v28 =	vand.u32 $0xFF, v4;
	(xrf1) =	vunique.msk.u32 $0xffff, v11  }
0x409: {  	v29 =	vand.u32 $0xFF, v5;
	(xrf1) =	vunique.msk.u32 $0xffff, v28  }
0x40a: {  	(xrf1) =	vunique.msk.u32 $0xffff, v29;
	_ =	sdelay $0x6  }
0x40b: {  	p4 =	sgt.u32 s31, $0x8  }
.Ltmp33:
0x40c: {  	[tilespmem:v7+s23+$0x0] =	vst.idx.add.s32.msk vm0, v12;
	(pc) =	sbr.rel @!p4 .LBB2_65-.Ltmp33, $4  }
0x40d: {  	s4 =	simm.s32 $0x14D60;
	[tilespmem:v6+s23+$0x0] =	vst.idx.add.s32.msk vm1, v14;
	v6 =	vsel vm1, $0x4000, v0  }
0x40e: {  	[tilespmem:s4+$0x0] =	vst v17;
	v6 =	vor.u32 v6, v18  }
0x40f: {  	v18 =	vld [tilespmem:s8+$0x10];
	[tilespmem:s4+$0xFFFFFFE0] =	vst v6  }
0x410: {  	s13 =	simm.s32 $0x10920;
	p2 =	por $0x1, $0x1;
	v17 =	vld [tilespmem:s8+$0xFFFFFFF0]  }
0x411: {  	v7 =	vld [tilespmem:s13+$0x0]  }
0x412: {  	_, v6, vm0 =	vpop (xrf1);
	v15 =	vld [tilespmem:s13+$0xFFFFFFE0]  }
0x413: {  	v12 =	vor.u32 $0xFFFFFF00, v13;
	v13 =	vshll.u32 v6, $0x8  }
0x414: {  	_, v14, vm1 =	vpop (xrf1);
	v19 =	vsel vm0, $0x4000, v0;
	v12 =	vadd.s32 v12, v13;
	v13 =	vor.u32 $0xFFFFFF00, v16  }
0x415: {  	v16 =	vshll.u32 v14, $0x8;
	v19 =	vor.u32 v19, v12;
	v12 =	vshrl.u32 v18, $0x10  }
0x416: {  	v20 =	vadd.s32 v13, v16;
	v24 =	vshrl.u32 v17, $0x10;
	v13 =	vand.u32 $0xFF, v12  }
0x417: {  	v33 =	vshrl.u32 v7, $0x10;
	v16 =	vand.u32 $0xFF, v24;
	(xrf1) =	vunique.msk.u32 $0xffff, v13;
	v32 =	vshrl.u32 v15, $0x10  }
0x418: {  	p4 =	sgt.u32 s31, $0xA;
	[tilespmem:v31+s23+$0x0] =	vst.idx.add.s32.msk vm0, v6;
	v6 =	vsel vm1, $0x4000, v0;
	v7 =	vand.u32 $0xFF, v33;
	(xrf1) =	vunique.msk.u32 $0xffff, v16  }
.Ltmp34:
0x419: {  	v15 =	vor.u32 v6, v20;
	v6 =	vand.u32 $0xFF, v32;
	(xrf1) =	vunique.msk.u32 $0xffff, v7;
	(pc) =	sbr.rel @!p4 .LBB2_67-.Ltmp34, $4  }
0x41a: {  	s1 =	simm.s32 $0x14DA0;
	[tilespmem:v30+s23+$0x0] =	vst.idx.add.s32.msk vm1, v14;
	(xrf1) =	vunique.msk.u32 $0xffff, v6  }
0x41b: {  	[tilespmem:s1+$0x0] =	vst v19;
	_, v14, vm0 =	vpop (xrf1)  }
0x41c: {  	s8 =	simm.s32 $0xA;
	[tilespmem:s1+$0xFFFFFFE0] =	vst v15;
	v21 =	vld [tilespmem:s7+$0x10];
	_, v19, vm1 =	vpop (xrf1);
	v15 =	vmov v10  }
0x41d: {  	s9 =	simm.s32 $0x10960;
	p3 =	por $0x1, $0x1;
	v22 =	vmovc v9;
	v31 =	vor.u32 $0xFFFFFF00, v8;
	v20 =	vmovc v11;
	v27 =	vshll.u32 v14, $0x8;
	v23 =	vld [tilespmem:s7+$0xFFFFFFF0];
	v30 =	vshll.u32 v19, $0x8;
	s7 =	simm.s32 $0x14D20  }
.LBB2_68:
0x41e: {  	v25 =	vld [tilespmem:s9+$0x0];
	s8 =	sadd.s32 $0x2, s8;
	v5 =	vor.u32 $0xFFFFFF00, v5;
	v41 =	vor.u32 $0xFFFFFF00, v4;
	_, v26, vm2 =	vpop (xrf1);
	v40 =	vor.u32 $0xFFFFFF00, v22;
	s14 =	smov.u32 s1;
	s15 =	smov.u32 s12  }
0x41f: {  	v38 =	vsel vm0, $0x4000, v0;
	s12 =	smov.u32 s13;
	s13 =	smov.u32 s9;
	v34 =	vld [tilespmem:s9+$0xFFFFFFE0];
	p4 =	slt.u32 s8, s31;
	v35 =	vshll.u32 v26, $0x8;
	v36 =	vsel vm2, $0x4000, v0;
	_, v37, vm3 =	vpop (xrf1)  }
0x420: {  	v22 =	vmovc v12;
	v4 =	vmovc v33;
	v27 =	vadd.s32 v40, v27;
	v39 =	vshll.u32 v37, $0x8;
	v35 =	vadd.s32 v41, v35  }
0x421: {  	v35 =	vor.u32 v36, v35;
	v12 =	vshrl.u32 v21, $0x10;
	[tilespmem:v15+s24+$0x0] =	vst.idx.add.s32.msk vm0, v14;
	v14 =	vor.u32 v38, v27  }
0x422: {  	v21 =	vadd.s32 v5, v39;
	v15 =	vmovc v13;
	v5 =	vmovc v32;
	v36 =	vshrl.u32 v23, $0x10;
	[tilespmem:s7+$0x10] =	vst v14;
	v13 =	vand.u32 $0xFF, v12  }
0x423: {  	v33 =	vshrl.u32 v25, $0x10;
	(xrf1) =	vunique.msk.u32 $0xffff, v13;
	[tilespmem:v20+s24+$0x0] =	vst.idx.add.s32.msk vm1, v19;
	v20 =	vmovc v16;
	v16 =	vand.u32 $0xFF, v36  }
.Ltmp35:
0x424: {  	s1 =	sadd.s32 $0x40, s1;
	v32 =	vshrl.u32 v34, $0x10;
	[tilespmem:v28+s23+$0x0] =	vst.idx.add.s32.msk vm2, v26;
	(xrf1) =	vunique.msk.u32 $0xffff, v16;
	v28 =	vmovc v7;
	v7 =	vand.u32 $0xFF, v33;
	(pc) =	sbr.rel @p4 .LBB2_68-.Ltmp35, $4  }
0x425: {  	v23 =	vsel vm1, $0x4000, v0;
	v25 =	vsel vm3, $0x4000, v0;
	[tilespmem:v29+s23+$0x0] =	vst.idx.add.s32.msk vm3, v37;
	v29 =	vmovc v6;
	v6 =	vand.u32 $0xFF, v32  }
0x426: {  	v26 =	vor.u32 v25, v21;
	v25 =	vadd.s32 v31, v30;
	(xrf1) =	vunique.msk.u32 $0xffff, v7;
	[tilespmem:s1+$0x0] =	vst v35;
	_, v14, vm0 =	vpop (xrf1)  }
0x427: {  	v25 =	vor.u32 v23, v25;
	(xrf1) =	vunique.msk.u32 $0xffff, v6;
	[tilespmem:s1+$0xFFFFFFE0] =	vst v26;
	v21 =	vld [tilespmem:s15+$0x10];
	v27 =	vshll.u32 v14, $0x8;
	_, v19, vm1 =	vpop (xrf1)  }
0x428: {  	s9 =	sadd.s32 $0x40, s9;
	v31 =	vor.u32 $0xFFFFFF00, v24;
	v24 =	vmov v36;
	v23 =	vld [tilespmem:s15+$0xFFFFFFF0];
	v30 =	vshll.u32 v19, $0x8;
	[tilespmem:s7+$0xFFFFFFF0] =	vst v25;
	s7 =	smov.u32 s4;
	s4 =	smov.u32 s14  }
0x429: {  	v25 =	vmov v5  }
0x42a: {  	v26 =	vmovc v4;
	s9 =	smov.u32 s12;
	s8 =	smov.u32 s13;
	v4 =	vmovc v33;
	v5 =	vmov v32;
	v32 =	vmov v28;
	v28 =	vmov v29  }
.LBB2_70:
0x42b: {  	_ =	sdelay $0x2  }
0x42c: {  	_, v29, vm4 =	vpop @p0 (xrf1)  }
0x42d: {  	_, v33, vm5 =	vpop @p0 (xrf1);
	_ =	sdelay $0x1  }
0x42e: {  	v25 =	vor.u32 @p0 $0xFFFFFF00, v25;
	v26 =	vor.u32 @p0 $0xFFFFFF00, v26;
	v22 =	vor.u32 @p3 $0xFFFFFF00, v22  }
0x42f: {  	v37 =	vsel @p3 vm0, $0x4000, v0;
	v4 =	vor.u32 $0xFFFFFF00, v4;
	v24 =	vor.u32 @p2 $0xFFFFFF00, v24;
	_, v36, vm3 =	vpop @p2 (xrf1)  }
0x430: {  	v5 =	vor.u32 $0xFFFFFF00, v5;
	v34 =	vshll.u32 @p0 v29, $0x8;
	v22 =	vadd.s32 @p3 v22, v27;
	_, v27, vm2 =	vpop @p2 (xrf1)  }
0x431: {  	s13 =	sadd.s32 @p1 $0x40, s1;
	s12 =	smov.u32 s3;
	v16 =	vpsel p2, v16, v0;
	v35 =	vsel @p0 vm4, $0x4000, v0;
	v26 =	vadd.s32 @p0 v26, v34;
	[tilespmem:v32+s23+$0x0] =	vst.idx.add.s32.msk @p0 vm4, v29;
	_, v54, vm6 =	vpop (xrf1)  }
0x432: {  	v21 =	vshrl.u32 @p1 v21, $0x10;
	s12 =	smov.u32 @p1 s13;
	v34 =	vshll.u32 @p0 v33, $0x8;
	v26 =	vor.u32 @p0 v35, v26;
	[tilespmem:v28+s23+$0x0] =	vst.idx.add.s32.msk @p0 vm5, v33;
	_, v32, vm4 =	vpop (xrf1)  }
0x433: {  	v24 =	vpsel p2, v24, v0;
	v25 =	vadd.s32 @p0 v25, v34;
	v28 =	vsel @p0 vm5, $0x4000, v0;
	[tilespmem:s12+$0x0] =	vst @p0 v26  }
0x434: {  	v33 =	vand.u32 @p1 $0xFF, v21;
	v25 =	vor.u32 @p0 v28, v25;
	v28 =	vadd.s32 @p3 v31, v30;
	v30 =	vld @p0 [tilespmem:s9+$0x10]  }
0x435: {  	v22 =	vor.u32 @p3 v37, v22;
	v26 =	vsel @p3 vm1, $0x4000, v0;
	(xrf1) =	vunique.msk.u32 @p1 $0xffff, v33;
	[tilespmem:s12+$0xFFFFFFE0] =	vst @p0 v25  }
0x436: {  	v23 =	vshrl.u32 @p1 v23, $0x10;
	v26 =	vor.u32 @p3 v26, v28;
	v28 =	vld @p0 [tilespmem:s9+$0xFFFFFFF0];
	v55 =	vshll.u32 v54, $0x8  }
0x437: {  	s13 =	sadd.s32 @p0 $0x40, s12;
	v34 =	vand.u32 @p1 $0xFF, v23;
	v56 =	vsel vm6, $0x4000, v0;
	v4 =	vadd.s32 v4, v55;
	[tilespmem:v7+s23+$0x0] =	vst.idx.add.s32.msk vm6, v54  }
0x438: {  	(xrf1) =	vunique.msk.u32 @p1 $0xffff, v34;
	s9 =	smov.u32 s3;
	s3 =	smov.u32 @p0 s13;
	v57 =	vshll.u32 v32, $0x8;
	v4 =	vor.u32 v56, v4;
	[tilespmem:v6+s23+$0x0] =	vst.idx.add.s32.msk vm4, v32  }
0x439: {  	v58 =	vsel vm4, $0x4000, v0;
	v5 =	vadd.s32 v5, v57;
	v6 =	vmovc @p2 v12;
	v12 =	vpsel p0, v30, v18;
	[tilespmem:s3+$0x0] =	vst v4  }
0x43a: {  	v5 =	vor.u32 v58, v5;
	v4 =	vpsel p2, v6, v0;
	v6 =	vshrl.u32 @p0 v12, $0x10;
	v59 =	vld [tilespmem:s8+$0x10]  }
0x43b: {  	v9 =	vpsel p1, v21, v9;
	v17 =	vpsel p0, v28, v17;
	[tilespmem:s3+$0xFFFFFFE0] =	vst v5;
	v18 =	vand.u32 @p0 $0xFF, v6  }
0x43c: {  	vm3 =	vmmov @p2 vm3;
	v8 =	vpsel p1, v23, v8;
	v17 =	vshrl.u32 @p0 v17, $0x10;
	v60 =	vld [tilespmem:s8+$0xFFFFFFF0];
	(xrf1) =	vunique.msk.u32 @p0 $0xffff, v18  }
0x43d: {  	[tilespmem:v15+s24+$0x0] =	vst.idx.add.s32.msk @p3 vm0, v14;
	v9 =	vpsel p1, v9, v0;
	vm2 =	vmmov @p2 vm2;
	v28 =	vand.u32 @p0 $0xFF, v17  }
0x43e: {  	v11 =	vpsel p1, v34, v11;
	v14 =	vsel @p2 vm3, $0x4000, v0;
	v25 =	vshll.u32 @p2 v36, $0x8;
	(xrf1) =	vunique.msk.u32 @p0 $0xffff, v28  }
0x43f: {  	v8 =	vor.u32 @p1 $0xFFFFFF00, v8;
	v5 =	vmovc @p2 v13;
	v13 =	vpsel p2, v25, v0;
	v12 =	vshrl.u32 v59, $0x10  }
0x440: {  	v9 =	vor.u32 @p1 $0xFFFFFF00, v9;
	v10 =	vpsel p1, v33, v10;
	v61 =	vand.u32 $0xFF, v12  }
0x441: {  	v8 =	vpsel p1, v8, v0;
	v10 =	vpsel p1, v10, v0;
	v21 =	vshrl.u32 v60, $0x10;
	(xrf1) =	vunique.msk.u32 $0xffff, v61  }
0x442: {  	v7 =	vshll.u32 @p2 v27, $0x8;
	v4 =	vor.u32 @p2 $0xFFFFFF00, v4;
	v62 =	vand.u32 $0xFF, v21  }
0x443: {  	v27 =	vpsel p2, v27, v0;
	v7 =	vpsel p2, v7, v0;
	v4 =	vadd.s32 @p2 v4, v13;
	_, v13, vm0 =	vpop @p1 (xrf1);
	(xrf1) =	vunique.msk.u32 $0xffff, v62  }
0x444: {  	v25 =	vpsel p2, v36, v0;
	v7 =	vadd.s32 @p2 v24, v7;
	v5 =	vpsel p2, v5, v0  }
0x445: {  	[tilespmem:v20+s24+$0x0] =	vst.idx.add.s32.msk @p3 vm1, v19;
	v18 =	vpsel p0, v18, v0;
	v19 =	vshll.u32 @p1 v13, $0x8;
	vm0 =	vmmov @p1 vm0  }
0x446: {  	[tilespmem:v16+s24+$0x0] =	vst.idx.add.s32.msk @p2 vm2, v27;
	v4 =	vor.u32 @p2 v14, v4;
	v14 =	vsel @p2 vm2, $0x4000, v0;
	_, v23, vm4 =	vpop @p1 (xrf1);
	v19 =	vpsel p1, v19, v0  }
0x447: {  	v6 =	vpsel p0, v6, v0;
	v16 =	vmovc @p0 v18;
	v7 =	vor.u32 @p2 v14, v7;
	v14 =	vshll.u32 @p1 v23, $0x8  }
0x448: {  	[tilespmem:s7+$0x10] =	vst @p3 v22;
	v6 =	vpsel p0, v6, v0;
	v16 =	vpsel p0, v16, v0;
	v14 =	vpsel p1, v14, v0  }
0x449: {  	s4 =	smov.u32 @p2 s4;
	[tilespmem:v5+s24+$0x0] =	vst.idx.add.s32.msk @p2 vm3, v25;
	v5 =	vpsel p1, v11, v0;
	v11 =	vpsel p0, v28, v0;
	vm1 =	vmmov @p1 vm4  }
0x44a: {  	v13 =	vpsel p1, v13, v0;
	[tilespmem:s4+$0x10] =	vst @p2 v4;
	v4 =	vpsel p0, v17, v0;
	v9 =	vadd.s32 @p1 v9, v19;
	_, v19, vm3 =	vpop @p0 (xrf1)  }
0x44b: {  	s9 =	smov.u32 @p1 s1;
	v6 =	vor.u32 @p0 $0xFFFFFF00, v6;
	v20 =	vpsel p1, v23, v0;
	[tilespmem:v10+s24+$0x0] =	vst.idx.add.s32.msk @p1 vm0, v13;
	v10 =	vmovc @p0 v11;
	vm2 =	vmmov @p0 vm3  }
0x44c: {  	s1 =	smov.u32 @p1 s9;
	[tilespmem:s4+$0xFFFFFFF0] =	vst @p2 v7;
	v17 =	vsel @p1 vm0, $0x4000, v0;
	v4 =	vor.u32 @p0 $0xFFFFFF00, v4;
	v7 =	vadd.s32 @p1 v8, v14;
	_, v14, vm3 =	vpop @p0 (xrf1)  }
0x44d: {  	[tilespmem:s7+$0xFFFFFFF0] =	vst @p3 v26;
	s1 =	smov.u32 @p1 s1;
	v9 =	vor.u32 @p1 v17, v9;
	v17 =	vsel @p1 vm1, $0x4000, v0;
	vm0 =	vmmov @p0 vm3  }
0x44e: {  	s4 =	smov.u32 @p0 s12;
	v7 =	vor.u32 @p1 v17, v7;
	[tilespmem:s1+$0x10] =	vst @p1 v9;
	v9 =	vpsel p0, v10, v0;
	v8 =	vshll.u32 @p0 v19, $0x8  }
0x44f: {  	s4 =	smov.u32 @p0 s4;
	[tilespmem:v5+s24+$0x0] =	vst.idx.add.s32.msk @p1 vm1, v20;
	v11 =	vshll.u32 @p0 v14, $0x8;
	v5 =	vpsel p0, v8, v0;
	v8 =	vpsel p0, v19, v0;
	_, v10, vm14 =	vpop (xrf1)  }
0x450: {  	[tilespmem:s1+$0xFFFFFFF0] =	vst @p1 v7;
	s1 =	smov.u32 @p0 s4;
	v7 =	vpsel p0, v11, v0;
	v11 =	vsel @p0 vm2, $0x4000, v0;
	v5 =	vadd.s32 @p0 v6, v5  }
0x451: {  	v4 =	vpsel p0, v4, v0;
	s1 =	smov.u32 @p0 s1;
	v5 =	vor.u32 @p0 v11, v5;
	_, v6, vm15 =	vpop (xrf1);
	[tilespmem:v16+s24+$0x0] =	vst.idx.add.s32.msk @p0 vm2, v8  }
0x452: {  	v4 =	vadd.s32 @p0 v4, v7;
	v8 =	vpsel p0, v14, v0;
	[tilespmem:s1+$0x10] =	vst @p0 v5;
	v5 =	vsel @p0 vm0, $0x4000, v0  }
0x453: {  	v7 =	vshll.u32 v10, $0x8;
	[tilespmem:v9+s24+$0x0] =	vst.idx.add.s32.msk @p0 vm0, v8;
	v4 =	vor.u32 @p0 v5, v4;
	v5 =	vor.u32 $0xFFFFFF00, v12  }
0x454: {  	[tilespmem:s1+$0xFFFFFFF0] =	vst @p0 v4;
	v4 =	vsel vm14, $0x4000, v0;
	v5 =	vadd.s32 v5, v7  }
0x455: {  	v8 =	vor.u32 $0xFFFFFF00, v21;
	v7 =	vshll.u32 v6, $0x8;
	[tilespmem:v61+s24+$0x0] =	vst.idx.add.s32.msk vm14, v10;
	v4 =	vor.u32 v4, v5  }
0x456: {  	v5 =	vadd.s32 v8, v7;
	[tilespmem:s3+$0x10] =	vst v4;
	v4 =	vsel vm15, $0x4000, v0  }
0x457: {  	[tilespmem:v62+s24+$0x0] =	vst.idx.add.s32.msk vm15, v6;
	v4 =	vor.u32 v4, v5  }
0x458: {  	s18 =	simm.s32 $0x0;
	[tilespmem:s3+$0xFFFFFFF0] =	vst v4  }
0x459: {  	v4 =	vld [tilespmem:s18+$0x14A00]  }
0x45a: {  	v5 =	vld [tilespmem:s18+$0x14B00]  }
0x45b: {  	s3 =	simm.s32 $0x10  }
0x45c: {  	v6 =	vld [tilespmem:s3+$0x14A00]  }
0x45d: {  	s1 =	simm.s32 $0x20;
	v7 =	vld [tilespmem:s3+$0x14B00]  }
0x45e: {  	v8 =	vld [tilespmem:s1+$0x14A00]  }
0x45f: {  	v9 =	vld [tilespmem:s1+$0x14B00];
	v10 =	vadd.s32 v4, v5  }
0x460: {  	(xrf0) =	vadd.scan.msk.s32 $0xffff, v10;
	_ =	sdelay $0x2  }
0x461: {  	v5 =	vadd.s32 v6, v7  }
0x462: {  	s4 =	simm.s32 $0x30;
	v4 =	vadd.s32 v8, v9;
	(xrf0) =	vadd.scan.msk.s32 $0xffff, v5  }
0x463: {  	v6 =	vld [tilespmem:s4+$0x14A00];
	(xrf0) =	vadd.scan.msk.s32 $0xffff, v4  }
0x464: {  	v8 =	vld [tilespmem:s4+$0x14B00];
	v11, _, _ =	vpop (xrf0)  }
0x465: {  	(v2sf) =	vpush v11, $0xF;
	_ =	sdelay $0x2  }
0x466: {  	v7, _, _ =	vpop (xrf0)  }
0x467: {  	v6 =	vadd.s32 v6, v8;
	(v2sf) =	vpush v7, $0xF;
	v8, _, _ =	vpop (xrf0)  }
0x468: {  	(v2sf) =	vpush v8, $0xF;
	_ =	sdelay $0x3  }
0x469: {  	s7 =	simm.s32 $0x40  }
0x46a: {  	v9 =	vld [tilespmem:s7+$0x14A00]  }
0x46b: {  	v63 =	vsub.s32 s2, v10;
	v10 =	vld [tilespmem:s7+$0x14B00];
	(xrf0) =	vadd.scan.msk.s32 $0xffff, v6;
	_ =	sdelay $0x1  }
0x46c: {  	v11 =	vadd.s32 v11, v63  }
0x46d: {  	s8 =	simm.s32 $0x140;
	[tilespmem:s18+$0x14C00] =	vst v11  }
.LBB2_71:
0x46e: {  	s9 =	sshra.s32 s8, $0x2;
	s12 =	spop (v2sf);
	p0 =	sne.s32 s8, $0x3C0  }
.Ltmp36:
0x46f: {  	s8 =	sadd.s32 $0x40, s8;
	v11 =	vadd.s32 v9, v10;
	v9 =	vld [tilespmem:s9+$0x14A00];
	s2 =	sadd.s32 s2, s12;
	(pc) =	sbr.rel @p0 .LBB2_71-.Ltmp36, $4  }
0x470: {  	v10 =	vld [tilespmem:s9+$0x14B00];
	(xrf0) =	vadd.scan.msk.s32 $0xffff, v11;
	v12, _, _ =	vpop (xrf0);
	v13 =	vsub.s32 s2, v5;
	v5 =	vmov v4;
	v4 =	vmov v6  }
0x471: {  	v6 =	vmovc v11;
	(v2sf) =	vpush v12, $0xF;
	v13 =	vadd.s32 v7, v13;
	v7 =	vmovc v8;
	v8 =	vmov v12  }
0x472: {  	[tilespmem:s3+$0x14C00] =	vst v13;
	s3 =	smov.u32 s1;
	s1 =	smov.u32 s4;
	s4 =	smov.u32 s7  }
0x473: {  	s7 =	smov.u32 s9  }
0x474: {  	_ = 	snop  }
0x475: {  	v9 =	vadd.s32 v9, v10  }
0x476: {  	(xrf0) =	vadd.scan.msk.s32 $0xffff, v9;
	_ =	sdelay $0x1  }
0x477: {  	v63, _, _ =	vpop (xrf0)  }
0x478: {  	(v2sf) =	vpush v63, $0xF;
	_ =	sdelay $0x2  }
0x479: {  	v11, _, _ =	vpop (xrf0)  }
0x47a: {  	(v2sf) =	vpush v11, $0xF;
	_ =	sdelay $0x7  }
0x47b: {  	s8 =	spop (v2sf)  }
0x47c: {  	s2 =	sadd.s32 s2, s8;
	s15 =	spop (v2sf)  }
0x47d: {  	v5 =	vsub.s32 s2, v5;
	s2 =	sadd.s32 s2, s15;
	s16 =	spop (v2sf)  }
0x47e: {  	v5 =	vadd.s32 v7, v5;
	v4 =	vsub.s32 s2, v4;
	s2 =	sadd.s32 s2, s16;
	s17 =	spop (v2sf)  }
0x47f: {  	[tilespmem:s3+$0x14C00] =	vst v5;
	v4 =	vadd.s32 v8, v4;
	v5 =	vsub.s32 s2, v6;
	s2 =	sadd.s32 s2, s17  }
0x480: {  	[tilespmem:s1+$0x14C00] =	vst v4;
	v4 =	vadd.s32 v63, v5;
	v5 =	vsub.s32 s2, v9  }
0x481: {  	s3 =	simm.s32 $0x14D20;
	s1 =	simm.s32 $0x118A0;
	[tilespmem:s4+$0x14C00] =	vst v4;
	v4 =	vadd.s32 v11, v5  }
0x482: {  	s4 =	smov.u32 s10;
	s2 =	simm.s32 $0x10820;
	[tilespmem:s7+$0x14C00] =	vst v4;
	s18 =	spop (v2sf)  }
.LBB2_73:
0x483: {  	v4 =	vld [tilespmem:s3+$0xFFFFFFE0];
	_ =	sdelay $0x4  }
0x484: {  	v5 =	vand.u32 $0xFF, v4;
	_ =	sdelay $0x4  }
0x485: {  	v6 =	vld.idx.msk [tilespmem:v5+s25+$0x0], $0xffff;
	_ =	sdelay $0x2  }
0x486: {  	v7 =	vshrl.u32 v4, $0x8  }
0x487: {  	v7 =	vand.u32 $0x3F, v7  }
0x488: {  	v8 =	vld [tilespmem:s2+$0xFFFFFFE0];
	v6 =	vadd.s32 v7, v6  }
0x489: {  	vm0 =	vgt.s32 v4, $0x3FFF;
	v4 =	vld [tilespmem:s1+$0xFFFFFFE0];
	_ =	sdelay $0x3  }
0x48a: {  	[tilespmem:v6+s26+$0x0] =	vst.idx.msk $0xffff, v8  }
0x48b: {  	[tilespmem:v6+s28+$0x0] =	vst.idx.msk $0xffff, v4;
	v4 =	vadd.s32 $0x1, v7  }
0x48c: {  	[tilespmem:v5+s25+$0x0] =	vst.idx.add.s32.msk vm0, v4  }
0x48d: {  	v4 =	vld [tilespmem:s3+$0xFFFFFFF0];
	_ =	sdelay $0x4  }
0x48e: {  	v5 =	vand.u32 $0xFF, v4;
	_ =	sdelay $0x4  }
0x48f: {  	v6 =	vld.idx.msk [tilespmem:v5+s25+$0x0], $0xffff;
	_ =	sdelay $0x2  }
0x490: {  	v61 =	vshrl.u32 v4, $0x8  }
0x491: {  	v7 =	vand.u32 $0x3F, v61  }
0x492: {  	v8 =	vld [tilespmem:s2+$0xFFFFFFF0];
	v6 =	vadd.s32 v7, v6  }
0x493: {  	vm13 =	vgt.s32 v4, $0x3FFF;
	v4 =	vld [tilespmem:s1+$0xFFFFFFF0];
	_ =	sdelay $0x3  }
0x494: {  	[tilespmem:v6+s26+$0x0] =	vst.idx.msk $0xffff, v8  }
0x495: {  	[tilespmem:v6+s28+$0x0] =	vst.idx.msk $0xffff, v4;
	v4 =	vadd.s32 $0x1, v7  }
0x496: {  	[tilespmem:v5+s25+$0x0] =	vst.idx.add.s32.msk vm13, v4  }
0x497: {  	v4 =	vld [tilespmem:s3+$0x0];
	_ =	sdelay $0x4  }
0x498: {  	v5 =	vand.u32 $0xFF, v4;
	_ =	sdelay $0x4  }
0x499: {  	v6 =	vld.idx.msk [tilespmem:v5+s25+$0x0], $0xffff;
	_ =	sdelay $0x2  }
0x49a: {  	v62 =	vshrl.u32 v4, $0x8  }
0x49b: {  	v7 =	vand.u32 $0x3F, v62  }
0x49c: {  	v8 =	vld [tilespmem:s2+$0x0];
	v6 =	vadd.s32 v7, v6  }
0x49d: {  	vm14 =	vgt.s32 v4, $0x3FFF;
	v4 =	vld [tilespmem:s1+$0x0];
	_ =	sdelay $0x3  }
0x49e: {  	[tilespmem:v6+s26+$0x0] =	vst.idx.msk $0xffff, v8  }
0x49f: {  	[tilespmem:v6+s28+$0x0] =	vst.idx.msk $0xffff, v4;
	v4 =	vadd.s32 $0x1, v7  }
0x4a0: {  	[tilespmem:v5+s25+$0x0] =	vst.idx.add.s32.msk vm14, v4  }
0x4a1: {  	v4 =	vld [tilespmem:s3+$0x10];
	_ =	sdelay $0x4  }
0x4a2: {  	v5 =	vand.u32 $0xFF, v4;
	_ =	sdelay $0x4  }
0x4a3: {  	v6 =	vld.idx.msk [tilespmem:v5+s25+$0x0], $0xffff;
	_ =	sdelay $0x2  }
0x4a4: {  	v63 =	vshrl.u32 v4, $0x8  }
0x4a5: {  	v7 =	vand.u32 $0x3F, v63  }
0x4a6: {  	v8 =	vld [tilespmem:s2+$0x10];
	v6 =	vadd.s32 v7, v6  }
0x4a7: {  	vm15 =	vgt.s32 v4, $0x3FFF;
	v4 =	vld [tilespmem:s1+$0x10]  }
0x4a8: {  	p0 =	seq.s32 s4, $0x1  }
.Ltmp37:
0x4a9: {  	_ = 	snop;
	(pc) =	sbr.rel @!p0 .LBB2_73-.Ltmp37, $4  }
0x4aa: {  	_ = 	snop  }
0x4ab: {  	[tilespmem:v6+s26+$0x0] =	vst.idx.msk $0xffff, v8  }
0x4ac: {  	s4 =	sadd.s32 $0xFFFFFFFF, s4;
	[tilespmem:v6+s28+$0x0] =	vst.idx.msk $0xffff, v4;
	v4 =	vadd.s32 $0x1, v7  }
0x4ad: {  	s2 =	sadd.s32 $0x40, s2;
	s3 =	sadd.s32 $0x40, s3;
	s1 =	sadd.s32 $0x40, s1;
	[tilespmem:v5+s25+$0x0] =	vst.idx.add.s32.msk vm15, v4  }
0x4ae: {  	s2 =	simm.s32 $0x14A20  }
0x4af: {  	[tilespmem:s2+$0xFFFFFFF0] =	vst v0  }
0x4b0: {  	[tilespmem:s2+$0x0] =	vst v0  }
0x4b1: {  	[tilespmem:s2+$0x10] =	vst v0  }
0x4b2: {  	s1 =	simm.s32 $0x14B20;
	[tilespmem:s2+$0xFFFFFFE0] =	vst v0  }
0x4b3: {  	[tilespmem:s1+$0xFFFFFFF0] =	vst v0  }
0x4b4: {  	[tilespmem:s1+$0x0] =	vst v0  }
0x4b5: {  	[tilespmem:s1+$0x10] =	vst v0  }
0x4b6: {  	s3 =	simm.s32 $0x14A60;
	s2 =	simm.s32 $0x0;
	[tilespmem:s1+$0xFFFFFFE0] =	vst v0  }
.LBB2_75:
0x4b7: {  	[tilespmem:s3+$0xFFFFFFF0] =	vst v0;
	s1 =	sadd.s32 $0x40, s1  }
0x4b8: {  	s2 =	sadd.s32 $0x4, s2;
	[tilespmem:s1+$0xFFFFFFF0] =	vst v0  }
0x4b9: {  	p0 =	slt.u32 s2, $0xC;
	[tilespmem:s3+$0x0] =	vst v0  }
.Ltmp38:
0x4ba: {  	[tilespmem:s1+$0x0] =	vst v0;
	(pc) =	sbr.rel @p0 .LBB2_75-.Ltmp38, $4  }
0x4bb: {  	[tilespmem:s3+$0x10] =	vst v0  }
0x4bc: {  	[tilespmem:s1+$0x10] =	vst v0  }
0x4bd: {  	[tilespmem:s3+$0xFFFFFFE0] =	vst v0  }
0x4be: {  	s3 =	sadd.s32 $0x40, s3;
	[tilespmem:s1+$0xFFFFFFE0] =	vst v0  }
0x4bf: {  	s1 =	simm.s32 $0x12920  }
0x4c0: {  	v4 =	vld [tilespmem:s1+$0x0]  }
0x4c1: {  	p6 =	sgt.u32 s31, $0x2  }
.Ltmp39:
0x4c2: {  	_ = 	snop;
	(pc) =	sbr.rel @!p6 .LBB2_77-.Ltmp39, $4  }
0x4c3: {  	_ = 	snop  }
0x4c4: {  	s2 =	simm.s32 $0x0;
	s3 =	simm.s32 $0x14D20;
	s4 =	simm.s32 $0x12960  }
0x4c5: {  	p0 =	por $0x0, $0x0;
	p1 =	por $0x0, $0x0;
	p2 =	por $0x0, $0x0;
	v4 =	vshrl.u32 v4, $0x18  }
0x4c6: {  	p3 =	por $0x0, $0x0;
	p4 =	por $0x0, $0x0;
	p5 =	por $0x0, $0x0;
	v5 =	vld [tilespmem:s1+$0xFFFFFFE0];
	(xrf1) =	vunique.msk.u32 $0xffff, v4  }
0x4c7: {  	v6 =	vld [tilespmem:s4+$0x0]  }
0x4c8: {  	p6 =	sgt.u32 s31, $0x4  }
.Ltmp40:
0x4c9: {  	_ = 	snop;
	(pc) =	sbr.rel @!p6 .LBB2_79-.Ltmp40, $4  }
0x4ca: {  	_ = 	snop  }
0x4cb: {  	v7 =	vshrl.u32 v5, $0x18  }
0x4cc: {  	(xrf1) =	vunique.msk.u32 $0xffff, v7;
	v10 =	vshrl.u32 v6, $0x18  }
0x4cd: {  	s18 =	simm.s32 $0x129A0;
	p0 =	por $0x1, $0x1;
	v5 =	vld [tilespmem:s4+$0xFFFFFFE0];
	(xrf1) =	vunique.msk.u32 $0xffff, v10  }
0x4ce: {  	_ =	sdelay $0x5  }
0x4cf: {  	v6 =	vld [tilespmem:s18+$0x0];
	_, v11, vm1 =	vpop (xrf1)  }
0x4d0: {  	p6 =	sgt.u32 s31, $0x6;
	v9 =	vshll.u32 v11, $0x8  }
.Ltmp41:
0x4d1: {  	v9 =	vadd.s32 $0xFFFFFF00, v9;
	(pc) =	sbr.rel @!p6 .LBB2_81-.Ltmp41, $4  }
0x4d2: {  	_ = 	snop  }
0x4d3: {  	v8 =	vshrl.u32 v5, $0x18;
	v12 =	vsel vm1, $0x4000, v0  }
0x4d4: {  	v5 =	vld [tilespmem:s18+$0xFFFFFFE0];
	(xrf1) =	vunique.msk.u32 $0xffff, v8;
	v16 =	vshrl.u32 v6, $0x18;
	v6 =	vor.u32 v9, v12  }
0x4d5: {  	s14 =	simm.s32 $0x129E0;
	p1 =	por $0x1, $0x1;
	(xrf1) =	vunique.msk.u32 $0xffff, v16;
	v14 =	vor.u32 v4, v6;
	_, v9, vm0 =	vpop (xrf1);
	[tilespmem:v4+s23+$0x0] =	vst.idx.add.s32.msk vm1, v11  }
0x4d6: {  	_ =	sdelay $0x4  }
0x4d7: {  	v4 =	vld [tilespmem:s14+$0x0];
	[tilespmem:s3+$0x0] =	vst v14  }
0x4d8: {  	v6 =	vshll.u32 v9, $0x8;
	_, v11, vm1 =	vpop (xrf1);
	v12 =	vld [tilespmem:s1+$0x10]  }
0x4d9: {  	v13 =	vsel vm0, $0x4000, v0;
	p6 =	sgt.u32 s31, $0x8;
	v6 =	vadd.s32 $0xFFFFFF00, v6  }
.Ltmp42:
0x4da: {  	[tilespmem:v7+s23+$0x0] =	vst.idx.add.s32.msk vm0, v9;
	v9 =	vsel vm1, $0x4000, v0;
	v15 =	vshrl.u32 v5, $0x18;
	v5 =	vor.u32 v6, v13;
	(pc) =	sbr.rel @!p6 .LBB2_83-.Ltmp42, $4  }
0x4db: {  	v6 =	vshll.u32 v11, $0x8;
	v7 =	vor.u32 v7, v5  }
0x4dc: {  	(xrf1) =	vunique.msk.u32 $0xffff, v15;
	v5 =	vld [tilespmem:s14+$0xFFFFFFE0];
	v6 =	vadd.s32 $0xFFFFFF00, v6;
	v4 =	vshrl.u32 v4, $0x18;
	[tilespmem:s3+$0xFFFFFFE0] =	vst v7  }
0x4dd: {  	v7 =	vor.u32 v6, v9;
	(xrf1) =	vunique.msk.u32 $0xffff, v4;
	v18 =	vld [tilespmem:s1+$0xFFFFFFF0];
	v6 =	vshrl.u32 v12, $0x18  }
0x4de: {  	s9 =	simm.s32 $0x14D60;
	p2 =	por $0x1, $0x1;
	v14 =	vor.u32 v10, v7;
	s1 =	simm.s32 $0x12A20;
	[tilespmem:v10+s23+$0x0] =	vst.idx.add.s32.msk vm1, v11;
	(xrf1) =	vunique.msk.u32 $0xffff, v6;
	_, v9, vm0 =	vpop (xrf1)  }
0x4df: {  	_ =	sdelay $0x3  }
0x4e0: {  	v7 =	vld [tilespmem:s1+$0x0];
	[tilespmem:s9+$0x0] =	vst v14  }
0x4e1: {  	v10 =	vshll.u32 v9, $0x8;
	_, v12, vm1 =	vpop (xrf1);
	v14 =	vld [tilespmem:s4+$0x10]  }
0x4e2: {  	v11 =	vsel vm0, $0x4000, v0;
	p6 =	sgt.u32 s31, $0xA;
	v24 =	vshrl.u32 v5, $0x18;
	v5 =	vadd.s32 $0xFFFFFF00, v10  }
.Ltmp43:
0x4e3: {  	[tilespmem:v8+s23+$0x0] =	vst.idx.add.s32.msk vm0, v9;
	v9 =	vsel vm1, $0x4000, v0;
	v5 =	vor.u32 v5, v11;
	(pc) =	sbr.rel @!p6 .LBB2_85-.Ltmp43, $4  }
0x4e4: {  	v13 =	vshll.u32 v12, $0x8;
	(xrf1) =	vunique.msk.u32 $0xffff, v24;
	v10 =	vshrl.u32 v18, $0x18;
	v8 =	vor.u32 v8, v5  }
0x4e5: {  	(xrf1) =	vunique.msk.u32 $0xffff, v10;
	v5 =	vld [tilespmem:s1+$0xFFFFFFE0];
	v11 =	vshrl.u32 v7, $0x18;
	v7 =	vadd.s32 $0xFFFFFF00, v13;
	[tilespmem:s9+$0xFFFFFFE0] =	vst v8  }
0x4e6: {  	(xrf1) =	vunique.msk.u32 $0xffff, v11;
	v7 =	vor.u32 v7, v9;
	v13 =	vld [tilespmem:s4+$0xFFFFFFF0];
	v8 =	vshrl.u32 v14, $0x18  }
0x4e7: {  	s8 =	simm.s32 $0x14DA0;
	p3 =	por $0x1, $0x1;
	s4 =	simm.s32 $0x12A60;
	[tilespmem:v16+s23+$0x0] =	vst.idx.add.s32.msk vm1, v12;
	v14 =	vor.u32 v16, v7;
	(xrf1) =	vunique.msk.u32 $0xffff, v8;
	_, v9, vm0 =	vpop (xrf1)  }
0x4e8: {  	v12 =	vld [tilespmem:s4+$0x0]  }
0x4e9: {  	[tilespmem:s8+$0x0] =	vst v14  }
0x4ea: {  	v17 =	vld [tilespmem:s18+$0x10]  }
0x4eb: {  	v7 =	vshrl.u32 v5, $0x18  }
0x4ec: {  	(xrf1) =	vunique.msk.u32 $0xffff, v7;
	v20 =	vshrl.u32 v13, $0x18  }
0x4ed: {  	(xrf1) =	vunique.msk.u32 $0xffff, v20;
	v36 =	vshrl.u32 v12, $0x18  }
0x4ee: {  	_, v16, vm2 =	vpop (xrf1);
	(xrf1) =	vunique.msk.u32 $0xffff, v36  }
0x4ef: {  	v32 =	vshrl.u32 v17, $0x18  }
0x4f0: {  	_, v25, vm1 =	vpop (xrf1);
	(xrf1) =	vunique.msk.u32 $0xffff, v32;
	_ =	sdelay $0x1  }
0x4f1: {  	v14 =	vshll.u32 v9, $0x8  }
0x4f2: {  	p6 =	sgt.u32 s31, $0xC;
	v5 =	vadd.s32 $0xFFFFFF00, v14;
	v14 =	vsel vm0, $0x4000, v0  }
.Ltmp44:
0x4f3: {  	v5 =	vor.u32 v5, v14;
	v14 =	vshll.u32 v16, $0x8;
	(pc) =	sbr.rel @!p6 .LBB2_87-.Ltmp44, $4  }
0x4f4: {  	[tilespmem:v15+s23+$0x0] =	vst.idx.add.s32.msk vm0, v9;
	v9 =	vor.u32 v15, v5;
	v14 =	vadd.s32 $0xFFFFFF00, v14;
	v15 =	vsel vm2, $0x4000, v0  }
0x4f5: {  	v5 =	vld [tilespmem:s4+$0xFFFFFFE0];
	[tilespmem:s8+$0xFFFFFFE0] =	vst v9;
	v9 =	vor.u32 v14, v15  }
0x4f6: {  	v29 =	vld [tilespmem:s18+$0xFFFFFFF0];
	v22 =	vor.u32 v4, v9;
	v9 =	vshll.u32 v25, $0x8;
	_, v21, vm5 =	vpop (xrf1)  }
0x4f7: {  	s29 =	simm.s32 $0x12AA0;
	s12 =	simm.s32 $0x14DE0;
	p4 =	por $0x1, $0x1;
	v28 =	vsel vm1, $0x4000, v0;
	[tilespmem:v4+s23+$0x0] =	vst.idx.add.s32.msk vm2, v16;
	v26 =	vadd.s32 $0xFFFFFF00, v9;
	_, v33, vm3 =	vpop (xrf1)  }
0x4f8: {  	_ =	sdelay $0x1  }
0x4f9: {  	v4 =	vld [tilespmem:s29+$0x0];
	[tilespmem:s12+$0x0] =	vst v22;
	_, v17, vm2 =	vpop (xrf1)  }
0x4fa: {  	v9 =	vshll.u32 v21, $0x8;
	v12 =	vor.u32 v26, v28;
	v19 =	vld [tilespmem:s14+$0x10];
	v16 =	vshll.u32 v17, $0x8  }
0x4fb: {  	v14 =	vsel vm5, $0x4000, v0;
	v15 =	vshll.u32 v33, $0x8;
	v37 =	vshrl.u32 v5, $0x18  }
0x4fc: {  	[tilespmem:v6+s24+$0x0] =	vst.idx.add.s32.msk vm1, v25;
	v5 =	vadd.s32 $0xFFFFFF00, v9;
	v9 =	vor.u32 v6, v12;
	v12 =	vshrl.u32 v29, $0x18  }
0x4fd: {  	(xrf1) =	vunique.msk.u32 $0xffff, v37;
	v5 =	vor.u32 v5, v14;
	v14 =	vadd.s32 $0xFFFFFF00, v15;
	v15 =	vsel vm3, $0x4000, v0  }
0x4fe: {  	(xrf1) =	vunique.msk.u32 $0xffff, v12;
	v14 =	vor.u32 v14, v15;
	v15 =	vadd.s32 $0xFFFFFF00, v16;
	v4 =	vshrl.u32 v4, $0x18;
	_, v16, vm4 =	vpop (xrf1)  }
0x4ff: {  	[tilespmem:v24+s23+$0x0] =	vst.idx.add.s32.msk vm5, v21;
	p6 =	sgt.u32 s31, $0xE;
	(xrf1) =	vunique.msk.u32 $0xffff, v4;
	v27 =	vshrl.u32 v19, $0x18;
	v19 =	vshll.u32 v16, $0x8  }
.Ltmp45:
0x500: {  	v23 =	vsel vm2, $0x4000, v0;
	v18 =	vor.u32 v24, v5;
	v5 =	vld [tilespmem:s29+$0xFFFFFFE0];
	(xrf1) =	vunique.msk.u32 $0xffff, v27;
	(pc) =	sbr.rel @!p6 .LBB2_89-.Ltmp45, $4  }
0x501: {  	[tilespmem:v10+s24+$0x0] =	vst.idx.add.s32.msk vm3, v33;
	v23 =	vor.u32 v15, v23  }
0x502: {  	s30 =	smov.u32 s19;
	s18 =	simm.s32 $0xE;
	s19 =	simm.s32 $0x12AE0;
	[tilespmem:s12+$0xFFFFFFE0] =	vst v18;
	v31 =	vadd.s32 $0xFFFFFF00, v19;
	v19 =	vmov v8  }
0x503: {  	s7 =	simm.s32 $0x14E20;
	p5 =	por $0x1, $0x1;
	s13 =	simm.s32 $0x14D60;
	[tilespmem:s3+$0x10] =	vst v9;
	v15 =	vor.u32 v10, v14;
	v18 =	vld [tilespmem:s14+$0xFFFFFFF0];
	_, v9, vm0 =	vpop (xrf1);
	v14 =	vor.u32 v11, v23  }
0x504: {  	s17 =	simm.s32 $0x14D20;
	s16 =	simm.s32 $0x14DA0;
	s15 =	simm.s32 $0x14DE0;
	[tilespmem:v11+s23+$0x0] =	vst.idx.add.s32.msk vm2, v17;
	v30 =	vsel vm4, $0x4000, v0;
	v17 =	vmov v20;
	_, v11, vm2 =	vpop (xrf1);
	v23 =	vmov v32  }
.LBB2_90:
0x505: {  	v35 =	vshrl.u32 v5, $0x18  }
0x506: {  	v34 =	vld [tilespmem:s19+$0x0];
	v5 =	vshll.u32 v9, $0x8;
	[tilespmem:s7+$0x0] =	vst v14;
	v14 =	vor.u32 v31, v30;
	v30 =	vmovc v12;
	v31 =	vmovc v36;
	v36 =	vmov v4  }
0x507: {  	(xrf1) =	vunique.msk.u32 $0xffff, v35;
	v4 =	vadd.s32 $0xFFFFFF00, v5;
	[tilespmem:v19+s24+$0x0] =	vst.idx.add.s32.msk vm4, v16;
	v5 =	vor.u32 v19, v14;
	v19 =	vmovc v23  }
0x508: {  	v40 =	vshll.u32 v11, $0x8;
	s18 =	sadd.s32 $0x2, s18;
	v14 =	vsel vm0, $0x4000, v0;
	_, v38, vm6 =	vpop (xrf1);
	v39 =	vld [tilespmem:s1+$0x10];
	v12 =	vshrl.u32 v18, $0x18;
	[tilespmem:s13+$0x10] =	vst v5  }
0x509: {  	v23 =	vmovc v27;
	p6 =	slt.u32 s18, s31;
	v4 =	vor.u32 v4, v14;
	v14 =	vadd.s32 $0xFFFFFF00, v40;
	v18 =	vsel vm2, $0x4000, v0;
	v5 =	vld [tilespmem:s19+$0xFFFFFFE0];
	(xrf1) =	vunique.msk.u32 $0xffff, v12  }
.Ltmp46:
0x50a: {  	v27 =	vshll.u32 v38, $0x8;
	v40 =	vor.u32 v7, v4;
	v14 =	vor.u32 v14, v18;
	[tilespmem:v7+s23+$0x0] =	vst.idx.add.s32.msk vm0, v9;
	_, v16, vm4 =	vpop (xrf1);
	(pc) =	sbr.rel @p6 .LBB2_90-.Ltmp46, $4  }
0x50b: {  	v18 =	vsel vm6, $0x4000, v0;
	v7 =	vmovc v37;
	v37 =	vmovc v35;
	v4 =	vshrl.u32 v34, $0x18;
	v34 =	vadd.s32 $0xFFFFFF00, v27;
	[tilespmem:s7+$0xFFFFFFE0] =	vst v40  }
0x50c: {  	(xrf1) =	vunique.msk.u32 $0xffff, v4;
	v27 =	vor.u32 v34, v18;
	_, v9, vm0 =	vpop (xrf1);
	v18 =	vld [tilespmem:s1+$0xFFFFFFF0];
	[tilespmem:s17+$0xFFFFFFF0] =	vst v15;
	v15 =	vor.u32 v17, v14;
	s1 =	smov.u32 s4;
	s4 =	smov.u32 s29;
	s29 =	smov.u32 s19  }
0x50d: {  	v34 =	vshll.u32 v16, $0x8;
	s17 =	smov.u32 s13;
	s13 =	smov.u32 s16;
	s16 =	smov.u32 s15;
	v14 =	vor.u32 v31, v27;
	v27 =	vshrl.u32 v39, $0x18;
	[tilespmem:v17+s24+$0x0] =	vst.idx.add.s32.msk vm2, v11;
	v17 =	vmovc v30  }
0x50e: {  	s19 =	sadd.s32 $0x40, s19;
	s15 =	smov.u32 s7;
	s7 =	sadd.s32 $0x40, s7;
	v30 =	vsel vm4, $0x4000, v0;
	[tilespmem:v31+s23+$0x0] =	vst.idx.add.s32.msk vm6, v38;
	(xrf1) =	vunique.msk.u32 $0xffff, v27;
	v31 =	vadd.s32 $0xFFFFFF00, v34;
	_, v11, vm2 =	vpop (xrf1)  }
0x50f: {  	s18 =	smov.u32 s1;
	s1 =	smov.u32 s29  }
0x510: {  	v35 =	vmov v7;
	v34 =	vmov v36;
	v7 =	vmov v37;
	s19 =	smov.u32 s30;
	s30 =	simm.s32 $0x0;
	s29 =	simm.s32 $0x4000  }
.LBB2_92:
0x511: {  	_ =	sdelay $0x1  }
0x512: {  	v5 =	vshrl.u32 v5, $0x18  }
0x513: {  	v36 =	vshll.u32 @p1 v9, $0x8;
	v37 =	vsel @p1 vm0, $0x4000, v0;
	v38 =	vshll.u32 @p4 v11, $0x8  }
0x514: {  	v30 =	vor.u32 @p4 v31, v30;
	_, v31, vm6 =	vpop @p0 (xrf1);
	[tilespmem:s7+$0x0] =	vst @p1 v14;
	v14 =	vsel @p4 vm2, $0x4000, v0;
	(xrf1) =	vunique.msk.u32 $0xffff, v5  }
0x515: {  	[tilespmem:v35+s23+$0x0] =	vst.idx.add.s32.msk @p1 vm0, v9;
	v9 =	vmovc @p0 v34;
	v18 =	vshrl.u32 @p2 v18, $0x18;
	v7 =	vpsel p0, v7, v24;
	v36 =	vadd.s32 @p1 $0xFFFFFF00, v36  }
0x516: {  	_, v40, vm7 =	vpop @p3 (xrf1);
	v36 =	vor.u32 @p1 v36, v37;
	v37 =	vadd.s32 @p4 $0xFFFFFF00, v38;
	v38 =	vshll.u32 @p0 v31, $0x8  }
0x517: {  	v36 =	vor.u32 @p1 v35, v36;
	v14 =	vor.u32 @p4 v37, v14;
	v37 =	vadd.s32 @p0 $0xFFFFFF00, v38;
	_, v35, vm0 =	vpop @p0 (xrf1)  }
0x518: {  	v38 =	vsel @p0 vm6, $0x4000, v0;
	v21 =	vpsel p0, v35, v21;
	v35 =	vsel @p3 vm7, $0x4000, v0  }
0x519: {  	[tilespmem:v19+s24+$0x0] =	vst.idx.add.s32.msk @p4 vm4, v16;
	v34 =	vor.u32 @p0 v37, v38;
	v28 =	vpsel p3, v35, v28;
	v35 =	vshll.u32 @p3 v40, $0x8  }
0x51a: {  	v39 =	vld @p1 [tilespmem:s18+$0x10];
	v20 =	vpsel p2, v18, v20;
	[tilespmem:s7+$0xFFFFFFE0] =	vst @p1 v36;
	v34 =	vor.u32 @p0 v9, v34;
	v35 =	vadd.s32 @p3 $0xFFFFFF00, v35  }
0x51b: {  	v16 =	vmovc @p3 v23;
	vm5 =	vmmov @p0 vm0;
	v22 =	vpsel p0, v34, v22;
	v34 =	vld @p1 [tilespmem:s18+$0xFFFFFFF0];
	s18 =	sadd.s32 @p1 $0x40, s7;
	v23 =	vpsel p3, v35, v26;
	v26 =	vmovc @p2 v27  }
0x51c: {  	(xrf1) =	vunique.msk.u32 @p2 $0xffff, v18;
	_, v18, vm0 =	vpop @p3 (xrf1);
	[tilespmem:v9+s23+$0x0] =	vst.idx.add.s32.msk @p0 vm6, v31;
	s12 =	smov.u32 @p1 s18;
	v24 =	vpsel p2, v26, v8;
	v26 =	vshll.u32 @p0 v21, $0x8  }
0x51d: {  	[tilespmem:s12+$0x0] =	vst @p0 v22;
	_, v53, vm4 =	vpop (xrf1);
	v22 =	vadd.s32 @p0 $0xFFFFFF00, v26;
	v26 =	vsel @p0 vm5, $0x4000, v0  }
0x51e: {  	v12 =	vpsel p3, v12, v10  }
0x51f: {  	v30 =	vor.u32 @p4 v19, v30;
	v16 =	vpsel p3, v16, v6;
	v19 =	vshrl.u32 @p1 v39, $0x18  }
0x520: {  	vm3 =	vmmov @p3 vm0;
	(xrf1) =	vunique.msk.u32 @p1 $0xffff, v19;
	v22 =	vor.u32 @p0 v22, v26;
	v54 =	vshll.u32 v53, $0x8  }
0x521: {  	[tilespmem:v7+s23+$0x0] =	vst.idx.add.s32.msk @p0 vm5, v21;
	v56 =	vsel vm4, $0x4000, v0;
	v7 =	vor.u32 @p0 v7, v22;
	v55 =	vadd.s32 $0xFFFFFF00, v54;
	_, v26, vm0 =	vpop @p2 (xrf1)  }
0x522: {  	v25 =	vpsel p3, v40, v25;
	v22 =	vor.u32 @p3 v23, v28;
	[tilespmem:s12+$0xFFFFFFE0] =	vst @p0 v7;
	v57 =	vor.u32 v55, v56;
	_, v21, vm5 =	vpop (xrf1)  }
0x523: {  	s14 =	smov.u32 @p0 s4;
	v7 =	vor.u32 @p3 v16, v22;
	v22 =	vor.u32 v4, v57;
	[tilespmem:v4+s23+$0x0] =	vst.idx.add.s32.msk vm4, v53;
	v4 =	vshll.u32 v21, $0x8  }
0x524: {  	v9 =	vpsel p1, v34, v29;
	v29 =	vld @p0 [tilespmem:s14+$0x10];
	v58 =	vsel vm5, $0x4000, v0;
	v4 =	vadd.s32 $0xFFFFFF00, v4  }
0x525: {  	[tilespmem:s17+$0xFFFFFFF0] =	vst @p5 v15;
	vm1 =	vmmov @p3 vm7;
	v9 =	vshrl.u32 @p1 v9, $0x18;
	v23 =	vld @p0 [tilespmem:s14+$0xFFFFFFF0];
	s14 =	sadd.s32 @p0 $0x40, s12;
	v4 =	vor.u32 v4, v58  }
0x526: {  	s4 =	smov.u32 s8;
	v14 =	vor.u32 @p4 v17, v14;
	v18 =	vpsel p3, v18, v33;
	(xrf1) =	vunique.msk.u32 @p1 $0xffff, v9;
	s8 =	smov.u32 @p0 s14;
	v4 =	vor.u32 v5, v4  }
0x527: {  	v14 =	vpsel p4, v14, v0;
	v27 =	vshll.u32 @p3 v18, $0x8;
	v19 =	vpsel p1, v19, v32;
	[tilespmem:s8+$0x0] =	vst v22  }
0x528: {  	v27 =	vadd.s32 @p3 $0xFFFFFF00, v27;
	v22 =	vsel @p3 vm3, $0x4000, v0;
	[tilespmem:v5+s23+$0x0] =	vst.idx.add.s32.msk vm5, v21;
	v21 =	vshll.u32 @p2 v26, $0x8  }
0x529: {  	v6 =	vpsel p1, v19, v6;
	[tilespmem:s8+$0xFFFFFFE0] =	vst v4;
	v4 =	vmovc @p2 v20;
	v15 =	vadd.s32 @p2 $0xFFFFFF00, v21;
	v20 =	vsel @p2 vm0, $0x4000, v0  }
0x52a: {  	[tilespmem:v17+s24+$0x0] =	vst.idx.add.s32.msk @p4 vm2, v11;
	v28 =	vshrl.u32 @p0 v29, $0x18;
	v20 =	vpsel p2, v20, v0;
	v15 =	vpsel p2, v15, v0  }
0x52b: {  	v59 =	vld [tilespmem:s1+$0x10];
	(xrf1) =	vunique.msk.u32 @p0 $0xffff, v28;
	v5 =	vor.u32 @p3 v27, v22;
	v22 =	vmov @p2 v24;
	_, v24, vm5 =	vpop @p2 (xrf1);
	v15 =	vor.u32 @p2 v15, v20  }
0x52c: {  	[tilespmem:v16+s24+$0x0] =	vst.idx.add.s32.msk @p3 vm1, v25;
	vm4 =	vmmov @p2 vm0;
	v13 =	vpsel p0, v23, v13;
	v11 =	vpsel p2, v24, v0  }
0x52d: {  	s14 =	smov.u32 s3;
	v13 =	vshrl.u32 @p0 v13, $0x18;
	vm0 =	vmmov @p2 vm5;
	v60 =	vld [tilespmem:s1+$0xFFFFFFF0];
	s1 =	smov.u32 @p3 s16;
	v16 =	vshll.u32 @p2 v11, $0x8  }
0x52e: {  	(xrf1) =	vunique.msk.u32 @p0 $0xffff, v13;
	v22 =	vpsel p2, v22, v0;
	v19 =	vsel @p2 vm0, $0x4000, v0;
	s14 =	smov.u32 @p3 s1;
	v16 =	vadd.s32 @p2 $0xFFFFFF00, v16  }
0x52f: {  	v4 =	vpsel p2, v4, v0;
	s1 =	smov.u32 @p4 s13;
	[tilespmem:s14+$0x10] =	vst @p3 v7;
	v7 =	vor.u32 @p2 v22, v15;
	v16 =	vor.u32 @p2 v16, v19;
	_, v15, vm1 =	vpop @p1 (xrf1)  }
0x530: {  	v61 =	vshrl.u32 v59, $0x18;
	[tilespmem:s1+$0xFFFFFFF0] =	vst @p4 v14;
	v14 =	vor.u32 @p2 v4, v16;
	v16 =	vshll.u32 @p1 v15, $0x8  }
0x531: {  	(xrf1) =	vunique.msk.u32 $0xffff, v61  }
0x532: {  	[tilespmem:s13+$0x10] =	vst @p4 v30;
	v6 =	vpsel p1, v6, v0;
	s13 =	smov.u32 @p2 s15;
	s15 =	smov.u32 s9  }
0x533: {  	v9 =	vpsel p1, v9, v10;
	[tilespmem:v12+s24+$0x0] =	vst.idx.add.s32.msk @p3 vm3, v18;
	v10 =	vpsel p2, v26, v0;
	s15 =	smov.u32 @p2 s13;
	v62 =	vshrl.u32 v60, $0x18  }
0x534: {  	v5 =	vor.u32 @p3 v12, v5;
	s1 =	smov.u32 @p2 s15;
	(xrf1) =	vunique.msk.u32 $0xffff, v62;
	vm3 =	vmmov @p1 vm1;
	v12 =	vadd.s32 @p1 $0xFFFFFF00, v16;
	_, v16, vm2 =	vpop @p1 (xrf1)  }
0x535: {  	v9 =	vpsel p1, v9, v0;
	v8 =	vpsel p0, v28, v8;
	[tilespmem:v22+s24+$0x0] =	vst.idx.add.s32.msk @p2 vm4, v10;
	s1 =	smov.u32 @p2 s1;
	vm2 =	vmmov @p1 vm2  }
0x536: {  	v5 =	vpsel p3, v5, v0;
	s13 =	smov.u32 @p3 s14;
	[tilespmem:s1+$0x10] =	vst @p2 v7;
	v7 =	vpsel p0, v8, v0;
	v19 =	vsel @p1 vm1, $0x4000, v0  }
0x537: {  	s4 =	smov.u32 @p1 s7;
	s7 =	smov.u32 @p3 s13;
	v18 =	vpsel p1, v19, v0;
	v10 =	vpsel p1, v12, v0;
	v8 =	vpsel p1, v16, v0  }
0x538: {  	[tilespmem:s7+$0xFFFFFFF0] =	vst @p3 v5;
	v12 =	vpsel p0, v13, v0;
	v5 =	vor.u32 @p1 v10, v18;
	v10 =	vshll.u32 @p1 v8, $0x8  }
0x539: {  	[tilespmem:v4+s24+$0x0] =	vst.idx.add.s32.msk @p2 vm0, v11;
	v13 =	vpsel p1, v15, v0;
	_, v15, vm4 =	vpop @p0 (xrf1);
	v11 =	vsel @p1 vm2, $0x4000, v0;
	v10 =	vadd.s32 @p1 $0xFFFFFF00, v10  }
0x53a: {  	v5 =	vor.u32 @p1 v6, v5;
	[tilespmem:v6+s24+$0x0] =	vst.idx.add.s32.msk @p1 vm3, v13;
	v6 =	vor.u32 @p1 v10, v11;
	v10 =	vshll.u32 @p0 v15, $0x8  }
0x53b: {  	vm1 =	vmmov @p0 vm4;
	[tilespmem:v9+s24+$0x0] =	vst.idx.add.s32.msk @p1 vm2, v8;
	v8 =	vadd.s32 @p0 $0xFFFFFF00, v10;
	v10 =	vsel @p0 vm4, $0x4000, v0  }
0x53c: {  	s7 =	smov.u32 @p0 s12;
	v7 =	vpsel p0, v7, v0  }
0x53d: {  	s3 =	smov.u32 @p1 s4;
	s9 =	smov.u32 @p0 s7;
	_, v11, vm0 =	vpop @p0 (xrf1)  }
0x53e: {  	s3 =	smov.u32 @p1 s3;
	s4 =	smov.u32 @p0 s9;
	v4 =	vmov @p0 v12;
	vm0 =	vmmov @p0 vm0;
	v8 =	vpsel p0, v8, v0  }
0x53f: {  	v14 =	vpsel p2, v14, v0;
	s1 =	smov.u32 @p2 s1;
	s4 =	smov.u32 @p0 s4;
	v4 =	vpsel p0, v4, v0;
	[tilespmem:s3+$0x10] =	vst @p1 v5;
	v5 =	vpsel p0, v10, v0;
	_, v10, vm14 =	vpop (xrf1)  }
0x540: {  	[tilespmem:s1+$0xFFFFFFF0] =	vst @p2 v14;
	s1 =	smov.u32 @p0 s4;
	v12 =	vpsel p0, v15, v0;
	v11 =	vpsel p0, v11, v0;
	v5 =	vor.u32 @p0 v8, v5  }
0x541: {  	s1 =	smov.u32 @p0 s1;
	v6 =	vor.u32 @p1 v9, v6;
	[tilespmem:v7+s24+$0x0] =	vst.idx.add.s32.msk @p0 vm1, v12;
	v5 =	vor.u32 @p0 v7, v5;
	v7 =	vshll.u32 @p0 v11, $0x8  }
0x542: {  	s3 =	smov.u32 @p1 s3;
	v6 =	vpsel p1, v6, v0;
	[tilespmem:s1+$0x10] =	vst @p0 v5;
	v5 =	vadd.s32 @p0 $0xFFFFFF00, v7;
	v7 =	vshll.u32 v10, $0x8;
	_, v8, vm15 =	vpop (xrf1)  }
0x543: {  	v9 =	vsel @p0 vm0, $0x4000, v0;
	[tilespmem:s3+$0xFFFFFFF0] =	vst @p1 v6;
	v6 =	vadd.s32 $0xFFFFFF00, v7;
	v7 =	vsel vm14, $0x4000, v0  }
0x544: {  	v5 =	vor.u32 @p0 v5, v9;
	[tilespmem:v4+s24+$0x0] =	vst.idx.add.s32.msk @p0 vm0, v11;
	v6 =	vor.u32 v6, v7  }
0x545: {  	v4 =	vor.u32 @p0 v4, v5;
	v5 =	vor.u32 v61, v6;
	v6 =	vshll.u32 v8, $0x8;
	[tilespmem:v61+s24+$0x0] =	vst.idx.add.s32.msk vm14, v10  }
0x546: {  	s1 =	smov.u32 @p0 s1;
	v4 =	vpsel p0, v4, v0;
	[tilespmem:s8+$0x10] =	vst v5;
	v5 =	vadd.s32 $0xFFFFFF00, v6;
	v6 =	vsel vm15, $0x4000, v0  }
0x547: {  	[tilespmem:s1+$0xFFFFFFF0] =	vst @p0 v4;
	v5 =	vor.u32 v5, v6  }
0x548: {  	[tilespmem:v62+s24+$0x0] =	vst.idx.add.s32.msk vm15, v8;
	v4 =	vor.u32 v62, v5  }
0x549: {  	s31 =	simm.s32 $0x0;
	[tilespmem:s8+$0xFFFFFFF0] =	vst v4  }
0x54a: {  	v4 =	vld [tilespmem:s31+$0x14A00]  }
0x54b: {  	v5 =	vld [tilespmem:s31+$0x14B00]  }
0x54c: {  	s3 =	simm.s32 $0x10  }
0x54d: {  	v6 =	vld [tilespmem:s3+$0x14A00]  }
0x54e: {  	s1 =	simm.s32 $0x20;
	v7 =	vld [tilespmem:s3+$0x14B00]  }
0x54f: {  	v8 =	vld [tilespmem:s1+$0x14A00]  }
0x550: {  	v9 =	vld [tilespmem:s1+$0x14B00];
	v10 =	vadd.s32 v4, v5  }
0x551: {  	(xrf0) =	vadd.scan.msk.s32 $0xffff, v10;
	_ =	sdelay $0x2  }
0x552: {  	v5 =	vadd.s32 v6, v7  }
0x553: {  	s4 =	simm.s32 $0x30;
	v4 =	vadd.s32 v8, v9;
	(xrf0) =	vadd.scan.msk.s32 $0xffff, v5  }
0x554: {  	v6 =	vld [tilespmem:s4+$0x14A00];
	(xrf0) =	vadd.scan.msk.s32 $0xffff, v4  }
0x555: {  	v8 =	vld [tilespmem:s4+$0x14B00];
	v11, _, _ =	vpop (xrf0)  }
0x556: {  	(v2sf) =	vpush v11, $0xF;
	_ =	sdelay $0x2  }
0x557: {  	v7, _, _ =	vpop (xrf0)  }
0x558: {  	v6 =	vadd.s32 v6, v8;
	(v2sf) =	vpush v7, $0xF;
	v8, _, _ =	vpop (xrf0)  }
0x559: {  	(v2sf) =	vpush v8, $0xF;
	_ =	sdelay $0x3  }
0x55a: {  	s7 =	simm.s32 $0x40  }
0x55b: {  	v9 =	vld [tilespmem:s7+$0x14A00]  }
0x55c: {  	v63 =	vsub.s32 s2, v10;
	v10 =	vld [tilespmem:s7+$0x14B00];
	(xrf0) =	vadd.scan.msk.s32 $0xffff, v6;
	_ =	sdelay $0x1  }
0x55d: {  	v11 =	vadd.s32 v11, v63  }
0x55e: {  	s8 =	simm.s32 $0x140;
	[tilespmem:s31+$0x14C00] =	vst v11  }
.LBB2_93:
0x55f: {  	s9 =	sshra.s32 s8, $0x2;
	s12 =	spop (v2sf);
	p0 =	sne.s32 s8, $0x3C0  }
.Ltmp47:
0x560: {  	s8 =	sadd.s32 $0x40, s8;
	v11 =	vadd.s32 v9, v10;
	v9 =	vld [tilespmem:s9+$0x14A00];
	s2 =	sadd.s32 s2, s12;
	(pc) =	sbr.rel @p0 .LBB2_93-.Ltmp47, $4  }
0x561: {  	v10 =	vld [tilespmem:s9+$0x14B00];
	(xrf0) =	vadd.scan.msk.s32 $0xffff, v11;
	v12, _, _ =	vpop (xrf0);
	v13 =	vsub.s32 s2, v5;
	v5 =	vmov v4;
	v4 =	vmov v6  }
0x562: {  	v6 =	vmovc v11;
	(v2sf) =	vpush v12, $0xF;
	v13 =	vadd.s32 v7, v13;
	v7 =	vmovc v8;
	v8 =	vmov v12  }
0x563: {  	[tilespmem:s3+$0x14C00] =	vst v13;
	s3 =	smov.u32 s1;
	s1 =	smov.u32 s4;
	s4 =	smov.u32 s7  }
0x564: {  	s7 =	smov.u32 s9  }
0x565: {  	_ = 	snop  }
0x566: {  	v9 =	vadd.s32 v9, v10  }
0x567: {  	(xrf0) =	vadd.scan.msk.s32 $0xffff, v9;
	_ =	sdelay $0x1  }
0x568: {  	v63, _, _ =	vpop (xrf0)  }
0x569: {  	(v2sf) =	vpush v63, $0xF;
	_ =	sdelay $0x2  }
0x56a: {  	v11, _, _ =	vpop (xrf0)  }
0x56b: {  	(v2sf) =	vpush v11, $0xF;
	_ =	sdelay $0x7  }
0x56c: {  	s8 =	spop (v2sf)  }
0x56d: {  	s2 =	sadd.s32 s2, s8;
	s16 =	spop (v2sf)  }
0x56e: {  	v5 =	vsub.s32 s2, v5;
	s2 =	sadd.s32 s2, s16;
	s17 =	spop (v2sf)  }
0x56f: {  	v5 =	vadd.s32 v7, v5;
	v4 =	vsub.s32 s2, v4;
	s2 =	sadd.s32 s2, s17;
	s18 =	spop (v2sf)  }
0x570: {  	s12 =	simm.s32 $0x2000;
	s13 =	simm.s32 $0x6000;
	[tilespmem:s3+$0x14C00] =	vst v5;
	v4 =	vadd.s32 v8, v4;
	v5 =	vsub.s32 s2, v6;
	s2 =	sadd.s32 s2, s18  }
0x571: {  	s14 =	simm.s32 $0x1;
	s15 =	simm.s32 $0x3;
	s16 =	simm.s32 $0x80;
	[tilespmem:s1+$0x14C00] =	vst v4;
	v4 =	vadd.s32 v63, v5;
	v5 =	vsub.s32 s2, v9  }
0x572: {  	s3 =	simm.s32 $0x14D20;
	s1 =	simm.s32 $0x139A0;
	s17 =	simm.s32 $0x2;
	[tilespmem:s4+$0x14C00] =	vst v4;
	v4 =	vadd.s32 v11, v5  }
0x573: {  	s18 =	simm.s32 $0x4;
	s2 =	simm.s32 $0x12920;
	[tilespmem:s7+$0x14C00] =	vst v4;
	s31 =	spop (v2sf)  }
.LBB2_95:
0x574: {  	v4 =	vld [tilespmem:s3+$0xFFFFFFE0];
	_ =	sdelay $0x4  }
0x575: {  	v5 =	vand.u32 $0xFF, v4;
	_ =	sdelay $0x4  }
0x576: {  	v6 =	vld.idx.msk [tilespmem:v5+s25+$0x0], $0xffff;
	_ =	sdelay $0x2  }
0x577: {  	v7 =	vshrl.u32 v4, $0x8  }
0x578: {  	v7 =	vand.u32 $0x3F, v7  }
0x579: {  	v8 =	vld [tilespmem:s2+$0xFFFFFFE0];
	v6 =	vadd.s32 v7, v6  }
0x57a: {  	vm0 =	vgt.s32 v4, $0x3FFF;
	v4 =	vld [tilespmem:s1+$0xFFFFFFE0];
	_ =	sdelay $0x3  }
0x57b: {  	[tilespmem:v6+s21+$0x0] =	vst.idx.msk $0xffff, v8  }
0x57c: {  	[tilespmem:v6+s22+$0x0] =	vst.idx.msk $0xffff, v4;
	v4 =	vadd.s32 $0x1, v7  }
0x57d: {  	[tilespmem:v5+s25+$0x0] =	vst.idx.add.s32.msk vm0, v4  }
0x57e: {  	v4 =	vld [tilespmem:s3+$0xFFFFFFF0];
	_ =	sdelay $0x4  }
0x57f: {  	v5 =	vand.u32 $0xFF, v4;
	_ =	sdelay $0x4  }
0x580: {  	v6 =	vld.idx.msk [tilespmem:v5+s25+$0x0], $0xffff;
	_ =	sdelay $0x2  }
0x581: {  	v61 =	vshrl.u32 v4, $0x8  }
0x582: {  	v7 =	vand.u32 $0x3F, v61  }
0x583: {  	v8 =	vld [tilespmem:s2+$0xFFFFFFF0];
	v6 =	vadd.s32 v7, v6  }
0x584: {  	vm13 =	vgt.s32 v4, $0x3FFF;
	v4 =	vld [tilespmem:s1+$0xFFFFFFF0];
	_ =	sdelay $0x3  }
0x585: {  	[tilespmem:v6+s21+$0x0] =	vst.idx.msk $0xffff, v8  }
0x586: {  	[tilespmem:v6+s22+$0x0] =	vst.idx.msk $0xffff, v4;
	v4 =	vadd.s32 $0x1, v7  }
0x587: {  	[tilespmem:v5+s25+$0x0] =	vst.idx.add.s32.msk vm13, v4  }
0x588: {  	v4 =	vld [tilespmem:s3+$0x0];
	_ =	sdelay $0x4  }
0x589: {  	v5 =	vand.u32 $0xFF, v4;
	_ =	sdelay $0x4  }
0x58a: {  	v6 =	vld.idx.msk [tilespmem:v5+s25+$0x0], $0xffff;
	_ =	sdelay $0x2  }
0x58b: {  	v62 =	vshrl.u32 v4, $0x8  }
0x58c: {  	v7 =	vand.u32 $0x3F, v62  }
0x58d: {  	v8 =	vld [tilespmem:s2+$0x0];
	v6 =	vadd.s32 v7, v6  }
0x58e: {  	vm14 =	vgt.s32 v4, $0x3FFF;
	v4 =	vld [tilespmem:s1+$0x0];
	_ =	sdelay $0x3  }
0x58f: {  	[tilespmem:v6+s21+$0x0] =	vst.idx.msk $0xffff, v8  }
0x590: {  	[tilespmem:v6+s22+$0x0] =	vst.idx.msk $0xffff, v4;
	v4 =	vadd.s32 $0x1, v7  }
0x591: {  	[tilespmem:v5+s25+$0x0] =	vst.idx.add.s32.msk vm14, v4  }
0x592: {  	v4 =	vld [tilespmem:s3+$0x10];
	_ =	sdelay $0x4  }
0x593: {  	v5 =	vand.u32 $0xFF, v4;
	_ =	sdelay $0x4  }
0x594: {  	v6 =	vld.idx.msk [tilespmem:v5+s25+$0x0], $0xffff;
	_ =	sdelay $0x2  }
0x595: {  	v63 =	vshrl.u32 v4, $0x8  }
0x596: {  	v7 =	vand.u32 $0x3F, v63  }
0x597: {  	v8 =	vld [tilespmem:s2+$0x10];
	v6 =	vadd.s32 v7, v6  }
0x598: {  	vm15 =	vgt.s32 v4, $0x3FFF;
	v4 =	vld [tilespmem:s1+$0x10]  }
0x599: {  	p0 =	sne.s32 s10, $0x1  }
.Ltmp48:
0x59a: {  	_ = 	snop;
	(pc) =	sbr.rel @p0 .LBB2_95-.Ltmp48, $4  }
0x59b: {  	_ = 	snop  }
0x59c: {  	[tilespmem:v6+s21+$0x0] =	vst.idx.msk $0xffff, v8  }
0x59d: {  	s10 =	sadd.s32 $0xFFFFFFFF, s10;
	[tilespmem:v6+s22+$0x0] =	vst.idx.msk $0xffff, v4;
	v4 =	vadd.s32 $0x1, v7  }
0x59e: {  	s2 =	sadd.s32 $0x40, s2;
	s3 =	sadd.s32 $0x40, s3;
	s1 =	sadd.s32 $0x40, s1;
	[tilespmem:v5+s25+$0x0] =	vst.idx.add.s32.msk vm15, v4  }
0x59f: {  	s1 =	simm.s32 $0x10820  }
0x5a0: {  	v4 =	vld [tilespmem:s1+$0xFFFFFFE0]  }
0x5a1: {  	v6 =	vld [tilespmem:s1+$0x10]  }
0x5a2: {  	v7 =	vld [tilespmem:s1+$0x0]  }
0x5a3: {  	v8 =	vld [tilespmem:s1+$0xFFFFFFF0];
	_ =	sdelay $0x1  }
0x5a4: {  	s2 =	simm.s32 $0x10860;
	v9 =	vxor.u32 $0x7FFFFFFF, v4;
	vm0 =	vlt.s32 v4, $0x0  }
0x5a5: {  	s1 =	simm.s32 $0x15DA0;
	v5 =	vld [tilespmem:s2+$0xFFFFFFE0];
	v10 =	vxor.u32 $0x7FFFFFFF, v6;
	vm14 =	vlt.s32 v6, $0x0;
	v9 =	vsel vm0, v4, v9  }
0x5a6: {  	vm1 =	vlt.s32 v7, $0x0;
	v4 =	vld [tilespmem:s2+$0x10];
	v10 =	vsel vm14, v6, v10;
	[tilespmem:s1+$0xFFFFFFE0] =	vst v9;
	v9 =	vxor.u32 $0x7FFFFFFF, v7  }
0x5a7: {  	v11 =	vxor.u32 $0x7FFFFFFF, v8;
	vm15 =	vlt.s32 v8, $0x0;
	v6 =	vld [tilespmem:s2+$0x0];
	[tilespmem:s1+$0x10] =	vst v10;
	v9 =	vsel vm1, v7, v9  }
0x5a8: {  	s3 =	simm.s32 $0x4;
	v8 =	vsel vm15, v8, v11;
	v7 =	vld [tilespmem:s2+$0xFFFFFFF0];
	[tilespmem:s1+$0x0] =	vst v9  }
.LBB2_97:
0x5a9: {  	s3 =	sadd.s32 $0x4, s3  }
0x5aa: {  	[tilespmem:s1+$0xFFFFFFF0] =	vst v8;
	s1 =	sadd.s32 $0x40, s1;
	p0 =	slt.u32 s3, $0x7C  }
.Ltmp49:
0x5ab: {  	s2 =	sadd.s32 $0x40, s2;
	v8 =	vxor.u32 $0x7FFFFFFF, v5;
	vm0 =	vlt.s32 v5, $0x0;
	(pc) =	sbr.rel @p0 .LBB2_97-.Ltmp49, $4  }
0x5ac: {  	v8 =	vsel vm0, v5, v8;
	v5 =	vld [tilespmem:s2+$0xFFFFFFE0];
	v9 =	vxor.u32 $0x7FFFFFFF, v4;
	vm0 =	vlt.s32 v4, $0x0  }
0x5ad: {  	[tilespmem:s1+$0xFFFFFFE0] =	vst v8;
	v8 =	vxor.u32 $0x7FFFFFFF, v6;
	vm1 =	vlt.s32 v6, $0x0;
	v9 =	vsel vm0, v4, v9;
	v4 =	vld [tilespmem:s2+$0x10]  }
0x5ae: {  	v10 =	vxor.u32 $0x7FFFFFFF, v7;
	vm0 =	vlt.s32 v7, $0x0;
	v11 =	vsel vm1, v6, v8;
	v6 =	vld [tilespmem:s2+$0x0];
	[tilespmem:s1+$0x10] =	vst v9  }
0x5af: {  	v8 =	vsel vm0, v7, v10;
	v7 =	vld [tilespmem:s2+$0xFFFFFFF0];
	[tilespmem:s1+$0x0] =	vst v11  }
0x5b0: {  	_ = 	snop  }
0x5b1: {  	v9 =	vxor.u32 $0x7FFFFFFF, v5;
	vm0 =	vlt.s32 v5, $0x0  }
0x5b2: {  	[tilespmem:s1+$0xFFFFFFF0] =	vst v8;
	s8 =	sadd.s32 $0x40, s1;
	v5 =	vsel vm0, v5, v9;
	v62 =	vxor.u32 $0x7FFFFFFF, v4;
	vm14 =	vlt.s32 v4, $0x0  }
0x5b3: {  	[tilespmem:s8+$0xFFFFFFE0] =	vst v5;
	v4 =	vsel vm14, v4, v62  }
0x5b4: {  	[tilespmem:s8+$0x10] =	vst v4  }
0x5b5: {  	v5 =	vxor.u32 $0x7FFFFFFF, v6;
	vm1 =	vlt.s32 v6, $0x0;
	s2 =	rddreg [dreg:$0x7]  }
0x5b6: {  	v63 =	vxor.u32 $0x7FFFFFFF, v7;
	vm15 =	vlt.s32 v7, $0x0;
	v5 =	vsel vm1, v6, v5;
	s2 =	sadd.s32 s2, s5  }
0x5b7: {  	s9 =	rddreg [dreg:$0x2];
	v4 =	vsel vm15, v7, v63;
	[tilespmem:s8+$0x0] =	vst v5;
	s2 =	sshrl.u32 s2, $0x3  }
0x5b8: {  	s3 =	simm.s32 $0x15D80;
	s10 =	simm.s32 $0x5;
	[tilespmem:s8+$0xFFFFFFF0] =	vst v4;
	s1 =	sadd.s32 s9, s2  }
0x5b9: {  	[hbm4b:s1+s16] =	stream.strided.scatter [tilespmem:s3], [sflag:$0x5], $0x800, s11, s16, $0x38;
	[tilespmem:$0x16580] =	vst v63  }
0x5ba: {  	_ =	swait.ge [sflag:s10], $0x800  }
0x5bb: {  	[sflag:s10] =	ssyncset.done $0x0  }
0x5bc: {  	[sflag:s10] =	ssyncadd.s32 $0xFFFFF800  }
0x5bd: {  	s0 =	sadd.s32 $0x1, s0;
	s31 =	rddreg [dreg:$0x3]  }
0x5be: {  	p0 =	sne.s32 s0, $0x4;
	s1 =	sadd.s32 s31, s2  }
0x5bf: {  	[hbm4b:s1+s16] =	stream.strided.scatter [tilespmem:s22], [sflag:$0x5], $0x800, s11, s16, $0x38;
	[tilespmem:$0x16580] =	vst v63  }
.Ltmp50:
0x5c0: {  	_ = 	snop;
	(pc) =	sbr.rel @p0 .LBB2_2-.Ltmp50, $4  }
.Ltmp51:
0x5c1: {  	_ = 	snop;
	(pc) =	sbr.rel @!p0 .LBB2_99-.Ltmp51, $4  }
0x5c2: {  	_ =	swait.ge [sflag:s10], $0x800  }
0x5c3: {  	[sflag:s10] =	ssyncset.done $0x0  }
0x5c4: {  	[sflag:s10] =	ssyncadd.s32 $0xFFFFF800  }
0x5c5: {  	_ = 	snop  }
.LBB2_23:
.Ltmp52:
0x5c6: {  	(pc) =	sbr.rel .LBB2_34-.Ltmp52, $2  }
0x5c7: {  	_ =	sdelay $0x2  }
0x5c8: {  	v4 =	vmovc v27;
	v11 =	vmov v31;
	s4 =	simm.s32 $0x14D20;
	v6 =	vmov v30;
	v8 =	vmov v28;
	s7 =	simm.s32 $0x10820  }
.LBB2_41:
.Ltmp53:
0x5c9: {  	(pc) =	sbr.rel .LBB2_52-.Ltmp53, $2  }
0x5ca: {  	_ =	sdelay $0x2  }
0x5cb: {  	s1 =	simm.s32 $0x14D20;
	s8 =	simm.s32 $0x12920;
	v4 =	vmovc v26;
	v5 =	vmov v25;
	v7 =	vmov v32;
	v6 =	vmov v28  }
.LBB2_59:
.Ltmp54:
0x5cc: {  	(pc) =	sbr.rel .LBB2_70-.Ltmp54, $2  }
0x5cd: {  	_ =	sdelay $0x2  }
0x5ce: {  	s1 =	simm.s32 $0x14D20;
	s8 =	simm.s32 $0x10820;
	v4 =	vmovc v26;
	v5 =	vmov v25;
	v7 =	vmov v32;
	v6 =	vmov v28  }
.LBB2_77:
.Ltmp55:
0x5cf: {  	(pc) =	sbr.rel .LBB2_92-.Ltmp55, $2  }
0x5d0: {  	_ =	sdelay $0x2  }
0x5d1: {  	s7 =	simm.s32 $0x14D20;
	s12 =	simm.s32 $0x14D20;
	s8 =	simm.s32 $0x14D20  }
.LBB2_25:
.Ltmp56:
0x5d2: {  	(pc) =	sbr.rel .LBB2_34-.Ltmp56, $2  }
0x5d3: {  	_ =	sdelay $0x2  }
0x5d4: {  	s4 =	simm.s32 $0x14D20  }
.LBB2_43:
.Ltmp57:
0x5d5: {  	(pc) =	sbr.rel .LBB2_52-.Ltmp57, $2  }
0x5d6: {  	_ =	sdelay $0x2  }
0x5d7: {  	s1 =	simm.s32 $0x14D20  }
.LBB2_61:
.Ltmp58:
0x5d8: {  	(pc) =	sbr.rel .LBB2_70-.Ltmp58, $2  }
0x5d9: {  	_ =	sdelay $0x2  }
0x5da: {  	s1 =	simm.s32 $0x14D20  }
.LBB2_79:
.Ltmp59:
0x5db: {  	(pc) =	sbr.rel .LBB2_92-.Ltmp59, $3  }
0x5dc: {  	_ =	sdelay $0x1  }
0x5dd: {  	s7 =	simm.s32 $0x14D20;
	s4 =	simm.s32 $0x12920  }
0x5de: {  	v34 =	vmov v4;
	v4 =	vmov v10;
	s1 =	simm.s32 $0x12960;
	s12 =	simm.s32 $0x14D20;
	s8 =	simm.s32 $0x14D20  }
.LBB2_27:
.Ltmp60:
0x5df: {  	(pc) =	sbr.rel .LBB2_34-.Ltmp60, $3  }
0x5e0: {  	_ =	sdelay $0x1  }
0x5e1: {  	v27 =	vmovc v4;
	v31 =	vmov v11;
	v30 =	vmov v6;
	v28 =	vmov v8  }
0x5e2: {  	v4 =	vmovc v21;
	v11 =	vmovc v14;
	s4 =	simm.s32 $0x14D20;
	v6 =	vmov v32;
	s1 =	simm.s32 $0x10860;
	v8 =	vmov v26;
	s7 =	simm.s32 $0x108A0;
	v17 =	vmov v5  }
.LBB2_45:
.Ltmp61:
0x5e3: {  	(pc) =	sbr.rel .LBB2_52-.Ltmp61, $3  }
0x5e4: {  	_ =	sdelay $0x1  }
0x5e5: {  	v25 =	vmov v5;
	v26 =	vmov v4;
	v32 =	vmov v7;
	_ =	sdelay $0x1  }
0x5e6: {  	v28 =	vmovc v6;
	s1 =	simm.s32 $0x14D20;
	s9 =	simm.s32 $0x12960;
	s8 =	simm.s32 $0x129A0;
	v4 =	vmovc v13;
	v5 =	vmov v16;
	v7 =	vmov v31;
	v6 =	vmov v30  }
.LBB2_63:
.Ltmp62:
0x5e7: {  	(pc) =	sbr.rel .LBB2_70-.Ltmp62, $3  }
0x5e8: {  	_ =	sdelay $0x1  }
0x5e9: {  	v25 =	vmov v5;
	v26 =	vmov v4;
	v32 =	vmov v7;
	_ =	sdelay $0x1  }
0x5ea: {  	v28 =	vmovc v6;
	s1 =	simm.s32 $0x14D20;
	s9 =	simm.s32 $0x10860;
	s8 =	simm.s32 $0x108A0;
	v4 =	vmovc v13;
	v5 =	vmov v16;
	v7 =	vmov v31;
	v6 =	vmov v30  }
.LBB2_81:
.Ltmp63:
0x5eb: {  	(pc) =	sbr.rel .LBB2_92-.Ltmp63, $3  }
0x5ec: {  	_ =	sdelay $0x1  }
0x5ed: {  	s7 =	simm.s32 $0x14D20;
	s18 =	simm.s32 $0x12920;
	_ =	sdelay $0x1  }
0x5ee: {  	v35 =	vmovc v7;
	v34 =	vmov v10;
	v4 =	vmov v16;
	v7 =	vmov v8;
	s1 =	simm.s32 $0x129A0;
	s12 =	simm.s32 $0x14D20;
	s8 =	simm.s32 $0x14D20  }
.LBB2_29:
.Ltmp64:
0x5ef: {  	_ = 	snop;
	(pc) =	sbr.rel .LBB2_34-.Ltmp64, $4  }
0x5f0: {  	_ = 	snop  }
0x5f1: {  	v18 =	vmov v12;
	v27 =	vmov v21  }
0x5f2: {  	v31 =	vmovc v14;
	v11 =	vmovc v28;
	v14 =	vmov v10;
	v30 =	vmov v32;
	v28 =	vmov v26  }
0x5f3: {  	s9 =	simm.s32 $0x14D20;
	s1 =	simm.s32 $0x108A0;
	v8 =	vmovc v29;
	v26 =	vmovc v5;
	s7 =	simm.s32 $0x108E0;
	v15 =	vmov v9;
	v17 =	vmov v19;
	v16 =	vmov v20  }
.LBB2_47:
.Ltmp65:
0x5f4: {  	_ = 	snop;
	(pc) =	sbr.rel .LBB2_52-.Ltmp65, $4  }
0x5f5: {  	_ = 	snop  }
0x5f6: {  	v25 =	vmov v16;
	v26 =	vmov v13  }
0x5f7: {  	s1 =	simm.s32 $0x14D60;
	v12 =	vmovc v9;
	v13 =	vmovc v10;
	v16 =	vmov v11;
	v32 =	vmov v31;
	v7 =	vmov v28  }
0x5f8: {  	s9 =	simm.s32 $0x129A0;
	s8 =	simm.s32 $0x129E0;
	v28 =	vmovc v30;
	v6 =	vmovc v29;
	v24 =	vmov v8;
	s4 =	simm.s32 $0x14D20;
	v21 =	vmov v18;
	v23 =	vmov v17  }
.LBB2_65:
.Ltmp66:
0x5f9: {  	_ = 	snop;
	(pc) =	sbr.rel .LBB2_70-.Ltmp66, $4  }
0x5fa: {  	_ = 	snop  }
0x5fb: {  	v25 =	vmov v16;
	v26 =	vmov v13  }
0x5fc: {  	s1 =	simm.s32 $0x14D60;
	v12 =	vmovc v9;
	v13 =	vmovc v10;
	v16 =	vmov v11;
	v32 =	vmov v31;
	v7 =	vmov v28  }
0x5fd: {  	s9 =	simm.s32 $0x108A0;
	s8 =	simm.s32 $0x108E0;
	v28 =	vmovc v30;
	v6 =	vmovc v29;
	v24 =	vmov v8;
	s4 =	simm.s32 $0x14D20;
	v21 =	vmov v18;
	v23 =	vmov v17  }
.LBB2_83:
.Ltmp67:
0x5fe: {  	(pc) =	sbr.rel .LBB2_92-.Ltmp67, $4  }
0x5ff: {  	_ = 	snop  }
0x600: {  	s7 =	simm.s32 $0x14D60  }
0x601: {  	s18 =	simm.s32 $0x12960;
	s4 =	simm.s32 $0x129A0;
	s1 =	simm.s32 $0x129E0  }
0x602: {  	v27 =	vmovc v6;
	v34 =	vmov v16;
	v35 =	vmov v8;
	v7 =	vmov v15;
	s15 =	simm.s32 $0x14D20;
	s12 =	simm.s32 $0x14D20;
	s8 =	simm.s32 $0x14D20  }
.LBB2_31:
.Ltmp68:
0x603: {  	(pc) =	sbr.rel .LBB2_34-.Ltmp68, $3  }
0x604: {  	_ =	sdelay $0x1  }
0x605: {  	v27 =	vmov v4;
	v30 =	vmov v6;
	v4 =	vmov v31  }
0x606: {  	s8 =	simm.s32 $0x14D20;
	v31 =	vmovc v28;
	v23 =	vmovc v10;
	s9 =	simm.s32 $0x14D60;
	s4 =	simm.s32 $0x14DA0;
	v6 =	vmov v32;
	v28 =	vmov v29;
	v26 =	vmov v19  }
.LBB2_49:
.Ltmp69:
0x607: {  	(pc) =	sbr.rel .LBB2_52-.Ltmp69, $3  }
0x608: {  	_ =	sdelay $0x1  }
0x609: {  	v25 =	vmovc v5;
	v26 =	vmov v4;
	v22 =	vmov v9;
	v4 =	vmov v33  }
0x60a: {  	s9 =	simm.s32 $0x129E0;
	s8 =	simm.s32 $0x12A20;
	v15 =	vmovc v10;
	s7 =	simm.s32 $0x14D20;
	v5 =	vmovc v32;
	v20 =	vmov v11;
	v32 =	vmov v28;
	v28 =	vmov v29  }
.LBB2_67:
.Ltmp70:
0x60b: {  	(pc) =	sbr.rel .LBB2_70-.Ltmp70, $3  }
0x60c: {  	_ =	sdelay $0x1  }
0x60d: {  	v25 =	vmovc v5;
	v26 =	vmov v4;
	v22 =	vmov v9;
	v4 =	vmov v33  }
0x60e: {  	s9 =	simm.s32 $0x108E0;
	s8 =	simm.s32 $0x10920;
	v15 =	vmovc v10;
	s7 =	simm.s32 $0x14D20;
	v5 =	vmovc v32;
	v20 =	vmov v11;
	v32 =	vmov v28;
	v28 =	vmov v29  }
.LBB2_85:
.Ltmp71:
0x60f: {  	(pc) =	sbr.rel .LBB2_92-.Ltmp71, $3  }
0x610: {  	_ =	sdelay $0x1  }
0x611: {  	s7 =	simm.s32 $0x14DA0;
	v34 =	vmov v4;
	v7 =	vmov v24;
	s4 =	simm.s32 $0x129E0;
	v12 =	vmov v10  }
0x612: {  	v4 =	vmovc v11;
	v23 =	vmovc v6;
	v27 =	vmov v8;
	v35 =	vmov v15;
	s16 =	simm.s32 $0x14D20;
	s15 =	simm.s32 $0x14D60;
	s12 =	simm.s32 $0x14D20;
	v18 =	vmov v13  }
.LBB2_87:
.Ltmp72:
0x613: {  	(pc) =	sbr.rel .LBB2_92-.Ltmp72, $4  }
0x614: {  	v9 =	vmov v21;
	v14 =	vmov v22;
	v30 =	vmov v28  }
0x615: {  	s7 =	simm.s32 $0x14DE0;
	s18 =	simm.s32 $0x129E0;
	v31 =	vmovc v26;
	v12 =	vmovc v20;
	v34 =	vmov v11;
	v4 =	vmov v36;
	v16 =	vmov v25  }
0x616: {  	s13 =	simm.s32 $0x14D20;
	s4 =	simm.s32 $0x12A20;
	vm4 =	vmmov vm1;
	v19 =	vmovc v6;
	v23 =	vmovc v8;
	vm0 =	vmmov vm5;
	v11 =	vmov v33;
	s1 =	simm.s32 $0x12A60  }
0x617: {  	vm2 =	vmmov vm3;
	v27 =	vmovc v32;
	v35 =	vmovc v24;
	v17 =	vmov v10;
	s16 =	simm.s32 $0x14D60;
	s15 =	simm.s32 $0x14DA0;
	s29 =	simm.s32 $0x4000;
	v18 =	vmov v29  }
0x618: {  	_ = 	snop  }
.LBB2_89:
.Ltmp73:
0x619: {  	(pc) =	sbr.rel .LBB2_92-.Ltmp73, $4  }
0x61a: {  	_ = 	snop  }
0x61b: {  	s18 =	simm.s32 $0x12A20;
	s13 =	simm.s32 $0x14D60;
	s17 =	simm.s32 $0x14D20  }
0x61c: {  	v35 =	vmov v7;
	s1 =	simm.s32 $0x12AA0;
	s16 =	simm.s32 $0x14DA0;
	s15 =	simm.s32 $0x14DE0  }
0x61d: {  	v34 =	vmovc v36;
	v19 =	vmovc v8;
	v23 =	vmov v32;
	v7 =	vmov v37;
	v17 =	vmov v20;
	s19 =	smov.u32 s30;
	s30 =	simm.s32 $0x0;
	s29 =	simm.s32 $0x4000  }
.LBB2_100:
0x61e: {  	_ =	sfence.sel $0x180000  }
0x61f: {  	[bflag:$0x0] =	sbarrier.arrive $0xFFFF  }
0x620: {  	_ =	strace $0x90000047  }
0x621: {  	s0 =	stileid.u32;
	[bflag:$0x2] =	sbarrier.arrive $0xFFFF  }
0x622: {  	p0 =	sne.s32 s0, $0x0;
	s0 =	rddreg [dreg:$0x4]  }
0x623: {  	s0 =	sadd.s32 @!p0 $0x100000, s0  }
0x624: {  	[sflag:s0] =	ssyncadd.tile.s32 @!p0 $0x1;
	_ =	shalt  }
.Lfunc_end2:
_tile_overlayer_lowered:
.L_overlay_start_2:
0x625: {  	(tag) =	ssettag $0x2  }
0x626: {  	s0 =	rddreg [dreg:$0x0];
	s2 =	stileid.u32  }
0x627: {  	s1 =	rddreg [dreg:$0x1];
	p0 =	sne.s32 s2, $0x0  }
0x628: {  	s3 =	rddreg [dreg:$0x2];
	[bflag:$0x3] =	sbarrier.arrive $0xFFFF;
	s2 =	simm.s32 @!p0 $0x1C05  }
0x629: {  	[timem:s3], [sflag:s2] =	dma.local @!p0 [hbm:s0], s1  }
0x62a: {  	s0 =	simm.s32 @!p0 $0x5  }
0x62b: {  	_ =	swait.ge @!p0 [sflag:s0], s1  }
0x62c: {  	s1 =	ssub.s32 @!p0 $0x0, s1;
	[sflag:s0] =	ssyncset.done @!p0 $0x0  }
0x62d: {  	[sflag:s0] =	ssyncadd.s32 @!p0 s1  }
0x62e: {  	[bflag:$0x3] =	sbarrier.arrive $0xFFFF  }
0x62f: {  	_ =	shalt  }

</sc_bundles>
